<compile_context>
chip_gen: v7x
topology: tpu7x:2x2x1
jax: 0.10.2.dev20260603
libtpu: 0.0.44.dev20260713+nightly
codegen_flags: <defaults>
</compile_context>

<pallas_src>
import jax
import jax.numpy as jnp
from jax import lax
from jax.experimental import pallas as pl
from jax.experimental.pallas import tpu as pltpu
from jax.experimental.pallas import tpu_sc as plsc

_NC = 2
_NS = 16
_C = 80
_NPAD = 10240
_BR = 256
_NB = _NPAD // _BR


def _sc_degree(dst):
    e = dst.shape[0]
    ept = e // (_NC * _NS)
    iters = ept // _C
    rpt = _NPAD // _NS
    zchunks = rpt // _C

    mesh = plsc.VectorSubcoreMesh(
        core_axis_name="c", subcore_axis_name="s",
        num_cores=_NC, num_subcores=_NS)

    out_type = jax.ShapeDtypeStruct((_NC * _NPAD, 128), jnp.float32)
    scratch = [
        pltpu.VMEM((1, _C), jnp.int32),
        pltpu.VMEM((_C, 128), jnp.float32),
        pltpu.VMEM_SHARED((_NPAD, 128), jnp.float32),
    ]

    def body(dsth, z16h, o16h, cnth, didx, obuf, cntsh):
        c = lax.axis_index("c")
        s = lax.axis_index("s")

        pltpu.sync_copy(z16h, obuf)
        for k in range(zchunks):
            pltpu.sync_copy(obuf, cntsh.at[pl.ds((s * zchunks + k) * _C, _C)])
        pltpu.sync_copy(o16h, obuf)
        plsc.subcore_barrier()

        base = c * (e // _NC) + s * ept

        @pl.loop(0, iters)
        def _(j):
            pltpu.sync_copy(dsth.at[pl.ds(base + j * _C, _C)], didx.at[0])
            pltpu.sync_copy(obuf, cntsh.at[didx.at[0]], add=True)

        plsc.subcore_barrier()

        o = c * _NPAD + s * rpt
        for k in range(zchunks):
            pltpu.sync_copy(cntsh.at[pl.ds(s * rpt + k * _C, _C)], obuf)
            pltpu.sync_copy(obuf, cnth.at[pl.ds(o + k * _C, _C)])

    return pl.kernel(body, out_type=out_type, mesh=mesh,
                     scratch_types=scratch)(
        dst, jnp.zeros((_C, 128), jnp.float32), jnp.ones((_C, 128), jnp.float32))


def _sc_mean_accum(tbl, srcx, dst, split_edges):
    d = tbl.shape[1]
    if split_edges:
        e = srcx.shape[0]
        ept = e // (_NC * _NS)
    else:
        e = srcx.shape[0] // _NC
        ept = e // _NS
    iters = ept // _C
    rpt = _NPAD // _NS
    zchunks = rpt // _C

    mesh = plsc.VectorSubcoreMesh(
        core_axis_name="c", subcore_axis_name="s",
        num_cores=_NC, num_subcores=_NS)

    out_type = jax.ShapeDtypeStruct((_NC * _NPAD, d), jnp.float32)
    scratch = [
        pltpu.VMEM((_C,), jnp.int32),
        pltpu.VMEM((1, _C), jnp.int32),
        pltpu.VMEM((_C, d), jnp.float32),
        pltpu.VMEM_SHARED((_NPAD, d), jnp.float32),
    ]

    def body(tblh, srch, dsth, zdh, acch, sidx, didx, rows, accsh):
        c = lax.axis_index("c")
        s = lax.axis_index("s")

        pltpu.sync_copy(zdh, rows)
        for k in range(zchunks):
            pltpu.sync_copy(rows, accsh.at[pl.ds((s * zchunks + k) * _C, _C)])
        plsc.subcore_barrier()

        if split_edges:
            sbase = c * (e // _NC) + s * ept
            dbase = sbase
        else:
            sbase = c * e + s * ept
            dbase = s * ept

        @pl.loop(0, iters)
        def _(j):
            pltpu.sync_copy(srch.at[pl.ds(sbase + j * _C, _C)], sidx)
            pltpu.sync_copy(dsth.at[pl.ds(dbase + j * _C, _C)], didx.at[0])
            pltpu.sync_copy(tblh.at[sidx], rows)
            pltpu.sync_copy(rows, accsh.at[didx.at[0]], add=True)

        plsc.subcore_barrier()

        o = c * _NPAD + s * rpt
        for k in range(zchunks):
            pltpu.sync_copy(accsh.at[pl.ds(s * rpt + k * _C, _C)], rows)
            pltpu.sync_copy(rows, acch.at[pl.ds(o + k * _C, _C)])

    zd = jnp.zeros((_C, d), jnp.float32)
    return pl.kernel(body, out_type=out_type, mesh=mesh,
                     scratch_types=scratch)(tbl, srcx, dst, zd)


def _tc_layer(accS, cntS, hs, Wl, bl, Wr, Wg=None, bg=None, combine="concat"):
    d = accS.shape[1]
    fout = Wl.shape[1]
    final = Wg is not None
    grid = (_NB,)

    def lowblk(w):
        return pl.BlockSpec((_BR, w), lambda i: (i, 0))

    def upblk(w):
        return pl.BlockSpec((_BR, w), lambda i: (i + _NB, 0))

    def full(a):
        return pl.BlockSpec(a.shape, lambda i: (0, 0))

    in_specs = [lowblk(d), upblk(d), lowblk(128), upblk(128)]
    inputs = [accS, accS, cntS, cntS]
    kh = 0
    for h in hs:
        if h.shape[0] == _NC * _NPAD:
            in_specs += [lowblk(128), upblk(128)]
            inputs += [h, h]
            kh += 2
        else:
            in_specs += [lowblk(128)]
            inputs += [h]
            kh += 1
    in_specs += [full(Wl), full(bl), full(Wr)]
    inputs += [Wl, bl, Wr]
    if final:
        in_specs += [full(Wg), full(bg)]
        inputs += [Wg, bg]
        out_shape = jax.ShapeDtypeStruct((_NPAD, Wg.shape[1]), jnp.float32)
        out_specs = lowblk(Wg.shape[1])
    else:
        out_shape = [jax.ShapeDtypeStruct((_NPAD, 128), jnp.float32)] * (fout // 128)
        out_specs = [lowblk(128)] * (fout // 128)

    def body(*refs):
        a0, a1, c0, c1 = refs[0:4]
        hrefs = refs[4:4 + kh]
        i = 4 + kh
        wl, blr, wr = refs[i:i + 3]
        i += 3
        if final:
            wg, bgr = refs[i:i + 2]
            i += 2
        outs = refs[i:]
        cnt = c0[...][:, 0:1] + c1[...][:, 0:1]
        inv = 1.0 / jnp.maximum(cnt, 1.0)
        if combine == "sum":
            mean = (a0[...] + a1[...]) * inv
        else:
            mean = jnp.concatenate([a0[...], a1[...]], axis=1) * inv
        h = hrefs[0][...] if kh == 1 else jnp.concatenate(
            [r[...] for r in hrefs], axis=1)
        z = (jnp.dot(mean, wl[...], preferred_element_type=jnp.float32)
             + blr[...]
             + jnp.dot(h, wr[...], preferred_element_type=jnp.float32))
        a = jnp.maximum(z, 0.0)
        if final:
            outs[0][...] = (jnp.dot(a, wg[...], preferred_element_type=jnp.float32)
                            + bgr[...])
        else:
            for t, o in enumerate(outs):
                o[...] = a[:, t * 128:(t + 1) * 128]

    return pl.pallas_call(
        body, grid=grid, in_specs=in_specs,
        out_specs=out_specs, out_shape=out_shape)(*inputs)


def kernel(x, edge_index, Wl1, bl1, Wr1, Wl2, bl2, Wr2, Wl3, bl3, Wr3, Wg, bg):
    n = x.shape[0]
    ei = edge_index.astype(jnp.int32)
    src, dst = ei[0], ei[1]
    srcx = jnp.concatenate([src, src + _NPAD])

    xp = jnp.pad(x, ((0, _NPAD - n), (0, 0)))

    bl1r = bl1.reshape(1, -1)
    bl2r = bl2.reshape(1, -1)
    bl3r = bl3.reshape(1, -1)
    bgr = bg.reshape(1, -1)

    cntS = _sc_degree(dst)

    accS = _sc_mean_accum(x, src, dst, split_edges=True)
    h10, h11 = _tc_layer(accS, cntS, [xp], Wl1, bl1r, Wr1, combine="sum")
    h1 = jnp.concatenate([h10, h11], axis=0)

    accS = _sc_mean_accum(h1, srcx, dst, split_edges=False)
    h20, h21 = _tc_layer(accS, cntS, [h1], Wl2, bl2r, Wr2)
    h2 = jnp.concatenate([h20, h21], axis=0)

    accS = _sc_mean_accum(h2, srcx, dst, split_edges=False)
    out = _tc_layer(accS, cntS, [h2], Wl3, bl3r, Wr3, Wg=Wg, bg=bgr)
    return out[:n]

# --- scband reference (transcript-rebuilt; emitter-appended) ---
"""Pipeline reference for scband-molecular-graph-net-44839458570700 (READ-ONLY COPY).

The authoritative reference and input builder live on the scoring server;
editing this copy changes nothing except your own understanding.
"""

import jax, jax.numpy as jnp
import numpy as np

N = 10000
E = 320000
F = 128   # num_features_mol
H = 256   # hidden_size

def _lin_init(k, fan_in, fan_out, bias=True):
    s = 1.0 / np.sqrt(fan_in)
    k1, k2 = jax.random.split(k)
    W = jax.random.uniform(k1, (fan_in, fan_out), minval=-s, maxval=s, dtype=jnp.float32)
    if bias:
        b = jax.random.uniform(k2, (fan_out,), minval=-s, maxval=s, dtype=jnp.float32)
        return W, b
    return W

def setup_inputs(seed: int = 0) -> dict:
    key = jax.random.key(seed)
    ks = jax.random.split(key, 12)
    inp = {}
    inp['x'] = jax.random.normal(ks[0], (N, F), dtype=jnp.float32)
    inp['edge_index'] = jax.random.randint(ks[1], (2, E), 0, N)
    # SAGEConv1: F -> 2F (lin_l with bias on aggregated neighbors, lin_r no bias on root)
    inp['Wl1'], inp['bl1'] = _lin_init(ks[2], F, 2 * F)
    inp['Wr1'] = _lin_init(ks[3], F, 2 * F, bias=False)
    # SAGEConv2: 2F -> 2F
    inp['Wl2'], inp['bl2'] = _lin_init(ks[4], 2 * F, 2 * F)
    inp['Wr2'] = _lin_init(ks[5], 2 * F, 2 * F, bias=False)
    # SAGEConv3: 2F -> 4F
    inp['Wl3'], inp['bl3'] = _lin_init(ks[6], 2 * F, 4 * F)
    inp['Wr3'] = _lin_init(ks[7], 2 * F, 4 * F, bias=False)
    # mol_fc_g1: 4F -> H
    inp['Wg'], inp['bg'] = _lin_init(ks[8], 4 * F, H)
    return inp

def _sage(x, edge_index, Wl, bl, Wr):
    src = edge_index[0]
    dst = edge_index[1]
    msg = jnp.take(x, src, axis=0)
    s = jax.ops.segment_sum(msg, dst, num_segments=N)
    cnt = jax.ops.segment_sum(jnp.ones((E,), dtype=x.dtype), dst, num_segments=N)
    mean = s / jnp.clip(cnt, 1.0)[:, None]
    return mean @ Wl + bl + x @ Wr

def reference(x, edge_index, Wl1, bl1, Wr1, Wl2, bl2, Wr2, Wl3, bl3, Wr3, Wg, bg):
    h = jax.nn.relu(_sage(x, edge_index, Wl1, bl1, Wr1))
    h = jax.nn.relu(_sage(h, edge_index, Wl2, bl2, Wr2))
    h = jax.nn.relu(_sage(h, edge_index, Wl3, bl3, Wr3))
    out = h @ Wg + bg
    return out

if __name__ == "__main__":
    import jax
    _d = setup_inputs()
    print(jax.jit(kernel)(*tuple(_d.values())))

</pallas_src>

<mosaic_0001>
#map = affine_map<(d0, d1) -> (0, 0)>
#map1 = affine_map<(d0, d1) -> (0)>
module attributes {stable_mosaic.version = 14 : i64} {
  func.func @body(%arg0: i32, %arg1: i32, %arg2: memref<10000x128xf32, #tpu.memory_space<hbm>>, %arg3: memref<320000xi32, #tpu.memory_space<hbm>>, %arg4: memref<320000xi32, #tpu.memory_space<hbm>>, %arg5: memref<80x128xf32, #tpu.memory_space<hbm>>, %arg6: memref<20480x128xf32, #tpu.memory_space<hbm>>, %arg7: memref<80xi32, #tpu.memory_space<vmem>>, %arg8: memref<1x80xi32, #tpu.memory_space<vmem>>, %arg9: memref<80x128xf32, #tpu.memory_space<vmem>>, %arg10: memref<10240x128xf32, #tpu.memory_space<vmem_shared>>) attributes {dimension_semantics = [#tpu.dimension_semantics<core_parallel>, #tpu.dimension_semantics<subcore_parallel>], iteration_bounds = array<i64: 2, 16>, scalar_prefetch = 0 : i64, scratch_operands = 4 : i64, tpu.core_type = #tpu.core_type<sc_vector_subcore>, window_params = [{transform_indices = #map}, {transform_indices = #map1}, {transform_indices = #map1}, {transform_indices = #map}, {transform_indices = #map}]} {
    "tpu.region"() ({
      %run_scoped3A = tpu.sem_alloc : memref<!tpu.dma_semaphore, #tpu.memory_space<semaphore_mem>>
      tpu.enqueue_dma source(%arg5 : memref<80x128xf32, #tpu.memory_space<hbm>>) target(%arg9 : memref<80x128xf32, #tpu.memory_space<vmem>>) target_semaphore(%run_scoped3A : memref<!tpu.dma_semaphore, #tpu.memory_space<semaphore_mem>>)
      tpu.wait_dma2 semaphore(%run_scoped3A : memref<!tpu.dma_semaphore, #tpu.memory_space<semaphore_mem>>) src(%arg5 : memref<80x128xf32, #tpu.memory_space<hbm>>) dst(%arg9 : memref<80x128xf32, #tpu.memory_space<vmem>>)
      tpu.yield
    }) : () -> ()
    %mul3A = arith.constant 8 : i32
    %mul3A_0 = arith.muli %arg1, %mul3A : i32
    %add3A = arith.constant 0 : i32
    %add3A_1 = arith.addi %mul3A_0, %add3A : i32
    %mul3A_2 = arith.constant 80 : i32
    %mul3A_3 = arith.muli %add3A_1, %mul3A_2 : i32
    "tpu.region"() ({
      %run_scoped3A = tpu.sem_alloc : memref<!tpu.dma_semaphore, #tpu.memory_space<semaphore_mem>>
      %dma_start3A = arith.constant 0 : i32
      %dma_start3A_109 = tpu.memref_slice %arg10[%mul3A_3, %dma_start3A] : memref<10240x128xf32, #tpu.memory_space<vmem_shared>> -> memref<80x128xf32, #tpu.memory_space<vmem_shared>>
      %dma_start3A_110 = arith.constant 0 : i32
      %dma_start3A_111 = tpu.memref_slice %arg10[%mul3A_3, %dma_start3A_110] : memref<10240x128xf32, #tpu.memory_space<vmem_shared>> -> memref<80x128xf32, #tpu.memory_space<vmem_shared>>
      tpu.enqueue_dma source(%arg9 : memref<80x128xf32, #tpu.memory_space<vmem>>) target(%dma_start3A_111 : memref<80x128xf32, #tpu.memory_space<vmem_shared>>) target_semaphore(%run_scoped3A : memref<!tpu.dma_semaphore, #tpu.memory_space<semaphore_mem>>)
      %dma_wait3A = arith.constant 0 : i32
      %dma_wait3A_112 = tpu.memref_slice %arg10[%mul3A_3, %dma_wait3A] : memref<10240x128xf32, #tpu.memory_space<vmem_shared>> -> memref<80x128xf32, #tpu.memory_space<vmem_shared>>
      %dma_wait3A_113 = arith.constant 0 : i32
      %dma_wait3A_114 = tpu.memref_slice %arg10[%mul3A_3, %dma_wait3A_113] : memref<10240x128xf32, #tpu.memory_space<vmem_shared>> -> memref<80x128xf32, #tpu.memory_space<vmem_shared>>
      tpu.wait_dma2 semaphore(%run_scoped3A : memref<!tpu.dma_semaphore, #tpu.memory_space<semaphore_mem>>) src(%arg9 : memref<80x128xf32, #tpu.memory_space<vmem>>) dst(%dma_wait3A_114 : memref<80x128xf32, #tpu.memory_space<vmem_shared>>)
      tpu.yield
    }) : () -> ()
    %mul3A_4 = arith.constant 8 : i32
    %mul3A_5 = arith.muli %arg1, %mul3A_4 : i32
    %add3A_6 = arith.constant 1 : i32
    %add3A_7 = arith.addi %mul3A_5, %add3A_6 : i32
    %mul3A_8 = arith.constant 80 : i32
    %mul3A_9 = arith.muli %add3A_7, %mul3A_8 : i32
    "tpu.region"() ({
      %run_scoped3A = tpu.sem_alloc : memref<!tpu.dma_semaphore, #tpu.memory_space<semaphore_mem>>
      %dma_start3A = arith.constant 0 : i32
      %dma_start3A_109 = tpu.memref_slice %arg10[%mul3A_9, %dma_start3A] : memref<10240x128xf32, #tpu.memory_space<vmem_shared>> -> memref<80x128xf32, #tpu.memory_space<vmem_shared>>
      %dma_start3A_110 = arith.constant 0 : i32
      %dma_start3A_111 = tpu.memref_slice %arg10[%mul3A_9, %dma_start3A_110] : memref<10240x128xf32, #tpu.memory_space<vmem_shared>> -> memref<80x128xf32, #tpu.memory_space<vmem_shared>>
      tpu.enqueue_dma source(%arg9 : memref<80x128xf32, #tpu.memory_space<vmem>>) target(%dma_start3A_111 : memref<80x128xf32, #tpu.memory_space<vmem_shared>>) target_semaphore(%run_scoped3A : memref<!tpu.dma_semaphore, #tpu.memory_space<semaphore_mem>>)
      %dma_wait3A = arith.constant 0 : i32
      %dma_wait3A_112 = tpu.memref_slice %arg10[%mul3A_9, %dma_wait3A] : memref<10240x128xf32, #tpu.memory_space<vmem_shared>> -> memref<80x128xf32, #tpu.memory_space<vmem_shared>>
      %dma_wait3A_113 = arith.constant 0 : i32
      %dma_wait3A_114 = tpu.memref_slice %arg10[%mul3A_9, %dma_wait3A_113] : memref<10240x128xf32, #tpu.memory_space<vmem_shared>> -> memref<80x128xf32, #tpu.memory_space<vmem_shared>>
      tpu.wait_dma2 semaphore(%run_scoped3A : memref<!tpu.dma_semaphore, #tpu.memory_space<semaphore_mem>>) src(%arg9 : memref<80x128xf32, #tpu.memory_space<vmem>>) dst(%dma_wait3A_114 : memref<80x128xf32, #tpu.memory_space<vmem_shared>>)
      tpu.yield
    }) : () -> ()
    %mul3A_10 = arith.constant 8 : i32
    %mul3A_11 = arith.muli %arg1, %mul3A_10 : i32
    %add3A_12 = arith.constant 2 : i32
    %add3A_13 = arith.addi %mul3A_11, %add3A_12 : i32
    %mul3A_14 = arith.constant 80 : i32
    %mul3A_15 = arith.muli %add3A_13, %mul3A_14 : i32
    "tpu.region"() ({
      %run_scoped3A = tpu.sem_alloc : memref<!tpu.dma_semaphore, #tpu.memory_space<semaphore_mem>>
      %dma_start3A = arith.constant 0 : i32
      %dma_start3A_109 = tpu.memref_slice %arg10[%mul3A_15, %dma_start3A] : memref<10240x128xf32, #tpu.memory_space<vmem_shared>> -> memref<80x128xf32, #tpu.memory_space<vmem_shared>>
      %dma_start3A_110 = arith.constant 0 : i32
      %dma_start3A_111 = tpu.memref_slice %arg10[%mul3A_15, %dma_start3A_110] : memref<10240x128xf32, #tpu.memory_space<vmem_shared>> -> memref<80x128xf32, #tpu.memory_space<vmem_shared>>
      tpu.enqueue_dma source(%arg9 : memref<80x128xf32, #tpu.memory_space<vmem>>) target(%dma_start3A_111 : memref<80x128xf32, #tpu.memory_space<vmem_shared>>) target_semaphore(%run_scoped3A : memref<!tpu.dma_semaphore, #tpu.memory_space<semaphore_mem>>)
      %dma_wait3A = arith.constant 0 : i32
      %dma_wait3A_112 = tpu.memref_slice %arg10[%mul3A_15, %dma_wait3A] : memref<10240x128xf32, #tpu.memory_space<vmem_shared>> -> memref<80x128xf32, #tpu.memory_space<vmem_shared>>
      %dma_wait3A_113 = arith.constant 0 : i32
      %dma_wait3A_114 = tpu.memref_slice %arg10[%mul3A_15, %dma_wait3A_113] : memref<10240x128xf32, #tpu.memory_space<vmem_shared>> -> memref<80x128xf32, #tpu.memory_space<vmem_shared>>
      tpu.wait_dma2 semaphore(%run_scoped3A : memref<!tpu.dma_semaphore, #tpu.memory_space<semaphore_mem>>) src(%arg9 : memref<80x128xf32, #tpu.memory_space<vmem>>) dst(%dma_wait3A_114 : memref<80x128xf32, #tpu.memory_space<vmem_shared>>)
      tpu.yield
    }) : () -> ()
    %mul3A_16 = arith.constant 8 : i32
    %mul3A_17 = arith.muli %arg1, %mul3A_16 : i32
    %add3A_18 = arith.constant 3 : i32
    %add3A_19 = arith.addi %mul3A_17, %add3A_18 : i32
    %mul3A_20 = arith.constant 80 : i32
    %mul3A_21 = arith.muli %add3A_19, %mul3A_20 : i32
    "tpu.region"() ({
      %run_scoped3A = tpu.sem_alloc : memref<!tpu.dma_semaphore, #tpu.memory_space<semaphore_mem>>
      %dma_start3A = arith.constant 0 : i32
      %dma_start3A_109 = tpu.memref_slice %arg10[%mul3A_21, %dma_start3A] : memref<10240x128xf32, #tpu.memory_space<vmem_shared>> -> memref<80x128xf32, #tpu.memory_space<vmem_shared>>
      %dma_start3A_110 = arith.constant 0 : i32
      %dma_start3A_111 = tpu.memref_slice %arg10[%mul3A_21, %dma_start3A_110] : memref<10240x128xf32, #tpu.memory_space<vmem_shared>> -> memref<80x128xf32, #tpu.memory_space<vmem_shared>>
      tpu.enqueue_dma source(%arg9 : memref<80x128xf32, #tpu.memory_space<vmem>>) target(%dma_start3A_111 : memref<80x128xf32, #tpu.memory_space<vmem_shared>>) target_semaphore(%run_scoped3A : memref<!tpu.dma_semaphore, #tpu.memory_space<semaphore_mem>>)
      %dma_wait3A = arith.constant 0 : i32
      %dma_wait3A_112 = tpu.memref_slice %arg10[%mul3A_21, %dma_wait3A] : memref<10240x128xf32, #tpu.memory_space<vmem_shared>> -> memref<80x128xf32, #tpu.memory_space<vmem_shared>>
      %dma_wait3A_113 = arith.constant 0 : i32
      %dma_wait3A_114 = tpu.memref_slice %arg10[%mul3A_21, %dma_wait3A_113] : memref<10240x128xf32, #tpu.memory_space<vmem_shared>> -> memref<80x128xf32, #tpu.memory_space<vmem_shared>>
      tpu.wait_dma2 semaphore(%run_scoped3A : memref<!tpu.dma_semaphore, #tpu.memory_space<semaphore_mem>>) src(%arg9 : memref<80x128xf32, #tpu.memory_space<vmem>>) dst(%dma_wait3A_114 : memref<80x128xf32, #tpu.memory_space<vmem_shared>>)
      tpu.yield
    }) : () -> ()
    %mul3A_22 = arith.constant 8 : i32
    %mul3A_23 = arith.muli %arg1, %mul3A_22 : i32
    %add3A_24 = arith.constant 4 : i32
    %add3A_25 = arith.addi %mul3A_23, %add3A_24 : i32
    %mul3A_26 = arith.constant 80 : i32
    %mul3A_27 = arith.muli %add3A_25, %mul3A_26 : i32
    "tpu.region"() ({
      %run_scoped3A = tpu.sem_alloc : memref<!tpu.dma_semaphore, #tpu.memory_space<semaphore_mem>>
      %dma_start3A = arith.constant 0 : i32
      %dma_start3A_109 = tpu.memref_slice %arg10[%mul3A_27, %dma_start3A] : memref<10240x128xf32, #tpu.memory_space<vmem_shared>> -> memref<80x128xf32, #tpu.memory_space<vmem_shared>>
      %dma_start3A_110 = arith.constant 0 : i32
      %dma_start3A_111 = tpu.memref_slice %arg10[%mul3A_27, %dma_start3A_110] : memref<10240x128xf32, #tpu.memory_space<vmem_shared>> -> memref<80x128xf32, #tpu.memory_space<vmem_shared>>
      tpu.enqueue_dma source(%arg9 : memref<80x128xf32, #tpu.memory_space<vmem>>) target(%dma_start3A_111 : memref<80x128xf32, #tpu.memory_space<vmem_shared>>) target_semaphore(%run_scoped3A : memref<!tpu.dma_semaphore, #tpu.memory_space<semaphore_mem>>)
      %dma_wait3A = arith.constant 0 : i32
      %dma_wait3A_112 = tpu.memref_slice %arg10[%mul3A_27, %dma_wait3A] : memref<10240x128xf32, #tpu.memory_space<vmem_shared>> -> memref<80x128xf32, #tpu.memory_space<vmem_shared>>
      %dma_wait3A_113 = arith.constant 0 : i32
      %dma_wait3A_114 = tpu.memref_slice %arg10[%mul3A_27, %dma_wait3A_113] : memref<10240x128xf32, #tpu.memory_space<vmem_shared>> -> memref<80x128xf32, #tpu.memory_space<vmem_shared>>
      tpu.wait_dma2 semaphore(%run_scoped3A : memref<!tpu.dma_semaphore, #tpu.memory_space<semaphore_mem>>) src(%arg9 : memref<80x128xf32, #tpu.memory_space<vmem>>) dst(%dma_wait3A_114 : memref<80x128xf32, #tpu.memory_space<vmem_shared>>)
      tpu.yield
    }) : () -> ()
    %mul3A_28 = arith.constant 8 : i32
    %mul3A_29 = arith.muli %arg1, %mul3A_28 : i32
    %add3A_30 = arith.constant 5 : i32
    %add3A_31 = arith.addi %mul3A_29, %add3A_30 : i32
    %mul3A_32 = arith.constant 80 : i32
    %mul3A_33 = arith.muli %add3A_31, %mul3A_32 : i32
    "tpu.region"() ({
      %run_scoped3A = tpu.sem_alloc : memref<!tpu.dma_semaphore, #tpu.memory_space<semaphore_mem>>
      %dma_start3A = arith.constant 0 : i32
      %dma_start3A_109 = tpu.memref_slice %arg10[%mul3A_33, %dma_start3A] : memref<10240x128xf32, #tpu.memory_space<vmem_shared>> -> memref<80x128xf32, #tpu.memory_space<vmem_shared>>
      %dma_start3A_110 = arith.constant 0 : i32
      %dma_start3A_111 = tpu.memref_slice %arg10[%mul3A_33, %dma_start3A_110] : memref<10240x128xf32, #tpu.memory_space<vmem_shared>> -> memref<80x128xf32, #tpu.memory_space<vmem_shared>>
      tpu.enqueue_dma source(%arg9 : memref<80x128xf32, #tpu.memory_space<vmem>>) target(%dma_start3A_111 : memref<80x128xf32, #tpu.memory_space<vmem_shared>>) target_semaphore(%run_scoped3A : memref<!tpu.dma_semaphore, #tpu.memory_space<semaphore_mem>>)
      %dma_wait3A = arith.constant 0 : i32
      %dma_wait3A_112 = tpu.memref_slice %arg10[%mul3A_33, %dma_wait3A] : memref<10240x128xf32, #tpu.memory_space<vmem_shared>> -> memref<80x128xf32, #tpu.memory_space<vmem_shared>>
      %dma_wait3A_113 = arith.constant 0 : i32
      %dma_wait3A_114 = tpu.memref_slice %arg10[%mul3A_33, %dma_wait3A_113] : memref<10240x128xf32, #tpu.memory_space<vmem_shared>> -> memref<80x128xf32, #tpu.memory_space<vmem_shared>>
      tpu.wait_dma2 semaphore(%run_scoped3A : memref<!tpu.dma_semaphore, #tpu.memory_space<semaphore_mem>>) src(%arg9 : memref<80x128xf32, #tpu.memory_space<vmem>>) dst(%dma_wait3A_114 : memref<80x128xf32, #tpu.memory_space<vmem_shared>>)
      tpu.yield
    }) : () -> ()
    %mul3A_34 = arith.constant 8 : i32
    %mul3A_35 = arith.muli %arg1, %mul3A_34 : i32
    %add3A_36 = arith.constant 6 : i32
    %add3A_37 = arith.addi %mul3A_35, %add3A_36 : i32
    %mul3A_38 = arith.constant 80 : i32
    %mul3A_39 = arith.muli %add3A_37, %mul3A_38 : i32
    "tpu.region"() ({
      %run_scoped3A = tpu.sem_alloc : memref<!tpu.dma_semaphore, #tpu.memory_space<semaphore_mem>>
      %dma_start3A = arith.constant 0 : i32
      %dma_start3A_109 = tpu.memref_slice %arg10[%mul3A_39, %dma_start3A] : memref<10240x128xf32, #tpu.memory_space<vmem_shared>> -> memref<80x128xf32, #tpu.memory_space<vmem_shared>>
      %dma_start3A_110 = arith.constant 0 : i32
      %dma_start3A_111 = tpu.memref_slice %arg10[%mul3A_39, %dma_start3A_110] : memref<10240x128xf32, #tpu.memory_space<vmem_shared>> -> memref<80x128xf32, #tpu.memory_space<vmem_shared>>
      tpu.enqueue_dma source(%arg9 : memref<80x128xf32, #tpu.memory_space<vmem>>) target(%dma_start3A_111 : memref<80x128xf32, #tpu.memory_space<vmem_shared>>) target_semaphore(%run_scoped3A : memref<!tpu.dma_semaphore, #tpu.memory_space<semaphore_mem>>)
      %dma_wait3A = arith.constant 0 : i32
      %dma_wait3A_112 = tpu.memref_slice %arg10[%mul3A_39, %dma_wait3A] : memref<10240x128xf32, #tpu.memory_space<vmem_shared>> -> memref<80x128xf32, #tpu.memory_space<vmem_shared>>
      %dma_wait3A_113 = arith.constant 0 : i32
      %dma_wait3A_114 = tpu.memref_slice %arg10[%mul3A_39, %dma_wait3A_113] : memref<10240x128xf32, #tpu.memory_space<vmem_shared>> -> memref<80x128xf32, #tpu.memory_space<vmem_shared>>
      tpu.wait_dma2 semaphore(%run_scoped3A : memref<!tpu.dma_semaphore, #tpu.memory_space<semaphore_mem>>) src(%arg9 : memref<80x128xf32, #tpu.memory_space<vmem>>) dst(%dma_wait3A_114 : memref<80x128xf32, #tpu.memory_space<vmem_shared>>)
      tpu.yield
    }) : () -> ()
    %mul3A_40 = arith.constant 8 : i32
    %mul3A_41 = arith.muli %arg1, %mul3A_40 : i32
    %add3A_42 = arith.constant 7 : i32
    %add3A_43 = arith.addi %mul3A_41, %add3A_42 : i32
    %mul3A_44 = arith.constant 80 : i32
    %mul3A_45 = arith.muli %add3A_43, %mul3A_44 : i32
    "tpu.region"() ({
      %run_scoped3A = tpu.sem_alloc : memref<!tpu.dma_semaphore, #tpu.memory_space<semaphore_mem>>
      %dma_start3A = arith.constant 0 : i32
      %dma_start3A_109 = tpu.memref_slice %arg10[%mul3A_45, %dma_start3A] : memref<10240x128xf32, #tpu.memory_space<vmem_shared>> -> memref<80x128xf32, #tpu.memory_space<vmem_shared>>
      %dma_start3A_110 = arith.constant 0 : i32
      %dma_start3A_111 = tpu.memref_slice %arg10[%mul3A_45, %dma_start3A_110] : memref<10240x128xf32, #tpu.memory_space<vmem_shared>> -> memref<80x128xf32, #tpu.memory_space<vmem_shared>>
      tpu.enqueue_dma source(%arg9 : memref<80x128xf32, #tpu.memory_space<vmem>>) target(%dma_start3A_111 : memref<80x128xf32, #tpu.memory_space<vmem_shared>>) target_semaphore(%run_scoped3A : memref<!tpu.dma_semaphore, #tpu.memory_space<semaphore_mem>>)
      %dma_wait3A = arith.constant 0 : i32
      %dma_wait3A_112 = tpu.memref_slice %arg10[%mul3A_45, %dma_wait3A] : memref<10240x128xf32, #tpu.memory_space<vmem_shared>> -> memref<80x128xf32, #tpu.memory_space<vmem_shared>>
      %dma_wait3A_113 = arith.constant 0 : i32
      %dma_wait3A_114 = tpu.memref_slice %arg10[%mul3A_45, %dma_wait3A_113] : memref<10240x128xf32, #tpu.memory_space<vmem_shared>> -> memref<80x128xf32, #tpu.memory_space<vmem_shared>>
      tpu.wait_dma2 semaphore(%run_scoped3A : memref<!tpu.dma_semaphore, #tpu.memory_space<semaphore_mem>>) src(%arg9 : memref<80x128xf32, #tpu.memory_space<vmem>>) dst(%dma_wait3A_114 : memref<80x128xf32, #tpu.memory_space<vmem_shared>>)
      tpu.yield
    }) : () -> ()
    %barrier3A = arith.constant 0 : index
    tpu.barrier barrier_id(%barrier3A)
    %mul3A_46 = arith.constant 160000 : i32
    %mul3A_47 = arith.muli %arg0, %mul3A_46 : i32
    %mul3A_48 = arith.constant 10000 : i32
    %mul3A_49 = arith.muli %arg1, %mul3A_48 : i32
    %add3A_50 = arith.addi %mul3A_47, %mul3A_49 : i32
    %scan3A = arith.constant 0 : i32
    %scan3A_51 = arith.constant 125 : i32
    %scan3A_52 = arith.addi %scan3A, %scan3A_51 : i32
    %scan3A_53 = arith.constant 1 : i32
    scf.for %scan3A_109 = %scan3A to %scan3A_52 step %scan3A_53  : i32 {
      %mul3A_110 = arith.constant 1 : i32
      %mul3A_111 = arith.muli %scan3A_109, %mul3A_110 : i32
      %add3A_112 = arith.constant 0 : i32
      %add3A_113 = arith.addi %add3A_112, %mul3A_111 : i32
      %mul3A_114 = arith.constant 80 : i32
      %mul3A_115 = arith.muli %add3A_113, %mul3A_114 : i32
      %add3A_116 = arith.addi %add3A_50, %mul3A_115 : i32
      "tpu.region"() ({
        %run_scoped3A_121 = tpu.sem_alloc : memref<!tpu.dma_semaphore, #tpu.memory_space<semaphore_mem>>
        %dma_start3A = tpu.memref_slice %arg3[%add3A_116] : memref<320000xi32, #tpu.memory_space<hbm>> -> memref<80xi32, #tpu.memory_space<hbm>>
        %dma_start3A_122 = tpu.memref_slice %arg3[%add3A_116] : memref<320000xi32, #tpu.memory_space<hbm>> -> memref<80xi32, #tpu.memory_space<hbm>>
        tpu.enqueue_dma source(%dma_start3A_122 : memref<80xi32, #tpu.memory_space<hbm>>) target(%arg7 : memref<80xi32, #tpu.memory_space<vmem>>) target_semaphore(%run_scoped3A_121 : memref<!tpu.dma_semaphore, #tpu.memory_space<semaphore_mem>>)
        %dma_wait3A = tpu.memref_slice %arg3[%add3A_116] : memref<320000xi32, #tpu.memory_space<hbm>> -> memref<80xi32, #tpu.memory_space<hbm>>
        %dma_wait3A_123 = tpu.memref_slice %arg3[%add3A_116] : memref<320000xi32, #tpu.memory_space<hbm>> -> memref<80xi32, #tpu.memory_space<hbm>>
        tpu.wait_dma2 semaphore(%run_scoped3A_121 : memref<!tpu.dma_semaphore, #tpu.memory_space<semaphore_mem>>) src(%dma_wait3A_123 : memref<80xi32, #tpu.memory_space<hbm>>) dst(%arg7 : memref<80xi32, #tpu.memory_space<vmem>>)
        tpu.yield
      }) : () -> ()
      %mul3A_117 = arith.constant 80 : i32
      %mul3A_118 = arith.muli %add3A_113, %mul3A_117 : i32
      %add3A_119 = arith.addi %add3A_50, %mul3A_118 : i32
      %run_scoped3A = arith.constant 0 : i32
      "tpu.region"() ({
        %run_scoped3A_121 = tpu.sem_alloc : memref<!tpu.dma_semaphore, #tpu.memory_space<semaphore_mem>>
        %dma_start3A = arith.constant 0 : i32
        %dma_start3A_122 = tpu.memref_slice %arg8[%run_scoped3A, %dma_start3A] : memref<1x80xi32, #tpu.memory_space<vmem>> -> memref<1x80xi32, #tpu.memory_space<vmem>>
        %dma_start3A_123 = tpu.memref_squeeze %dma_start3A_122 : memref<1x80xi32, #tpu.memory_space<vmem>> -> memref<80xi32, #tpu.memory_space<vmem>>
        %dma_start3A_124 = tpu.memref_slice %arg4[%add3A_119] : memref<320000xi32, #tpu.memory_space<hbm>> -> memref<80xi32, #tpu.memory_space<hbm>>
        %dma_start3A_125 = arith.constant 0 : i32
        %dma_start3A_126 = tpu.memref_slice %arg8[%run_scoped3A, %dma_start3A_125] : memref<1x80xi32, #tpu.memory_space<vmem>> -> memref<1x80xi32, #tpu.memory_space<vmem>>
        %dma_start3A_127 = tpu.memref_squeeze %dma_start3A_126 : memref<1x80xi32, #tpu.memory_space<vmem>> -> memref<80xi32, #tpu.memory_space<vmem>>
        %dma_start3A_128 = tpu.memref_slice %arg4[%add3A_119] : memref<320000xi32, #tpu.memory_space<hbm>> -> memref<80xi32, #tpu.memory_space<hbm>>
        tpu.enqueue_dma source(%dma_start3A_128 : memref<80xi32, #tpu.memory_space<hbm>>) target(%dma_start3A_127 : memref<80xi32, #tpu.memory_space<vmem>>) target_semaphore(%run_scoped3A_121 : memref<!tpu.dma_semaphore, #tpu.memory_space<semaphore_mem>>)
        %dma_wait3A = arith.constant 0 : i32
        %dma_wait3A_129 = tpu.memref_slice %arg8[%run_scoped3A, %dma_wait3A] : memref<1x80xi32, #tpu.memory_space<vmem>> -> memref<1x80xi32, #tpu.memory_space<vmem>>
        %dma_wait3A_130 = tpu.memref_squeeze %dma_wait3A_129 : memref<1x80xi32, #tpu.memory_space<vmem>> -> memref<80xi32, #tpu.memory_space<vmem>>
        %dma_wait3A_131 = tpu.memref_slice %arg4[%add3A_119] : memref<320000xi32, #tpu.memory_space<hbm>> -> memref<80xi32, #tpu.memory_space<hbm>>
        %dma_wait3A_132 = arith.constant 0 : i32
        %dma_wait3A_133 = tpu.memref_slice %arg8[%run_scoped3A, %dma_wait3A_132] : memref<1x80xi32, #tpu.memory_space<vmem>> -> memref<1x80xi32, #tpu.memory_space<vmem>>
        %dma_wait3A_134 = tpu.memref_squeeze %dma_wait3A_133 : memref<1x80xi32, #tpu.memory_space<vmem>> -> memref<80xi32, #tpu.memory_space<vmem>>
        %dma_wait3A_135 = tpu.memref_slice %arg4[%add3A_119] : memref<320000xi32, #tpu.memory_space<hbm>> -> memref<80xi32, #tpu.memory_space<hbm>>
        tpu.wait_dma2 semaphore(%run_scoped3A_121 : memref<!tpu.dma_semaphore, #tpu.memory_space<semaphore_mem>>) src(%dma_wait3A_135 : memref<80xi32, #tpu.memory_space<hbm>>) dst(%dma_wait3A_134 : memref<80xi32, #tpu.memory_space<vmem>>)
        tpu.yield
      }) : () -> ()
      "tpu.region"() ({
        %run_scoped3A_121 = tpu.sem_alloc : memref<!tpu.dma_semaphore, #tpu.memory_space<semaphore_mem>>
        %dma_start3A = arith.constant 0 : i32
        %dma_start3A_122 = arith.constant 0 : i32
        %dma_start3A_123 = tpu.memref_slice %arg2[%dma_start3A, %dma_start3A_122] : memref<10000x128xf32, #tpu.memory_space<hbm>> -> memref<10000x128xf32, #tpu.memory_space<hbm>>
        tpu.enqueue_indirect_dma source(%dma_start3A_123 : memref<10000x128xf32, #tpu.memory_space<hbm>>) target(%arg9 : memref<80x128xf32, #tpu.memory_space<vmem>>) offsets(%arg7 : memref<80xi32, #tpu.memory_space<vmem>>) semaphore(%run_scoped3A_121 : memref<!tpu.dma_semaphore, #tpu.memory_space<semaphore_mem>>)
        %dma_wait3A = arith.constant 0 : i32
        %dma_wait3A_124 = arith.constant 0 : i32
        %dma_wait3A_125 = tpu.memref_slice %arg2[%dma_wait3A, %dma_wait3A_124] : memref<10000x128xf32, #tpu.memory_space<hbm>> -> memref<10000x128xf32, #tpu.memory_space<hbm>>
        tpu.wait_indirect_dma semaphore(%run_scoped3A_121 : memref<!tpu.dma_semaphore, #tpu.memory_space<semaphore_mem>>) src(%dma_wait3A_125 : memref<10000x128xf32, #tpu.memory_space<hbm>>) dst(%arg9 : memref<80x128xf32, #tpu.memory_space<vmem>>)
        tpu.yield
      }) : () -> ()
      %run_scoped3A_120 = arith.constant 0 : i32
      "tpu.region"() ({
        %run_scoped3A_121 = tpu.sem_alloc : memref<!tpu.dma_semaphore, #tpu.memory_space<semaphore_mem>>
        %dma_start3A = arith.constant 0 : i32
        %dma_start3A_122 = tpu.memref_slice %arg8[%run_scoped3A_120, %dma_start3A] : memref<1x80xi32, #tpu.memory_space<vmem>> -> memref<1x80xi32, #tpu.memory_space<vmem>>
        %dma_start3A_123 = tpu.memref_squeeze %dma_start3A_122 : memref<1x80xi32, #tpu.memory_space<vmem>> -> memref<80xi32, #tpu.memory_space<vmem>>
        %dma_start3A_124 = arith.constant 0 : i32
        %dma_start3A_125 = arith.constant 0 : i32
        %dma_start3A_126 = tpu.memref_slice %arg10[%dma_start3A_124, %dma_start3A_125] : memref<10240x128xf32, #tpu.memory_space<vmem_shared>> -> memref<10240x128xf32, #tpu.memory_space<vmem_shared>>
        tpu.enqueue_indirect_dma source(%arg9 : memref<80x128xf32, #tpu.memory_space<vmem>>) target(%dma_start3A_126 : memref<10240x128xf32, #tpu.memory_space<vmem_shared>>) offsets(%dma_start3A_123 : memref<80xi32, #tpu.memory_space<vmem>>) semaphore(%run_scoped3A_121 : memref<!tpu.dma_semaphore, #tpu.memory_space<semaphore_mem>>) {add = true}
        %dma_wait3A = arith.constant 0 : i32
        %dma_wait3A_127 = tpu.memref_slice %arg8[%run_scoped3A_120, %dma_wait3A] : memref<1x80xi32, #tpu.memory_space<vmem>> -> memref<1x80xi32, #tpu.memory_space<vmem>>
        %dma_wait3A_128 = tpu.memref_squeeze %dma_wait3A_127 : memref<1x80xi32, #tpu.memory_space<vmem>> -> memref<80xi32, #tpu.memory_space<vmem>>
        %dma_wait3A_129 = arith.constant 0 : i32
        %dma_wait3A_130 = arith.constant 0 : i32
        %dma_wait3A_131 = tpu.memref_slice %arg10[%dma_wait3A_129, %dma_wait3A_130] : memref<10240x128xf32, #tpu.memory_space<vmem_shared>> -> memref<10240x128xf32, #tpu.memory_space<vmem_shared>>
        tpu.wait_indirect_dma semaphore(%run_scoped3A_121 : memref<!tpu.dma_semaphore, #tpu.memory_space<semaphore_mem>>) src(%arg9 : memref<80x128xf32, #tpu.memory_space<vmem>>) dst(%dma_wait3A_131 : memref<10240x128xf32, #tpu.memory_space<vmem_shared>>)
        tpu.yield
      }) : () -> ()
    }
    %scan3A_54 = arith.constant 125 : i32
    %barrier3A_55 = arith.constant 0 : index
    tpu.barrier barrier_id(%barrier3A_55)
    %mul3A_56 = arith.constant 10240 : i32
    %mul3A_57 = arith.muli %arg0, %mul3A_56 : i32
    %mul3A_58 = arith.constant 640 : i32
    %mul3A_59 = arith.muli %arg1, %mul3A_58 : i32
    %add3A_60 = arith.addi %mul3A_57, %mul3A_59 : i32
    %mul3A_61 = arith.constant 640 : i32
    %mul3A_62 = arith.muli %arg1, %mul3A_61 : i32
    %add3A_63 = arith.constant 0 : i32
    %add3A_64 = arith.addi %mul3A_62, %add3A_63 : i32
    "tpu.region"() ({
      %run_scoped3A = tpu.sem_alloc : memref<!tpu.dma_semaphore, #tpu.memory_space<semaphore_mem>>
      %dma_start3A = arith.constant 0 : i32
      %dma_start3A_109 = tpu.memref_slice %arg10[%add3A_64, %dma_start3A] : memref<10240x128xf32, #tpu.memory_space<vmem_shared>> -> memref<80x128xf32, #tpu.memory_space<vmem_shared>>
      %dma_start3A_110 = arith.constant 0 : i32
      %dma_start3A_111 = tpu.memref_slice %arg10[%add3A_64, %dma_start3A_110] : memref<10240x128xf32, #tpu.memory_space<vmem_shared>> -> memref<80x128xf32, #tpu.memory_space<vmem_shared>>
      tpu.enqueue_dma source(%dma_start3A_111 : memref<80x128xf32, #tpu.memory_space<vmem_shared>>) target(%arg9 : memref<80x128xf32, #tpu.memory_space<vmem>>) target_semaphore(%run_scoped3A : memref<!tpu.dma_semaphore, #tpu.memory_space<semaphore_mem>>)
      %dma_wait3A = arith.constant 0 : i32
      %dma_wait3A_112 = tpu.memref_slice %arg10[%add3A_64, %dma_wait3A] : memref<10240x128xf32, #tpu.memory_space<vmem_shared>> -> memref<80x128xf32, #tpu.memory_space<vmem_shared>>
      %dma_wait3A_113 = arith.constant 0 : i32
      %dma_wait3A_114 = tpu.memref_slice %arg10[%add3A_64, %dma_wait3A_113] : memref<10240x128xf32, #tpu.memory_space<vmem_shared>> -> memref<80x128xf32, #tpu.memory_space<vmem_shared>>
      tpu.wait_dma2 semaphore(%run_scoped3A : memref<!tpu.dma_semaphore, #tpu.memory_space<semaphore_mem>>) src(%dma_wait3A_114 : memref<80x128xf32, #tpu.memory_space<vmem_shared>>) dst(%arg9 : memref<80x128xf32, #tpu.memory_space<vmem>>)
      tpu.yield
    }) : () -> ()
    %add3A_65 = arith.constant 0 : i32
    %add3A_66 = arith.addi %add3A_60, %add3A_65 : i32
    "tpu.region"() ({
      %run_scoped3A = tpu.sem_alloc : memref<!tpu.dma_semaphore, #tpu.memory_space<semaphore_mem>>
      %dma_start3A = arith.constant 0 : i32
      %dma_start3A_109 = tpu.memref_slice %arg6[%add3A_66, %dma_start3A] : memref<20480x128xf32, #tpu.memory_space<hbm>> -> memref<80x128xf32, #tpu.memory_space<hbm>>
      %dma_start3A_110 = arith.constant 0 : i32
      %dma_start3A_111 = tpu.memref_slice %arg6[%add3A_66, %dma_start3A_110] : memref<20480x128xf32, #tpu.memory_space<hbm>> -> memref<80x128xf32, #tpu.memory_space<hbm>>
      tpu.enqueue_dma source(%arg9 : memref<80x128xf32, #tpu.memory_space<vmem>>) target(%dma_start3A_111 : memref<80x128xf32, #tpu.memory_space<hbm>>) target_semaphore(%run_scoped3A : memref<!tpu.dma_semaphore, #tpu.memory_space<semaphore_mem>>)
      %dma_wait3A = arith.constant 0 : i32
      %dma_wait3A_112 = tpu.memref_slice %arg6[%add3A_66, %dma_wait3A] : memref<20480x128xf32, #tpu.memory_space<hbm>> -> memref<80x128xf32, #tpu.memory_space<hbm>>
      %dma_wait3A_113 = arith.constant 0 : i32
      %dma_wait3A_114 = tpu.memref_slice %arg6[%add3A_66, %dma_wait3A_113] : memref<20480x128xf32, #tpu.memory_space<hbm>> -> memref<80x128xf32, #tpu.memory_space<hbm>>
      tpu.wait_dma2 semaphore(%run_scoped3A : memref<!tpu.dma_semaphore, #tpu.memory_space<semaphore_mem>>) src(%arg9 : memref<80x128xf32, #tpu.memory_space<vmem>>) dst(%dma_wait3A_114 : memref<80x128xf32, #tpu.memory_space<hbm>>)
      tpu.yield
    }) : () -> ()
    %mul3A_67 = arith.constant 640 : i32
    %mul3A_68 = arith.muli %arg1, %mul3A_67 : i32
    %add3A_69 = arith.constant 80 : i32
    %add3A_70 = arith.addi %mul3A_68, %add3A_69 : i32
    "tpu.region"() ({
      %run_scoped3A = tpu.sem_alloc : memref<!tpu.dma_semaphore, #tpu.memory_space<semaphore_mem>>
      %dma_start3A = arith.constant 0 : i32
      %dma_start3A_109 = tpu.memref_slice %arg10[%add3A_70, %dma_start3A] : memref<10240x128xf32, #tpu.memory_space<vmem_shared>> -> memref<80x128xf32, #tpu.memory_space<vmem_shared>>
      %dma_start3A_110 = arith.constant 0 : i32
      %dma_start3A_111 = tpu.memref_slice %arg10[%add3A_70, %dma_start3A_110] : memref<10240x128xf32, #tpu.memory_space<vmem_shared>> -> memref<80x128xf32, #tpu.memory_space<vmem_shared>>
      tpu.enqueue_dma source(%dma_start3A_111 : memref<80x128xf32, #tpu.memory_space<vmem_shared>>) target(%arg9 : memref<80x128xf32, #tpu.memory_space<vmem>>) target_semaphore(%run_scoped3A : memref<!tpu.dma_semaphore, #tpu.memory_space<semaphore_mem>>)
      %dma_wait3A = arith.constant 0 : i32
      %dma_wait3A_112 = tpu.memref_slice %arg10[%add3A_70, %dma_wait3A] : memref<10240x128xf32, #tpu.memory_space<vmem_shared>> -> memref<80x128xf32, #tpu.memory_space<vmem_shared>>
      %dma_wait3A_113 = arith.constant 0 : i32
      %dma_wait3A_114 = tpu.memref_slice %arg10[%add3A_70, %dma_wait3A_113] : memref<10240x128xf32, #tpu.memory_space<vmem_shared>> -> memref<80x128xf32, #tpu.memory_space<vmem_shared>>
      tpu.wait_dma2 semaphore(%run_scoped3A : memref<!tpu.dma_semaphore, #tpu.memory_space<semaphore_mem>>) src(%dma_wait3A_114 : memref<80x128xf32, #tpu.memory_space<vmem_shared>>) dst(%arg9 : memref<80x128xf32, #tpu.memory_space<vmem>>)
      tpu.yield
    }) : () -> ()
    %add3A_71 = arith.constant 80 : i32
    %add3A_72 = arith.addi %add3A_60, %add3A_71 : i32
    "tpu.region"() ({
      %run_scoped3A = tpu.sem_alloc : memref<!tpu.dma_semaphore, #tpu.memory_space<semaphore_mem>>
      %dma_start3A = arith.constant 0 : i32
      %dma_start3A_109 = tpu.memref_slice %arg6[%add3A_72, %dma_start3A] : memref<20480x128xf32, #tpu.memory_space<hbm>> -> memref<80x128xf32, #tpu.memory_space<hbm>>
      %dma_start3A_110 = arith.constant 0 : i32
      %dma_start3A_111 = tpu.memref_slice %arg6[%add3A_72, %dma_start3A_110] : memref<20480x128xf32, #tpu.memory_space<hbm>> -> memref<80x128xf32, #tpu.memory_space<hbm>>
      tpu.enqueue_dma source(%arg9 : memref<80x128xf32, #tpu.memory_space<vmem>>) target(%dma_start3A_111 : memref<80x128xf32, #tpu.memory_space<hbm>>) target_semaphore(%run_scoped3A : memref<!tpu.dma_semaphore, #tpu.memory_space<semaphore_mem>>)
      %dma_wait3A = arith.constant 0 : i32
      %dma_wait3A_112 = tpu.memref_slice %arg6[%add3A_72, %dma_wait3A] : memref<20480x128xf32, #tpu.memory_space<hbm>> -> memref<80x128xf32, #tpu.memory_space<hbm>>
      %dma_wait3A_113 = arith.constant 0 : i32
      %dma_wait3A_114 = tpu.memref_slice %arg6[%add3A_72, %dma_wait3A_113] : memref<20480x128xf32, #tpu.memory_space<hbm>> -> memref<80x128xf32, #tpu.memory_space<hbm>>
      tpu.wait_dma2 semaphore(%run_scoped3A : memref<!tpu.dma_semaphore, #tpu.memory_space<semaphore_mem>>) src(%arg9 : memref<80x128xf32, #tpu.memory_space<vmem>>) dst(%dma_wait3A_114 : memref<80x128xf32, #tpu.memory_space<hbm>>)
      tpu.yield
    }) : () -> ()
    %mul3A_73 = arith.constant 640 : i32
    %mul3A_74 = arith.muli %arg1, %mul3A_73 : i32
    %add3A_75 = arith.constant 160 : i32
    %add3A_76 = arith.addi %mul3A_74, %add3A_75 : i32
    "tpu.region"() ({
      %run_scoped3A = tpu.sem_alloc : memref<!tpu.dma_semaphore, #tpu.memory_space<semaphore_mem>>
      %dma_start3A = arith.constant 0 : i32
      %dma_start3A_109 = tpu.memref_slice %arg10[%add3A_76, %dma_start3A] : memref<10240x128xf32, #tpu.memory_space<vmem_shared>> -> memref<80x128xf32, #tpu.memory_space<vmem_shared>>
      %dma_start3A_110 = arith.constant 0 : i32
      %dma_start3A_111 = tpu.memref_slice %arg10[%add3A_76, %dma_start3A_110] : memref<10240x128xf32, #tpu.memory_space<vmem_shared>> -> memref<80x128xf32, #tpu.memory_space<vmem_shared>>
      tpu.enqueue_dma source(%dma_start3A_111 : memref<80x128xf32, #tpu.memory_space<vmem_shared>>) target(%arg9 : memref<80x128xf32, #tpu.memory_space<vmem>>) target_semaphore(%run_scoped3A : memref<!tpu.dma_semaphore, #tpu.memory_space<semaphore_mem>>)
      %dma_wait3A = arith.constant 0 : i32
      %dma_wait3A_112 = tpu.memref_slice %arg10[%add3A_76, %dma_wait3A] : memref<10240x128xf32, #tpu.memory_space<vmem_shared>> -> memref<80x128xf32, #tpu.memory_space<vmem_shared>>
      %dma_wait3A_113 = arith.constant 0 : i32
      %dma_wait3A_114 = tpu.memref_slice %arg10[%add3A_76, %dma_wait3A_113] : memref<10240x128xf32, #tpu.memory_space<vmem_shared>> -> memref<80x128xf32, #tpu.memory_space<vmem_shared>>
      tpu.wait_dma2 semaphore(%run_scoped3A : memref<!tpu.dma_semaphore, #tpu.memory_space<semaphore_mem>>) src(%dma_wait3A_114 : memref<80x128xf32, #tpu.memory_space<vmem_shared>>) dst(%arg9 : memref<80x128xf32, #tpu.memory_space<vmem>>)
      tpu.yield
    }) : () -> ()
    %add3A_77 = arith.constant 160 : i32
    %add3A_78 = arith.addi %add3A_60, %add3A_77 : i32
    "tpu.region"() ({
      %run_scoped3A = tpu.sem_alloc : memref<!tpu.dma_semaphore, #tpu.memory_space<semaphore_mem>>
      %dma_start3A = arith.constant 0 : i32
      %dma_start3A_109 = tpu.memref_slice %arg6[%add3A_78, %dma_start3A] : memref<20480x128xf32, #tpu.memory_space<hbm>> -> memref<80x128xf32, #tpu.memory_space<hbm>>
      %dma_start3A_110 = arith.constant 0 : i32
      %dma_start3A_111 = tpu.memref_slice %arg6[%add3A_78, %dma_start3A_110] : memref<20480x128xf32, #tpu.memory_space<hbm>> -> memref<80x128xf32, #tpu.memory_space<hbm>>
      tpu.enqueue_dma source(%arg9 : memref<80x128xf32, #tpu.memory_space<vmem>>) target(%dma_start3A_111 : memref<80x128xf32, #tpu.memory_space<hbm>>) target_semaphore(%run_scoped3A : memref<!tpu.dma_semaphore, #tpu.memory_space<semaphore_mem>>)
      %dma_wait3A = arith.constant 0 : i32
      %dma_wait3A_112 = tpu.memref_slice %arg6[%add3A_78, %dma_wait3A] : memref<20480x128xf32, #tpu.memory_space<hbm>> -> memref<80x128xf32, #tpu.memory_space<hbm>>
      %dma_wait3A_113 = arith.constant 0 : i32
      %dma_wait3A_114 = tpu.memref_slice %arg6[%add3A_78, %dma_wait3A_113] : memref<20480x128xf32, #tpu.memory_space<hbm>> -> memref<80x128xf32, #tpu.memory_space<hbm>>
      tpu.wait_dma2 semaphore(%run_scoped3A : memref<!tpu.dma_semaphore, #tpu.memory_space<semaphore_mem>>) src(%arg9 : memref<80x128xf32, #tpu.memory_space<vmem>>) dst(%dma_wait3A_114 : memref<80x128xf32, #tpu.memory_space<hbm>>)
      tpu.yield
    }) : () -> ()
    %mul3A_79 = arith.constant 640 : i32
    %mul3A_80 = arith.muli %arg1, %mul3A_79 : i32
    %add3A_81 = arith.constant 240 : i32
    %add3A_82 = arith.addi %mul3A_80, %add3A_81 : i32
    "tpu.region"() ({
      %run_scoped3A = tpu.sem_alloc : memref<!tpu.dma_semaphore, #tpu.memory_space<semaphore_mem>>
      %dma_start3A = arith.constant 0 : i32
      %dma_start3A_109 = tpu.memref_slice %arg10[%add3A_82, %dma_start3A] : memref<10240x128xf32, #tpu.memory_space<vmem_shared>> -> memref<80x128xf32, #tpu.memory_space<vmem_shared>>
      %dma_start3A_110 = arith.constant 0 : i32
      %dma_start3A_111 = tpu.memref_slice %arg10[%add3A_82, %dma_start3A_110] : memref<10240x128xf32, #tpu.memory_space<vmem_shared>> -> memref<80x128xf32, #tpu.memory_space<vmem_shared>>
      tpu.enqueue_dma source(%dma_start3A_111 : memref<80x128xf32, #tpu.memory_space<vmem_shared>>) target(%arg9 : memref<80x128xf32, #tpu.memory_space<vmem>>) target_semaphore(%run_scoped3A : memref<!tpu.dma_semaphore, #tpu.memory_space<semaphore_mem>>)
      %dma_wait3A = arith.constant 0 : i32
      %dma_wait3A_112 = tpu.memref_slice %arg10[%add3A_82, %dma_wait3A] : memref<10240x128xf32, #tpu.memory_space<vmem_shared>> -> memref<80x128xf32, #tpu.memory_space<vmem_shared>>
      %dma_wait3A_113 = arith.constant 0 : i32
      %dma_wait3A_114 = tpu.memref_slice %arg10[%add3A_82, %dma_wait3A_113] : memref<10240x128xf32, #tpu.memory_space<vmem_shared>> -> memref<80x128xf32, #tpu.memory_space<vmem_shared>>
      tpu.wait_dma2 semaphore(%run_scoped3A : memref<!tpu.dma_semaphore, #tpu.memory_space<semaphore_mem>>) src(%dma_wait3A_114 : memref<80x128xf32, #tpu.memory_space<vmem_shared>>) dst(%arg9 : memref<80x128xf32, #tpu.memory_space<vmem>>)
      tpu.yield
    }) : () -> ()
    %add3A_83 = arith.constant 240 : i32
    %add3A_84 = arith.addi %add3A_60, %add3A_83 : i32
    "tpu.region"() ({
      %run_scoped3A = tpu.sem_alloc : memref<!tpu.dma_semaphore, #tpu.memory_space<semaphore_mem>>
      %dma_start3A = arith.constant 0 : i32
      %dma_start3A_109 = tpu.memref_slice %arg6[%add3A_84, %dma_start3A] : memref<20480x128xf32, #tpu.memory_space<hbm>> -> memref<80x128xf32, #tpu.memory_space<hbm>>
      %dma_start3A_110 = arith.constant 0 : i32
      %dma_start3A_111 = tpu.memref_slice %arg6[%add3A_84, %dma_start3A_110] : memref<20480x128xf32, #tpu.memory_space<hbm>> -> memref<80x128xf32, #tpu.memory_space<hbm>>
      tpu.enqueue_dma source(%arg9 : memref<80x128xf32, #tpu.memory_space<vmem>>) target(%dma_start3A_111 : memref<80x128xf32, #tpu.memory_space<hbm>>) target_semaphore(%run_scoped3A : memref<!tpu.dma_semaphore, #tpu.memory_space<semaphore_mem>>)
      %dma_wait3A = arith.constant 0 : i32
      %dma_wait3A_112 = tpu.memref_slice %arg6[%add3A_84, %dma_wait3A] : memref<20480x128xf32, #tpu.memory_space<hbm>> -> memref<80x128xf32, #tpu.memory_space<hbm>>
      %dma_wait3A_113 = arith.constant 0 : i32
      %dma_wait3A_114 = tpu.memref_slice %arg6[%add3A_84, %dma_wait3A_113] : memref<20480x128xf32, #tpu.memory_space<hbm>> -> memref<80x128xf32, #tpu.memory_space<hbm>>
      tpu.wait_dma2 semaphore(%run_scoped3A : memref<!tpu.dma_semaphore, #tpu.memory_space<semaphore_mem>>) src(%arg9 : memref<80x128xf32, #tpu.memory_space<vmem>>) dst(%dma_wait3A_114 : memref<80x128xf32, #tpu.memory_space<hbm>>)
      tpu.yield
    }) : () -> ()
    %mul3A_85 = arith.constant 640 : i32
    %mul3A_86 = arith.muli %arg1, %mul3A_85 : i32
    %add3A_87 = arith.constant 320 : i32
    %add3A_88 = arith.addi %mul3A_86, %add3A_87 : i32
    "tpu.region"() ({
      %run_scoped3A = tpu.sem_alloc : memref<!tpu.dma_semaphore, #tpu.memory_space<semaphore_mem>>
      %dma_start3A = arith.constant 0 : i32
      %dma_start3A_109 = tpu.memref_slice %arg10[%add3A_88, %dma_start3A] : memref<10240x128xf32, #tpu.memory_space<vmem_shared>> -> memref<80x128xf32, #tpu.memory_space<vmem_shared>>
      %dma_start3A_110 = arith.constant 0 : i32
      %dma_start3A_111 = tpu.memref_slice %arg10[%add3A_88, %dma_start3A_110] : memref<10240x128xf32, #tpu.memory_space<vmem_shared>> -> memref<80x128xf32, #tpu.memory_space<vmem_shared>>
      tpu.enqueue_dma source(%dma_start3A_111 : memref<80x128xf32, #tpu.memory_space<vmem_shared>>) target(%arg9 : memref<80x128xf32, #tpu.memory_space<vmem>>) target_semaphore(%run_scoped3A : memref<!tpu.dma_semaphore, #tpu.memory_space<semaphore_mem>>)
      %dma_wait3A = arith.constant 0 : i32
      %dma_wait3A_112 = tpu.memref_slice %arg10[%add3A_88, %dma_wait3A] : memref<10240x128xf32, #tpu.memory_space<vmem_shared>> -> memref<80x128xf32, #tpu.memory_space<vmem_shared>>
      %dma_wait3A_113 = arith.constant 0 : i32
      %dma_wait3A_114 = tpu.memref_slice %arg10[%add3A_88, %dma_wait3A_113] : memref<10240x128xf32, #tpu.memory_space<vmem_shared>> -> memref<80x128xf32, #tpu.memory_space<vmem_shared>>
      tpu.wait_dma2 semaphore(%run_scoped3A : memref<!tpu.dma_semaphore, #tpu.memory_space<semaphore_mem>>) src(%dma_wait3A_114 : memref<80x128xf32, #tpu.memory_space<vmem_shared>>) dst(%arg9 : memref<80x128xf32, #tpu.memory_space<vmem>>)
      tpu.yield
    }) : () -> ()
    %add3A_89 = arith.constant 320 : i32
    %add3A_90 = arith.addi %add3A_60, %add3A_89 : i32
    "tpu.region"() ({
      %run_scoped3A = tpu.sem_alloc : memref<!tpu.dma_semaphore, #tpu.memory_space<semaphore_mem>>
      %dma_start3A = arith.constant 0 : i32
      %dma_start3A_109 = tpu.memref_slice %arg6[%add3A_90, %dma_start3A] : memref<20480x128xf32, #tpu.memory_space<hbm>> -> memref<80x128xf32, #tpu.memory_space<hbm>>
      %dma_start3A_110 = arith.constant 0 : i32
      %dma_start3A_111 = tpu.memref_slice %arg6[%add3A_90, %dma_start3A_110] : memref<20480x128xf32, #tpu.memory_space<hbm>> -> memref<80x128xf32, #tpu.memory_space<hbm>>
      tpu.enqueue_dma source(%arg9 : memref<80x128xf32, #tpu.memory_space<vmem>>) target(%dma_start3A_111 : memref<80x128xf32, #tpu.memory_space<hbm>>) target_semaphore(%run_scoped3A : memref<!tpu.dma_semaphore, #tpu.memory_space<semaphore_mem>>)
      %dma_wait3A = arith.constant 0 : i32
      %dma_wait3A_112 = tpu.memref_slice %arg6[%add3A_90, %dma_wait3A] : memref<20480x128xf32, #tpu.memory_space<hbm>> -> memref<80x128xf32, #tpu.memory_space<hbm>>
      %dma_wait3A_113 = arith.constant 0 : i32
      %dma_wait3A_114 = tpu.memref_slice %arg6[%add3A_90, %dma_wait3A_113] : memref<20480x128xf32, #tpu.memory_space<hbm>> -> memref<80x128xf32, #tpu.memory_space<hbm>>
      tpu.wait_dma2 semaphore(%run_scoped3A : memref<!tpu.dma_semaphore, #tpu.memory_space<semaphore_mem>>) src(%arg9 : memref<80x128xf32, #tpu.memory_space<vmem>>) dst(%dma_wait3A_114 : memref<80x128xf32, #tpu.memory_space<hbm>>)
      tpu.yield
    }) : () -> ()
    %mul3A_91 = arith.constant 640 : i32
    %mul3A_92 = arith.muli %arg1, %mul3A_91 : i32
    %add3A_93 = arith.constant 400 : i32
    %add3A_94 = arith.addi %mul3A_92, %add3A_93 : i32
    "tpu.region"() ({
      %run_scoped3A = tpu.sem_alloc : memref<!tpu.dma_semaphore, #tpu.memory_space<semaphore_mem>>
      %dma_start3A = arith.constant 0 : i32
      %dma_start3A_109 = tpu.memref_slice %arg10[%add3A_94, %dma_start3A] : memref<10240x128xf32, #tpu.memory_space<vmem_shared>> -> memref<80x128xf32, #tpu.memory_space<vmem_shared>>
      %dma_start3A_110 = arith.constant 0 : i32
      %dma_start3A_111 = tpu.memref_slice %arg10[%add3A_94, %dma_start3A_110] : memref<10240x128xf32, #tpu.memory_space<vmem_shared>> -> memref<80x128xf32, #tpu.memory_space<vmem_shared>>
      tpu.enqueue_dma source(%dma_start3A_111 : memref<80x128xf32, #tpu.memory_space<vmem_shared>>) target(%arg9 : memref<80x128xf32, #tpu.memory_space<vmem>>) target_semaphore(%run_scoped3A : memref<!tpu.dma_semaphore, #tpu.memory_space<semaphore_mem>>)
      %dma_wait3A = arith.constant 0 : i32
      %dma_wait3A_112 = tpu.memref_slice %arg10[%add3A_94, %dma_wait3A] : memref<10240x128xf32, #tpu.memory_space<vmem_shared>> -> memref<80x128xf32, #tpu.memory_space<vmem_shared>>
      %dma_wait3A_113 = arith.constant 0 : i32
      %dma_wait3A_114 = tpu.memref_slice %arg10[%add3A_94, %dma_wait3A_113] : memref<10240x128xf32, #tpu.memory_space<vmem_shared>> -> memref<80x128xf32, #tpu.memory_space<vmem_shared>>
      tpu.wait_dma2 semaphore(%run_scoped3A : memref<!tpu.dma_semaphore, #tpu.memory_space<semaphore_mem>>) src(%dma_wait3A_114 : memref<80x128xf32, #tpu.memory_space<vmem_shared>>) dst(%arg9 : memref<80x128xf32, #tpu.memory_space<vmem>>)
      tpu.yield
    }) : () -> ()
    %add3A_95 = arith.constant 400 : i32
    %add3A_96 = arith.addi %add3A_60, %add3A_95 : i32
    "tpu.region"() ({
      %run_scoped3A = tpu.sem_alloc : memref<!tpu.dma_semaphore, #tpu.memory_space<semaphore_mem>>
      %dma_start3A = arith.constant 0 : i32
      %dma_start3A_109 = tpu.memref_slice %arg6[%add3A_96, %dma_start3A] : memref<20480x128xf32, #tpu.memory_space<hbm>> -> memref<80x128xf32, #tpu.memory_space<hbm>>
      %dma_start3A_110 = arith.constant 0 : i32
      %dma_start3A_111 = tpu.memref_slice %arg6[%add3A_96, %dma_start3A_110] : memref<20480x128xf32, #tpu.memory_space<hbm>> -> memref<80x128xf32, #tpu.memory_space<hbm>>
      tpu.enqueue_dma source(%arg9 : memref<80x128xf32, #tpu.memory_space<vmem>>) target(%dma_start3A_111 : memref<80x128xf32, #tpu.memory_space<hbm>>) target_semaphore(%run_scoped3A : memref<!tpu.dma_semaphore, #tpu.memory_space<semaphore_mem>>)
      %dma_wait3A = arith.constant 0 : i32
      %dma_wait3A_112 = tpu.memref_slice %arg6[%add3A_96, %dma_wait3A] : memref<20480x128xf32, #tpu.memory_space<hbm>> -> memref<80x128xf32, #tpu.memory_space<hbm>>
      %dma_wait3A_113 = arith.constant 0 : i32
      %dma_wait3A_114 = tpu.memref_slice %arg6[%add3A_96, %dma_wait3A_113] : memref<20480x128xf32, #tpu.memory_space<hbm>> -> memref<80x128xf32, #tpu.memory_space<hbm>>
      tpu.wait_dma2 semaphore(%run_scoped3A : memref<!tpu.dma_semaphore, #tpu.memory_space<semaphore_mem>>) src(%arg9 : memref<80x128xf32, #tpu.memory_space<vmem>>) dst(%dma_wait3A_114 : memref<80x128xf32, #tpu.memory_space<hbm>>)
      tpu.yield
    }) : () -> ()
    %mul3A_97 = arith.constant 640 : i32
    %mul3A_98 = arith.muli %arg1, %mul3A_97 : i32
    %add3A_99 = arith.constant 480 : i32
    %add3A_100 = arith.addi %mul3A_98, %add3A_99 : i32
    "tpu.region"() ({
      %run_scoped3A = tpu.sem_alloc : memref<!tpu.dma_semaphore, #tpu.memory_space<semaphore_mem>>
      %dma_start3A = arith.constant 0 : i32
      %dma_start3A_109 = tpu.memref_slice %arg10[%add3A_100, %dma_start3A] : memref<10240x128xf32, #tpu.memory_space<vmem_shared>> -> memref<80x128xf32, #tpu.memory_space<vmem_shared>>
      %dma_start3A_110 = arith.constant 0 : i32
      %dma_start3A_111 = tpu.memref_slice %arg10[%add3A_100, %dma_start3A_110] : memref<10240x128xf32, #tpu.memory_space<vmem_shared>> -> memref<80x128xf32, #tpu.memory_space<vmem_shared>>
      tpu.enqueue_dma source(%dma_start3A_111 : memref<80x128xf32, #tpu.memory_space<vmem_shared>>) target(%arg9 : memref<80x128xf32, #tpu.memory_space<vmem>>) target_semaphore(%run_scoped3A : memref<!tpu.dma_semaphore, #tpu.memory_space<semaphore_mem>>)
      %dma_wait3A = arith.constant 0 : i32
      %dma_wait3A_112 = tpu.memref_slice %arg10[%add3A_100, %dma_wait3A] : memref<10240x128xf32, #tpu.memory_space<vmem_shared>> -> memref<80x128xf32, #tpu.memory_space<vmem_shared>>
      %dma_wait3A_113 = arith.constant 0 : i32
      %dma_wait3A_114 = tpu.memref_slice %arg10[%add3A_100, %dma_wait3A_113] : memref<10240x128xf32, #tpu.memory_space<vmem_shared>> -> memref<80x128xf32, #tpu.memory_space<vmem_shared>>
      tpu.wait_dma2 semaphore(%run_scoped3A : memref<!tpu.dma_semaphore, #tpu.memory_space<semaphore_mem>>) src(%dma_wait3A_114 : memref<80x128xf32, #tpu.memory_space<vmem_shared>>) dst(%arg9 : memref<80x128xf32, #tpu.memory_space<vmem>>)
      tpu.yield
    }) : () -> ()
    %add3A_101 = arith.constant 480 : i32
    %add3A_102 = arith.addi %add3A_60, %add3A_101 : i32
    "tpu.region"() ({
      %run_scoped3A = tpu.sem_alloc : memref<!tpu.dma_semaphore, #tpu.memory_space<semaphore_mem>>
      %dma_start3A = arith.constant 0 : i32
      %dma_start3A_109 = tpu.memref_slice %arg6[%add3A_102, %dma_start3A] : memref<20480x128xf32, #tpu.memory_space<hbm>> -> memref<80x128xf32, #tpu.memory_space<hbm>>
      %dma_start3A_110 = arith.constant 0 : i32
      %dma_start3A_111 = tpu.memref_slice %arg6[%add3A_102, %dma_start3A_110] : memref<20480x128xf32, #tpu.memory_space<hbm>> -> memref<80x128xf32, #tpu.memory_space<hbm>>
      tpu.enqueue_dma source(%arg9 : memref<80x128xf32, #tpu.memory_space<vmem>>) target(%dma_start3A_111 : memref<80x128xf32, #tpu.memory_space<hbm>>) target_semaphore(%run_scoped3A : memref<!tpu.dma_semaphore, #tpu.memory_space<semaphore_mem>>)
      %dma_wait3A = arith.constant 0 : i32
      %dma_wait3A_112 = tpu.memref_slice %arg6[%add3A_102, %dma_wait3A] : memref<20480x128xf32, #tpu.memory_space<hbm>> -> memref<80x128xf32, #tpu.memory_space<hbm>>
      %dma_wait3A_113 = arith.constant 0 : i32
      %dma_wait3A_114 = tpu.memref_slice %arg6[%add3A_102, %dma_wait3A_113] : memref<20480x128xf32, #tpu.memory_space<hbm>> -> memref<80x128xf32, #tpu.memory_space<hbm>>
      tpu.wait_dma2 semaphore(%run_scoped3A : memref<!tpu.dma_semaphore, #tpu.memory_space<semaphore_mem>>) src(%arg9 : memref<80x128xf32, #tpu.memory_space<vmem>>) dst(%dma_wait3A_114 : memref<80x128xf32, #tpu.memory_space<hbm>>)
      tpu.yield
    }) : () -> ()
    %mul3A_103 = arith.constant 640 : i32
    %mul3A_104 = arith.muli %arg1, %mul3A_103 : i32
    %add3A_105 = arith.constant 560 : i32
    %add3A_106 = arith.addi %mul3A_104, %add3A_105 : i32
    "tpu.region"() ({
      %run_scoped3A = tpu.sem_alloc : memref<!tpu.dma_semaphore, #tpu.memory_space<semaphore_mem>>
      %dma_start3A = arith.constant 0 : i32
      %dma_start3A_109 = tpu.memref_slice %arg10[%add3A_106, %dma_start3A] : memref<10240x128xf32, #tpu.memory_space<vmem_shared>> -> memref<80x128xf32, #tpu.memory_space<vmem_shared>>
      %dma_start3A_110 = arith.constant 0 : i32
      %dma_start3A_111 = tpu.memref_slice %arg10[%add3A_106, %dma_start3A_110] : memref<10240x128xf32, #tpu.memory_space<vmem_shared>> -> memref<80x128xf32, #tpu.memory_space<vmem_shared>>
      tpu.enqueue_dma source(%dma_start3A_111 : memref<80x128xf32, #tpu.memory_space<vmem_shared>>) target(%arg9 : memref<80x128xf32, #tpu.memory_space<vmem>>) target_semaphore(%run_scoped3A : memref<!tpu.dma_semaphore, #tpu.memory_space<semaphore_mem>>)
      %dma_wait3A = arith.constant 0 : i32
      %dma_wait3A_112 = tpu.memref_slice %arg10[%add3A_106, %dma_wait3A] : memref<10240x128xf32, #tpu.memory_space<vmem_shared>> -> memref<80x128xf32, #tpu.memory_space<vmem_shared>>
      %dma_wait3A_113 = arith.constant 0 : i32
      %dma_wait3A_114 = tpu.memref_slice %arg10[%add3A_106, %dma_wait3A_113] : memref<10240x128xf32, #tpu.memory_space<vmem_shared>> -> memref<80x128xf32, #tpu.memory_space<vmem_shared>>
      tpu.wait_dma2 semaphore(%run_scoped3A : memref<!tpu.dma_semaphore, #tpu.memory_space<semaphore_mem>>) src(%dma_wait3A_114 : memref<80x128xf32, #tpu.memory_space<vmem_shared>>) dst(%arg9 : memref<80x128xf32, #tpu.memory_space<vmem>>)
      tpu.yield
    }) : () -> ()
    %add3A_107 = arith.constant 560 : i32
    %add3A_108 = arith.addi %add3A_60, %add3A_107 : i32
    "tpu.region"() ({
      %run_scoped3A = tpu.sem_alloc : memref<!tpu.dma_semaphore, #tpu.memory_space<semaphore_mem>>
      %dma_start3A = arith.constant 0 : i32
      %dma_start3A_109 = tpu.memref_slice %arg6[%add3A_108, %dma_start3A] : memref<20480x128xf32, #tpu.memory_space<hbm>> -> memref<80x128xf32, #tpu.memory_space<hbm>>
      %dma_start3A_110 = arith.constant 0 : i32
      %dma_start3A_111 = tpu.memref_slice %arg6[%add3A_108, %dma_start3A_110] : memref<20480x128xf32, #tpu.memory_space<hbm>> -> memref<80x128xf32, #tpu.memory_space<hbm>>
      tpu.enqueue_dma source(%arg9 : memref<80x128xf32, #tpu.memory_space<vmem>>) target(%dma_start3A_111 : memref<80x128xf32, #tpu.memory_space<hbm>>) target_semaphore(%run_scoped3A : memref<!tpu.dma_semaphore, #tpu.memory_space<semaphore_mem>>)
      %dma_wait3A = arith.constant 0 : i32
      %dma_wait3A_112 = tpu.memref_slice %arg6[%add3A_108, %dma_wait3A] : memref<20480x128xf32, #tpu.memory_space<hbm>> -> memref<80x128xf32, #tpu.memory_space<hbm>>
      %dma_wait3A_113 = arith.constant 0 : i32
      %dma_wait3A_114 = tpu.memref_slice %arg6[%add3A_108, %dma_wait3A_113] : memref<20480x128xf32, #tpu.memory_space<hbm>> -> memref<80x128xf32, #tpu.memory_space<hbm>>
      tpu.wait_dma2 semaphore(%run_scoped3A : memref<!tpu.dma_semaphore, #tpu.memory_space<semaphore_mem>>) src(%arg9 : memref<80x128xf32, #tpu.memory_space<vmem>>) dst(%dma_wait3A_114 : memref<80x128xf32, #tpu.memory_space<hbm>>)
      tpu.yield
    }) : () -> ()
    return
  }
}

#map = affine_map<(d0, d1) -> (0, 0)>
#map1 = affine_map<(d0, d1) -> (0)>
module attributes {stable_mosaic.version = 14 : i64} {
  func.func @body(%arg0: i32, %arg1: i32, %arg2: memref<20480x128xf32, #tpu.memory_space<hbm>>, %arg3: memref<640000xi32, #tpu.memory_space<hbm>>, %arg4: memref<320000xi32, #tpu.memory_space<hbm>>, %arg5: memref<80x128xf32, #tpu.memory_space<hbm>>, %arg6: memref<20480x128xf32, #tpu.memory_space<hbm>>, %arg7: memref<80xi32, #tpu.memory_space<vmem>>, %arg8: memref<1x80xi32, #tpu.memory_space<vmem>>, %arg9: memref<80x128xf32, #tpu.memory_space<vmem>>, %arg10: memref<10240x128xf32, #tpu.memory_space<vmem_shared>>) attributes {dimension_semantics = [#tpu.dimension_semantics<core_parallel>, #tpu.dimension_semantics<subcore_parallel>], iteration_bounds = array<i64: 2, 16>, scalar_prefetch = 0 : i64, scratch_operands = 4 : i64, tpu.core_type = #tpu.core_type<sc_vector_subcore>, window_params = [{transform_indices = #map}, {transform_indices = #map1}, {transform_indices = #map1}, {transform_indices = #map}, {transform_indices = #map}]} {
    "tpu.region"() ({
      %run_scoped3A = tpu.sem_alloc : memref<!tpu.dma_semaphore, #tpu.memory_space<semaphore_mem>>
      tpu.enqueue_dma source(%arg5 : memref<80x128xf32, #tpu.memory_space<hbm>>) target(%arg9 : memref<80x128xf32, #tpu.memory_space<vmem>>) target_semaphore(%run_scoped3A : memref<!tpu.dma_semaphore, #tpu.memory_space<semaphore_mem>>)
      tpu.wait_dma2 semaphore(%run_scoped3A : memref<!tpu.dma_semaphore, #tpu.memory_space<semaphore_mem>>) src(%arg5 : memref<80x128xf32, #tpu.memory_space<hbm>>) dst(%arg9 : memref<80x128xf32, #tpu.memory_space<vmem>>)
      tpu.yield
    }) : () -> ()
    %mul3A = arith.constant 8 : i32
    %mul3A_0 = arith.muli %arg1, %mul3A : i32
    %add3A = arith.constant 0 : i32
    %add3A_1 = arith.addi %mul3A_0, %add3A : i32
    %mul3A_2 = arith.constant 80 : i32
    %mul3A_3 = arith.muli %add3A_1, %mul3A_2 : i32
    "tpu.region"() ({
      %run_scoped3A = tpu.sem_alloc : memref<!tpu.dma_semaphore, #tpu.memory_space<semaphore_mem>>
      %dma_start3A = arith.constant 0 : i32
      %dma_start3A_111 = tpu.memref_slice %arg10[%mul3A_3, %dma_start3A] : memref<10240x128xf32, #tpu.memory_space<vmem_shared>> -> memref<80x128xf32, #tpu.memory_space<vmem_shared>>
      %dma_start3A_112 = arith.constant 0 : i32
      %dma_start3A_113 = tpu.memref_slice %arg10[%mul3A_3, %dma_start3A_112] : memref<10240x128xf32, #tpu.memory_space<vmem_shared>> -> memref<80x128xf32, #tpu.memory_space<vmem_shared>>
      tpu.enqueue_dma source(%arg9 : memref<80x128xf32, #tpu.memory_space<vmem>>) target(%dma_start3A_113 : memref<80x128xf32, #tpu.memory_space<vmem_shared>>) target_semaphore(%run_scoped3A : memref<!tpu.dma_semaphore, #tpu.memory_space<semaphore_mem>>)
      %dma_wait3A = arith.constant 0 : i32
      %dma_wait3A_114 = tpu.memref_slice %arg10[%mul3A_3, %dma_wait3A] : memref<10240x128xf32, #tpu.memory_space<vmem_shared>> -> memref<80x128xf32, #tpu.memory_space<vmem_shared>>
      %dma_wait3A_115 = arith.constant 0 : i32
      %dma_wait3A_116 = tpu.memref_slice %arg10[%mul3A_3, %dma_wait3A_115] : memref<10240x128xf32, #tpu.memory_space<vmem_shared>> -> memref<80x128xf32, #tpu.memory_space<vmem_shared>>
      tpu.wait_dma2 semaphore(%run_scoped3A : memref<!tpu.dma_semaphore, #tpu.memory_space<semaphore_mem>>) src(%arg9 : memref<80x128xf32, #tpu.memory_space<vmem>>) dst(%dma_wait3A_116 : memref<80x128xf32, #tpu.memory_space<vmem_shared>>)
      tpu.yield
    }) : () -> ()
    %mul3A_4 = arith.constant 8 : i32
    %mul3A_5 = arith.muli %arg1, %mul3A_4 : i32
    %add3A_6 = arith.constant 1 : i32
    %add3A_7 = arith.addi %mul3A_5, %add3A_6 : i32
    %mul3A_8 = arith.constant 80 : i32
    %mul3A_9 = arith.muli %add3A_7, %mul3A_8 : i32
    "tpu.region"() ({
      %run_scoped3A = tpu.sem_alloc : memref<!tpu.dma_semaphore, #tpu.memory_space<semaphore_mem>>
      %dma_start3A = arith.constant 0 : i32
      %dma_start3A_111 = tpu.memref_slice %arg10[%mul3A_9, %dma_start3A] : memref<10240x128xf32, #tpu.memory_space<vmem_shared>> -> memref<80x128xf32, #tpu.memory_space<vmem_shared>>
      %dma_start3A_112 = arith.constant 0 : i32
      %dma_start3A_113 = tpu.memref_slice %arg10[%mul3A_9, %dma_start3A_112] : memref<10240x128xf32, #tpu.memory_space<vmem_shared>> -> memref<80x128xf32, #tpu.memory_space<vmem_shared>>
      tpu.enqueue_dma source(%arg9 : memref<80x128xf32, #tpu.memory_space<vmem>>) target(%dma_start3A_113 : memref<80x128xf32, #tpu.memory_space<vmem_shared>>) target_semaphore(%run_scoped3A : memref<!tpu.dma_semaphore, #tpu.memory_space<semaphore_mem>>)
      %dma_wait3A = arith.constant 0 : i32
      %dma_wait3A_114 = tpu.memref_slice %arg10[%mul3A_9, %dma_wait3A] : memref<10240x128xf32, #tpu.memory_space<vmem_shared>> -> memref<80x128xf32, #tpu.memory_space<vmem_shared>>
      %dma_wait3A_115 = arith.constant 0 : i32
      %dma_wait3A_116 = tpu.memref_slice %arg10[%mul3A_9, %dma_wait3A_115] : memref<10240x128xf32, #tpu.memory_space<vmem_shared>> -> memref<80x128xf32, #tpu.memory_space<vmem_shared>>
      tpu.wait_dma2 semaphore(%run_scoped3A : memref<!tpu.dma_semaphore, #tpu.memory_space<semaphore_mem>>) src(%arg9 : memref<80x128xf32, #tpu.memory_space<vmem>>) dst(%dma_wait3A_116 : memref<80x128xf32, #tpu.memory_space<vmem_shared>>)
      tpu.yield
    }) : () -> ()
    %mul3A_10 = arith.constant 8 : i32
    %mul3A_11 = arith.muli %arg1, %mul3A_10 : i32
    %add3A_12 = arith.constant 2 : i32
    %add3A_13 = arith.addi %mul3A_11, %add3A_12 : i32
    %mul3A_14 = arith.constant 80 : i32
    %mul3A_15 = arith.muli %add3A_13, %mul3A_14 : i32
    "tpu.region"() ({
      %run_scoped3A = tpu.sem_alloc : memref<!tpu.dma_semaphore, #tpu.memory_space<semaphore_mem>>
      %dma_start3A = arith.constant 0 : i32
      %dma_start3A_111 = tpu.memref_slice %arg10[%mul3A_15, %dma_start3A] : memref<10240x128xf32, #tpu.memory_space<vmem_shared>> -> memref<80x128xf32, #tpu.memory_space<vmem_shared>>
      %dma_start3A_112 = arith.constant 0 : i32
      %dma_start3A_113 = tpu.memref_slice %arg10[%mul3A_15, %dma_start3A_112] : memref<10240x128xf32, #tpu.memory_space<vmem_shared>> -> memref<80x128xf32, #tpu.memory_space<vmem_shared>>
      tpu.enqueue_dma source(%arg9 : memref<80x128xf32, #tpu.memory_space<vmem>>) target(%dma_start3A_113 : memref<80x128xf32, #tpu.memory_space<vmem_shared>>) target_semaphore(%run_scoped3A : memref<!tpu.dma_semaphore, #tpu.memory_space<semaphore_mem>>)
      %dma_wait3A = arith.constant 0 : i32
      %dma_wait3A_114 = tpu.memref_slice %arg10[%mul3A_15, %dma_wait3A] : memref<10240x128xf32, #tpu.memory_space<vmem_shared>> -> memref<80x128xf32, #tpu.memory_space<vmem_shared>>
      %dma_wait3A_115 = arith.constant 0 : i32
      %dma_wait3A_116 = tpu.memref_slice %arg10[%mul3A_15, %dma_wait3A_115] : memref<10240x128xf32, #tpu.memory_space<vmem_shared>> -> memref<80x128xf32, #tpu.memory_space<vmem_shared>>
      tpu.wait_dma2 semaphore(%run_scoped3A : memref<!tpu.dma_semaphore, #tpu.memory_space<semaphore_mem>>) src(%arg9 : memref<80x128xf32, #tpu.memory_space<vmem>>) dst(%dma_wait3A_116 : memref<80x128xf32, #tpu.memory_space<vmem_shared>>)
      tpu.yield
    }) : () -> ()
    %mul3A_16 = arith.constant 8 : i32
    %mul3A_17 = arith.muli %arg1, %mul3A_16 : i32
    %add3A_18 = arith.constant 3 : i32
    %add3A_19 = arith.addi %mul3A_17, %add3A_18 : i32
    %mul3A_20 = arith.constant 80 : i32
    %mul3A_21 = arith.muli %add3A_19, %mul3A_20 : i32
    "tpu.region"() ({
      %run_scoped3A = tpu.sem_alloc : memref<!tpu.dma_semaphore, #tpu.memory_space<semaphore_mem>>
      %dma_start3A = arith.constant 0 : i32
      %dma_start3A_111 = tpu.memref_slice %arg10[%mul3A_21, %dma_start3A] : memref<10240x128xf32, #tpu.memory_space<vmem_shared>> -> memref<80x128xf32, #tpu.memory_space<vmem_shared>>
      %dma_start3A_112 = arith.constant 0 : i32
      %dma_start3A_113 = tpu.memref_slice %arg10[%mul3A_21, %dma_start3A_112] : memref<10240x128xf32, #tpu.memory_space<vmem_shared>> -> memref<80x128xf32, #tpu.memory_space<vmem_shared>>
      tpu.enqueue_dma source(%arg9 : memref<80x128xf32, #tpu.memory_space<vmem>>) target(%dma_start3A_113 : memref<80x128xf32, #tpu.memory_space<vmem_shared>>) target_semaphore(%run_scoped3A : memref<!tpu.dma_semaphore, #tpu.memory_space<semaphore_mem>>)
      %dma_wait3A = arith.constant 0 : i32
      %dma_wait3A_114 = tpu.memref_slice %arg10[%mul3A_21, %dma_wait3A] : memref<10240x128xf32, #tpu.memory_space<vmem_shared>> -> memref<80x128xf32, #tpu.memory_space<vmem_shared>>
      %dma_wait3A_115 = arith.constant 0 : i32
      %dma_wait3A_116 = tpu.memref_slice %arg10[%mul3A_21, %dma_wait3A_115] : memref<10240x128xf32, #tpu.memory_space<vmem_shared>> -> memref<80x128xf32, #tpu.memory_space<vmem_shared>>
      tpu.wait_dma2 semaphore(%run_scoped3A : memref<!tpu.dma_semaphore, #tpu.memory_space<semaphore_mem>>) src(%arg9 : memref<80x128xf32, #tpu.memory_space<vmem>>) dst(%dma_wait3A_116 : memref<80x128xf32, #tpu.memory_space<vmem_shared>>)
      tpu.yield
    }) : () -> ()
    %mul3A_22 = arith.constant 8 : i32
    %mul3A_23 = arith.muli %arg1, %mul3A_22 : i32
    %add3A_24 = arith.constant 4 : i32
    %add3A_25 = arith.addi %mul3A_23, %add3A_24 : i32
    %mul3A_26 = arith.constant 80 : i32
    %mul3A_27 = arith.muli %add3A_25, %mul3A_26 : i32
    "tpu.region"() ({
      %run_scoped3A = tpu.sem_alloc : memref<!tpu.dma_semaphore, #tpu.memory_space<semaphore_mem>>
      %dma_start3A = arith.constant 0 : i32
      %dma_start3A_111 = tpu.memref_slice %arg10[%mul3A_27, %dma_start3A] : memref<10240x128xf32, #tpu.memory_space<vmem_shared>> -> memref<80x128xf32, #tpu.memory_space<vmem_shared>>
      %dma_start3A_112 = arith.constant 0 : i32
      %dma_start3A_113 = tpu.memref_slice %arg10[%mul3A_27, %dma_start3A_112] : memref<10240x128xf32, #tpu.memory_space<vmem_shared>> -> memref<80x128xf32, #tpu.memory_space<vmem_shared>>
      tpu.enqueue_dma source(%arg9 : memref<80x128xf32, #tpu.memory_space<vmem>>) target(%dma_start3A_113 : memref<80x128xf32, #tpu.memory_space<vmem_shared>>) target_semaphore(%run_scoped3A : memref<!tpu.dma_semaphore, #tpu.memory_space<semaphore_mem>>)
      %dma_wait3A = arith.constant 0 : i32
      %dma_wait3A_114 = tpu.memref_slice %arg10[%mul3A_27, %dma_wait3A] : memref<10240x128xf32, #tpu.memory_space<vmem_shared>> -> memref<80x128xf32, #tpu.memory_space<vmem_shared>>
      %dma_wait3A_115 = arith.constant 0 : i32
      %dma_wait3A_116 = tpu.memref_slice %arg10[%mul3A_27, %dma_wait3A_115] : memref<10240x128xf32, #tpu.memory_space<vmem_shared>> -> memref<80x128xf32, #tpu.memory_space<vmem_shared>>
      tpu.wait_dma2 semaphore(%run_scoped3A : memref<!tpu.dma_semaphore, #tpu.memory_space<semaphore_mem>>) src(%arg9 : memref<80x128xf32, #tpu.memory_space<vmem>>) dst(%dma_wait3A_116 : memref<80x128xf32, #tpu.memory_space<vmem_shared>>)
      tpu.yield
    }) : () -> ()
    %mul3A_28 = arith.constant 8 : i32
    %mul3A_29 = arith.muli %arg1, %mul3A_28 : i32
    %add3A_30 = arith.constant 5 : i32
    %add3A_31 = arith.addi %mul3A_29, %add3A_30 : i32
    %mul3A_32 = arith.constant 80 : i32
    %mul3A_33 = arith.muli %add3A_31, %mul3A_32 : i32
    "tpu.region"() ({
      %run_scoped3A = tpu.sem_alloc : memref<!tpu.dma_semaphore, #tpu.memory_space<semaphore_mem>>
      %dma_start3A = arith.constant 0 : i32
      %dma_start3A_111 = tpu.memref_slice %arg10[%mul3A_33, %dma_start3A] : memref<10240x128xf32, #tpu.memory_space<vmem_shared>> -> memref<80x128xf32, #tpu.memory_space<vmem_shared>>
      %dma_start3A_112 = arith.constant 0 : i32
      %dma_start3A_113 = tpu.memref_slice %arg10[%mul3A_33, %dma_start3A_112] : memref<10240x128xf32, #tpu.memory_space<vmem_shared>> -> memref<80x128xf32, #tpu.memory_space<vmem_shared>>
      tpu.enqueue_dma source(%arg9 : memref<80x128xf32, #tpu.memory_space<vmem>>) target(%dma_start3A_113 : memref<80x128xf32, #tpu.memory_space<vmem_shared>>) target_semaphore(%run_scoped3A : memref<!tpu.dma_semaphore, #tpu.memory_space<semaphore_mem>>)
      %dma_wait3A = arith.constant 0 : i32
      %dma_wait3A_114 = tpu.memref_slice %arg10[%mul3A_33, %dma_wait3A] : memref<10240x128xf32, #tpu.memory_space<vmem_shared>> -> memref<80x128xf32, #tpu.memory_space<vmem_shared>>
      %dma_wait3A_115 = arith.constant 0 : i32
      %dma_wait3A_116 = tpu.memref_slice %arg10[%mul3A_33, %dma_wait3A_115] : memref<10240x128xf32, #tpu.memory_space<vmem_shared>> -> memref<80x128xf32, #tpu.memory_space<vmem_shared>>
      tpu.wait_dma2 semaphore(%run_scoped3A : memref<!tpu.dma_semaphore, #tpu.memory_space<semaphore_mem>>) src(%arg9 : memref<80x128xf32, #tpu.memory_space<vmem>>) dst(%dma_wait3A_116 : memref<80x128xf32, #tpu.memory_space<vmem_shared>>)
      tpu.yield
    }) : () -> ()
    %mul3A_34 = arith.constant 8 : i32
    %mul3A_35 = arith.muli %arg1, %mul3A_34 : i32
    %add3A_36 = arith.constant 6 : i32
    %add3A_37 = arith.addi %mul3A_35, %add3A_36 : i32
    %mul3A_38 = arith.constant 80 : i32
    %mul3A_39 = arith.muli %add3A_37, %mul3A_38 : i32
    "tpu.region"() ({
      %run_scoped3A = tpu.sem_alloc : memref<!tpu.dma_semaphore, #tpu.memory_space<semaphore_mem>>
      %dma_start3A = arith.constant 0 : i32
      %dma_start3A_111 = tpu.memref_slice %arg10[%mul3A_39, %dma_start3A] : memref<10240x128xf32, #tpu.memory_space<vmem_shared>> -> memref<80x128xf32, #tpu.memory_space<vmem_shared>>
      %dma_start3A_112 = arith.constant 0 : i32
      %dma_start3A_113 = tpu.memref_slice %arg10[%mul3A_39, %dma_start3A_112] : memref<10240x128xf32, #tpu.memory_space<vmem_shared>> -> memref<80x128xf32, #tpu.memory_space<vmem_shared>>
      tpu.enqueue_dma source(%arg9 : memref<80x128xf32, #tpu.memory_space<vmem>>) target(%dma_start3A_113 : memref<80x128xf32, #tpu.memory_space<vmem_shared>>) target_semaphore(%run_scoped3A : memref<!tpu.dma_semaphore, #tpu.memory_space<semaphore_mem>>)
      %dma_wait3A = arith.constant 0 : i32
      %dma_wait3A_114 = tpu.memref_slice %arg10[%mul3A_39, %dma_wait3A] : memref<10240x128xf32, #tpu.memory_space<vmem_shared>> -> memref<80x128xf32, #tpu.memory_space<vmem_shared>>
      %dma_wait3A_115 = arith.constant 0 : i32
      %dma_wait3A_116 = tpu.memref_slice %arg10[%mul3A_39, %dma_wait3A_115] : memref<10240x128xf32, #tpu.memory_space<vmem_shared>> -> memref<80x128xf32, #tpu.memory_space<vmem_shared>>
      tpu.wait_dma2 semaphore(%run_scoped3A : memref<!tpu.dma_semaphore, #tpu.memory_space<semaphore_mem>>) src(%arg9 : memref<80x128xf32, #tpu.memory_space<vmem>>) dst(%dma_wait3A_116 : memref<80x128xf32, #tpu.memory_space<vmem_shared>>)
      tpu.yield
    }) : () -> ()
    %mul3A_40 = arith.constant 8 : i32
    %mul3A_41 = arith.muli %arg1, %mul3A_40 : i32
    %add3A_42 = arith.constant 7 : i32
    %add3A_43 = arith.addi %mul3A_41, %add3A_42 : i32
    %mul3A_44 = arith.constant 80 : i32
    %mul3A_45 = arith.muli %add3A_43, %mul3A_44 : i32
    "tpu.region"() ({
      %run_scoped3A = tpu.sem_alloc : memref<!tpu.dma_semaphore, #tpu.memory_space<semaphore_mem>>
      %dma_start3A = arith.constant 0 : i32
      %dma_start3A_111 = tpu.memref_slice %arg10[%mul3A_45, %dma_start3A] : memref<10240x128xf32, #tpu.memory_space<vmem_shared>> -> memref<80x128xf32, #tpu.memory_space<vmem_shared>>
      %dma_start3A_112 = arith.constant 0 : i32
      %dma_start3A_113 = tpu.memref_slice %arg10[%mul3A_45, %dma_start3A_112] : memref<10240x128xf32, #tpu.memory_space<vmem_shared>> -> memref<80x128xf32, #tpu.memory_space<vmem_shared>>
      tpu.enqueue_dma source(%arg9 : memref<80x128xf32, #tpu.memory_space<vmem>>) target(%dma_start3A_113 : memref<80x128xf32, #tpu.memory_space<vmem_shared>>) target_semaphore(%run_scoped3A : memref<!tpu.dma_semaphore, #tpu.memory_space<semaphore_mem>>)
      %dma_wait3A = arith.constant 0 : i32
      %dma_wait3A_114 = tpu.memref_slice %arg10[%mul3A_45, %dma_wait3A] : memref<10240x128xf32, #tpu.memory_space<vmem_shared>> -> memref<80x128xf32, #tpu.memory_space<vmem_shared>>
      %dma_wait3A_115 = arith.constant 0 : i32
      %dma_wait3A_116 = tpu.memref_slice %arg10[%mul3A_45, %dma_wait3A_115] : memref<10240x128xf32, #tpu.memory_space<vmem_shared>> -> memref<80x128xf32, #tpu.memory_space<vmem_shared>>
      tpu.wait_dma2 semaphore(%run_scoped3A : memref<!tpu.dma_semaphore, #tpu.memory_space<semaphore_mem>>) src(%arg9 : memref<80x128xf32, #tpu.memory_space<vmem>>) dst(%dma_wait3A_116 : memref<80x128xf32, #tpu.memory_space<vmem_shared>>)
      tpu.yield
    }) : () -> ()
    %barrier3A = arith.constant 0 : index
    tpu.barrier barrier_id(%barrier3A)
    %mul3A_46 = arith.constant 320000 : i32
    %mul3A_47 = arith.muli %arg0, %mul3A_46 : i32
    %mul3A_48 = arith.constant 20000 : i32
    %mul3A_49 = arith.muli %arg1, %mul3A_48 : i32
    %add3A_50 = arith.addi %mul3A_47, %mul3A_49 : i32
    %mul3A_51 = arith.constant 20000 : i32
    %mul3A_52 = arith.muli %arg1, %mul3A_51 : i32
    %scan3A = arith.constant 0 : i32
    %scan3A_53 = arith.constant 250 : i32
    %scan3A_54 = arith.addi %scan3A, %scan3A_53 : i32
    %scan3A_55 = arith.constant 1 : i32
    scf.for %scan3A_111 = %scan3A to %scan3A_54 step %scan3A_55  : i32 {
      %mul3A_112 = arith.constant 1 : i32
      %mul3A_113 = arith.muli %scan3A_111, %mul3A_112 : i32
      %add3A_114 = arith.constant 0 : i32
      %add3A_115 = arith.addi %add3A_114, %mul3A_113 : i32
      %mul3A_116 = arith.constant 80 : i32
      %mul3A_117 = arith.muli %add3A_115, %mul3A_116 : i32
      %add3A_118 = arith.addi %add3A_50, %mul3A_117 : i32
      "tpu.region"() ({
        %run_scoped3A_123 = tpu.sem_alloc : memref<!tpu.dma_semaphore, #tpu.memory_space<semaphore_mem>>
        %dma_start3A = tpu.memref_slice %arg3[%add3A_118] : memref<640000xi32, #tpu.memory_space<hbm>> -> memref<80xi32, #tpu.memory_space<hbm>>
        %dma_start3A_124 = tpu.memref_slice %arg3[%add3A_118] : memref<640000xi32, #tpu.memory_space<hbm>> -> memref<80xi32, #tpu.memory_space<hbm>>
        tpu.enqueue_dma source(%dma_start3A_124 : memref<80xi32, #tpu.memory_space<hbm>>) target(%arg7 : memref<80xi32, #tpu.memory_space<vmem>>) target_semaphore(%run_scoped3A_123 : memref<!tpu.dma_semaphore, #tpu.memory_space<semaphore_mem>>)
        %dma_wait3A = tpu.memref_slice %arg3[%add3A_118] : memref<640000xi32, #tpu.memory_space<hbm>> -> memref<80xi32, #tpu.memory_space<hbm>>
        %dma_wait3A_125 = tpu.memref_slice %arg3[%add3A_118] : memref<640000xi32, #tpu.memory_space<hbm>> -> memref<80xi32, #tpu.memory_space<hbm>>
        tpu.wait_dma2 semaphore(%run_scoped3A_123 : memref<!tpu.dma_semaphore, #tpu.memory_space<semaphore_mem>>) src(%dma_wait3A_125 : memref<80xi32, #tpu.memory_space<hbm>>) dst(%arg7 : memref<80xi32, #tpu.memory_space<vmem>>)
        tpu.yield
      }) : () -> ()
      %mul3A_119 = arith.constant 80 : i32
      %mul3A_120 = arith.muli %add3A_115, %mul3A_119 : i32
      %add3A_121 = arith.addi %mul3A_52, %mul3A_120 : i32
      %run_scoped3A = arith.constant 0 : i32
      "tpu.region"() ({
        %run_scoped3A_123 = tpu.sem_alloc : memref<!tpu.dma_semaphore, #tpu.memory_space<semaphore_mem>>
        %dma_start3A = arith.constant 0 : i32
        %dma_start3A_124 = tpu.memref_slice %arg8[%run_scoped3A, %dma_start3A] : memref<1x80xi32, #tpu.memory_space<vmem>> -> memref<1x80xi32, #tpu.memory_space<vmem>>
        %dma_start3A_125 = tpu.memref_squeeze %dma_start3A_124 : memref<1x80xi32, #tpu.memory_space<vmem>> -> memref<80xi32, #tpu.memory_space<vmem>>
        %dma_start3A_126 = tpu.memref_slice %arg4[%add3A_121] : memref<320000xi32, #tpu.memory_space<hbm>> -> memref<80xi32, #tpu.memory_space<hbm>>
        %dma_start3A_127 = arith.constant 0 : i32
        %dma_start3A_128 = tpu.memref_slice %arg8[%run_scoped3A, %dma_start3A_127] : memref<1x80xi32, #tpu.memory_space<vmem>> -> memref<1x80xi32, #tpu.memory_space<vmem>>
        %dma_start3A_129 = tpu.memref_squeeze %dma_start3A_128 : memref<1x80xi32, #tpu.memory_space<vmem>> -> memref<80xi32, #tpu.memory_space<vmem>>
        %dma_start3A_130 = tpu.memref_slice %arg4[%add3A_121] : memref<320000xi32, #tpu.memory_space<hbm>> -> memref<80xi32, #tpu.memory_space<hbm>>
        tpu.enqueue_dma source(%dma_start3A_130 : memref<80xi32, #tpu.memory_space<hbm>>) target(%dma_start3A_129 : memref<80xi32, #tpu.memory_space<vmem>>) target_semaphore(%run_scoped3A_123 : memref<!tpu.dma_semaphore, #tpu.memory_space<semaphore_mem>>)
        %dma_wait3A = arith.constant 0 : i32
        %dma_wait3A_131 = tpu.memref_slice %arg8[%run_scoped3A, %dma_wait3A] : memref<1x80xi32, #tpu.memory_space<vmem>> -> memref<1x80xi32, #tpu.memory_space<vmem>>
        %dma_wait3A_132 = tpu.memref_squeeze %dma_wait3A_131 : memref<1x80xi32, #tpu.memory_space<vmem>> -> memref<80xi32, #tpu.memory_space<vmem>>
        %dma_wait3A_133 = tpu.memref_slice %arg4[%add3A_121] : memref<320000xi32, #tpu.memory_space<hbm>> -> memref<80xi32, #tpu.memory_space<hbm>>
        %dma_wait3A_134 = arith.constant 0 : i32
        %dma_wait3A_135 = tpu.memref_slice %arg8[%run_scoped3A, %dma_wait3A_134] : memref<1x80xi32, #tpu.memory_space<vmem>> -> memref<1x80xi32, #tpu.memory_space<vmem>>
        %dma_wait3A_136 = tpu.memref_squeeze %dma_wait3A_135 : memref<1x80xi32, #tpu.memory_space<vmem>> -> memref<80xi32, #tpu.memory_space<vmem>>
        %dma_wait3A_137 = tpu.memref_slice %arg4[%add3A_121] : memref<320000xi32, #tpu.memory_space<hbm>> -> memref<80xi32, #tpu.memory_space<hbm>>
        tpu.wait_dma2 semaphore(%run_scoped3A_123 : memref<!tpu.dma_semaphore, #tpu.memory_space<semaphore_mem>>) src(%dma_wait3A_137 : memref<80xi32, #tpu.memory_space<hbm>>) dst(%dma_wait3A_136 : memref<80xi32, #tpu.memory_space<vmem>>)
        tpu.yield
      }) : () -> ()
      "tpu.region"() ({
        %run_scoped3A_123 = tpu.sem_alloc : memref<!tpu.dma_semaphore, #tpu.memory_space<semaphore_mem>>
        %dma_start3A = arith.constant 0 : i32
        %dma_start3A_124 = arith.constant 0 : i32
        %dma_start3A_125 = tpu.memref_slice %arg2[%dma_start3A, %dma_start3A_124] : memref<20480x128xf32, #tpu.memory_space<hbm>> -> memref<20480x128xf32, #tpu.memory_space<hbm>>
        tpu.enqueue_indirect_dma source(%dma_start3A_125 : memref<20480x128xf32, #tpu.memory_space<hbm>>) target(%arg9 : memref<80x128xf32, #tpu.memory_space<vmem>>) offsets(%arg7 : memref<80xi32, #tpu.memory_space<vmem>>) semaphore(%run_scoped3A_123 : memref<!tpu.dma_semaphore, #tpu.memory_space<semaphore_mem>>)
        %dma_wait3A = arith.constant 0 : i32
        %dma_wait3A_126 = arith.constant 0 : i32
        %dma_wait3A_127 = tpu.memref_slice %arg2[%dma_wait3A, %dma_wait3A_126] : memref<20480x128xf32, #tpu.memory_space<hbm>> -> memref<20480x128xf32, #tpu.memory_space<hbm>>
        tpu.wait_indirect_dma semaphore(%run_scoped3A_123 : memref<!tpu.dma_semaphore, #tpu.memory_space<semaphore_mem>>) src(%dma_wait3A_127 : memref<20480x128xf32, #tpu.memory_space<hbm>>) dst(%arg9 : memref<80x128xf32, #tpu.memory_space<vmem>>)
        tpu.yield
      }) : () -> ()
      %run_scoped3A_122 = arith.constant 0 : i32
      "tpu.region"() ({
        %run_scoped3A_123 = tpu.sem_alloc : memref<!tpu.dma_semaphore, #tpu.memory_space<semaphore_mem>>
        %dma_start3A = arith.constant 0 : i32
        %dma_start3A_124 = tpu.memref_slice %arg8[%run_scoped3A_122, %dma_start3A] : memref<1x80xi32, #tpu.memory_space<vmem>> -> memref<1x80xi32, #tpu.memory_space<vmem>>
        %dma_start3A_125 = tpu.memref_squeeze %dma_start3A_124 : memref<1x80xi32, #tpu.memory_space<vmem>> -> memref<80xi32, #tpu.memory_space<vmem>>
        %dma_start3A_126 = arith.constant 0 : i32
        %dma_start3A_127 = arith.constant 0 : i32
        %dma_start3A_128 = tpu.memref_slice %arg10[%dma_start3A_126, %dma_start3A_127] : memref<10240x128xf32, #tpu.memory_space<vmem_shared>> -> memref<10240x128xf32, #tpu.memory_space<vmem_shared>>
        tpu.enqueue_indirect_dma source(%arg9 : memref<80x128xf32, #tpu.memory_space<vmem>>) target(%dma_start3A_128 : memref<10240x128xf32, #tpu.memory_space<vmem_shared>>) offsets(%dma_start3A_125 : memref<80xi32, #tpu.memory_space<vmem>>) semaphore(%run_scoped3A_123 : memref<!tpu.dma_semaphore, #tpu.memory_space<semaphore_mem>>) {add = true}
        %dma_wait3A = arith.constant 0 : i32
        %dma_wait3A_129 = tpu.memref_slice %arg8[%run_scoped3A_122, %dma_wait3A] : memref<1x80xi32, #tpu.memory_space<vmem>> -> memref<1x80xi32, #tpu.memory_space<vmem>>
        %dma_wait3A_130 = tpu.memref_squeeze %dma_wait3A_129 : memref<1x80xi32, #tpu.memory_space<vmem>> -> memref<80xi32, #tpu.memory_space<vmem>>
        %dma_wait3A_131 = arith.constant 0 : i32
        %dma_wait3A_132 = arith.constant 0 : i32
        %dma_wait3A_133 = tpu.memref_slice %arg10[%dma_wait3A_131, %dma_wait3A_132] : memref<10240x128xf32, #tpu.memory_space<vmem_shared>> -> memref<10240x128xf32, #tpu.memory_space<vmem_shared>>
        tpu.wait_indirect_dma semaphore(%run_scoped3A_123 : memref<!tpu.dma_semaphore, #tpu.memory_space<semaphore_mem>>) src(%arg9 : memref<80x128xf32, #tpu.memory_space<vmem>>) dst(%dma_wait3A_133 : memref<10240x128xf32, #tpu.memory_space<vmem_shared>>)
        tpu.yield
      }) : () -> ()
    }
    %scan3A_56 = arith.constant 250 : i32
    %barrier3A_57 = arith.constant 0 : index
    tpu.barrier barrier_id(%barrier3A_57)
    %mul3A_58 = arith.constant 10240 : i32
    %mul3A_59 = arith.muli %arg0, %mul3A_58 : i32
    %mul3A_60 = arith.constant 640 : i32
    %mul3A_61 = arith.muli %arg1, %mul3A_60 : i32
    %add3A_62 = arith.addi %mul3A_59, %mul3A_61 : i32
    %mul3A_63 = arith.constant 640 : i32
    %mul3A_64 = arith.muli %arg1, %mul3A_63 : i32
    %add3A_65 = arith.constant 0 : i32
    %add3A_66 = arith.addi %mul3A_64, %add3A_65 : i32
    "tpu.region"() ({
      %run_scoped3A = tpu.sem_alloc : memref<!tpu.dma_semaphore, #tpu.memory_space<semaphore_mem>>
      %dma_start3A = arith.constant 0 : i32
      %dma_start3A_111 = tpu.memref_slice %arg10[%add3A_66, %dma_start3A] : memref<10240x128xf32, #tpu.memory_space<vmem_shared>> -> memref<80x128xf32, #tpu.memory_space<vmem_shared>>
      %dma_start3A_112 = arith.constant 0 : i32
      %dma_start3A_113 = tpu.memref_slice %arg10[%add3A_66, %dma_start3A_112] : memref<10240x128xf32, #tpu.memory_space<vmem_shared>> -> memref<80x128xf32, #tpu.memory_space<vmem_shared>>
      tpu.enqueue_dma source(%dma_start3A_113 : memref<80x128xf32, #tpu.memory_space<vmem_shared>>) target(%arg9 : memref<80x128xf32, #tpu.memory_space<vmem>>) target_semaphore(%run_scoped3A : memref<!tpu.dma_semaphore, #tpu.memory_space<semaphore_mem>>)
      %dma_wait3A = arith.constant 0 : i32
      %dma_wait3A_114 = tpu.memref_slice %arg10[%add3A_66, %dma_wait3A] : memref<10240x128xf32, #tpu.memory_space<vmem_shared>> -> memref<80x128xf32, #tpu.memory_space<vmem_shared>>
      %dma_wait3A_115 = arith.constant 0 : i32
      %dma_wait3A_116 = tpu.memref_slice %arg10[%add3A_66, %dma_wait3A_115] : memref<10240x128xf32, #tpu.memory_space<vmem_shared>> -> memref<80x128xf32, #tpu.memory_space<vmem_shared>>
      tpu.wait_dma2 semaphore(%run_scoped3A : memref<!tpu.dma_semaphore, #tpu.memory_space<semaphore_mem>>) src(%dma_wait3A_116 : memref<80x128xf32, #tpu.memory_space<vmem_shared>>) dst(%arg9 : memref<80x128xf32, #tpu.memory_space<vmem>>)
      tpu.yield
    }) : () -> ()
    %add3A_67 = arith.constant 0 : i32
    %add3A_68 = arith.addi %add3A_62, %add3A_67 : i32
    "tpu.region"() ({
      %run_scoped3A = tpu.sem_alloc : memref<!tpu.dma_semaphore, #tpu.memory_space<semaphore_mem>>
      %dma_start3A = arith.constant 0 : i32
      %dma_start3A_111 = tpu.memref_slice %arg6[%add3A_68, %dma_start3A] : memref<20480x128xf32, #tpu.memory_space<hbm>> -> memref<80x128xf32, #tpu.memory_space<hbm>>
      %dma_start3A_112 = arith.constant 0 : i32
      %dma_start3A_113 = tpu.memref_slice %arg6[%add3A_68, %dma_start3A_112] : memref<20480x128xf32, #tpu.memory_space<hbm>> -> memref<80x128xf32, #tpu.memory_space<hbm>>
      tpu.enqueue_dma source(%arg9 : memref<80x128xf32, #tpu.memory_space<vmem>>) target(%dma_start3A_113 : memref<80x128xf32, #tpu.memory_space<hbm>>) target_semaphore(%run_scoped3A : memref<!tpu.dma_semaphore, #tpu.memory_space<semaphore_mem>>)
      %dma_wait3A = arith.constant 0 : i32
      %dma_wait3A_114 = tpu.memref_slice %arg6[%add3A_68, %dma_wait3A] : memref<20480x128xf32, #tpu.memory_space<hbm>> -> memref<80x128xf32, #tpu.memory_space<hbm>>
      %dma_wait3A_115 = arith.constant 0 : i32
      %dma_wait3A_116 = tpu.memref_slice %arg6[%add3A_68, %dma_wait3A_115] : memref<20480x128xf32, #tpu.memory_space<hbm>> -> memref<80x128xf32, #tpu.memory_space<hbm>>
      tpu.wait_dma2 semaphore(%run_scoped3A : memref<!tpu.dma_semaphore, #tpu.memory_space<semaphore_mem>>) src(%arg9 : memref<80x128xf32, #tpu.memory_space<vmem>>) dst(%dma_wait3A_116 : memref<80x128xf32, #tpu.memory_space<hbm>>)
      tpu.yield
    }) : () -> ()
    %mul3A_69 = arith.constant 640 : i32
    %mul3A_70 = arith.muli %arg1, %mul3A_69 : i32
    %add3A_71 = arith.constant 80 : i32
    %add3A_72 = arith.addi %mul3A_70, %add3A_71 : i32
    "tpu.region"() ({
      %run_scoped3A = tpu.sem_alloc : memref<!tpu.dma_semaphore, #tpu.memory_space<semaphore_mem>>
      %dma_start3A = arith.constant 0 : i32
      %dma_start3A_111 = tpu.memref_slice %arg10[%add3A_72, %dma_start3A] : memref<10240x128xf32, #tpu.memory_space<vmem_shared>> -> memref<80x128xf32, #tpu.memory_space<vmem_shared>>
      %dma_start3A_112 = arith.constant 0 : i32
      %dma_start3A_113 = tpu.memref_slice %arg10[%add3A_72, %dma_start3A_112] : memref<10240x128xf32, #tpu.memory_space<vmem_shared>> -> memref<80x128xf32, #tpu.memory_space<vmem_shared>>
      tpu.enqueue_dma source(%dma_start3A_113 : memref<80x128xf32, #tpu.memory_space<vmem_shared>>) target(%arg9 : memref<80x128xf32, #tpu.memory_space<vmem>>) target_semaphore(%run_scoped3A : memref<!tpu.dma_semaphore, #tpu.memory_space<semaphore_mem>>)
      %dma_wait3A = arith.constant 0 : i32
      %dma_wait3A_114 = tpu.memref_slice %arg10[%add3A_72, %dma_wait3A] : memref<10240x128xf32, #tpu.memory_space<vmem_shared>> -> memref<80x128xf32, #tpu.memory_space<vmem_shared>>
      %dma_wait3A_115 = arith.constant 0 : i32
      %dma_wait3A_116 = tpu.memref_slice %arg10[%add3A_72, %dma_wait3A_115] : memref<10240x128xf32, #tpu.memory_space<vmem_shared>> -> memref<80x128xf32, #tpu.memory_space<vmem_shared>>
      tpu.wait_dma2 semaphore(%run_scoped3A : memref<!tpu.dma_semaphore, #tpu.memory_space<semaphore_mem>>) src(%dma_wait3A_116 : memref<80x128xf32, #tpu.memory_space<vmem_shared>>) dst(%arg9 : memref<80x128xf32, #tpu.memory_space<vmem>>)
      tpu.yield
    }) : () -> ()
    %add3A_73 = arith.constant 80 : i32
    %add3A_74 = arith.addi %add3A_62, %add3A_73 : i32
    "tpu.region"() ({
      %run_scoped3A = tpu.sem_alloc : memref<!tpu.dma_semaphore, #tpu.memory_space<semaphore_mem>>
      %dma_start3A = arith.constant 0 : i32
      %dma_start3A_111 = tpu.memref_slice %arg6[%add3A_74, %dma_start3A] : memref<20480x128xf32, #tpu.memory_space<hbm>> -> memref<80x128xf32, #tpu.memory_space<hbm>>
      %dma_start3A_112 = arith.constant 0 : i32
      %dma_start3A_113 = tpu.memref_slice %arg6[%add3A_74, %dma_start3A_112] : memref<20480x128xf32, #tpu.memory_space<hbm>> -> memref<80x128xf32, #tpu.memory_space<hbm>>
      tpu.enqueue_dma source(%arg9 : memref<80x128xf32, #tpu.memory_space<vmem>>) target(%dma_start3A_113 : memref<80x128xf32, #tpu.memory_space<hbm>>) target_semaphore(%run_scoped3A : memref<!tpu.dma_semaphore, #tpu.memory_space<semaphore_mem>>)
      %dma_wait3A = arith.constant 0 : i32
      %dma_wait3A_114 = tpu.memref_slice %arg6[%add3A_74, %dma_wait3A] : memref<20480x128xf32, #tpu.memory_space<hbm>> -> memref<80x128xf32, #tpu.memory_space<hbm>>
      %dma_wait3A_115 = arith.constant 0 : i32
      %dma_wait3A_116 = tpu.memref_slice %arg6[%add3A_74, %dma_wait3A_115] : memref<20480x128xf32, #tpu.memory_space<hbm>> -> memref<80x128xf32, #tpu.memory_space<hbm>>
      tpu.wait_dma2 semaphore(%run_scoped3A : memref<!tpu.dma_semaphore, #tpu.memory_space<semaphore_mem>>) src(%arg9 : memref<80x128xf32, #tpu.memory_space<vmem>>) dst(%dma_wait3A_116 : memref<80x128xf32, #tpu.memory_space<hbm>>)
      tpu.yield
    }) : () -> ()
    %mul3A_75 = arith.constant 640 : i32
    %mul3A_76 = arith.muli %arg1, %mul3A_75 : i32
    %add3A_77 = arith.constant 160 : i32
    %add3A_78 = arith.addi %mul3A_76, %add3A_77 : i32
    "tpu.region"() ({
      %run_scoped3A = tpu.sem_alloc : memref<!tpu.dma_semaphore, #tpu.memory_space<semaphore_mem>>
      %dma_start3A = arith.constant 0 : i32
      %dma_start3A_111 = tpu.memref_slice %arg10[%add3A_78, %dma_start3A] : memref<10240x128xf32, #tpu.memory_space<vmem_shared>> -> memref<80x128xf32, #tpu.memory_space<vmem_shared>>
      %dma_start3A_112 = arith.constant 0 : i32
      %dma_start3A_113 = tpu.memref_slice %arg10[%add3A_78, %dma_start3A_112] : memref<10240x128xf32, #tpu.memory_space<vmem_shared>> -> memref<80x128xf32, #tpu.memory_space<vmem_shared>>
      tpu.enqueue_dma source(%dma_start3A_113 : memref<80x128xf32, #tpu.memory_space<vmem_shared>>) target(%arg9 : memref<80x128xf32, #tpu.memory_space<vmem>>) target_semaphore(%run_scoped3A : memref<!tpu.dma_semaphore, #tpu.memory_space<semaphore_mem>>)
      %dma_wait3A = arith.constant 0 : i32
      %dma_wait3A_114 = tpu.memref_slice %arg10[%add3A_78, %dma_wait3A] : memref<10240x128xf32, #tpu.memory_space<vmem_shared>> -> memref<80x128xf32, #tpu.memory_space<vmem_shared>>
      %dma_wait3A_115 = arith.constant 0 : i32
      %dma_wait3A_116 = tpu.memref_slice %arg10[%add3A_78, %dma_wait3A_115] : memref<10240x128xf32, #tpu.memory_space<vmem_shared>> -> memref<80x128xf32, #tpu.memory_space<vmem_shared>>
      tpu.wait_dma2 semaphore(%run_scoped3A : memref<!tpu.dma_semaphore, #tpu.memory_space<semaphore_mem>>) src(%dma_wait3A_116 : memref<80x128xf32, #tpu.memory_space<vmem_shared>>) dst(%arg9 : memref<80x128xf32, #tpu.memory_space<vmem>>)
      tpu.yield
    }) : () -> ()
    %add3A_79 = arith.constant 160 : i32
    %add3A_80 = arith.addi %add3A_62, %add3A_79 : i32
    "tpu.region"() ({
      %run_scoped3A = tpu.sem_alloc : memref<!tpu.dma_semaphore, #tpu.memory_space<semaphore_mem>>
      %dma_start3A = arith.constant 0 : i32
      %dma_start3A_111 = tpu.memref_slice %arg6[%add3A_80, %dma_start3A] : memref<20480x128xf32, #tpu.memory_space<hbm>> -> memref<80x128xf32, #tpu.memory_space<hbm>>
      %dma_start3A_112 = arith.constant 0 : i32
      %dma_start3A_113 = tpu.memref_slice %arg6[%add3A_80, %dma_start3A_112] : memref<20480x128xf32, #tpu.memory_space<hbm>> -> memref<80x128xf32, #tpu.memory_space<hbm>>
      tpu.enqueue_dma source(%arg9 : memref<80x128xf32, #tpu.memory_space<vmem>>) target(%dma_start3A_113 : memref<80x128xf32, #tpu.memory_space<hbm>>) target_semaphore(%run_scoped3A : memref<!tpu.dma_semaphore, #tpu.memory_space<semaphore_mem>>)
      %dma_wait3A = arith.constant 0 : i32
      %dma_wait3A_114 = tpu.memref_slice %arg6[%add3A_80, %dma_wait3A] : memref<20480x128xf32, #tpu.memory_space<hbm>> -> memref<80x128xf32, #tpu.memory_space<hbm>>
      %dma_wait3A_115 = arith.constant 0 : i32
      %dma_wait3A_116 = tpu.memref_slice %arg6[%add3A_80, %dma_wait3A_115] : memref<20480x128xf32, #tpu.memory_space<hbm>> -> memref<80x128xf32, #tpu.memory_space<hbm>>
      tpu.wait_dma2 semaphore(%run_scoped3A : memref<!tpu.dma_semaphore, #tpu.memory_space<semaphore_mem>>) src(%arg9 : memref<80x128xf32, #tpu.memory_space<vmem>>) dst(%dma_wait3A_116 : memref<80x128xf32, #tpu.memory_space<hbm>>)
      tpu.yield
    }) : () -> ()
    %mul3A_81 = arith.constant 640 : i32
    %mul3A_82 = arith.muli %arg1, %mul3A_81 : i32
    %add3A_83 = arith.constant 240 : i32
    %add3A_84 = arith.addi %mul3A_82, %add3A_83 : i32
    "tpu.region"() ({
      %run_scoped3A = tpu.sem_alloc : memref<!tpu.dma_semaphore, #tpu.memory_space<semaphore_mem>>
      %dma_start3A = arith.constant 0 : i32
      %dma_start3A_111 = tpu.memref_slice %arg10[%add3A_84, %dma_start3A] : memref<10240x128xf32, #tpu.memory_space<vmem_shared>> -> memref<80x128xf32, #tpu.memory_space<vmem_shared>>
      %dma_start3A_112 = arith.constant 0 : i32
      %dma_start3A_113 = tpu.memref_slice %arg10[%add3A_84, %dma_start3A_112] : memref<10240x128xf32, #tpu.memory_space<vmem_shared>> -> memref<80x128xf32, #tpu.memory_space<vmem_shared>>
      tpu.enqueue_dma source(%dma_start3A_113 : memref<80x128xf32, #tpu.memory_space<vmem_shared>>) target(%arg9 : memref<80x128xf32, #tpu.memory_space<vmem>>) target_semaphore(%run_scoped3A : memref<!tpu.dma_semaphore, #tpu.memory_space<semaphore_mem>>)
      %dma_wait3A = arith.constant 0 : i32
      %dma_wait3A_114 = tpu.memref_slice %arg10[%add3A_84, %dma_wait3A] : memref<10240x128xf32, #tpu.memory_space<vmem_shared>> -> memref<80x128xf32, #tpu.memory_space<vmem_shared>>
      %dma_wait3A_115 = arith.constant 0 : i32
      %dma_wait3A_116 = tpu.memref_slice %arg10[%add3A_84, %dma_wait3A_115] : memref<10240x128xf32, #tpu.memory_space<vmem_shared>> -> memref<80x128xf32, #tpu.memory_space<vmem_shared>>
      tpu.wait_dma2 semaphore(%run_scoped3A : memref<!tpu.dma_semaphore, #tpu.memory_space<semaphore_mem>>) src(%dma_wait3A_116 : memref<80x128xf32, #tpu.memory_space<vmem_shared>>) dst(%arg9 : memref<80x128xf32, #tpu.memory_space<vmem>>)
      tpu.yield
    }) : () -> ()
    %add3A_85 = arith.constant 240 : i32
    %add3A_86 = arith.addi %add3A_62, %add3A_85 : i32
    "tpu.region"() ({
      %run_scoped3A = tpu.sem_alloc : memref<!tpu.dma_semaphore, #tpu.memory_space<semaphore_mem>>
      %dma_start3A = arith.constant 0 : i32
      %dma_start3A_111 = tpu.memref_slice %arg6[%add3A_86, %dma_start3A] : memref<20480x128xf32, #tpu.memory_space<hbm>> -> memref<80x128xf32, #tpu.memory_space<hbm>>
      %dma_start3A_112 = arith.constant 0 : i32
      %dma_start3A_113 = tpu.memref_slice %arg6[%add3A_86, %dma_start3A_112] : memref<20480x128xf32, #tpu.memory_space<hbm>> -> memref<80x128xf32, #tpu.memory_space<hbm>>
      tpu.enqueue_dma source(%arg9 : memref<80x128xf32, #tpu.memory_space<vmem>>) target(%dma_start3A_113 : memref<80x128xf32, #tpu.memory_space<hbm>>) target_semaphore(%run_scoped3A : memref<!tpu.dma_semaphore, #tpu.memory_space<semaphore_mem>>)
      %dma_wait3A = arith.constant 0 : i32
      %dma_wait3A_114 = tpu.memref_slice %arg6[%add3A_86, %dma_wait3A] : memref<20480x128xf32, #tpu.memory_space<hbm>> -> memref<80x128xf32, #tpu.memory_space<hbm>>
      %dma_wait3A_115 = arith.constant 0 : i32
      %dma_wait3A_116 = tpu.memref_slice %arg6[%add3A_86, %dma_wait3A_115] : memref<20480x128xf32, #tpu.memory_space<hbm>> -> memref<80x128xf32, #tpu.memory_space<hbm>>
      tpu.wait_dma2 semaphore(%run_scoped3A : memref<!tpu.dma_semaphore, #tpu.memory_space<semaphore_mem>>) src(%arg9 : memref<80x128xf32, #tpu.memory_space<vmem>>) dst(%dma_wait3A_116 : memref<80x128xf32, #tpu.memory_space<hbm>>)
      tpu.yield
    }) : () -> ()
    %mul3A_87 = arith.constant 640 : i32
    %mul3A_88 = arith.muli %arg1, %mul3A_87 : i32
    %add3A_89 = arith.constant 320 : i32
    %add3A_90 = arith.addi %mul3A_88, %add3A_89 : i32
    "tpu.region"() ({
      %run_scoped3A = tpu.sem_alloc : memref<!tpu.dma_semaphore, #tpu.memory_space<semaphore_mem>>
      %dma_start3A = arith.constant 0 : i32
      %dma_start3A_111 = tpu.memref_slice %arg10[%add3A_90, %dma_start3A] : memref<10240x128xf32, #tpu.memory_space<vmem_shared>> -> memref<80x128xf32, #tpu.memory_space<vmem_shared>>
      %dma_start3A_112 = arith.constant 0 : i32
      %dma_start3A_113 = tpu.memref_slice %arg10[%add3A_90, %dma_start3A_112] : memref<10240x128xf32, #tpu.memory_space<vmem_shared>> -> memref<80x128xf32, #tpu.memory_space<vmem_shared>>
      tpu.enqueue_dma source(%dma_start3A_113 : memref<80x128xf32, #tpu.memory_space<vmem_shared>>) target(%arg9 : memref<80x128xf32, #tpu.memory_space<vmem>>) target_semaphore(%run_scoped3A : memref<!tpu.dma_semaphore, #tpu.memory_space<semaphore_mem>>)
      %dma_wait3A = arith.constant 0 : i32
      %dma_wait3A_114 = tpu.memref_slice %arg10[%add3A_90, %dma_wait3A] : memref<10240x128xf32, #tpu.memory_space<vmem_shared>> -> memref<80x128xf32, #tpu.memory_space<vmem_shared>>
      %dma_wait3A_115 = arith.constant 0 : i32
      %dma_wait3A_116 = tpu.memref_slice %arg10[%add3A_90, %dma_wait3A_115] : memref<10240x128xf32, #tpu.memory_space<vmem_shared>> -> memref<80x128xf32, #tpu.memory_space<vmem_shared>>
      tpu.wait_dma2 semaphore(%run_scoped3A : memref<!tpu.dma_semaphore, #tpu.memory_space<semaphore_mem>>) src(%dma_wait3A_116 : memref<80x128xf32, #tpu.memory_space<vmem_shared>>) dst(%arg9 : memref<80x128xf32, #tpu.memory_space<vmem>>)
      tpu.yield
    }) : () -> ()
    %add3A_91 = arith.constant 320 : i32
    %add3A_92 = arith.addi %add3A_62, %add3A_91 : i32
    "tpu.region"() ({
      %run_scoped3A = tpu.sem_alloc : memref<!tpu.dma_semaphore, #tpu.memory_space<semaphore_mem>>
      %dma_start3A = arith.constant 0 : i32
      %dma_start3A_111 = tpu.memref_slice %arg6[%add3A_92, %dma_start3A] : memref<20480x128xf32, #tpu.memory_space<hbm>> -> memref<80x128xf32, #tpu.memory_space<hbm>>
      %dma_start3A_112 = arith.constant 0 : i32
      %dma_start3A_113 = tpu.memref_slice %arg6[%add3A_92, %dma_start3A_112] : memref<20480x128xf32, #tpu.memory_space<hbm>> -> memref<80x128xf32, #tpu.memory_space<hbm>>
      tpu.enqueue_dma source(%arg9 : memref<80x128xf32, #tpu.memory_space<vmem>>) target(%dma_start3A_113 : memref<80x128xf32, #tpu.memory_space<hbm>>) target_semaphore(%run_scoped3A : memref<!tpu.dma_semaphore, #tpu.memory_space<semaphore_mem>>)
      %dma_wait3A = arith.constant 0 : i32
      %dma_wait3A_114 = tpu.memref_slice %arg6[%add3A_92, %dma_wait3A] : memref<20480x128xf32, #tpu.memory_space<hbm>> -> memref<80x128xf32, #tpu.memory_space<hbm>>
      %dma_wait3A_115 = arith.constant 0 : i32
      %dma_wait3A_116 = tpu.memref_slice %arg6[%add3A_92, %dma_wait3A_115] : memref<20480x128xf32, #tpu.memory_space<hbm>> -> memref<80x128xf32, #tpu.memory_space<hbm>>
      tpu.wait_dma2 semaphore(%run_scoped3A : memref<!tpu.dma_semaphore, #tpu.memory_space<semaphore_mem>>) src(%arg9 : memref<80x128xf32, #tpu.memory_space<vmem>>) dst(%dma_wait3A_116 : memref<80x128xf32, #tpu.memory_space<hbm>>)
      tpu.yield
    }) : () -> ()
    %mul3A_93 = arith.constant 640 : i32
    %mul3A_94 = arith.muli %arg1, %mul3A_93 : i32
    %add3A_95 = arith.constant 400 : i32
    %add3A_96 = arith.addi %mul3A_94, %add3A_95 : i32
    "tpu.region"() ({
      %run_scoped3A = tpu.sem_alloc : memref<!tpu.dma_semaphore, #tpu.memory_space<semaphore_mem>>
      %dma_start3A = arith.constant 0 : i32
      %dma_start3A_111 = tpu.memref_slice %arg10[%add3A_96, %dma_start3A] : memref<10240x128xf32, #tpu.memory_space<vmem_shared>> -> memref<80x128xf32, #tpu.memory_space<vmem_shared>>
      %dma_start3A_112 = arith.constant 0 : i32
      %dma_start3A_113 = tpu.memref_slice %arg10[%add3A_96, %dma_start3A_112] : memref<10240x128xf32, #tpu.memory_space<vmem_shared>> -> memref<80x128xf32, #tpu.memory_space<vmem_shared>>
      tpu.enqueue_dma source(%dma_start3A_113 : memref<80x128xf32, #tpu.memory_space<vmem_shared>>) target(%arg9 : memref<80x128xf32, #tpu.memory_space<vmem>>) target_semaphore(%run_scoped3A : memref<!tpu.dma_semaphore, #tpu.memory_space<semaphore_mem>>)
      %dma_wait3A = arith.constant 0 : i32
      %dma_wait3A_114 = tpu.memref_slice %arg10[%add3A_96, %dma_wait3A] : memref<10240x128xf32, #tpu.memory_space<vmem_shared>> -> memref<80x128xf32, #tpu.memory_space<vmem_shared>>
      %dma_wait3A_115 = arith.constant 0 : i32
      %dma_wait3A_116 = tpu.memref_slice %arg10[%add3A_96, %dma_wait3A_115] : memref<10240x128xf32, #tpu.memory_space<vmem_shared>> -> memref<80x128xf32, #tpu.memory_space<vmem_shared>>
      tpu.wait_dma2 semaphore(%run_scoped3A : memref<!tpu.dma_semaphore, #tpu.memory_space<semaphore_mem>>) src(%dma_wait3A_116 : memref<80x128xf32, #tpu.memory_space<vmem_shared>>) dst(%arg9 : memref<80x128xf32, #tpu.memory_space<vmem>>)
      tpu.yield
    }) : () -> ()
    %add3A_97 = arith.constant 400 : i32
    %add3A_98 = arith.addi %add3A_62, %add3A_97 : i32
    "tpu.region"() ({
      %run_scoped3A = tpu.sem_alloc : memref<!tpu.dma_semaphore, #tpu.memory_space<semaphore_mem>>
      %dma_start3A = arith.constant 0 : i32
      %dma_start3A_111 = tpu.memref_slice %arg6[%add3A_98, %dma_start3A] : memref<20480x128xf32, #tpu.memory_space<hbm>> -> memref<80x128xf32, #tpu.memory_space<hbm>>
      %dma_start3A_112 = arith.constant 0 : i32
      %dma_start3A_113 = tpu.memref_slice %arg6[%add3A_98, %dma_start3A_112] : memref<20480x128xf32, #tpu.memory_space<hbm>> -> memref<80x128xf32, #tpu.memory_space<hbm>>
      tpu.enqueue_dma source(%arg9 : memref<80x128xf32, #tpu.memory_space<vmem>>) target(%dma_start3A_113 : memref<80x128xf32, #tpu.memory_space<hbm>>) target_semaphore(%run_scoped3A : memref<!tpu.dma_semaphore, #tpu.memory_space<semaphore_mem>>)
      %dma_wait3A = arith.constant 0 : i32
      %dma_wait3A_114 = tpu.memref_slice %arg6[%add3A_98, %dma_wait3A] : memref<20480x128xf32, #tpu.memory_space<hbm>> -> memref<80x128xf32, #tpu.memory_space<hbm>>
      %dma_wait3A_115 = arith.constant 0 : i32
      %dma_wait3A_116 = tpu.memref_slice %arg6[%add3A_98, %dma_wait3A_115] : memref<20480x128xf32, #tpu.memory_space<hbm>> -> memref<80x128xf32, #tpu.memory_space<hbm>>
      tpu.wait_dma2 semaphore(%run_scoped3A : memref<!tpu.dma_semaphore, #tpu.memory_space<semaphore_mem>>) src(%arg9 : memref<80x128xf32, #tpu.memory_space<vmem>>) dst(%dma_wait3A_116 : memref<80x128xf32, #tpu.memory_space<hbm>>)
      tpu.yield
    }) : () -> ()
    %mul3A_99 = arith.constant 640 : i32
    %mul3A_100 = arith.muli %arg1, %mul3A_99 : i32
    %add3A_101 = arith.constant 480 : i32
    %add3A_102 = arith.addi %mul3A_100, %add3A_101 : i32
    "tpu.region"() ({
      %run_scoped3A = tpu.sem_alloc : memref<!tpu.dma_semaphore, #tpu.memory_space<semaphore_mem>>
      %dma_start3A = arith.constant 0 : i32
      %dma_start3A_111 = tpu.memref_slice %arg10[%add3A_102, %dma_start3A] : memref<10240x128xf32, #tpu.memory_space<vmem_shared>> -> memref<80x128xf32, #tpu.memory_space<vmem_shared>>
      %dma_start3A_112 = arith.constant 0 : i32
      %dma_start3A_113 = tpu.memref_slice %arg10[%add3A_102, %dma_start3A_112] : memref<10240x128xf32, #tpu.memory_space<vmem_shared>> -> memref<80x128xf32, #tpu.memory_space<vmem_shared>>
      tpu.enqueue_dma source(%dma_start3A_113 : memref<80x128xf32, #tpu.memory_space<vmem_shared>>) target(%arg9 : memref<80x128xf32, #tpu.memory_space<vmem>>) target_semaphore(%run_scoped3A : memref<!tpu.dma_semaphore, #tpu.memory_space<semaphore_mem>>)
      %dma_wait3A = arith.constant 0 : i32
      %dma_wait3A_114 = tpu.memref_slice %arg10[%add3A_102, %dma_wait3A] : memref<10240x128xf32, #tpu.memory_space<vmem_shared>> -> memref<80x128xf32, #tpu.memory_space<vmem_shared>>
      %dma_wait3A_115 = arith.constant 0 : i32
      %dma_wait3A_116 = tpu.memref_slice %arg10[%add3A_102, %dma_wait3A_115] : memref<10240x128xf32, #tpu.memory_space<vmem_shared>> -> memref<80x128xf32, #tpu.memory_space<vmem_shared>>
      tpu.wait_dma2 semaphore(%run_scoped3A : memref<!tpu.dma_semaphore, #tpu.memory_space<semaphore_mem>>) src(%dma_wait3A_116 : memref<80x128xf32, #tpu.memory_space<vmem_shared>>) dst(%arg9 : memref<80x128xf32, #tpu.memory_space<vmem>>)
      tpu.yield
    }) : () -> ()
    %add3A_103 = arith.constant 480 : i32
    %add3A_104 = arith.addi %add3A_62, %add3A_103 : i32
    "tpu.region"() ({
      %run_scoped3A = tpu.sem_alloc : memref<!tpu.dma_semaphore, #tpu.memory_space<semaphore_mem>>
      %dma_start3A = arith.constant 0 : i32
      %dma_start3A_111 = tpu.memref_slice %arg6[%add3A_104, %dma_start3A] : memref<20480x128xf32, #tpu.memory_space<hbm>> -> memref<80x128xf32, #tpu.memory_space<hbm>>
      %dma_start3A_112 = arith.constant 0 : i32
      %dma_start3A_113 = tpu.memref_slice %arg6[%add3A_104, %dma_start3A_112] : memref<20480x128xf32, #tpu.memory_space<hbm>> -> memref<80x128xf32, #tpu.memory_space<hbm>>
      tpu.enqueue_dma source(%arg9 : memref<80x128xf32, #tpu.memory_space<vmem>>) target(%dma_start3A_113 : memref<80x128xf32, #tpu.memory_space<hbm>>) target_semaphore(%run_scoped3A : memref<!tpu.dma_semaphore, #tpu.memory_space<semaphore_mem>>)
      %dma_wait3A = arith.constant 0 : i32
      %dma_wait3A_114 = tpu.memref_slice %arg6[%add3A_104, %dma_wait3A] : memref<20480x128xf32, #tpu.memory_space<hbm>> -> memref<80x128xf32, #tpu.memory_space<hbm>>
      %dma_wait3A_115 = arith.constant 0 : i32
      %dma_wait3A_116 = tpu.memref_slice %arg6[%add3A_104, %dma_wait3A_115] : memref<20480x128xf32, #tpu.memory_space<hbm>> -> memref<80x128xf32, #tpu.memory_space<hbm>>
      tpu.wait_dma2 semaphore(%run_scoped3A : memref<!tpu.dma_semaphore, #tpu.memory_space<semaphore_mem>>) src(%arg9 : memref<80x128xf32, #tpu.memory_space<vmem>>) dst(%dma_wait3A_116 : memref<80x128xf32, #tpu.memory_space<hbm>>)
      tpu.yield
    }) : () -> ()
    %mul3A_105 = arith.constant 640 : i32
    %mul3A_106 = arith.muli %arg1, %mul3A_105 : i32
    %add3A_107 = arith.constant 560 : i32
    %add3A_108 = arith.addi %mul3A_106, %add3A_107 : i32
    "tpu.region"() ({
      %run_scoped3A = tpu.sem_alloc : memref<!tpu.dma_semaphore, #tpu.memory_space<semaphore_mem>>
      %dma_start3A = arith.constant 0 : i32
      %dma_start3A_111 = tpu.memref_slice %arg10[%add3A_108, %dma_start3A] : memref<10240x128xf32, #tpu.memory_space<vmem_shared>> -> memref<80x128xf32, #tpu.memory_space<vmem_shared>>
      %dma_start3A_112 = arith.constant 0 : i32
      %dma_start3A_113 = tpu.memref_slice %arg10[%add3A_108, %dma_start3A_112] : memref<10240x128xf32, #tpu.memory_space<vmem_shared>> -> memref<80x128xf32, #tpu.memory_space<vmem_shared>>
      tpu.enqueue_dma source(%dma_start3A_113 : memref<80x128xf32, #tpu.memory_space<vmem_shared>>) target(%arg9 : memref<80x128xf32, #tpu.memory_space<vmem>>) target_semaphore(%run_scoped3A : memref<!tpu.dma_semaphore, #tpu.memory_space<semaphore_mem>>)
      %dma_wait3A = arith.constant 0 : i32
      %dma_wait3A_114 = tpu.memref_slice %arg10[%add3A_108, %dma_wait3A] : memref<10240x128xf32, #tpu.memory_space<vmem_shared>> -> memref<80x128xf32, #tpu.memory_space<vmem_shared>>
      %dma_wait3A_115 = arith.constant 0 : i32
      %dma_wait3A_116 = tpu.memref_slice %arg10[%add3A_108, %dma_wait3A_115] : memref<10240x128xf32, #tpu.memory_space<vmem_shared>> -> memref<80x128xf32, #tpu.memory_space<vmem_shared>>
      tpu.wait_dma2 semaphore(%run_scoped3A : memref<!tpu.dma_semaphore, #tpu.memory_space<semaphore_mem>>) src(%dma_wait3A_116 : memref<80x128xf32, #tpu.memory_space<vmem_shared>>) dst(%arg9 : memref<80x128xf32, #tpu.memory_space<vmem>>)
      tpu.yield
    }) : () -> ()
    %add3A_109 = arith.constant 560 : i32
    %add3A_110 = arith.addi %add3A_62, %add3A_109 : i32
    "tpu.region"() ({
      %run_scoped3A = tpu.sem_alloc : memref<!tpu.dma_semaphore, #tpu.memory_space<semaphore_mem>>
      %dma_start3A = arith.constant 0 : i32
      %dma_start3A_111 = tpu.memref_slice %arg6[%add3A_110, %dma_start3A] : memref<20480x128xf32, #tpu.memory_space<hbm>> -> memref<80x128xf32, #tpu.memory_space<hbm>>
      %dma_start3A_112 = arith.constant 0 : i32
      %dma_start3A_113 = tpu.memref_slice %arg6[%add3A_110, %dma_start3A_112] : memref<20480x128xf32, #tpu.memory_space<hbm>> -> memref<80x128xf32, #tpu.memory_space<hbm>>
      tpu.enqueue_dma source(%arg9 : memref<80x128xf32, #tpu.memory_space<vmem>>) target(%dma_start3A_113 : memref<80x128xf32, #tpu.memory_space<hbm>>) target_semaphore(%run_scoped3A : memref<!tpu.dma_semaphore, #tpu.memory_space<semaphore_mem>>)
      %dma_wait3A = arith.constant 0 : i32
      %dma_wait3A_114 = tpu.memref_slice %arg6[%add3A_110, %dma_wait3A] : memref<20480x128xf32, #tpu.memory_space<hbm>> -> memref<80x128xf32, #tpu.memory_space<hbm>>
      %dma_wait3A_115 = arith.constant 0 : i32
      %dma_wait3A_116 = tpu.memref_slice %arg6[%add3A_110, %dma_wait3A_115] : memref<20480x128xf32, #tpu.memory_space<hbm>> -> memref<80x128xf32, #tpu.memory_space<hbm>>
      tpu.wait_dma2 semaphore(%run_scoped3A : memref<!tpu.dma_semaphore, #tpu.memory_space<semaphore_mem>>) src(%arg9 : memref<80x128xf32, #tpu.memory_space<vmem>>) dst(%dma_wait3A_116 : memref<80x128xf32, #tpu.memory_space<hbm>>)
      tpu.yield
    }) : () -> ()
    return
  }
}

#map = affine_map<(d0, d1) -> (0)>
#map1 = affine_map<(d0, d1) -> (0, 0)>
module attributes {stable_mosaic.version = 14 : i64} {
  func.func @body(%arg0: i32, %arg1: i32, %arg2: memref<320000xi32, #tpu.memory_space<hbm>>, %arg3: memref<80x128xf32, #tpu.memory_space<hbm>>, %arg4: memref<80x128xf32, #tpu.memory_space<hbm>>, %arg5: memref<20480x128xf32, #tpu.memory_space<hbm>>, %arg6: memref<1x80xi32, #tpu.memory_space<vmem>>, %arg7: memref<80x128xf32, #tpu.memory_space<vmem>>, %arg8: memref<10240x128xf32, #tpu.memory_space<vmem_shared>>) attributes {dimension_semantics = [#tpu.dimension_semantics<core_parallel>, #tpu.dimension_semantics<subcore_parallel>], iteration_bounds = array<i64: 2, 16>, scalar_prefetch = 0 : i64, scratch_operands = 3 : i64, tpu.core_type = #tpu.core_type<sc_vector_subcore>, window_params = [{transform_indices = #map}, {transform_indices = #map1}, {transform_indices = #map1}, {transform_indices = #map1}]} {
    "tpu.region"() ({
      %run_scoped3A = tpu.sem_alloc : memref<!tpu.dma_semaphore, #tpu.memory_space<semaphore_mem>>
      tpu.enqueue_dma source(%arg3 : memref<80x128xf32, #tpu.memory_space<hbm>>) target(%arg7 : memref<80x128xf32, #tpu.memory_space<vmem>>) target_semaphore(%run_scoped3A : memref<!tpu.dma_semaphore, #tpu.memory_space<semaphore_mem>>)
      tpu.wait_dma2 semaphore(%run_scoped3A : memref<!tpu.dma_semaphore, #tpu.memory_space<semaphore_mem>>) src(%arg3 : memref<80x128xf32, #tpu.memory_space<hbm>>) dst(%arg7 : memref<80x128xf32, #tpu.memory_space<vmem>>)
      tpu.yield
    }) : () -> ()
    %mul3A = arith.constant 8 : i32
    %mul3A_0 = arith.muli %arg1, %mul3A : i32
    %add3A = arith.constant 0 : i32
    %add3A_1 = arith.addi %mul3A_0, %add3A : i32
    %mul3A_2 = arith.constant 80 : i32
    %mul3A_3 = arith.muli %add3A_1, %mul3A_2 : i32
    "tpu.region"() ({
      %run_scoped3A = tpu.sem_alloc : memref<!tpu.dma_semaphore, #tpu.memory_space<semaphore_mem>>
      %dma_start3A = arith.constant 0 : i32
      %dma_start3A_109 = tpu.memref_slice %arg8[%mul3A_3, %dma_start3A] : memref<10240x128xf32, #tpu.memory_space<vmem_shared>> -> memref<80x128xf32, #tpu.memory_space<vmem_shared>>
      %dma_start3A_110 = arith.constant 0 : i32
      %dma_start3A_111 = tpu.memref_slice %arg8[%mul3A_3, %dma_start3A_110] : memref<10240x128xf32, #tpu.memory_space<vmem_shared>> -> memref<80x128xf32, #tpu.memory_space<vmem_shared>>
      tpu.enqueue_dma source(%arg7 : memref<80x128xf32, #tpu.memory_space<vmem>>) target(%dma_start3A_111 : memref<80x128xf32, #tpu.memory_space<vmem_shared>>) target_semaphore(%run_scoped3A : memref<!tpu.dma_semaphore, #tpu.memory_space<semaphore_mem>>)
      %dma_wait3A = arith.constant 0 : i32
      %dma_wait3A_112 = tpu.memref_slice %arg8[%mul3A_3, %dma_wait3A] : memref<10240x128xf32, #tpu.memory_space<vmem_shared>> -> memref<80x128xf32, #tpu.memory_space<vmem_shared>>
      %dma_wait3A_113 = arith.constant 0 : i32
      %dma_wait3A_114 = tpu.memref_slice %arg8[%mul3A_3, %dma_wait3A_113] : memref<10240x128xf32, #tpu.memory_space<vmem_shared>> -> memref<80x128xf32, #tpu.memory_space<vmem_shared>>
      tpu.wait_dma2 semaphore(%run_scoped3A : memref<!tpu.dma_semaphore, #tpu.memory_space<semaphore_mem>>) src(%arg7 : memref<80x128xf32, #tpu.memory_space<vmem>>) dst(%dma_wait3A_114 : memref<80x128xf32, #tpu.memory_space<vmem_shared>>)
      tpu.yield
    }) : () -> ()
    %mul3A_4 = arith.constant 8 : i32
    %mul3A_5 = arith.muli %arg1, %mul3A_4 : i32
    %add3A_6 = arith.constant 1 : i32
    %add3A_7 = arith.addi %mul3A_5, %add3A_6 : i32
    %mul3A_8 = arith.constant 80 : i32
    %mul3A_9 = arith.muli %add3A_7, %mul3A_8 : i32
    "tpu.region"() ({
      %run_scoped3A = tpu.sem_alloc : memref<!tpu.dma_semaphore, #tpu.memory_space<semaphore_mem>>
      %dma_start3A = arith.constant 0 : i32
      %dma_start3A_109 = tpu.memref_slice %arg8[%mul3A_9, %dma_start3A] : memref<10240x128xf32, #tpu.memory_space<vmem_shared>> -> memref<80x128xf32, #tpu.memory_space<vmem_shared>>
      %dma_start3A_110 = arith.constant 0 : i32
      %dma_start3A_111 = tpu.memref_slice %arg8[%mul3A_9, %dma_start3A_110] : memref<10240x128xf32, #tpu.memory_space<vmem_shared>> -> memref<80x128xf32, #tpu.memory_space<vmem_shared>>
      tpu.enqueue_dma source(%arg7 : memref<80x128xf32, #tpu.memory_space<vmem>>) target(%dma_start3A_111 : memref<80x128xf32, #tpu.memory_space<vmem_shared>>) target_semaphore(%run_scoped3A : memref<!tpu.dma_semaphore, #tpu.memory_space<semaphore_mem>>)
      %dma_wait3A = arith.constant 0 : i32
      %dma_wait3A_112 = tpu.memref_slice %arg8[%mul3A_9, %dma_wait3A] : memref<10240x128xf32, #tpu.memory_space<vmem_shared>> -> memref<80x128xf32, #tpu.memory_space<vmem_shared>>
      %dma_wait3A_113 = arith.constant 0 : i32
      %dma_wait3A_114 = tpu.memref_slice %arg8[%mul3A_9, %dma_wait3A_113] : memref<10240x128xf32, #tpu.memory_space<vmem_shared>> -> memref<80x128xf32, #tpu.memory_space<vmem_shared>>
      tpu.wait_dma2 semaphore(%run_scoped3A : memref<!tpu.dma_semaphore, #tpu.memory_space<semaphore_mem>>) src(%arg7 : memref<80x128xf32, #tpu.memory_space<vmem>>) dst(%dma_wait3A_114 : memref<80x128xf32, #tpu.memory_space<vmem_shared>>)
      tpu.yield
    }) : () -> ()
    %mul3A_10 = arith.constant 8 : i32
    %mul3A_11 = arith.muli %arg1, %mul3A_10 : i32
    %add3A_12 = arith.constant 2 : i32
    %add3A_13 = arith.addi %mul3A_11, %add3A_12 : i32
    %mul3A_14 = arith.constant 80 : i32
    %mul3A_15 = arith.muli %add3A_13, %mul3A_14 : i32
    "tpu.region"() ({
      %run_scoped3A = tpu.sem_alloc : memref<!tpu.dma_semaphore, #tpu.memory_space<semaphore_mem>>
      %dma_start3A = arith.constant 0 : i32
      %dma_start3A_109 = tpu.memref_slice %arg8[%mul3A_15, %dma_start3A] : memref<10240x128xf32, #tpu.memory_space<vmem_shared>> -> memref<80x128xf32, #tpu.memory_space<vmem_shared>>
      %dma_start3A_110 = arith.constant 0 : i32
      %dma_start3A_111 = tpu.memref_slice %arg8[%mul3A_15, %dma_start3A_110] : memref<10240x128xf32, #tpu.memory_space<vmem_shared>> -> memref<80x128xf32, #tpu.memory_space<vmem_shared>>
      tpu.enqueue_dma source(%arg7 : memref<80x128xf32, #tpu.memory_space<vmem>>) target(%dma_start3A_111 : memref<80x128xf32, #tpu.memory_space<vmem_shared>>) target_semaphore(%run_scoped3A : memref<!tpu.dma_semaphore, #tpu.memory_space<semaphore_mem>>)
      %dma_wait3A = arith.constant 0 : i32
      %dma_wait3A_112 = tpu.memref_slice %arg8[%mul3A_15, %dma_wait3A] : memref<10240x128xf32, #tpu.memory_space<vmem_shared>> -> memref<80x128xf32, #tpu.memory_space<vmem_shared>>
      %dma_wait3A_113 = arith.constant 0 : i32
      %dma_wait3A_114 = tpu.memref_slice %arg8[%mul3A_15, %dma_wait3A_113] : memref<10240x128xf32, #tpu.memory_space<vmem_shared>> -> memref<80x128xf32, #tpu.memory_space<vmem_shared>>
      tpu.wait_dma2 semaphore(%run_scoped3A : memref<!tpu.dma_semaphore, #tpu.memory_space<semaphore_mem>>) src(%arg7 : memref<80x128xf32, #tpu.memory_space<vmem>>) dst(%dma_wait3A_114 : memref<80x128xf32, #tpu.memory_space<vmem_shared>>)
      tpu.yield
    }) : () -> ()
    %mul3A_16 = arith.constant 8 : i32
    %mul3A_17 = arith.muli %arg1, %mul3A_16 : i32
    %add3A_18 = arith.constant 3 : i32
    %add3A_19 = arith.addi %mul3A_17, %add3A_18 : i32
    %mul3A_20 = arith.constant 80 : i32
    %mul3A_21 = arith.muli %add3A_19, %mul3A_20 : i32
    "tpu.region"() ({
      %run_scoped3A = tpu.sem_alloc : memref<!tpu.dma_semaphore, #tpu.memory_space<semaphore_mem>>
      %dma_start3A = arith.constant 0 : i32
      %dma_start3A_109 = tpu.memref_slice %arg8[%mul3A_21, %dma_start3A] : memref<10240x128xf32, #tpu.memory_space<vmem_shared>> -> memref<80x128xf32, #tpu.memory_space<vmem_shared>>
      %dma_start3A_110 = arith.constant 0 : i32
      %dma_start3A_111 = tpu.memref_slice %arg8[%mul3A_21, %dma_start3A_110] : memref<10240x128xf32, #tpu.memory_space<vmem_shared>> -> memref<80x128xf32, #tpu.memory_space<vmem_shared>>
      tpu.enqueue_dma source(%arg7 : memref<80x128xf32, #tpu.memory_space<vmem>>) target(%dma_start3A_111 : memref<80x128xf32, #tpu.memory_space<vmem_shared>>) target_semaphore(%run_scoped3A : memref<!tpu.dma_semaphore, #tpu.memory_space<semaphore_mem>>)
      %dma_wait3A = arith.constant 0 : i32
      %dma_wait3A_112 = tpu.memref_slice %arg8[%mul3A_21, %dma_wait3A] : memref<10240x128xf32, #tpu.memory_space<vmem_shared>> -> memref<80x128xf32, #tpu.memory_space<vmem_shared>>
      %dma_wait3A_113 = arith.constant 0 : i32
      %dma_wait3A_114 = tpu.memref_slice %arg8[%mul3A_21, %dma_wait3A_113] : memref<10240x128xf32, #tpu.memory_space<vmem_shared>> -> memref<80x128xf32, #tpu.memory_space<vmem_shared>>
      tpu.wait_dma2 semaphore(%run_scoped3A : memref<!tpu.dma_semaphore, #tpu.memory_space<semaphore_mem>>) src(%arg7 : memref<80x128xf32, #tpu.memory_space<vmem>>) dst(%dma_wait3A_114 : memref<80x128xf32, #tpu.memory_space<vmem_shared>>)
      tpu.yield
    }) : () -> ()
    %mul3A_22 = arith.constant 8 : i32
    %mul3A_23 = arith.muli %arg1, %mul3A_22 : i32
    %add3A_24 = arith.constant 4 : i32
    %add3A_25 = arith.addi %mul3A_23, %add3A_24 : i32
    %mul3A_26 = arith.constant 80 : i32
    %mul3A_27 = arith.muli %add3A_25, %mul3A_26 : i32
    "tpu.region"() ({
      %run_scoped3A = tpu.sem_alloc : memref<!tpu.dma_semaphore, #tpu.memory_space<semaphore_mem>>
      %dma_start3A = arith.constant 0 : i32
      %dma_start3A_109 = tpu.memref_slice %arg8[%mul3A_27, %dma_start3A] : memref<10240x128xf32, #tpu.memory_space<vmem_shared>> -> memref<80x128xf32, #tpu.memory_space<vmem_shared>>
      %dma_start3A_110 = arith.constant 0 : i32
      %dma_start3A_111 = tpu.memref_slice %arg8[%mul3A_27, %dma_start3A_110] : memref<10240x128xf32, #tpu.memory_space<vmem_shared>> -> memref<80x128xf32, #tpu.memory_space<vmem_shared>>
      tpu.enqueue_dma source(%arg7 : memref<80x128xf32, #tpu.memory_space<vmem>>) target(%dma_start3A_111 : memref<80x128xf32, #tpu.memory_space<vmem_shared>>) target_semaphore(%run_scoped3A : memref<!tpu.dma_semaphore, #tpu.memory_space<semaphore_mem>>)
      %dma_wait3A = arith.constant 0 : i32
      %dma_wait3A_112 = tpu.memref_slice %arg8[%mul3A_27, %dma_wait3A] : memref<10240x128xf32, #tpu.memory_space<vmem_shared>> -> memref<80x128xf32, #tpu.memory_space<vmem_shared>>
      %dma_wait3A_113 = arith.constant 0 : i32
      %dma_wait3A_114 = tpu.memref_slice %arg8[%mul3A_27, %dma_wait3A_113] : memref<10240x128xf32, #tpu.memory_space<vmem_shared>> -> memref<80x128xf32, #tpu.memory_space<vmem_shared>>
      tpu.wait_dma2 semaphore(%run_scoped3A : memref<!tpu.dma_semaphore, #tpu.memory_space<semaphore_mem>>) src(%arg7 : memref<80x128xf32, #tpu.memory_space<vmem>>) dst(%dma_wait3A_114 : memref<80x128xf32, #tpu.memory_space<vmem_shared>>)
      tpu.yield
    }) : () -> ()
    %mul3A_28 = arith.constant 8 : i32
    %mul3A_29 = arith.muli %arg1, %mul3A_28 : i32
    %add3A_30 = arith.constant 5 : i32
    %add3A_31 = arith.addi %mul3A_29, %add3A_30 : i32
    %mul3A_32 = arith.constant 80 : i32
    %mul3A_33 = arith.muli %add3A_31, %mul3A_32 : i32
    "tpu.region"() ({
      %run_scoped3A = tpu.sem_alloc : memref<!tpu.dma_semaphore, #tpu.memory_space<semaphore_mem>>
      %dma_start3A = arith.constant 0 : i32
      %dma_start3A_109 = tpu.memref_slice %arg8[%mul3A_33, %dma_start3A] : memref<10240x128xf32, #tpu.memory_space<vmem_shared>> -> memref<80x128xf32, #tpu.memory_space<vmem_shared>>
      %dma_start3A_110 = arith.constant 0 : i32
      %dma_start3A_111 = tpu.memref_slice %arg8[%mul3A_33, %dma_start3A_110] : memref<10240x128xf32, #tpu.memory_space<vmem_shared>> -> memref<80x128xf32, #tpu.memory_space<vmem_shared>>
      tpu.enqueue_dma source(%arg7 : memref<80x128xf32, #tpu.memory_space<vmem>>) target(%dma_start3A_111 : memref<80x128xf32, #tpu.memory_space<vmem_shared>>) target_semaphore(%run_scoped3A : memref<!tpu.dma_semaphore, #tpu.memory_space<semaphore_mem>>)
      %dma_wait3A = arith.constant 0 : i32
      %dma_wait3A_112 = tpu.memref_slice %arg8[%mul3A_33, %dma_wait3A] : memref<10240x128xf32, #tpu.memory_space<vmem_shared>> -> memref<80x128xf32, #tpu.memory_space<vmem_shared>>
      %dma_wait3A_113 = arith.constant 0 : i32
      %dma_wait3A_114 = tpu.memref_slice %arg8[%mul3A_33, %dma_wait3A_113] : memref<10240x128xf32, #tpu.memory_space<vmem_shared>> -> memref<80x128xf32, #tpu.memory_space<vmem_shared>>
      tpu.wait_dma2 semaphore(%run_scoped3A : memref<!tpu.dma_semaphore, #tpu.memory_space<semaphore_mem>>) src(%arg7 : memref<80x128xf32, #tpu.memory_space<vmem>>) dst(%dma_wait3A_114 : memref<80x128xf32, #tpu.memory_space<vmem_shared>>)
      tpu.yield
    }) : () -> ()
    %mul3A_34 = arith.constant 8 : i32
    %mul3A_35 = arith.muli %arg1, %mul3A_34 : i32
    %add3A_36 = arith.constant 6 : i32
    %add3A_37 = arith.addi %mul3A_35, %add3A_36 : i32
    %mul3A_38 = arith.constant 80 : i32
    %mul3A_39 = arith.muli %add3A_37, %mul3A_38 : i32
    "tpu.region"() ({
      %run_scoped3A = tpu.sem_alloc : memref<!tpu.dma_semaphore, #tpu.memory_space<semaphore_mem>>
      %dma_start3A = arith.constant 0 : i32
      %dma_start3A_109 = tpu.memref_slice %arg8[%mul3A_39, %dma_start3A] : memref<10240x128xf32, #tpu.memory_space<vmem_shared>> -> memref<80x128xf32, #tpu.memory_space<vmem_shared>>
      %dma_start3A_110 = arith.constant 0 : i32
      %dma_start3A_111 = tpu.memref_slice %arg8[%mul3A_39, %dma_start3A_110] : memref<10240x128xf32, #tpu.memory_space<vmem_shared>> -> memref<80x128xf32, #tpu.memory_space<vmem_shared>>
      tpu.enqueue_dma source(%arg7 : memref<80x128xf32, #tpu.memory_space<vmem>>) target(%dma_start3A_111 : memref<80x128xf32, #tpu.memory_space<vmem_shared>>) target_semaphore(%run_scoped3A : memref<!tpu.dma_semaphore, #tpu.memory_space<semaphore_mem>>)
      %dma_wait3A = arith.constant 0 : i32
      %dma_wait3A_112 = tpu.memref_slice %arg8[%mul3A_39, %dma_wait3A] : memref<10240x128xf32, #tpu.memory_space<vmem_shared>> -> memref<80x128xf32, #tpu.memory_space<vmem_shared>>
      %dma_wait3A_113 = arith.constant 0 : i32
      %dma_wait3A_114 = tpu.memref_slice %arg8[%mul3A_39, %dma_wait3A_113] : memref<10240x128xf32, #tpu.memory_space<vmem_shared>> -> memref<80x128xf32, #tpu.memory_space<vmem_shared>>
      tpu.wait_dma2 semaphore(%run_scoped3A : memref<!tpu.dma_semaphore, #tpu.memory_space<semaphore_mem>>) src(%arg7 : memref<80x128xf32, #tpu.memory_space<vmem>>) dst(%dma_wait3A_114 : memref<80x128xf32, #tpu.memory_space<vmem_shared>>)
      tpu.yield
    }) : () -> ()
    %mul3A_40 = arith.constant 8 : i32
    %mul3A_41 = arith.muli %arg1, %mul3A_40 : i32
    %add3A_42 = arith.constant 7 : i32
    %add3A_43 = arith.addi %mul3A_41, %add3A_42 : i32
    %mul3A_44 = arith.constant 80 : i32
    %mul3A_45 = arith.muli %add3A_43, %mul3A_44 : i32
    "tpu.region"() ({
      %run_scoped3A = tpu.sem_alloc : memref<!tpu.dma_semaphore, #tpu.memory_space<semaphore_mem>>
      %dma_start3A = arith.constant 0 : i32
      %dma_start3A_109 = tpu.memref_slice %arg8[%mul3A_45, %dma_start3A] : memref<10240x128xf32, #tpu.memory_space<vmem_shared>> -> memref<80x128xf32, #tpu.memory_space<vmem_shared>>
      %dma_start3A_110 = arith.constant 0 : i32
      %dma_start3A_111 = tpu.memref_slice %arg8[%mul3A_45, %dma_start3A_110] : memref<10240x128xf32, #tpu.memory_space<vmem_shared>> -> memref<80x128xf32, #tpu.memory_space<vmem_shared>>
      tpu.enqueue_dma source(%arg7 : memref<80x128xf32, #tpu.memory_space<vmem>>) target(%dma_start3A_111 : memref<80x128xf32, #tpu.memory_space<vmem_shared>>) target_semaphore(%run_scoped3A : memref<!tpu.dma_semaphore, #tpu.memory_space<semaphore_mem>>)
      %dma_wait3A = arith.constant 0 : i32
      %dma_wait3A_112 = tpu.memref_slice %arg8[%mul3A_45, %dma_wait3A] : memref<10240x128xf32, #tpu.memory_space<vmem_shared>> -> memref<80x128xf32, #tpu.memory_space<vmem_shared>>
      %dma_wait3A_113 = arith.constant 0 : i32
      %dma_wait3A_114 = tpu.memref_slice %arg8[%mul3A_45, %dma_wait3A_113] : memref<10240x128xf32, #tpu.memory_space<vmem_shared>> -> memref<80x128xf32, #tpu.memory_space<vmem_shared>>
      tpu.wait_dma2 semaphore(%run_scoped3A : memref<!tpu.dma_semaphore, #tpu.memory_space<semaphore_mem>>) src(%arg7 : memref<80x128xf32, #tpu.memory_space<vmem>>) dst(%dma_wait3A_114 : memref<80x128xf32, #tpu.memory_space<vmem_shared>>)
      tpu.yield
    }) : () -> ()
    "tpu.region"() ({
      %run_scoped3A = tpu.sem_alloc : memref<!tpu.dma_semaphore, #tpu.memory_space<semaphore_mem>>
      tpu.enqueue_dma source(%arg4 : memref<80x128xf32, #tpu.memory_space<hbm>>) target(%arg7 : memref<80x128xf32, #tpu.memory_space<vmem>>) target_semaphore(%run_scoped3A : memref<!tpu.dma_semaphore, #tpu.memory_space<semaphore_mem>>)
      tpu.wait_dma2 semaphore(%run_scoped3A : memref<!tpu.dma_semaphore, #tpu.memory_space<semaphore_mem>>) src(%arg4 : memref<80x128xf32, #tpu.memory_space<hbm>>) dst(%arg7 : memref<80x128xf32, #tpu.memory_space<vmem>>)
      tpu.yield
    }) : () -> ()
    %barrier3A = arith.constant 0 : index
    tpu.barrier barrier_id(%barrier3A)
    %mul3A_46 = arith.constant 160000 : i32
    %mul3A_47 = arith.muli %arg0, %mul3A_46 : i32
    %mul3A_48 = arith.constant 10000 : i32
    %mul3A_49 = arith.muli %arg1, %mul3A_48 : i32
    %add3A_50 = arith.addi %mul3A_47, %mul3A_49 : i32
    %scan3A = arith.constant 0 : i32
    %scan3A_51 = arith.constant 125 : i32
    %scan3A_52 = arith.addi %scan3A, %scan3A_51 : i32
    %scan3A_53 = arith.constant 1 : i32
    scf.for %scan3A_109 = %scan3A to %scan3A_52 step %scan3A_53  : i32 {
      %mul3A_110 = arith.constant 1 : i32
      %mul3A_111 = arith.muli %scan3A_109, %mul3A_110 : i32
      %add3A_112 = arith.constant 0 : i32
      %add3A_113 = arith.addi %add3A_112, %mul3A_111 : i32
      %mul3A_114 = arith.constant 80 : i32
      %mul3A_115 = arith.muli %add3A_113, %mul3A_114 : i32
      %add3A_116 = arith.addi %add3A_50, %mul3A_115 : i32
      %run_scoped3A = arith.constant 0 : i32
      "tpu.region"() ({
        %run_scoped3A_118 = tpu.sem_alloc : memref<!tpu.dma_semaphore, #tpu.memory_space<semaphore_mem>>
        %dma_start3A = arith.constant 0 : i32
        %dma_start3A_119 = tpu.memref_slice %arg6[%run_scoped3A, %dma_start3A] : memref<1x80xi32, #tpu.memory_space<vmem>> -> memref<1x80xi32, #tpu.memory_space<vmem>>
        %dma_start3A_120 = tpu.memref_squeeze %dma_start3A_119 : memref<1x80xi32, #tpu.memory_space<vmem>> -> memref<80xi32, #tpu.memory_space<vmem>>
        %dma_start3A_121 = tpu.memref_slice %arg2[%add3A_116] : memref<320000xi32, #tpu.memory_space<hbm>> -> memref<80xi32, #tpu.memory_space<hbm>>
        %dma_start3A_122 = arith.constant 0 : i32
        %dma_start3A_123 = tpu.memref_slice %arg6[%run_scoped3A, %dma_start3A_122] : memref<1x80xi32, #tpu.memory_space<vmem>> -> memref<1x80xi32, #tpu.memory_space<vmem>>
        %dma_start3A_124 = tpu.memref_squeeze %dma_start3A_123 : memref<1x80xi32, #tpu.memory_space<vmem>> -> memref<80xi32, #tpu.memory_space<vmem>>
        %dma_start3A_125 = tpu.memref_slice %arg2[%add3A_116] : memref<320000xi32, #tpu.memory_space<hbm>> -> memref<80xi32, #tpu.memory_space<hbm>>
        tpu.enqueue_dma source(%dma_start3A_125 : memref<80xi32, #tpu.memory_space<hbm>>) target(%dma_start3A_124 : memref<80xi32, #tpu.memory_space<vmem>>) target_semaphore(%run_scoped3A_118 : memref<!tpu.dma_semaphore, #tpu.memory_space<semaphore_mem>>)
        %dma_wait3A = arith.constant 0 : i32
        %dma_wait3A_126 = tpu.memref_slice %arg6[%run_scoped3A, %dma_wait3A] : memref<1x80xi32, #tpu.memory_space<vmem>> -> memref<1x80xi32, #tpu.memory_space<vmem>>
        %dma_wait3A_127 = tpu.memref_squeeze %dma_wait3A_126 : memref<1x80xi32, #tpu.memory_space<vmem>> -> memref<80xi32, #tpu.memory_space<vmem>>
        %dma_wait3A_128 = tpu.memref_slice %arg2[%add3A_116] : memref<320000xi32, #tpu.memory_space<hbm>> -> memref<80xi32, #tpu.memory_space<hbm>>
        %dma_wait3A_129 = arith.constant 0 : i32
        %dma_wait3A_130 = tpu.memref_slice %arg6[%run_scoped3A, %dma_wait3A_129] : memref<1x80xi32, #tpu.memory_space<vmem>> -> memref<1x80xi32, #tpu.memory_space<vmem>>
        %dma_wait3A_131 = tpu.memref_squeeze %dma_wait3A_130 : memref<1x80xi32, #tpu.memory_space<vmem>> -> memref<80xi32, #tpu.memory_space<vmem>>
        %dma_wait3A_132 = tpu.memref_slice %arg2[%add3A_116] : memref<320000xi32, #tpu.memory_space<hbm>> -> memref<80xi32, #tpu.memory_space<hbm>>
        tpu.wait_dma2 semaphore(%run_scoped3A_118 : memref<!tpu.dma_semaphore, #tpu.memory_space<semaphore_mem>>) src(%dma_wait3A_132 : memref<80xi32, #tpu.memory_space<hbm>>) dst(%dma_wait3A_131 : memref<80xi32, #tpu.memory_space<vmem>>)
        tpu.yield
      }) : () -> ()
      %run_scoped3A_117 = arith.constant 0 : i32
      "tpu.region"() ({
        %run_scoped3A_118 = tpu.sem_alloc : memref<!tpu.dma_semaphore, #tpu.memory_space<semaphore_mem>>
        %dma_start3A = arith.constant 0 : i32
        %dma_start3A_119 = tpu.memref_slice %arg6[%run_scoped3A_117, %dma_start3A] : memref<1x80xi32, #tpu.memory_space<vmem>> -> memref<1x80xi32, #tpu.memory_space<vmem>>
        %dma_start3A_120 = tpu.memref_squeeze %dma_start3A_119 : memref<1x80xi32, #tpu.memory_space<vmem>> -> memref<80xi32, #tpu.memory_space<vmem>>
        %dma_start3A_121 = arith.constant 0 : i32
        %dma_start3A_122 = arith.constant 0 : i32
        %dma_start3A_123 = tpu.memref_slice %arg8[%dma_start3A_121, %dma_start3A_122] : memref<10240x128xf32, #tpu.memory_space<vmem_shared>> -> memref<10240x128xf32, #tpu.memory_space<vmem_shared>>
        tpu.enqueue_indirect_dma source(%arg7 : memref<80x128xf32, #tpu.memory_space<vmem>>) target(%dma_start3A_123 : memref<10240x128xf32, #tpu.memory_space<vmem_shared>>) offsets(%dma_start3A_120 : memref<80xi32, #tpu.memory_space<vmem>>) semaphore(%run_scoped3A_118 : memref<!tpu.dma_semaphore, #tpu.memory_space<semaphore_mem>>) {add = true}
        %dma_wait3A = arith.constant 0 : i32
        %dma_wait3A_124 = tpu.memref_slice %arg6[%run_scoped3A_117, %dma_wait3A] : memref<1x80xi32, #tpu.memory_space<vmem>> -> memref<1x80xi32, #tpu.memory_space<vmem>>
        %dma_wait3A_125 = tpu.memref_squeeze %dma_wait3A_124 : memref<1x80xi32, #tpu.memory_space<vmem>> -> memref<80xi32, #tpu.memory_space<vmem>>
        %dma_wait3A_126 = arith.constant 0 : i32
        %dma_wait3A_127 = arith.constant 0 : i32
        %dma_wait3A_128 = tpu.memref_slice %arg8[%dma_wait3A_126, %dma_wait3A_127] : memref<10240x128xf32, #tpu.memory_space<vmem_shared>> -> memref<10240x128xf32, #tpu.memory_space<vmem_shared>>
        tpu.wait_indirect_dma semaphore(%run_scoped3A_118 : memref<!tpu.dma_semaphore, #tpu.memory_space<semaphore_mem>>) src(%arg7 : memref<80x128xf32, #tpu.memory_space<vmem>>) dst(%dma_wait3A_128 : memref<10240x128xf32, #tpu.memory_space<vmem_shared>>)
        tpu.yield
      }) : () -> ()
    }
    %scan3A_54 = arith.constant 125 : i32
    %barrier3A_55 = arith.constant 0 : index
    tpu.barrier barrier_id(%barrier3A_55)
    %mul3A_56 = arith.constant 10240 : i32
    %mul3A_57 = arith.muli %arg0, %mul3A_56 : i32
    %mul3A_58 = arith.constant 640 : i32
    %mul3A_59 = arith.muli %arg1, %mul3A_58 : i32
    %add3A_60 = arith.addi %mul3A_57, %mul3A_59 : i32
    %mul3A_61 = arith.constant 640 : i32
    %mul3A_62 = arith.muli %arg1, %mul3A_61 : i32
    %add3A_63 = arith.constant 0 : i32
    %add3A_64 = arith.addi %mul3A_62, %add3A_63 : i32
    "tpu.region"() ({
      %run_scoped3A = tpu.sem_alloc : memref<!tpu.dma_semaphore, #tpu.memory_space<semaphore_mem>>
      %dma_start3A = arith.constant 0 : i32
      %dma_start3A_109 = tpu.memref_slice %arg8[%add3A_64, %dma_start3A] : memref<10240x128xf32, #tpu.memory_space<vmem_shared>> -> memref<80x128xf32, #tpu.memory_space<vmem_shared>>
      %dma_start3A_110 = arith.constant 0 : i32
      %dma_start3A_111 = tpu.memref_slice %arg8[%add3A_64, %dma_start3A_110] : memref<10240x128xf32, #tpu.memory_space<vmem_shared>> -> memref<80x128xf32, #tpu.memory_space<vmem_shared>>
      tpu.enqueue_dma source(%dma_start3A_111 : memref<80x128xf32, #tpu.memory_space<vmem_shared>>) target(%arg7 : memref<80x128xf32, #tpu.memory_space<vmem>>) target_semaphore(%run_scoped3A : memref<!tpu.dma_semaphore, #tpu.memory_space<semaphore_mem>>)
      %dma_wait3A = arith.constant 0 : i32
      %dma_wait3A_112 = tpu.memref_slice %arg8[%add3A_64, %dma_wait3A] : memref<10240x128xf32, #tpu.memory_space<vmem_shared>> -> memref<80x128xf32, #tpu.memory_space<vmem_shared>>
      %dma_wait3A_113 = arith.constant 0 : i32
      %dma_wait3A_114 = tpu.memref_slice %arg8[%add3A_64, %dma_wait3A_113] : memref<10240x128xf32, #tpu.memory_space<vmem_shared>> -> memref<80x128xf32, #tpu.memory_space<vmem_shared>>
      tpu.wait_dma2 semaphore(%run_scoped3A : memref<!tpu.dma_semaphore, #tpu.memory_space<semaphore_mem>>) src(%dma_wait3A_114 : memref<80x128xf32, #tpu.memory_space<vmem_shared>>) dst(%arg7 : memref<80x128xf32, #tpu.memory_space<vmem>>)
      tpu.yield
    }) : () -> ()
    %add3A_65 = arith.constant 0 : i32
    %add3A_66 = arith.addi %add3A_60, %add3A_65 : i32
    "tpu.region"() ({
      %run_scoped3A = tpu.sem_alloc : memref<!tpu.dma_semaphore, #tpu.memory_space<semaphore_mem>>
      %dma_start3A = arith.constant 0 : i32
      %dma_start3A_109 = tpu.memref_slice %arg5[%add3A_66, %dma_start3A] : memref<20480x128xf32, #tpu.memory_space<hbm>> -> memref<80x128xf32, #tpu.memory_space<hbm>>
      %dma_start3A_110 = arith.constant 0 : i32
      %dma_start3A_111 = tpu.memref_slice %arg5[%add3A_66, %dma_start3A_110] : memref<20480x128xf32, #tpu.memory_space<hbm>> -> memref<80x128xf32, #tpu.memory_space<hbm>>
      tpu.enqueue_dma source(%arg7 : memref<80x128xf32, #tpu.memory_space<vmem>>) target(%dma_start3A_111 : memref<80x128xf32, #tpu.memory_space<hbm>>) target_semaphore(%run_scoped3A : memref<!tpu.dma_semaphore, #tpu.memory_space<semaphore_mem>>)
      %dma_wait3A = arith.constant 0 : i32
      %dma_wait3A_112 = tpu.memref_slice %arg5[%add3A_66, %dma_wait3A] : memref<20480x128xf32, #tpu.memory_space<hbm>> -> memref<80x128xf32, #tpu.memory_space<hbm>>
      %dma_wait3A_113 = arith.constant 0 : i32
      %dma_wait3A_114 = tpu.memref_slice %arg5[%add3A_66, %dma_wait3A_113] : memref<20480x128xf32, #tpu.memory_space<hbm>> -> memref<80x128xf32, #tpu.memory_space<hbm>>
      tpu.wait_dma2 semaphore(%run_scoped3A : memref<!tpu.dma_semaphore, #tpu.memory_space<semaphore_mem>>) src(%arg7 : memref<80x128xf32, #tpu.memory_space<vmem>>) dst(%dma_wait3A_114 : memref<80x128xf32, #tpu.memory_space<hbm>>)
      tpu.yield
    }) : () -> ()
    %mul3A_67 = arith.constant 640 : i32
    %mul3A_68 = arith.muli %arg1, %mul3A_67 : i32
    %add3A_69 = arith.constant 80 : i32
    %add3A_70 = arith.addi %mul3A_68, %add3A_69 : i32
    "tpu.region"() ({
      %run_scoped3A = tpu.sem_alloc : memref<!tpu.dma_semaphore, #tpu.memory_space<semaphore_mem>>
      %dma_start3A = arith.constant 0 : i32
      %dma_start3A_109 = tpu.memref_slice %arg8[%add3A_70, %dma_start3A] : memref<10240x128xf32, #tpu.memory_space<vmem_shared>> -> memref<80x128xf32, #tpu.memory_space<vmem_shared>>
      %dma_start3A_110 = arith.constant 0 : i32
      %dma_start3A_111 = tpu.memref_slice %arg8[%add3A_70, %dma_start3A_110] : memref<10240x128xf32, #tpu.memory_space<vmem_shared>> -> memref<80x128xf32, #tpu.memory_space<vmem_shared>>
      tpu.enqueue_dma source(%dma_start3A_111 : memref<80x128xf32, #tpu.memory_space<vmem_shared>>) target(%arg7 : memref<80x128xf32, #tpu.memory_space<vmem>>) target_semaphore(%run_scoped3A : memref<!tpu.dma_semaphore, #tpu.memory_space<semaphore_mem>>)
      %dma_wait3A = arith.constant 0 : i32
      %dma_wait3A_112 = tpu.memref_slice %arg8[%add3A_70, %dma_wait3A] : memref<10240x128xf32, #tpu.memory_space<vmem_shared>> -> memref<80x128xf32, #tpu.memory_space<vmem_shared>>
      %dma_wait3A_113 = arith.constant 0 : i32
      %dma_wait3A_114 = tpu.memref_slice %arg8[%add3A_70, %dma_wait3A_113] : memref<10240x128xf32, #tpu.memory_space<vmem_shared>> -> memref<80x128xf32, #tpu.memory_space<vmem_shared>>
      tpu.wait_dma2 semaphore(%run_scoped3A : memref<!tpu.dma_semaphore, #tpu.memory_space<semaphore_mem>>) src(%dma_wait3A_114 : memref<80x128xf32, #tpu.memory_space<vmem_shared>>) dst(%arg7 : memref<80x128xf32, #tpu.memory_space<vmem>>)
      tpu.yield
    }) : () -> ()
    %add3A_71 = arith.constant 80 : i32
    %add3A_72 = arith.addi %add3A_60, %add3A_71 : i32
    "tpu.region"() ({
      %run_scoped3A = tpu.sem_alloc : memref<!tpu.dma_semaphore, #tpu.memory_space<semaphore_mem>>
      %dma_start3A = arith.constant 0 : i32
      %dma_start3A_109 = tpu.memref_slice %arg5[%add3A_72, %dma_start3A] : memref<20480x128xf32, #tpu.memory_space<hbm>> -> memref<80x128xf32, #tpu.memory_space<hbm>>
      %dma_start3A_110 = arith.constant 0 : i32
      %dma_start3A_111 = tpu.memref_slice %arg5[%add3A_72, %dma_start3A_110] : memref<20480x128xf32, #tpu.memory_space<hbm>> -> memref<80x128xf32, #tpu.memory_space<hbm>>
      tpu.enqueue_dma source(%arg7 : memref<80x128xf32, #tpu.memory_space<vmem>>) target(%dma_start3A_111 : memref<80x128xf32, #tpu.memory_space<hbm>>) target_semaphore(%run_scoped3A : memref<!tpu.dma_semaphore, #tpu.memory_space<semaphore_mem>>)
      %dma_wait3A = arith.constant 0 : i32
      %dma_wait3A_112 = tpu.memref_slice %arg5[%add3A_72, %dma_wait3A] : memref<20480x128xf32, #tpu.memory_space<hbm>> -> memref<80x128xf32, #tpu.memory_space<hbm>>
      %dma_wait3A_113 = arith.constant 0 : i32
      %dma_wait3A_114 = tpu.memref_slice %arg5[%add3A_72, %dma_wait3A_113] : memref<20480x128xf32, #tpu.memory_space<hbm>> -> memref<80x128xf32, #tpu.memory_space<hbm>>
      tpu.wait_dma2 semaphore(%run_scoped3A : memref<!tpu.dma_semaphore, #tpu.memory_space<semaphore_mem>>) src(%arg7 : memref<80x128xf32, #tpu.memory_space<vmem>>) dst(%dma_wait3A_114 : memref<80x128xf32, #tpu.memory_space<hbm>>)
      tpu.yield
    }) : () -> ()
    %mul3A_73 = arith.constant 640 : i32
    %mul3A_74 = arith.muli %arg1, %mul3A_73 : i32
    %add3A_75 = arith.constant 160 : i32
    %add3A_76 = arith.addi %mul3A_74, %add3A_75 : i32
    "tpu.region"() ({
      %run_scoped3A = tpu.sem_alloc : memref<!tpu.dma_semaphore, #tpu.memory_space<semaphore_mem>>
      %dma_start3A = arith.constant 0 : i32
      %dma_start3A_109 = tpu.memref_slice %arg8[%add3A_76, %dma_start3A] : memref<10240x128xf32, #tpu.memory_space<vmem_shared>> -> memref<80x128xf32, #tpu.memory_space<vmem_shared>>
      %dma_start3A_110 = arith.constant 0 : i32
      %dma_start3A_111 = tpu.memref_slice %arg8[%add3A_76, %dma_start3A_110] : memref<10240x128xf32, #tpu.memory_space<vmem_shared>> -> memref<80x128xf32, #tpu.memory_space<vmem_shared>>
      tpu.enqueue_dma source(%dma_start3A_111 : memref<80x128xf32, #tpu.memory_space<vmem_shared>>) target(%arg7 : memref<80x128xf32, #tpu.memory_space<vmem>>) target_semaphore(%run_scoped3A : memref<!tpu.dma_semaphore, #tpu.memory_space<semaphore_mem>>)
      %dma_wait3A = arith.constant 0 : i32
      %dma_wait3A_112 = tpu.memref_slice %arg8[%add3A_76, %dma_wait3A] : memref<10240x128xf32, #tpu.memory_space<vmem_shared>> -> memref<80x128xf32, #tpu.memory_space<vmem_shared>>
      %dma_wait3A_113 = arith.constant 0 : i32
      %dma_wait3A_114 = tpu.memref_slice %arg8[%add3A_76, %dma_wait3A_113] : memref<10240x128xf32, #tpu.memory_space<vmem_shared>> -> memref<80x128xf32, #tpu.memory_space<vmem_shared>>
      tpu.wait_dma2 semaphore(%run_scoped3A : memref<!tpu.dma_semaphore, #tpu.memory_space<semaphore_mem>>) src(%dma_wait3A_114 : memref<80x128xf32, #tpu.memory_space<vmem_shared>>) dst(%arg7 : memref<80x128xf32, #tpu.memory_space<vmem>>)
      tpu.yield
    }) : () -> ()
    %add3A_77 = arith.constant 160 : i32
    %add3A_78 = arith.addi %add3A_60, %add3A_77 : i32
    "tpu.region"() ({
      %run_scoped3A = tpu.sem_alloc : memref<!tpu.dma_semaphore, #tpu.memory_space<semaphore_mem>>
      %dma_start3A = arith.constant 0 : i32
      %dma_start3A_109 = tpu.memref_slice %arg5[%add3A_78, %dma_start3A] : memref<20480x128xf32, #tpu.memory_space<hbm>> -> memref<80x128xf32, #tpu.memory_space<hbm>>
      %dma_start3A_110 = arith.constant 0 : i32
      %dma_start3A_111 = tpu.memref_slice %arg5[%add3A_78, %dma_start3A_110] : memref<20480x128xf32, #tpu.memory_space<hbm>> -> memref<80x128xf32, #tpu.memory_space<hbm>>
      tpu.enqueue_dma source(%arg7 : memref<80x128xf32, #tpu.memory_space<vmem>>) target(%dma_start3A_111 : memref<80x128xf32, #tpu.memory_space<hbm>>) target_semaphore(%run_scoped3A : memref<!tpu.dma_semaphore, #tpu.memory_space<semaphore_mem>>)
      %dma_wait3A = arith.constant 0 : i32
      %dma_wait3A_112 = tpu.memref_slice %arg5[%add3A_78, %dma_wait3A] : memref<20480x128xf32, #tpu.memory_space<hbm>> -> memref<80x128xf32, #tpu.memory_space<hbm>>
      %dma_wait3A_113 = arith.constant 0 : i32
      %dma_wait3A_114 = tpu.memref_slice %arg5[%add3A_78, %dma_wait3A_113] : memref<20480x128xf32, #tpu.memory_space<hbm>> -> memref<80x128xf32, #tpu.memory_space<hbm>>
      tpu.wait_dma2 semaphore(%run_scoped3A : memref<!tpu.dma_semaphore, #tpu.memory_space<semaphore_mem>>) src(%arg7 : memref<80x128xf32, #tpu.memory_space<vmem>>) dst(%dma_wait3A_114 : memref<80x128xf32, #tpu.memory_space<hbm>>)
      tpu.yield
    }) : () -> ()
    %mul3A_79 = arith.constant 640 : i32
    %mul3A_80 = arith.muli %arg1, %mul3A_79 : i32
    %add3A_81 = arith.constant 240 : i32
    %add3A_82 = arith.addi %mul3A_80, %add3A_81 : i32
    "tpu.region"() ({
      %run_scoped3A = tpu.sem_alloc : memref<!tpu.dma_semaphore, #tpu.memory_space<semaphore_mem>>
      %dma_start3A = arith.constant 0 : i32
      %dma_start3A_109 = tpu.memref_slice %arg8[%add3A_82, %dma_start3A] : memref<10240x128xf32, #tpu.memory_space<vmem_shared>> -> memref<80x128xf32, #tpu.memory_space<vmem_shared>>
      %dma_start3A_110 = arith.constant 0 : i32
      %dma_start3A_111 = tpu.memref_slice %arg8[%add3A_82, %dma_start3A_110] : memref<10240x128xf32, #tpu.memory_space<vmem_shared>> -> memref<80x128xf32, #tpu.memory_space<vmem_shared>>
      tpu.enqueue_dma source(%dma_start3A_111 : memref<80x128xf32, #tpu.memory_space<vmem_shared>>) target(%arg7 : memref<80x128xf32, #tpu.memory_space<vmem>>) target_semaphore(%run_scoped3A : memref<!tpu.dma_semaphore, #tpu.memory_space<semaphore_mem>>)
      %dma_wait3A = arith.constant 0 : i32
      %dma_wait3A_112 = tpu.memref_slice %arg8[%add3A_82, %dma_wait3A] : memref<10240x128xf32, #tpu.memory_space<vmem_shared>> -> memref<80x128xf32, #tpu.memory_space<vmem_shared>>
      %dma_wait3A_113 = arith.constant 0 : i32
      %dma_wait3A_114 = tpu.memref_slice %arg8[%add3A_82, %dma_wait3A_113] : memref<10240x128xf32, #tpu.memory_space<vmem_shared>> -> memref<80x128xf32, #tpu.memory_space<vmem_shared>>
      tpu.wait_dma2 semaphore(%run_scoped3A : memref<!tpu.dma_semaphore, #tpu.memory_space<semaphore_mem>>) src(%dma_wait3A_114 : memref<80x128xf32, #tpu.memory_space<vmem_shared>>) dst(%arg7 : memref<80x128xf32, #tpu.memory_space<vmem>>)
      tpu.yield
    }) : () -> ()
    %add3A_83 = arith.constant 240 : i32
    %add3A_84 = arith.addi %add3A_60, %add3A_83 : i32
    "tpu.region"() ({
      %run_scoped3A = tpu.sem_alloc : memref<!tpu.dma_semaphore, #tpu.memory_space<semaphore_mem>>
      %dma_start3A = arith.constant 0 : i32
      %dma_start3A_109 = tpu.memref_slice %arg5[%add3A_84, %dma_start3A] : memref<20480x128xf32, #tpu.memory_space<hbm>> -> memref<80x128xf32, #tpu.memory_space<hbm>>
      %dma_start3A_110 = arith.constant 0 : i32
      %dma_start3A_111 = tpu.memref_slice %arg5[%add3A_84, %dma_start3A_110] : memref<20480x128xf32, #tpu.memory_space<hbm>> -> memref<80x128xf32, #tpu.memory_space<hbm>>
      tpu.enqueue_dma source(%arg7 : memref<80x128xf32, #tpu.memory_space<vmem>>) target(%dma_start3A_111 : memref<80x128xf32, #tpu.memory_space<hbm>>) target_semaphore(%run_scoped3A : memref<!tpu.dma_semaphore, #tpu.memory_space<semaphore_mem>>)
      %dma_wait3A = arith.constant 0 : i32
      %dma_wait3A_112 = tpu.memref_slice %arg5[%add3A_84, %dma_wait3A] : memref<20480x128xf32, #tpu.memory_space<hbm>> -> memref<80x128xf32, #tpu.memory_space<hbm>>
      %dma_wait3A_113 = arith.constant 0 : i32
      %dma_wait3A_114 = tpu.memref_slice %arg5[%add3A_84, %dma_wait3A_113] : memref<20480x128xf32, #tpu.memory_space<hbm>> -> memref<80x128xf32, #tpu.memory_space<hbm>>
      tpu.wait_dma2 semaphore(%run_scoped3A : memref<!tpu.dma_semaphore, #tpu.memory_space<semaphore_mem>>) src(%arg7 : memref<80x128xf32, #tpu.memory_space<vmem>>) dst(%dma_wait3A_114 : memref<80x128xf32, #tpu.memory_space<hbm>>)
      tpu.yield
    }) : () -> ()
    %mul3A_85 = arith.constant 640 : i32
    %mul3A_86 = arith.muli %arg1, %mul3A_85 : i32
    %add3A_87 = arith.constant 320 : i32
    %add3A_88 = arith.addi %mul3A_86, %add3A_87 : i32
    "tpu.region"() ({
      %run_scoped3A = tpu.sem_alloc : memref<!tpu.dma_semaphore, #tpu.memory_space<semaphore_mem>>
      %dma_start3A = arith.constant 0 : i32
      %dma_start3A_109 = tpu.memref_slice %arg8[%add3A_88, %dma_start3A] : memref<10240x128xf32, #tpu.memory_space<vmem_shared>> -> memref<80x128xf32, #tpu.memory_space<vmem_shared>>
      %dma_start3A_110 = arith.constant 0 : i32
      %dma_start3A_111 = tpu.memref_slice %arg8[%add3A_88, %dma_start3A_110] : memref<10240x128xf32, #tpu.memory_space<vmem_shared>> -> memref<80x128xf32, #tpu.memory_space<vmem_shared>>
      tpu.enqueue_dma source(%dma_start3A_111 : memref<80x128xf32, #tpu.memory_space<vmem_shared>>) target(%arg7 : memref<80x128xf32, #tpu.memory_space<vmem>>) target_semaphore(%run_scoped3A : memref<!tpu.dma_semaphore, #tpu.memory_space<semaphore_mem>>)
      %dma_wait3A = arith.constant 0 : i32
      %dma_wait3A_112 = tpu.memref_slice %arg8[%add3A_88, %dma_wait3A] : memref<10240x128xf32, #tpu.memory_space<vmem_shared>> -> memref<80x128xf32, #tpu.memory_space<vmem_shared>>
      %dma_wait3A_113 = arith.constant 0 : i32
      %dma_wait3A_114 = tpu.memref_slice %arg8[%add3A_88, %dma_wait3A_113] : memref<10240x128xf32, #tpu.memory_space<vmem_shared>> -> memref<80x128xf32, #tpu.memory_space<vmem_shared>>
      tpu.wait_dma2 semaphore(%run_scoped3A : memref<!tpu.dma_semaphore, #tpu.memory_space<semaphore_mem>>) src(%dma_wait3A_114 : memref<80x128xf32, #tpu.memory_space<vmem_shared>>) dst(%arg7 : memref<80x128xf32, #tpu.memory_space<vmem>>)
      tpu.yield
    }) : () -> ()
    %add3A_89 = arith.constant 320 : i32
    %add3A_90 = arith.addi %add3A_60, %add3A_89 : i32
    "tpu.region"() ({
      %run_scoped3A = tpu.sem_alloc : memref<!tpu.dma_semaphore, #tpu.memory_space<semaphore_mem>>
      %dma_start3A = arith.constant 0 : i32
      %dma_start3A_109 = tpu.memref_slice %arg5[%add3A_90, %dma_start3A] : memref<20480x128xf32, #tpu.memory_space<hbm>> -> memref<80x128xf32, #tpu.memory_space<hbm>>
      %dma_start3A_110 = arith.constant 0 : i32
      %dma_start3A_111 = tpu.memref_slice %arg5[%add3A_90, %dma_start3A_110] : memref<20480x128xf32, #tpu.memory_space<hbm>> -> memref<80x128xf32, #tpu.memory_space<hbm>>
      tpu.enqueue_dma source(%arg7 : memref<80x128xf32, #tpu.memory_space<vmem>>) target(%dma_start3A_111 : memref<80x128xf32, #tpu.memory_space<hbm>>) target_semaphore(%run_scoped3A : memref<!tpu.dma_semaphore, #tpu.memory_space<semaphore_mem>>)
      %dma_wait3A = arith.constant 0 : i32
      %dma_wait3A_112 = tpu.memref_slice %arg5[%add3A_90, %dma_wait3A] : memref<20480x128xf32, #tpu.memory_space<hbm>> -> memref<80x128xf32, #tpu.memory_space<hbm>>
      %dma_wait3A_113 = arith.constant 0 : i32
      %dma_wait3A_114 = tpu.memref_slice %arg5[%add3A_90, %dma_wait3A_113] : memref<20480x128xf32, #tpu.memory_space<hbm>> -> memref<80x128xf32, #tpu.memory_space<hbm>>
      tpu.wait_dma2 semaphore(%run_scoped3A : memref<!tpu.dma_semaphore, #tpu.memory_space<semaphore_mem>>) src(%arg7 : memref<80x128xf32, #tpu.memory_space<vmem>>) dst(%dma_wait3A_114 : memref<80x128xf32, #tpu.memory_space<hbm>>)
      tpu.yield
    }) : () -> ()
    %mul3A_91 = arith.constant 640 : i32
    %mul3A_92 = arith.muli %arg1, %mul3A_91 : i32
    %add3A_93 = arith.constant 400 : i32
    %add3A_94 = arith.addi %mul3A_92, %add3A_93 : i32
    "tpu.region"() ({
      %run_scoped3A = tpu.sem_alloc : memref<!tpu.dma_semaphore, #tpu.memory_space<semaphore_mem>>
      %dma_start3A = arith.constant 0 : i32
      %dma_start3A_109 = tpu.memref_slice %arg8[%add3A_94, %dma_start3A] : memref<10240x128xf32, #tpu.memory_space<vmem_shared>> -> memref<80x128xf32, #tpu.memory_space<vmem_shared>>
      %dma_start3A_110 = arith.constant 0 : i32
      %dma_start3A_111 = tpu.memref_slice %arg8[%add3A_94, %dma_start3A_110] : memref<10240x128xf32, #tpu.memory_space<vmem_shared>> -> memref<80x128xf32, #tpu.memory_space<vmem_shared>>
      tpu.enqueue_dma source(%dma_start3A_111 : memref<80x128xf32, #tpu.memory_space<vmem_shared>>) target(%arg7 : memref<80x128xf32, #tpu.memory_space<vmem>>) target_semaphore(%run_scoped3A : memref<!tpu.dma_semaphore, #tpu.memory_space<semaphore_mem>>)
      %dma_wait3A = arith.constant 0 : i32
      %dma_wait3A_112 = tpu.memref_slice %arg8[%add3A_94, %dma_wait3A] : memref<10240x128xf32, #tpu.memory_space<vmem_shared>> -> memref<80x128xf32, #tpu.memory_space<vmem_shared>>
      %dma_wait3A_113 = arith.constant 0 : i32
      %dma_wait3A_114 = tpu.memref_slice %arg8[%add3A_94, %dma_wait3A_113] : memref<10240x128xf32, #tpu.memory_space<vmem_shared>> -> memref<80x128xf32, #tpu.memory_space<vmem_shared>>
      tpu.wait_dma2 semaphore(%run_scoped3A : memref<!tpu.dma_semaphore, #tpu.memory_space<semaphore_mem>>) src(%dma_wait3A_114 : memref<80x128xf32, #tpu.memory_space<vmem_shared>>) dst(%arg7 : memref<80x128xf32, #tpu.memory_space<vmem>>)
      tpu.yield
    }) : () -> ()
    %add3A_95 = arith.constant 400 : i32
    %add3A_96 = arith.addi %add3A_60, %add3A_95 : i32
    "tpu.region"() ({
      %run_scoped3A = tpu.sem_alloc : memref<!tpu.dma_semaphore, #tpu.memory_space<semaphore_mem>>
      %dma_start3A = arith.constant 0 : i32
      %dma_start3A_109 = tpu.memref_slice %arg5[%add3A_96, %dma_start3A] : memref<20480x128xf32, #tpu.memory_space<hbm>> -> memref<80x128xf32, #tpu.memory_space<hbm>>
      %dma_start3A_110 = arith.constant 0 : i32
      %dma_start3A_111 = tpu.memref_slice %arg5[%add3A_96, %dma_start3A_110] : memref<20480x128xf32, #tpu.memory_space<hbm>> -> memref<80x128xf32, #tpu.memory_space<hbm>>
      tpu.enqueue_dma source(%arg7 : memref<80x128xf32, #tpu.memory_space<vmem>>) target(%dma_start3A_111 : memref<80x128xf32, #tpu.memory_space<hbm>>) target_semaphore(%run_scoped3A : memref<!tpu.dma_semaphore, #tpu.memory_space<semaphore_mem>>)
      %dma_wait3A = arith.constant 0 : i32
      %dma_wait3A_112 = tpu.memref_slice %arg5[%add3A_96, %dma_wait3A] : memref<20480x128xf32, #tpu.memory_space<hbm>> -> memref<80x128xf32, #tpu.memory_space<hbm>>
      %dma_wait3A_113 = arith.constant 0 : i32
      %dma_wait3A_114 = tpu.memref_slice %arg5[%add3A_96, %dma_wait3A_113] : memref<20480x128xf32, #tpu.memory_space<hbm>> -> memref<80x128xf32, #tpu.memory_space<hbm>>
      tpu.wait_dma2 semaphore(%run_scoped3A : memref<!tpu.dma_semaphore, #tpu.memory_space<semaphore_mem>>) src(%arg7 : memref<80x128xf32, #tpu.memory_space<vmem>>) dst(%dma_wait3A_114 : memref<80x128xf32, #tpu.memory_space<hbm>>)
      tpu.yield
    }) : () -> ()
    %mul3A_97 = arith.constant 640 : i32
    %mul3A_98 = arith.muli %arg1, %mul3A_97 : i32
    %add3A_99 = arith.constant 480 : i32
    %add3A_100 = arith.addi %mul3A_98, %add3A_99 : i32
    "tpu.region"() ({
      %run_scoped3A = tpu.sem_alloc : memref<!tpu.dma_semaphore, #tpu.memory_space<semaphore_mem>>
      %dma_start3A = arith.constant 0 : i32
      %dma_start3A_109 = tpu.memref_slice %arg8[%add3A_100, %dma_start3A] : memref<10240x128xf32, #tpu.memory_space<vmem_shared>> -> memref<80x128xf32, #tpu.memory_space<vmem_shared>>
      %dma_start3A_110 = arith.constant 0 : i32
      %dma_start3A_111 = tpu.memref_slice %arg8[%add3A_100, %dma_start3A_110] : memref<10240x128xf32, #tpu.memory_space<vmem_shared>> -> memref<80x128xf32, #tpu.memory_space<vmem_shared>>
      tpu.enqueue_dma source(%dma_start3A_111 : memref<80x128xf32, #tpu.memory_space<vmem_shared>>) target(%arg7 : memref<80x128xf32, #tpu.memory_space<vmem>>) target_semaphore(%run_scoped3A : memref<!tpu.dma_semaphore, #tpu.memory_space<semaphore_mem>>)
      %dma_wait3A = arith.constant 0 : i32
      %dma_wait3A_112 = tpu.memref_slice %arg8[%add3A_100, %dma_wait3A] : memref<10240x128xf32, #tpu.memory_space<vmem_shared>> -> memref<80x128xf32, #tpu.memory_space<vmem_shared>>
      %dma_wait3A_113 = arith.constant 0 : i32
      %dma_wait3A_114 = tpu.memref_slice %arg8[%add3A_100, %dma_wait3A_113] : memref<10240x128xf32, #tpu.memory_space<vmem_shared>> -> memref<80x128xf32, #tpu.memory_space<vmem_shared>>
      tpu.wait_dma2 semaphore(%run_scoped3A : memref<!tpu.dma_semaphore, #tpu.memory_space<semaphore_mem>>) src(%dma_wait3A_114 : memref<80x128xf32, #tpu.memory_space<vmem_shared>>) dst(%arg7 : memref<80x128xf32, #tpu.memory_space<vmem>>)
      tpu.yield
    }) : () -> ()
    %add3A_101 = arith.constant 480 : i32
    %add3A_102 = arith.addi %add3A_60, %add3A_101 : i32
    "tpu.region"() ({
      %run_scoped3A = tpu.sem_alloc : memref<!tpu.dma_semaphore, #tpu.memory_space<semaphore_mem>>
      %dma_start3A = arith.constant 0 : i32
      %dma_start3A_109 = tpu.memref_slice %arg5[%add3A_102, %dma_start3A] : memref<20480x128xf32, #tpu.memory_space<hbm>> -> memref<80x128xf32, #tpu.memory_space<hbm>>
      %dma_start3A_110 = arith.constant 0 : i32
      %dma_start3A_111 = tpu.memref_slice %arg5[%add3A_102, %dma_start3A_110] : memref<20480x128xf32, #tpu.memory_space<hbm>> -> memref<80x128xf32, #tpu.memory_space<hbm>>
      tpu.enqueue_dma source(%arg7 : memref<80x128xf32, #tpu.memory_space<vmem>>) target(%dma_start3A_111 : memref<80x128xf32, #tpu.memory_space<hbm>>) target_semaphore(%run_scoped3A : memref<!tpu.dma_semaphore, #tpu.memory_space<semaphore_mem>>)
      %dma_wait3A = arith.constant 0 : i32
      %dma_wait3A_112 = tpu.memref_slice %arg5[%add3A_102, %dma_wait3A] : memref<20480x128xf32, #tpu.memory_space<hbm>> -> memref<80x128xf32, #tpu.memory_space<hbm>>
      %dma_wait3A_113 = arith.constant 0 : i32
      %dma_wait3A_114 = tpu.memref_slice %arg5[%add3A_102, %dma_wait3A_113] : memref<20480x128xf32, #tpu.memory_space<hbm>> -> memref<80x128xf32, #tpu.memory_space<hbm>>
      tpu.wait_dma2 semaphore(%run_scoped3A : memref<!tpu.dma_semaphore, #tpu.memory_space<semaphore_mem>>) src(%arg7 : memref<80x128xf32, #tpu.memory_space<vmem>>) dst(%dma_wait3A_114 : memref<80x128xf32, #tpu.memory_space<hbm>>)
      tpu.yield
    }) : () -> ()
    %mul3A_103 = arith.constant 640 : i32
    %mul3A_104 = arith.muli %arg1, %mul3A_103 : i32
    %add3A_105 = arith.constant 560 : i32
    %add3A_106 = arith.addi %mul3A_104, %add3A_105 : i32
    "tpu.region"() ({
      %run_scoped3A = tpu.sem_alloc : memref<!tpu.dma_semaphore, #tpu.memory_space<semaphore_mem>>
      %dma_start3A = arith.constant 0 : i32
      %dma_start3A_109 = tpu.memref_slice %arg8[%add3A_106, %dma_start3A] : memref<10240x128xf32, #tpu.memory_space<vmem_shared>> -> memref<80x128xf32, #tpu.memory_space<vmem_shared>>
      %dma_start3A_110 = arith.constant 0 : i32
      %dma_start3A_111 = tpu.memref_slice %arg8[%add3A_106, %dma_start3A_110] : memref<10240x128xf32, #tpu.memory_space<vmem_shared>> -> memref<80x128xf32, #tpu.memory_space<vmem_shared>>
      tpu.enqueue_dma source(%dma_start3A_111 : memref<80x128xf32, #tpu.memory_space<vmem_shared>>) target(%arg7 : memref<80x128xf32, #tpu.memory_space<vmem>>) target_semaphore(%run_scoped3A : memref<!tpu.dma_semaphore, #tpu.memory_space<semaphore_mem>>)
      %dma_wait3A = arith.constant 0 : i32
      %dma_wait3A_112 = tpu.memref_slice %arg8[%add3A_106, %dma_wait3A] : memref<10240x128xf32, #tpu.memory_space<vmem_shared>> -> memref<80x128xf32, #tpu.memory_space<vmem_shared>>
      %dma_wait3A_113 = arith.constant 0 : i32
      %dma_wait3A_114 = tpu.memref_slice %arg8[%add3A_106, %dma_wait3A_113] : memref<10240x128xf32, #tpu.memory_space<vmem_shared>> -> memref<80x128xf32, #tpu.memory_space<vmem_shared>>
      tpu.wait_dma2 semaphore(%run_scoped3A : memref<!tpu.dma_semaphore, #tpu.memory_space<semaphore_mem>>) src(%dma_wait3A_114 : memref<80x128xf32, #tpu.memory_space<vmem_shared>>) dst(%arg7 : memref<80x128xf32, #tpu.memory_space<vmem>>)
      tpu.yield
    }) : () -> ()
    %add3A_107 = arith.constant 560 : i32
    %add3A_108 = arith.addi %add3A_60, %add3A_107 : i32
    "tpu.region"() ({
      %run_scoped3A = tpu.sem_alloc : memref<!tpu.dma_semaphore, #tpu.memory_space<semaphore_mem>>
      %dma_start3A = arith.constant 0 : i32
      %dma_start3A_109 = tpu.memref_slice %arg5[%add3A_108, %dma_start3A] : memref<20480x128xf32, #tpu.memory_space<hbm>> -> memref<80x128xf32, #tpu.memory_space<hbm>>
      %dma_start3A_110 = arith.constant 0 : i32
      %dma_start3A_111 = tpu.memref_slice %arg5[%add3A_108, %dma_start3A_110] : memref<20480x128xf32, #tpu.memory_space<hbm>> -> memref<80x128xf32, #tpu.memory_space<hbm>>
      tpu.enqueue_dma source(%arg7 : memref<80x128xf32, #tpu.memory_space<vmem>>) target(%dma_start3A_111 : memref<80x128xf32, #tpu.memory_space<hbm>>) target_semaphore(%run_scoped3A : memref<!tpu.dma_semaphore, #tpu.memory_space<semaphore_mem>>)
      %dma_wait3A = arith.constant 0 : i32
      %dma_wait3A_112 = tpu.memref_slice %arg5[%add3A_108, %dma_wait3A] : memref<20480x128xf32, #tpu.memory_space<hbm>> -> memref<80x128xf32, #tpu.memory_space<hbm>>
      %dma_wait3A_113 = arith.constant 0 : i32
      %dma_wait3A_114 = tpu.memref_slice %arg5[%add3A_108, %dma_wait3A_113] : memref<20480x128xf32, #tpu.memory_space<hbm>> -> memref<80x128xf32, #tpu.memory_space<hbm>>
      tpu.wait_dma2 semaphore(%run_scoped3A : memref<!tpu.dma_semaphore, #tpu.memory_space<semaphore_mem>>) src(%arg7 : memref<80x128xf32, #tpu.memory_space<vmem>>) dst(%dma_wait3A_114 : memref<80x128xf32, #tpu.memory_space<hbm>>)
      tpu.yield
    }) : () -> ()
    return
  }
}

#map = affine_map<(d0, d1) -> (0, 0)>
#map1 = affine_map<(d0, d1) -> (0)>
module attributes {stable_mosaic.version = 14 : i64} {
  func.func @body(%arg0: i32, %arg1: i32, %arg2: memref<20480x128xf32, #tpu.memory_space<hbm>>, %arg3: memref<640000xi32, #tpu.memory_space<hbm>>, %arg4: memref<320000xi32, #tpu.memory_space<hbm>>, %arg5: memref<80x128xf32, #tpu.memory_space<hbm>>, %arg6: memref<20480x128xf32, #tpu.memory_space<hbm>>, %arg7: memref<80xi32, #tpu.memory_space<vmem>>, %arg8: memref<1x80xi32, #tpu.memory_space<vmem>>, %arg9: memref<80x128xf32, #tpu.memory_space<vmem>>, %arg10: memref<10240x128xf32, #tpu.memory_space<vmem_shared>>) attributes {dimension_semantics = [#tpu.dimension_semantics<core_parallel>, #tpu.dimension_semantics<subcore_parallel>], iteration_bounds = array<i64: 2, 16>, scalar_prefetch = 0 : i64, scratch_operands = 4 : i64, tpu.core_type = #tpu.core_type<sc_vector_subcore>, window_params = [{transform_indices = #map}, {transform_indices = #map1}, {transform_indices = #map1}, {transform_indices = #map}, {transform_indices = #map}]} {
    "tpu.region"() ({
      %run_scoped3A = tpu.sem_alloc : memref<!tpu.dma_semaphore, #tpu.memory_space<semaphore_mem>>
      tpu.enqueue_dma source(%arg5 : memref<80x128xf32, #tpu.memory_space<hbm>>) target(%arg9 : memref<80x128xf32, #tpu.memory_space<vmem>>) target_semaphore(%run_scoped3A : memref<!tpu.dma_semaphore, #tpu.memory_space<semaphore_mem>>)
      tpu.wait_dma2 semaphore(%run_scoped3A : memref<!tpu.dma_semaphore, #tpu.memory_space<semaphore_mem>>) src(%arg5 : memref<80x128xf32, #tpu.memory_space<hbm>>) dst(%arg9 : memref<80x128xf32, #tpu.memory_space<vmem>>)
      tpu.yield
    }) : () -> ()
    %mul3A = arith.constant 8 : i32
    %mul3A_0 = arith.muli %arg1, %mul3A : i32
    %add3A = arith.constant 0 : i32
    %add3A_1 = arith.addi %mul3A_0, %add3A : i32
    %mul3A_2 = arith.constant 80 : i32
    %mul3A_3 = arith.muli %add3A_1, %mul3A_2 : i32
    "tpu.region"() ({
      %run_scoped3A = tpu.sem_alloc : memref<!tpu.dma_semaphore, #tpu.memory_space<semaphore_mem>>
      %dma_start3A = arith.constant 0 : i32
      %dma_start3A_111 = tpu.memref_slice %arg10[%mul3A_3, %dma_start3A] : memref<10240x128xf32, #tpu.memory_space<vmem_shared>> -> memref<80x128xf32, #tpu.memory_space<vmem_shared>>
      %dma_start3A_112 = arith.constant 0 : i32
      %dma_start3A_113 = tpu.memref_slice %arg10[%mul3A_3, %dma_start3A_112] : memref<10240x128xf32, #tpu.memory_space<vmem_shared>> -> memref<80x128xf32, #tpu.memory_space<vmem_shared>>
      tpu.enqueue_dma source(%arg9 : memref<80x128xf32, #tpu.memory_space<vmem>>) target(%dma_start3A_113 : memref<80x128xf32, #tpu.memory_space<vmem_shared>>) target_semaphore(%run_scoped3A : memref<!tpu.dma_semaphore, #tpu.memory_space<semaphore_mem>>)
      %dma_wait3A = arith.constant 0 : i32
      %dma_wait3A_114 = tpu.memref_slice %arg10[%mul3A_3, %dma_wait3A] : memref<10240x128xf32, #tpu.memory_space<vmem_shared>> -> memref<80x128xf32, #tpu.memory_space<vmem_shared>>
      %dma_wait3A_115 = arith.constant 0 : i32
      %dma_wait3A_116 = tpu.memref_slice %arg10[%mul3A_3, %dma_wait3A_115] : memref<10240x128xf32, #tpu.memory_space<vmem_shared>> -> memref<80x128xf32, #tpu.memory_space<vmem_shared>>
      tpu.wait_dma2 semaphore(%run_scoped3A : memref<!tpu.dma_semaphore, #tpu.memory_space<semaphore_mem>>) src(%arg9 : memref<80x128xf32, #tpu.memory_space<vmem>>) dst(%dma_wait3A_116 : memref<80x128xf32, #tpu.memory_space<vmem_shared>>)
      tpu.yield
    }) : () -> ()
    %mul3A_4 = arith.constant 8 : i32
    %mul3A_5 = arith.muli %arg1, %mul3A_4 : i32
    %add3A_6 = arith.constant 1 : i32
    %add3A_7 = arith.addi %mul3A_5, %add3A_6 : i32
    %mul3A_8 = arith.constant 80 : i32
    %mul3A_9 = arith.muli %add3A_7, %mul3A_8 : i32
    "tpu.region"() ({
      %run_scoped3A = tpu.sem_alloc : memref<!tpu.dma_semaphore, #tpu.memory_space<semaphore_mem>>
      %dma_start3A = arith.constant 0 : i32
      %dma_start3A_111 = tpu.memref_slice %arg10[%mul3A_9, %dma_start3A] : memref<10240x128xf32, #tpu.memory_space<vmem_shared>> -> memref<80x128xf32, #tpu.memory_space<vmem_shared>>
      %dma_start3A_112 = arith.constant 0 : i32
      %dma_start3A_113 = tpu.memref_slice %arg10[%mul3A_9, %dma_start3A_112] : memref<10240x128xf32, #tpu.memory_space<vmem_shared>> -> memref<80x128xf32, #tpu.memory_space<vmem_shared>>
      tpu.enqueue_dma source(%arg9 : memref<80x128xf32, #tpu.memory_space<vmem>>) target(%dma_start3A_113 : memref<80x128xf32, #tpu.memory_space<vmem_shared>>) target_semaphore(%run_scoped3A : memref<!tpu.dma_semaphore, #tpu.memory_space<semaphore_mem>>)
      %dma_wait3A = arith.constant 0 : i32
      %dma_wait3A_114 = tpu.memref_slice %arg10[%mul3A_9, %dma_wait3A] : memref<10240x128xf32, #tpu.memory_space<vmem_shared>> -> memref<80x128xf32, #tpu.memory_space<vmem_shared>>
      %dma_wait3A_115 = arith.constant 0 : i32
      %dma_wait3A_116 = tpu.memref_slice %arg10[%mul3A_9, %dma_wait3A_115] : memref<10240x128xf32, #tpu.memory_space<vmem_shared>> -> memref<80x128xf32, #tpu.memory_space<vmem_shared>>
      tpu.wait_dma2 semaphore(%run_scoped3A : memref<!tpu.dma_semaphore, #tpu.memory_space<semaphore_mem>>) src(%arg9 : memref<80x128xf32, #tpu.memory_space<vmem>>) dst(%dma_wait3A_116 : memref<80x128xf32, #tpu.memory_space<vmem_shared>>)
      tpu.yield
    }) : () -> ()
    %mul3A_10 = arith.constant 8 : i32
    %mul3A_11 = arith.muli %arg1, %mul3A_10 : i32
    %add3A_12 = arith.constant 2 : i32
    %add3A_13 = arith.addi %mul3A_11, %add3A_12 : i32
    %mul3A_14 = arith.constant 80 : i32
    %mul3A_15 = arith.muli %add3A_13, %mul3A_14 : i32
    "tpu.region"() ({
      %run_scoped3A = tpu.sem_alloc : memref<!tpu.dma_semaphore, #tpu.memory_space<semaphore_mem>>
      %dma_start3A = arith.constant 0 : i32
      %dma_start3A_111 = tpu.memref_slice %arg10[%mul3A_15, %dma_start3A] : memref<10240x128xf32, #tpu.memory_space<vmem_shared>> -> memref<80x128xf32, #tpu.memory_space<vmem_shared>>
      %dma_start3A_112 = arith.constant 0 : i32
      %dma_start3A_113 = tpu.memref_slice %arg10[%mul3A_15, %dma_start3A_112] : memref<10240x128xf32, #tpu.memory_space<vmem_shared>> -> memref<80x128xf32, #tpu.memory_space<vmem_shared>>
      tpu.enqueue_dma source(%arg9 : memref<80x128xf32, #tpu.memory_space<vmem>>) target(%dma_start3A_113 : memref<80x128xf32, #tpu.memory_space<vmem_shared>>) target_semaphore(%run_scoped3A : memref<!tpu.dma_semaphore, #tpu.memory_space<semaphore_mem>>)
      %dma_wait3A = arith.constant 0 : i32
      %dma_wait3A_114 = tpu.memref_slice %arg10[%mul3A_15, %dma_wait3A] : memref<10240x128xf32, #tpu.memory_space<vmem_shared>> -> memref<80x128xf32, #tpu.memory_space<vmem_shared>>
      %dma_wait3A_115 = arith.constant 0 : i32
      %dma_wait3A_116 = tpu.memref_slice %arg10[%mul3A_15, %dma_wait3A_115] : memref<10240x128xf32, #tpu.memory_space<vmem_shared>> -> memref<80x128xf32, #tpu.memory_space<vmem_shared>>
      tpu.wait_dma2 semaphore(%run_scoped3A : memref<!tpu.dma_semaphore, #tpu.memory_space<semaphore_mem>>) src(%arg9 : memref<80x128xf32, #tpu.memory_space<vmem>>) dst(%dma_wait3A_116 : memref<80x128xf32, #tpu.memory_space<vmem_shared>>)
      tpu.yield
    }) : () -> ()
    %mul3A_16 = arith.constant 8 : i32
    %mul3A_17 = arith.muli %arg1, %mul3A_16 : i32
    %add3A_18 = arith.constant 3 : i32
    %add3A_19 = arith.addi %mul3A_17, %add3A_18 : i32
    %mul3A_20 = arith.constant 80 : i32
    %mul3A_21 = arith.muli %add3A_19, %mul3A_20 : i32
    "tpu.region"() ({
      %run_scoped3A = tpu.sem_alloc : memref<!tpu.dma_semaphore, #tpu.memory_space<semaphore_mem>>
      %dma_start3A = arith.constant 0 : i32
      %dma_start3A_111 = tpu.memref_slice %arg10[%mul3A_21, %dma_start3A] : memref<10240x128xf32, #tpu.memory_space<vmem_shared>> -> memref<80x128xf32, #tpu.memory_space<vmem_shared>>
      %dma_start3A_112 = arith.constant 0 : i32
      %dma_start3A_113 = tpu.memref_slice %arg10[%mul3A_21, %dma_start3A_112] : memref<10240x128xf32, #tpu.memory_space<vmem_shared>> -> memref<80x128xf32, #tpu.memory_space<vmem_shared>>
      tpu.enqueue_dma source(%arg9 : memref<80x128xf32, #tpu.memory_space<vmem>>) target(%dma_start3A_113 : memref<80x128xf32, #tpu.memory_space<vmem_shared>>) target_semaphore(%run_scoped3A : memref<!tpu.dma_semaphore, #tpu.memory_space<semaphore_mem>>)
      %dma_wait3A = arith.constant 0 : i32
      %dma_wait3A_114 = tpu.memref_slice %arg10[%mul3A_21, %dma_wait3A] : memref<10240x128xf32, #tpu.memory_space<vmem_shared>> -> memref<80x128xf32, #tpu.memory_space<vmem_shared>>
      %dma_wait3A_115 = arith.constant 0 : i32
      %dma_wait3A_116 = tpu.memref_slice %arg10[%mul3A_21, %dma_wait3A_115] : memref<10240x128xf32, #tpu.memory_space<vmem_shared>> -> memref<80x128xf32, #tpu.memory_space<vmem_shared>>
      tpu.wait_dma2 semaphore(%run_scoped3A : memref<!tpu.dma_semaphore, #tpu.memory_space<semaphore_mem>>) src(%arg9 : memref<80x128xf32, #tpu.memory_space<vmem>>) dst(%dma_wait3A_116 : memref<80x128xf32, #tpu.memory_space<vmem_shared>>)
      tpu.yield
    }) : () -> ()
    %mul3A_22 = arith.constant 8 : i32
    %mul3A_23 = arith.muli %arg1, %mul3A_22 : i32
    %add3A_24 = arith.constant 4 : i32
    %add3A_25 = arith.addi %mul3A_23, %add3A_24 : i32
    %mul3A_26 = arith.constant 80 : i32
    %mul3A_27 = arith.muli %add3A_25, %mul3A_26 : i32
    "tpu.region"() ({
      %run_scoped3A = tpu.sem_alloc : memref<!tpu.dma_semaphore, #tpu.memory_space<semaphore_mem>>
      %dma_start3A = arith.constant 0 : i32
      %dma_start3A_111 = tpu.memref_slice %arg10[%mul3A_27, %dma_start3A] : memref<10240x128xf32, #tpu.memory_space<vmem_shared>> -> memref<80x128xf32, #tpu.memory_space<vmem_shared>>
      %dma_start3A_112 = arith.constant 0 : i32
      %dma_start3A_113 = tpu.memref_slice %arg10[%mul3A_27, %dma_start3A_112] : memref<10240x128xf32, #tpu.memory_space<vmem_shared>> -> memref<80x128xf32, #tpu.memory_space<vmem_shared>>
      tpu.enqueue_dma source(%arg9 : memref<80x128xf32, #tpu.memory_space<vmem>>) target(%dma_start3A_113 : memref<80x128xf32, #tpu.memory_space<vmem_shared>>) target_semaphore(%run_scoped3A : memref<!tpu.dma_semaphore, #tpu.memory_space<semaphore_mem>>)
      %dma_wait3A = arith.constant 0 : i32
      %dma_wait3A_114 = tpu.memref_slice %arg10[%mul3A_27, %dma_wait3A] : memref<10240x128xf32, #tpu.memory_space<vmem_shared>> -> memref<80x128xf32, #tpu.memory_space<vmem_shared>>
      %dma_wait3A_115 = arith.constant 0 : i32
      %dma_wait3A_116 = tpu.memref_slice %arg10[%mul3A_27, %dma_wait3A_115] : memref<10240x128xf32, #tpu.memory_space<vmem_shared>> -> memref<80x128xf32, #tpu.memory_space<vmem_shared>>
      tpu.wait_dma2 semaphore(%run_scoped3A : memref<!tpu.dma_semaphore, #tpu.memory_space<semaphore_mem>>) src(%arg9 : memref<80x128xf32, #tpu.memory_space<vmem>>) dst(%dma_wait3A_116 : memref<80x128xf32, #tpu.memory_space<vmem_shared>>)
      tpu.yield
    }) : () -> ()
    %mul3A_28 = arith.constant 8 : i32
    %mul3A_29 = arith.muli %arg1, %mul3A_28 : i32
    %add3A_30 = arith.constant 5 : i32
    %add3A_31 = arith.addi %mul3A_29, %add3A_30 : i32
    %mul3A_32 = arith.constant 80 : i32
    %mul3A_33 = arith.muli %add3A_31, %mul3A_32 : i32
    "tpu.region"() ({
      %run_scoped3A = tpu.sem_alloc : memref<!tpu.dma_semaphore, #tpu.memory_space<semaphore_mem>>
      %dma_start3A = arith.constant 0 : i32
      %dma_start3A_111 = tpu.memref_slice %arg10[%mul3A_33, %dma_start3A] : memref<10240x128xf32, #tpu.memory_space<vmem_shared>> -> memref<80x128xf32, #tpu.memory_space<vmem_shared>>
      %dma_start3A_112 = arith.constant 0 : i32
      %dma_start3A_113 = tpu.memref_slice %arg10[%mul3A_33, %dma_start3A_112] : memref<10240x128xf32, #tpu.memory_space<vmem_shared>> -> memref<80x128xf32, #tpu.memory_space<vmem_shared>>
      tpu.enqueue_dma source(%arg9 : memref<80x128xf32, #tpu.memory_space<vmem>>) target(%dma_start3A_113 : memref<80x128xf32, #tpu.memory_space<vmem_shared>>) target_semaphore(%run_scoped3A : memref<!tpu.dma_semaphore, #tpu.memory_space<semaphore_mem>>)
      %dma_wait3A = arith.constant 0 : i32
      %dma_wait3A_114 = tpu.memref_slice %arg10[%mul3A_33, %dma_wait3A] : memref<10240x128xf32, #tpu.memory_space<vmem_shared>> -> memref<80x128xf32, #tpu.memory_space<vmem_shared>>
      %dma_wait3A_115 = arith.constant 0 : i32
      %dma_wait3A_116 = tpu.memref_slice %arg10[%mul3A_33, %dma_wait3A_115] : memref<10240x128xf32, #tpu.memory_space<vmem_shared>> -> memref<80x128xf32, #tpu.memory_space<vmem_shared>>
      tpu.wait_dma2 semaphore(%run_scoped3A : memref<!tpu.dma_semaphore, #tpu.memory_space<semaphore_mem>>) src(%arg9 : memref<80x128xf32, #tpu.memory_space<vmem>>) dst(%dma_wait3A_116 : memref<80x128xf32, #tpu.memory_space<vmem_shared>>)
      tpu.yield
    }) : () -> ()
    %mul3A_34 = arith.constant 8 : i32
    %mul3A_35 = arith.muli %arg1, %mul3A_34 : i32
    %add3A_36 = arith.constant 6 : i32
    %add3A_37 = arith.addi %mul3A_35, %add3A_36 : i32
    %mul3A_38 = arith.constant 80 : i32
    %mul3A_39 = arith.muli %add3A_37, %mul3A_38 : i32
    "tpu.region"() ({
      %run_scoped3A = tpu.sem_alloc : memref<!tpu.dma_semaphore, #tpu.memory_space<semaphore_mem>>
      %dma_start3A = arith.constant 0 : i32
      %dma_start3A_111 = tpu.memref_slice %arg10[%mul3A_39, %dma_start3A] : memref<10240x128xf32, #tpu.memory_space<vmem_shared>> -> memref<80x128xf32, #tpu.memory_space<vmem_shared>>
      %dma_start3A_112 = arith.constant 0 : i32
      %dma_start3A_113 = tpu.memref_slice %arg10[%mul3A_39, %dma_start3A_112] : memref<10240x128xf32, #tpu.memory_space<vmem_shared>> -> memref<80x128xf32, #tpu.memory_space<vmem_shared>>
      tpu.enqueue_dma source(%arg9 : memref<80x128xf32, #tpu.memory_space<vmem>>) target(%dma_start3A_113 : memref<80x128xf32, #tpu.memory_space<vmem_shared>>) target_semaphore(%run_scoped3A : memref<!tpu.dma_semaphore, #tpu.memory_space<semaphore_mem>>)
      %dma_wait3A = arith.constant 0 : i32
      %dma_wait3A_114 = tpu.memref_slice %arg10[%mul3A_39, %dma_wait3A] : memref<10240x128xf32, #tpu.memory_space<vmem_shared>> -> memref<80x128xf32, #tpu.memory_space<vmem_shared>>
      %dma_wait3A_115 = arith.constant 0 : i32
      %dma_wait3A_116 = tpu.memref_slice %arg10[%mul3A_39, %dma_wait3A_115] : memref<10240x128xf32, #tpu.memory_space<vmem_shared>> -> memref<80x128xf32, #tpu.memory_space<vmem_shared>>
      tpu.wait_dma2 semaphore(%run_scoped3A : memref<!tpu.dma_semaphore, #tpu.memory_space<semaphore_mem>>) src(%arg9 : memref<80x128xf32, #tpu.memory_space<vmem>>) dst(%dma_wait3A_116 : memref<80x128xf32, #tpu.memory_space<vmem_shared>>)
      tpu.yield
    }) : () -> ()
    %mul3A_40 = arith.constant 8 : i32
    %mul3A_41 = arith.muli %arg1, %mul3A_40 : i32
    %add3A_42 = arith.constant 7 : i32
    %add3A_43 = arith.addi %mul3A_41, %add3A_42 : i32
    %mul3A_44 = arith.constant 80 : i32
    %mul3A_45 = arith.muli %add3A_43, %mul3A_44 : i32
    "tpu.region"() ({
      %run_scoped3A = tpu.sem_alloc : memref<!tpu.dma_semaphore, #tpu.memory_space<semaphore_mem>>
      %dma_start3A = arith.constant 0 : i32
      %dma_start3A_111 = tpu.memref_slice %arg10[%mul3A_45, %dma_start3A] : memref<10240x128xf32, #tpu.memory_space<vmem_shared>> -> memref<80x128xf32, #tpu.memory_space<vmem_shared>>
      %dma_start3A_112 = arith.constant 0 : i32
      %dma_start3A_113 = tpu.memref_slice %arg10[%mul3A_45, %dma_start3A_112] : memref<10240x128xf32, #tpu.memory_space<vmem_shared>> -> memref<80x128xf32, #tpu.memory_space<vmem_shared>>
      tpu.enqueue_dma source(%arg9 : memref<80x128xf32, #tpu.memory_space<vmem>>) target(%dma_start3A_113 : memref<80x128xf32, #tpu.memory_space<vmem_shared>>) target_semaphore(%run_scoped3A : memref<!tpu.dma_semaphore, #tpu.memory_space<semaphore_mem>>)
      %dma_wait3A = arith.constant 0 : i32
      %dma_wait3A_114 = tpu.memref_slice %arg10[%mul3A_45, %dma_wait3A] : memref<10240x128xf32, #tpu.memory_space<vmem_shared>> -> memref<80x128xf32, #tpu.memory_space<vmem_shared>>
      %dma_wait3A_115 = arith.constant 0 : i32
      %dma_wait3A_116 = tpu.memref_slice %arg10[%mul3A_45, %dma_wait3A_115] : memref<10240x128xf32, #tpu.memory_space<vmem_shared>> -> memref<80x128xf32, #tpu.memory_space<vmem_shared>>
      tpu.wait_dma2 semaphore(%run_scoped3A : memref<!tpu.dma_semaphore, #tpu.memory_space<semaphore_mem>>) src(%arg9 : memref<80x128xf32, #tpu.memory_space<vmem>>) dst(%dma_wait3A_116 : memref<80x128xf32, #tpu.memory_space<vmem_shared>>)
      tpu.yield
    }) : () -> ()
    %barrier3A = arith.constant 0 : index
    tpu.barrier barrier_id(%barrier3A)
    %mul3A_46 = arith.constant 320000 : i32
    %mul3A_47 = arith.muli %arg0, %mul3A_46 : i32
    %mul3A_48 = arith.constant 20000 : i32
    %mul3A_49 = arith.muli %arg1, %mul3A_48 : i32
    %add3A_50 = arith.addi %mul3A_47, %mul3A_49 : i32
    %mul3A_51 = arith.constant 20000 : i32
    %mul3A_52 = arith.muli %arg1, %mul3A_51 : i32
    %scan3A = arith.constant 0 : i32
    %scan3A_53 = arith.constant 250 : i32
    %scan3A_54 = arith.addi %scan3A, %scan3A_53 : i32
    %scan3A_55 = arith.constant 1 : i32
    scf.for %scan3A_111 = %scan3A to %scan3A_54 step %scan3A_55  : i32 {
      %mul3A_112 = arith.constant 1 : i32
      %mul3A_113 = arith.muli %scan3A_111, %mul3A_112 : i32
      %add3A_114 = arith.constant 0 : i32
      %add3A_115 = arith.addi %add3A_114, %mul3A_113 : i32
      %mul3A_116 = arith.constant 80 : i32
      %mul3A_117 = arith.muli %add3A_115, %mul3A_116 : i32
      %add3A_118 = arith.addi %add3A_50, %mul3A_117 : i32
      "tpu.region"() ({
        %run_scoped3A_123 = tpu.sem_alloc : memref<!tpu.dma_semaphore, #tpu.memory_space<semaphore_mem>>
        %dma_start3A = tpu.memref_slice %arg3[%add3A_118] : memref<640000xi32, #tpu.memory_space<hbm>> -> memref<80xi32, #tpu.memory_space<hbm>>
        %dma_start3A_124 = tpu.memref_slice %arg3[%add3A_118] : memref<640000xi32, #tpu.memory_space<hbm>> -> memref<80xi32, #tpu.memory_space<hbm>>
        tpu.enqueue_dma source(%dma_start3A_124 : memref<80xi32, #tpu.memory_space<hbm>>) target(%arg7 : memref<80xi32, #tpu.memory_space<vmem>>) target_semaphore(%run_scoped3A_123 : memref<!tpu.dma_semaphore, #tpu.memory_space<semaphore_mem>>)
        %dma_wait3A = tpu.memref_slice %arg3[%add3A_118] : memref<640000xi32, #tpu.memory_space<hbm>> -> memref<80xi32, #tpu.memory_space<hbm>>
        %dma_wait3A_125 = tpu.memref_slice %arg3[%add3A_118] : memref<640000xi32, #tpu.memory_space<hbm>> -> memref<80xi32, #tpu.memory_space<hbm>>
        tpu.wait_dma2 semaphore(%run_scoped3A_123 : memref<!tpu.dma_semaphore, #tpu.memory_space<semaphore_mem>>) src(%dma_wait3A_125 : memref<80xi32, #tpu.memory_space<hbm>>) dst(%arg7 : memref<80xi32, #tpu.memory_space<vmem>>)
        tpu.yield
      }) : () -> ()
      %mul3A_119 = arith.constant 80 : i32
      %mul3A_120 = arith.muli %add3A_115, %mul3A_119 : i32
      %add3A_121 = arith.addi %mul3A_52, %mul3A_120 : i32
      %run_scoped3A = arith.constant 0 : i32
      "tpu.region"() ({
        %run_scoped3A_123 = tpu.sem_alloc : memref<!tpu.dma_semaphore, #tpu.memory_space<semaphore_mem>>
        %dma_start3A = arith.constant 0 : i32
        %dma_start3A_124 = tpu.memref_slice %arg8[%run_scoped3A, %dma_start3A] : memref<1x80xi32, #tpu.memory_space<vmem>> -> memref<1x80xi32, #tpu.memory_space<vmem>>
        %dma_start3A_125 = tpu.memref_squeeze %dma_start3A_124 : memref<1x80xi32, #tpu.memory_space<vmem>> -> memref<80xi32, #tpu.memory_space<vmem>>
        %dma_start3A_126 = tpu.memref_slice %arg4[%add3A_121] : memref<320000xi32, #tpu.memory_space<hbm>> -> memref<80xi32, #tpu.memory_space<hbm>>
        %dma_start3A_127 = arith.constant 0 : i32
        %dma_start3A_128 = tpu.memref_slice %arg8[%run_scoped3A, %dma_start3A_127] : memref<1x80xi32, #tpu.memory_space<vmem>> -> memref<1x80xi32, #tpu.memory_space<vmem>>
        %dma_start3A_129 = tpu.memref_squeeze %dma_start3A_128 : memref<1x80xi32, #tpu.memory_space<vmem>> -> memref<80xi32, #tpu.memory_space<vmem>>
        %dma_start3A_130 = tpu.memref_slice %arg4[%add3A_121] : memref<320000xi32, #tpu.memory_space<hbm>> -> memref<80xi32, #tpu.memory_space<hbm>>
        tpu.enqueue_dma source(%dma_start3A_130 : memref<80xi32, #tpu.memory_space<hbm>>) target(%dma_start3A_129 : memref<80xi32, #tpu.memory_space<vmem>>) target_semaphore(%run_scoped3A_123 : memref<!tpu.dma_semaphore, #tpu.memory_space<semaphore_mem>>)
        %dma_wait3A = arith.constant 0 : i32
        %dma_wait3A_131 = tpu.memref_slice %arg8[%run_scoped3A, %dma_wait3A] : memref<1x80xi32, #tpu.memory_space<vmem>> -> memref<1x80xi32, #tpu.memory_space<vmem>>
        %dma_wait3A_132 = tpu.memref_squeeze %dma_wait3A_131 : memref<1x80xi32, #tpu.memory_space<vmem>> -> memref<80xi32, #tpu.memory_space<vmem>>
        %dma_wait3A_133 = tpu.memref_slice %arg4[%add3A_121] : memref<320000xi32, #tpu.memory_space<hbm>> -> memref<80xi32, #tpu.memory_space<hbm>>
        %dma_wait3A_134 = arith.constant 0 : i32
        %dma_wait3A_135 = tpu.memref_slice %arg8[%run_scoped3A, %dma_wait3A_134] : memref<1x80xi32, #tpu.memory_space<vmem>> -> memref<1x80xi32, #tpu.memory_space<vmem>>
        %dma_wait3A_136 = tpu.memref_squeeze %dma_wait3A_135 : memref<1x80xi32, #tpu.memory_space<vmem>> -> memref<80xi32, #tpu.memory_space<vmem>>
        %dma_wait3A_137 = tpu.memref_slice %arg4[%add3A_121] : memref<320000xi32, #tpu.memory_space<hbm>> -> memref<80xi32, #tpu.memory_space<hbm>>
        tpu.wait_dma2 semaphore(%run_scoped3A_123 : memref<!tpu.dma_semaphore, #tpu.memory_space<semaphore_mem>>) src(%dma_wait3A_137 : memref<80xi32, #tpu.memory_space<hbm>>) dst(%dma_wait3A_136 : memref<80xi32, #tpu.memory_space<vmem>>)
        tpu.yield
      }) : () -> ()
      "tpu.region"() ({
        %run_scoped3A_123 = tpu.sem_alloc : memref<!tpu.dma_semaphore, #tpu.memory_space<semaphore_mem>>
        %dma_start3A = arith.constant 0 : i32
        %dma_start3A_124 = arith.constant 0 : i32
        %dma_start3A_125 = tpu.memref_slice %arg2[%dma_start3A, %dma_start3A_124] : memref<20480x128xf32, #tpu.memory_space<hbm>> -> memref<20480x128xf32, #tpu.memory_space<hbm>>
        tpu.enqueue_indirect_dma source(%dma_start3A_125 : memref<20480x128xf32, #tpu.memory_space<hbm>>) target(%arg9 : memref<80x128xf32, #tpu.memory_space<vmem>>) offsets(%arg7 : memref<80xi32, #tpu.memory_space<vmem>>) semaphore(%run_scoped3A_123 : memref<!tpu.dma_semaphore, #tpu.memory_space<semaphore_mem>>)
        %dma_wait3A = arith.constant 0 : i32
        %dma_wait3A_126 = arith.constant 0 : i32
        %dma_wait3A_127 = tpu.memref_slice %arg2[%dma_wait3A, %dma_wait3A_126] : memref<20480x128xf32, #tpu.memory_space<hbm>> -> memref<20480x128xf32, #tpu.memory_space<hbm>>
        tpu.wait_indirect_dma semaphore(%run_scoped3A_123 : memref<!tpu.dma_semaphore, #tpu.memory_space<semaphore_mem>>) src(%dma_wait3A_127 : memref<20480x128xf32, #tpu.memory_space<hbm>>) dst(%arg9 : memref<80x128xf32, #tpu.memory_space<vmem>>)
        tpu.yield
      }) : () -> ()
      %run_scoped3A_122 = arith.constant 0 : i32
      "tpu.region"() ({
        %run_scoped3A_123 = tpu.sem_alloc : memref<!tpu.dma_semaphore, #tpu.memory_space<semaphore_mem>>
        %dma_start3A = arith.constant 0 : i32
        %dma_start3A_124 = tpu.memref_slice %arg8[%run_scoped3A_122, %dma_start3A] : memref<1x80xi32, #tpu.memory_space<vmem>> -> memref<1x80xi32, #tpu.memory_space<vmem>>
        %dma_start3A_125 = tpu.memref_squeeze %dma_start3A_124 : memref<1x80xi32, #tpu.memory_space<vmem>> -> memref<80xi32, #tpu.memory_space<vmem>>
        %dma_start3A_126 = arith.constant 0 : i32
        %dma_start3A_127 = arith.constant 0 : i32
        %dma_start3A_128 = tpu.memref_slice %arg10[%dma_start3A_126, %dma_start3A_127] : memref<10240x128xf32, #tpu.memory_space<vmem_shared>> -> memref<10240x128xf32, #tpu.memory_space<vmem_shared>>
        tpu.enqueue_indirect_dma source(%arg9 : memref<80x128xf32, #tpu.memory_space<vmem>>) target(%dma_start3A_128 : memref<10240x128xf32, #tpu.memory_space<vmem_shared>>) offsets(%dma_start3A_125 : memref<80xi32, #tpu.memory_space<vmem>>) semaphore(%run_scoped3A_123 : memref<!tpu.dma_semaphore, #tpu.memory_space<semaphore_mem>>) {add = true}
        %dma_wait3A = arith.constant 0 : i32
        %dma_wait3A_129 = tpu.memref_slice %arg8[%run_scoped3A_122, %dma_wait3A] : memref<1x80xi32, #tpu.memory_space<vmem>> -> memref<1x80xi32, #tpu.memory_space<vmem>>
        %dma_wait3A_130 = tpu.memref_squeeze %dma_wait3A_129 : memref<1x80xi32, #tpu.memory_space<vmem>> -> memref<80xi32, #tpu.memory_space<vmem>>
        %dma_wait3A_131 = arith.constant 0 : i32
        %dma_wait3A_132 = arith.constant 0 : i32
        %dma_wait3A_133 = tpu.memref_slice %arg10[%dma_wait3A_131, %dma_wait3A_132] : memref<10240x128xf32, #tpu.memory_space<vmem_shared>> -> memref<10240x128xf32, #tpu.memory_space<vmem_shared>>
        tpu.wait_indirect_dma semaphore(%run_scoped3A_123 : memref<!tpu.dma_semaphore, #tpu.memory_space<semaphore_mem>>) src(%arg9 : memref<80x128xf32, #tpu.memory_space<vmem>>) dst(%dma_wait3A_133 : memref<10240x128xf32, #tpu.memory_space<vmem_shared>>)
        tpu.yield
      }) : () -> ()
    }
    %scan3A_56 = arith.constant 250 : i32
    %barrier3A_57 = arith.constant 0 : index
    tpu.barrier barrier_id(%barrier3A_57)
    %mul3A_58 = arith.constant 10240 : i32
    %mul3A_59 = arith.muli %arg0, %mul3A_58 : i32
    %mul3A_60 = arith.constant 640 : i32
    %mul3A_61 = arith.muli %arg1, %mul3A_60 : i32
    %add3A_62 = arith.addi %mul3A_59, %mul3A_61 : i32
    %mul3A_63 = arith.constant 640 : i32
    %mul3A_64 = arith.muli %arg1, %mul3A_63 : i32
    %add3A_65 = arith.constant 0 : i32
    %add3A_66 = arith.addi %mul3A_64, %add3A_65 : i32
    "tpu.region"() ({
      %run_scoped3A = tpu.sem_alloc : memref<!tpu.dma_semaphore, #tpu.memory_space<semaphore_mem>>
      %dma_start3A = arith.constant 0 : i32
      %dma_start3A_111 = tpu.memref_slice %arg10[%add3A_66, %dma_start3A] : memref<10240x128xf32, #tpu.memory_space<vmem_shared>> -> memref<80x128xf32, #tpu.memory_space<vmem_shared>>
      %dma_start3A_112 = arith.constant 0 : i32
      %dma_start3A_113 = tpu.memref_slice %arg10[%add3A_66, %dma_start3A_112] : memref<10240x128xf32, #tpu.memory_space<vmem_shared>> -> memref<80x128xf32, #tpu.memory_space<vmem_shared>>
      tpu.enqueue_dma source(%dma_start3A_113 : memref<80x128xf32, #tpu.memory_space<vmem_shared>>) target(%arg9 : memref<80x128xf32, #tpu.memory_space<vmem>>) target_semaphore(%run_scoped3A : memref<!tpu.dma_semaphore, #tpu.memory_space<semaphore_mem>>)
      %dma_wait3A = arith.constant 0 : i32
      %dma_wait3A_114 = tpu.memref_slice %arg10[%add3A_66, %dma_wait3A] : memref<10240x128xf32, #tpu.memory_space<vmem_shared>> -> memref<80x128xf32, #tpu.memory_space<vmem_shared>>
      %dma_wait3A_115 = arith.constant 0 : i32
      %dma_wait3A_116 = tpu.memref_slice %arg10[%add3A_66, %dma_wait3A_115] : memref<10240x128xf32, #tpu.memory_space<vmem_shared>> -> memref<80x128xf32, #tpu.memory_space<vmem_shared>>
      tpu.wait_dma2 semaphore(%run_scoped3A : memref<!tpu.dma_semaphore, #tpu.memory_space<semaphore_mem>>) src(%dma_wait3A_116 : memref<80x128xf32, #tpu.memory_space<vmem_shared>>) dst(%arg9 : memref<80x128xf32, #tpu.memory_space<vmem>>)
      tpu.yield
    }) : () -> ()
    %add3A_67 = arith.constant 0 : i32
    %add3A_68 = arith.addi %add3A_62, %add3A_67 : i32
    "tpu.region"() ({
      %run_scoped3A = tpu.sem_alloc : memref<!tpu.dma_semaphore, #tpu.memory_space<semaphore_mem>>
      %dma_start3A = arith.constant 0 : i32
      %dma_start3A_111 = tpu.memref_slice %arg6[%add3A_68, %dma_start3A] : memref<20480x128xf32, #tpu.memory_space<hbm>> -> memref<80x128xf32, #tpu.memory_space<hbm>>
      %dma_start3A_112 = arith.constant 0 : i32
      %dma_start3A_113 = tpu.memref_slice %arg6[%add3A_68, %dma_start3A_112] : memref<20480x128xf32, #tpu.memory_space<hbm>> -> memref<80x128xf32, #tpu.memory_space<hbm>>
      tpu.enqueue_dma source(%arg9 : memref<80x128xf32, #tpu.memory_space<vmem>>) target(%dma_start3A_113 : memref<80x128xf32, #tpu.memory_space<hbm>>) target_semaphore(%run_scoped3A : memref<!tpu.dma_semaphore, #tpu.memory_space<semaphore_mem>>)
      %dma_wait3A = arith.constant 0 : i32
      %dma_wait3A_114 = tpu.memref_slice %arg6[%add3A_68, %dma_wait3A] : memref<20480x128xf32, #tpu.memory_space<hbm>> -> memref<80x128xf32, #tpu.memory_space<hbm>>
      %dma_wait3A_115 = arith.constant 0 : i32
      %dma_wait3A_116 = tpu.memref_slice %arg6[%add3A_68, %dma_wait3A_115] : memref<20480x128xf32, #tpu.memory_space<hbm>> -> memref<80x128xf32, #tpu.memory_space<hbm>>
      tpu.wait_dma2 semaphore(%run_scoped3A : memref<!tpu.dma_semaphore, #tpu.memory_space<semaphore_mem>>) src(%arg9 : memref<80x128xf32, #tpu.memory_space<vmem>>) dst(%dma_wait3A_116 : memref<80x128xf32, #tpu.memory_space<hbm>>)
      tpu.yield
    }) : () -> ()
    %mul3A_69 = arith.constant 640 : i32
    %mul3A_70 = arith.muli %arg1, %mul3A_69 : i32
    %add3A_71 = arith.constant 80 : i32
    %add3A_72 = arith.addi %mul3A_70, %add3A_71 : i32
    "tpu.region"() ({
      %run_scoped3A = tpu.sem_alloc : memref<!tpu.dma_semaphore, #tpu.memory_space<semaphore_mem>>
      %dma_start3A = arith.constant 0 : i32
      %dma_start3A_111 = tpu.memref_slice %arg10[%add3A_72, %dma_start3A] : memref<10240x128xf32, #tpu.memory_space<vmem_shared>> -> memref<80x128xf32, #tpu.memory_space<vmem_shared>>
      %dma_start3A_112 = arith.constant 0 : i32
      %dma_start3A_113 = tpu.memref_slice %arg10[%add3A_72, %dma_start3A_112] : memref<10240x128xf32, #tpu.memory_space<vmem_shared>> -> memref<80x128xf32, #tpu.memory_space<vmem_shared>>
      tpu.enqueue_dma source(%dma_start3A_113 : memref<80x128xf32, #tpu.memory_space<vmem_shared>>) target(%arg9 : memref<80x128xf32, #tpu.memory_space<vmem>>) target_semaphore(%run_scoped3A : memref<!tpu.dma_semaphore, #tpu.memory_space<semaphore_mem>>)
      %dma_wait3A = arith.constant 0 : i32
      %dma_wait3A_114 = tpu.memref_slice %arg10[%add3A_72, %dma_wait3A] : memref<10240x128xf32, #tpu.memory_space<vmem_shared>> -> memref<80x128xf32, #tpu.memory_space<vmem_shared>>
      %dma_wait3A_115 = arith.constant 0 : i32
      %dma_wait3A_116 = tpu.memref_slice %arg10[%add3A_72, %dma_wait3A_115] : memref<10240x128xf32, #tpu.memory_space<vmem_shared>> -> memref<80x128xf32, #tpu.memory_space<vmem_shared>>
      tpu.wait_dma2 semaphore(%run_scoped3A : memref<!tpu.dma_semaphore, #tpu.memory_space<semaphore_mem>>) src(%dma_wait3A_116 : memref<80x128xf32, #tpu.memory_space<vmem_shared>>) dst(%arg9 : memref<80x128xf32, #tpu.memory_space<vmem>>)
      tpu.yield
    }) : () -> ()
    %add3A_73 = arith.constant 80 : i32
    %add3A_74 = arith.addi %add3A_62, %add3A_73 : i32
    "tpu.region"() ({
      %run_scoped3A = tpu.sem_alloc : memref<!tpu.dma_semaphore, #tpu.memory_space<semaphore_mem>>
      %dma_start3A = arith.constant 0 : i32
      %dma_start3A_111 = tpu.memref_slice %arg6[%add3A_74, %dma_start3A] : memref<20480x128xf32, #tpu.memory_space<hbm>> -> memref<80x128xf32, #tpu.memory_space<hbm>>
      %dma_start3A_112 = arith.constant 0 : i32
      %dma_start3A_113 = tpu.memref_slice %arg6[%add3A_74, %dma_start3A_112] : memref<20480x128xf32, #tpu.memory_space<hbm>> -> memref<80x128xf32, #tpu.memory_space<hbm>>
      tpu.enqueue_dma source(%arg9 : memref<80x128xf32, #tpu.memory_space<vmem>>) target(%dma_start3A_113 : memref<80x128xf32, #tpu.memory_space<hbm>>) target_semaphore(%run_scoped3A : memref<!tpu.dma_semaphore, #tpu.memory_space<semaphore_mem>>)
      %dma_wait3A = arith.constant 0 : i32
      %dma_wait3A_114 = tpu.memref_slice %arg6[%add3A_74, %dma_wait3A] : memref<20480x128xf32, #tpu.memory_space<hbm>> -> memref<80x128xf32, #tpu.memory_space<hbm>>
      %dma_wait3A_115 = arith.constant 0 : i32
      %dma_wait3A_116 = tpu.memref_slice %arg6[%add3A_74, %dma_wait3A_115] : memref<20480x128xf32, #tpu.memory_space<hbm>> -> memref<80x128xf32, #tpu.memory_space<hbm>>
      tpu.wait_dma2 semaphore(%run_scoped3A : memref<!tpu.dma_semaphore, #tpu.memory_space<semaphore_mem>>) src(%arg9 : memref<80x128xf32, #tpu.memory_space<vmem>>) dst(%dma_wait3A_116 : memref<80x128xf32, #tpu.memory_space<hbm>>)
      tpu.yield
    }) : () -> ()
    %mul3A_75 = arith.constant 640 : i32
    %mul3A_76 = arith.muli %arg1, %mul3A_75 : i32
    %add3A_77 = arith.constant 160 : i32
    %add3A_78 = arith.addi %mul3A_76, %add3A_77 : i32
    "tpu.region"() ({
      %run_scoped3A = tpu.sem_alloc : memref<!tpu.dma_semaphore, #tpu.memory_space<semaphore_mem>>
      %dma_start3A = arith.constant 0 : i32
      %dma_start3A_111 = tpu.memref_slice %arg10[%add3A_78, %dma_start3A] : memref<10240x128xf32, #tpu.memory_space<vmem_shared>> -> memref<80x128xf32, #tpu.memory_space<vmem_shared>>
      %dma_start3A_112 = arith.constant 0 : i32
      %dma_start3A_113 = tpu.memref_slice %arg10[%add3A_78, %dma_start3A_112] : memref<10240x128xf32, #tpu.memory_space<vmem_shared>> -> memref<80x128xf32, #tpu.memory_space<vmem_shared>>
      tpu.enqueue_dma source(%dma_start3A_113 : memref<80x128xf32, #tpu.memory_space<vmem_shared>>) target(%arg9 : memref<80x128xf32, #tpu.memory_space<vmem>>) target_semaphore(%run_scoped3A : memref<!tpu.dma_semaphore, #tpu.memory_space<semaphore_mem>>)
      %dma_wait3A = arith.constant 0 : i32
      %dma_wait3A_114 = tpu.memref_slice %arg10[%add3A_78, %dma_wait3A] : memref<10240x128xf32, #tpu.memory_space<vmem_shared>> -> memref<80x128xf32, #tpu.memory_space<vmem_shared>>
      %dma_wait3A_115 = arith.constant 0 : i32
      %dma_wait3A_116 = tpu.memref_slice %arg10[%add3A_78, %dma_wait3A_115] : memref<10240x128xf32, #tpu.memory_space<vmem_shared>> -> memref<80x128xf32, #tpu.memory_space<vmem_shared>>
      tpu.wait_dma2 semaphore(%run_scoped3A : memref<!tpu.dma_semaphore, #tpu.memory_space<semaphore_mem>>) src(%dma_wait3A_116 : memref<80x128xf32, #tpu.memory_space<vmem_shared>>) dst(%arg9 : memref<80x128xf32, #tpu.memory_space<vmem>>)
      tpu.yield
    }) : () -> ()
    %add3A_79 = arith.constant 160 : i32
    %add3A_80 = arith.addi %add3A_62, %add3A_79 : i32
    "tpu.region"() ({
      %run_scoped3A = tpu.sem_alloc : memref<!tpu.dma_semaphore, #tpu.memory_space<semaphore_mem>>
      %dma_start3A = arith.constant 0 : i32
      %dma_start3A_111 = tpu.memref_slice %arg6[%add3A_80, %dma_start3A] : memref<20480x128xf32, #tpu.memory_space<hbm>> -> memref<80x128xf32, #tpu.memory_space<hbm>>
      %dma_start3A_112 = arith.constant 0 : i32
      %dma_start3A_113 = tpu.memref_slice %arg6[%add3A_80, %dma_start3A_112] : memref<20480x128xf32, #tpu.memory_space<hbm>> -> memref<80x128xf32, #tpu.memory_space<hbm>>
      tpu.enqueue_dma source(%arg9 : memref<80x128xf32, #tpu.memory_space<vmem>>) target(%dma_start3A_113 : memref<80x128xf32, #tpu.memory_space<hbm>>) target_semaphore(%run_scoped3A : memref<!tpu.dma_semaphore, #tpu.memory_space<semaphore_mem>>)
      %dma_wait3A = arith.constant 0 : i32
      %dma_wait3A_114 = tpu.memref_slice %arg6[%add3A_80, %dma_wait3A] : memref<20480x128xf32, #tpu.memory_space<hbm>> -> memref<80x128xf32, #tpu.memory_space<hbm>>
      %dma_wait3A_115 = arith.constant 0 : i32
      %dma_wait3A_116 = tpu.memref_slice %arg6[%add3A_80, %dma_wait3A_115] : memref<20480x128xf32, #tpu.memory_space<hbm>> -> memref<80x128xf32, #tpu.memory_space<hbm>>
      tpu.wait_dma2 semaphore(%run_scoped3A : memref<!tpu.dma_semaphore, #tpu.memory_space<semaphore_mem>>) src(%arg9 : memref<80x128xf32, #tpu.memory_space<vmem>>) dst(%dma_wait3A_116 : memref<80x128xf32, #tpu.memory_space<hbm>>)
      tpu.yield
    }) : () -> ()
    %mul3A_81 = arith.constant 640 : i32
    %mul3A_82 = arith.muli %arg1, %mul3A_81 : i32
    %add3A_83 = arith.constant 240 : i32
    %add3A_84 = arith.addi %mul3A_82, %add3A_83 : i32
    "tpu.region"() ({
      %run_scoped3A = tpu.sem_alloc : memref<!tpu.dma_semaphore, #tpu.memory_space<semaphore_mem>>
      %dma_start3A = arith.constant 0 : i32
      %dma_start3A_111 = tpu.memref_slice %arg10[%add3A_84, %dma_start3A] : memref<10240x128xf32, #tpu.memory_space<vmem_shared>> -> memref<80x128xf32, #tpu.memory_space<vmem_shared>>
      %dma_start3A_112 = arith.constant 0 : i32
      %dma_start3A_113 = tpu.memref_slice %arg10[%add3A_84, %dma_start3A_112] : memref<10240x128xf32, #tpu.memory_space<vmem_shared>> -> memref<80x128xf32, #tpu.memory_space<vmem_shared>>
      tpu.enqueue_dma source(%dma_start3A_113 : memref<80x128xf32, #tpu.memory_space<vmem_shared>>) target(%arg9 : memref<80x128xf32, #tpu.memory_space<vmem>>) target_semaphore(%run_scoped3A : memref<!tpu.dma_semaphore, #tpu.memory_space<semaphore_mem>>)
      %dma_wait3A = arith.constant 0 : i32
      %dma_wait3A_114 = tpu.memref_slice %arg10[%add3A_84, %dma_wait3A] : memref<10240x128xf32, #tpu.memory_space<vmem_shared>> -> memref<80x128xf32, #tpu.memory_space<vmem_shared>>
      %dma_wait3A_115 = arith.constant 0 : i32
      %dma_wait3A_116 = tpu.memref_slice %arg10[%add3A_84, %dma_wait3A_115] : memref<10240x128xf32, #tpu.memory_space<vmem_shared>> -> memref<80x128xf32, #tpu.memory_space<vmem_shared>>
      tpu.wait_dma2 semaphore(%run_scoped3A : memref<!tpu.dma_semaphore, #tpu.memory_space<semaphore_mem>>) src(%dma_wait3A_116 : memref<80x128xf32, #tpu.memory_space<vmem_shared>>) dst(%arg9 : memref<80x128xf32, #tpu.memory_space<vmem>>)
      tpu.yield
    }) : () -> ()
    %add3A_85 = arith.constant 240 : i32
    %add3A_86 = arith.addi %add3A_62, %add3A_85 : i32
    "tpu.region"() ({
      %run_scoped3A = tpu.sem_alloc : memref<!tpu.dma_semaphore, #tpu.memory_space<semaphore_mem>>
      %dma_start3A = arith.constant 0 : i32
      %dma_start3A_111 = tpu.memref_slice %arg6[%add3A_86, %dma_start3A] : memref<20480x128xf32, #tpu.memory_space<hbm>> -> memref<80x128xf32, #tpu.memory_space<hbm>>
      %dma_start3A_112 = arith.constant 0 : i32
      %dma_start3A_113 = tpu.memref_slice %arg6[%add3A_86, %dma_start3A_112] : memref<20480x128xf32, #tpu.memory_space<hbm>> -> memref<80x128xf32, #tpu.memory_space<hbm>>
      tpu.enqueue_dma source(%arg9 : memref<80x128xf32, #tpu.memory_space<vmem>>) target(%dma_start3A_113 : memref<80x128xf32, #tpu.memory_space<hbm>>) target_semaphore(%run_scoped3A : memref<!tpu.dma_semaphore, #tpu.memory_space<semaphore_mem>>)
      %dma_wait3A = arith.constant 0 : i32
      %dma_wait3A_114 = tpu.memref_slice %arg6[%add3A_86, %dma_wait3A] : memref<20480x128xf32, #tpu.memory_space<hbm>> -> memref<80x128xf32, #tpu.memory_space<hbm>>
      %dma_wait3A_115 = arith.constant 0 : i32
      %dma_wait3A_116 = tpu.memref_slice %arg6[%add3A_86, %dma_wait3A_115] : memref<20480x128xf32, #tpu.memory_space<hbm>> -> memref<80x128xf32, #tpu.memory_space<hbm>>
      tpu.wait_dma2 semaphore(%run_scoped3A : memref<!tpu.dma_semaphore, #tpu.memory_space<semaphore_mem>>) src(%arg9 : memref<80x128xf32, #tpu.memory_space<vmem>>) dst(%dma_wait3A_116 : memref<80x128xf32, #tpu.memory_space<hbm>>)
      tpu.yield
    }) : () -> ()
    %mul3A_87 = arith.constant 640 : i32
    %mul3A_88 = arith.muli %arg1, %mul3A_87 : i32
    %add3A_89 = arith.constant 320 : i32
    %add3A_90 = arith.addi %mul3A_88, %add3A_89 : i32
    "tpu.region"() ({
      %run_scoped3A = tpu.sem_alloc : memref<!tpu.dma_semaphore, #tpu.memory_space<semaphore_mem>>
      %dma_start3A = arith.constant 0 : i32
      %dma_start3A_111 = tpu.memref_slice %arg10[%add3A_90, %dma_start3A] : memref<10240x128xf32, #tpu.memory_space<vmem_shared>> -> memref<80x128xf32, #tpu.memory_space<vmem_shared>>
      %dma_start3A_112 = arith.constant 0 : i32
      %dma_start3A_113 = tpu.memref_slice %arg10[%add3A_90, %dma_start3A_112] : memref<10240x128xf32, #tpu.memory_space<vmem_shared>> -> memref<80x128xf32, #tpu.memory_space<vmem_shared>>
      tpu.enqueue_dma source(%dma_start3A_113 : memref<80x128xf32, #tpu.memory_space<vmem_shared>>) target(%arg9 : memref<80x128xf32, #tpu.memory_space<vmem>>) target_semaphore(%run_scoped3A : memref<!tpu.dma_semaphore, #tpu.memory_space<semaphore_mem>>)
      %dma_wait3A = arith.constant 0 : i32
      %dma_wait3A_114 = tpu.memref_slice %arg10[%add3A_90, %dma_wait3A] : memref<10240x128xf32, #tpu.memory_space<vmem_shared>> -> memref<80x128xf32, #tpu.memory_space<vmem_shared>>
      %dma_wait3A_115 = arith.constant 0 : i32
      %dma_wait3A_116 = tpu.memref_slice %arg10[%add3A_90, %dma_wait3A_115] : memref<10240x128xf32, #tpu.memory_space<vmem_shared>> -> memref<80x128xf32, #tpu.memory_space<vmem_shared>>
      tpu.wait_dma2 semaphore(%run_scoped3A : memref<!tpu.dma_semaphore, #tpu.memory_space<semaphore_mem>>) src(%dma_wait3A_116 : memref<80x128xf32, #tpu.memory_space<vmem_shared>>) dst(%arg9 : memref<80x128xf32, #tpu.memory_space<vmem>>)
      tpu.yield
    }) : () -> ()
    %add3A_91 = arith.constant 320 : i32
    %add3A_92 = arith.addi %add3A_62, %add3A_91 : i32
    "tpu.region"() ({
      %run_scoped3A = tpu.sem_alloc : memref<!tpu.dma_semaphore, #tpu.memory_space<semaphore_mem>>
      %dma_start3A = arith.constant 0 : i32
      %dma_start3A_111 = tpu.memref_slice %arg6[%add3A_92, %dma_start3A] : memref<20480x128xf32, #tpu.memory_space<hbm>> -> memref<80x128xf32, #tpu.memory_space<hbm>>
      %dma_start3A_112 = arith.constant 0 : i32
      %dma_start3A_113 = tpu.memref_slice %arg6[%add3A_92, %dma_start3A_112] : memref<20480x128xf32, #tpu.memory_space<hbm>> -> memref<80x128xf32, #tpu.memory_space<hbm>>
      tpu.enqueue_dma source(%arg9 : memref<80x128xf32, #tpu.memory_space<vmem>>) target(%dma_start3A_113 : memref<80x128xf32, #tpu.memory_space<hbm>>) target_semaphore(%run_scoped3A : memref<!tpu.dma_semaphore, #tpu.memory_space<semaphore_mem>>)
      %dma_wait3A = arith.constant 0 : i32
      %dma_wait3A_114 = tpu.memref_slice %arg6[%add3A_92, %dma_wait3A] : memref<20480x128xf32, #tpu.memory_space<hbm>> -> memref<80x128xf32, #tpu.memory_space<hbm>>
      %dma_wait3A_115 = arith.constant 0 : i32
      %dma_wait3A_116 = tpu.memref_slice %arg6[%add3A_92, %dma_wait3A_115] : memref<20480x128xf32, #tpu.memory_space<hbm>> -> memref<80x128xf32, #tpu.memory_space<hbm>>
      tpu.wait_dma2 semaphore(%run_scoped3A : memref<!tpu.dma_semaphore, #tpu.memory_space<semaphore_mem>>) src(%arg9 : memref<80x128xf32, #tpu.memory_space<vmem>>) dst(%dma_wait3A_116 : memref<80x128xf32, #tpu.memory_space<hbm>>)
      tpu.yield
    }) : () -> ()
    %mul3A_93 = arith.constant 640 : i32
    %mul3A_94 = arith.muli %arg1, %mul3A_93 : i32
    %add3A_95 = arith.constant 400 : i32
    %add3A_96 = arith.addi %mul3A_94, %add3A_95 : i32
    "tpu.region"() ({
      %run_scoped3A = tpu.sem_alloc : memref<!tpu.dma_semaphore, #tpu.memory_space<semaphore_mem>>
      %dma_start3A = arith.constant 0 : i32
      %dma_start3A_111 = tpu.memref_slice %arg10[%add3A_96, %dma_start3A] : memref<10240x128xf32, #tpu.memory_space<vmem_shared>> -> memref<80x128xf32, #tpu.memory_space<vmem_shared>>
      %dma_start3A_112 = arith.constant 0 : i32
      %dma_start3A_113 = tpu.memref_slice %arg10[%add3A_96, %dma_start3A_112] : memref<10240x128xf32, #tpu.memory_space<vmem_shared>> -> memref<80x128xf32, #tpu.memory_space<vmem_shared>>
      tpu.enqueue_dma source(%dma_start3A_113 : memref<80x128xf32, #tpu.memory_space<vmem_shared>>) target(%arg9 : memref<80x128xf32, #tpu.memory_space<vmem>>) target_semaphore(%run_scoped3A : memref<!tpu.dma_semaphore, #tpu.memory_space<semaphore_mem>>)
      %dma_wait3A = arith.constant 0 : i32
      %dma_wait3A_114 = tpu.memref_slice %arg10[%add3A_96, %dma_wait3A] : memref<10240x128xf32, #tpu.memory_space<vmem_shared>> -> memref<80x128xf32, #tpu.memory_space<vmem_shared>>
      %dma_wait3A_115 = arith.constant 0 : i32
      %dma_wait3A_116 = tpu.memref_slice %arg10[%add3A_96, %dma_wait3A_115] : memref<10240x128xf32, #tpu.memory_space<vmem_shared>> -> memref<80x128xf32, #tpu.memory_space<vmem_shared>>
      tpu.wait_dma2 semaphore(%run_scoped3A : memref<!tpu.dma_semaphore, #tpu.memory_space<semaphore_mem>>) src(%dma_wait3A_116 : memref<80x128xf32, #tpu.memory_space<vmem_shared>>) dst(%arg9 : memref<80x128xf32, #tpu.memory_space<vmem>>)
      tpu.yield
    }) : () -> ()
    %add3A_97 = arith.constant 400 : i32
    %add3A_98 = arith.addi %add3A_62, %add3A_97 : i32
    "tpu.region"() ({
      %run_scoped3A = tpu.sem_alloc : memref<!tpu.dma_semaphore, #tpu.memory_space<semaphore_mem>>
      %dma_start3A = arith.constant 0 : i32
      %dma_start3A_111 = tpu.memref_slice %arg6[%add3A_98, %dma_start3A] : memref<20480x128xf32, #tpu.memory_space<hbm>> -> memref<80x128xf32, #tpu.memory_space<hbm>>
      %dma_start3A_112 = arith.constant 0 : i32
      %dma_start3A_113 = tpu.memref_slice %arg6[%add3A_98, %dma_start3A_112] : memref<20480x128xf32, #tpu.memory_space<hbm>> -> memref<80x128xf32, #tpu.memory_space<hbm>>
      tpu.enqueue_dma source(%arg9 : memref<80x128xf32, #tpu.memory_space<vmem>>) target(%dma_start3A_113 : memref<80x128xf32, #tpu.memory_space<hbm>>) target_semaphore(%run_scoped3A : memref<!tpu.dma_semaphore, #tpu.memory_space<semaphore_mem>>)
      %dma_wait3A = arith.constant 0 : i32
      %dma_wait3A_114 = tpu.memref_slice %arg6[%add3A_98, %dma_wait3A] : memref<20480x128xf32, #tpu.memory_space<hbm>> -> memref<80x128xf32, #tpu.memory_space<hbm>>
      %dma_wait3A_115 = arith.constant 0 : i32
      %dma_wait3A_116 = tpu.memref_slice %arg6[%add3A_98, %dma_wait3A_115] : memref<20480x128xf32, #tpu.memory_space<hbm>> -> memref<80x128xf32, #tpu.memory_space<hbm>>
      tpu.wait_dma2 semaphore(%run_scoped3A : memref<!tpu.dma_semaphore, #tpu.memory_space<semaphore_mem>>) src(%arg9 : memref<80x128xf32, #tpu.memory_space<vmem>>) dst(%dma_wait3A_116 : memref<80x128xf32, #tpu.memory_space<hbm>>)
      tpu.yield
    }) : () -> ()
    %mul3A_99 = arith.constant 640 : i32
    %mul3A_100 = arith.muli %arg1, %mul3A_99 : i32
    %add3A_101 = arith.constant 480 : i32
    %add3A_102 = arith.addi %mul3A_100, %add3A_101 : i32
    "tpu.region"() ({
      %run_scoped3A = tpu.sem_alloc : memref<!tpu.dma_semaphore, #tpu.memory_space<semaphore_mem>>
      %dma_start3A = arith.constant 0 : i32
      %dma_start3A_111 = tpu.memref_slice %arg10[%add3A_102, %dma_start3A] : memref<10240x128xf32, #tpu.memory_space<vmem_shared>> -> memref<80x128xf32, #tpu.memory_space<vmem_shared>>
      %dma_start3A_112 = arith.constant 0 : i32
      %dma_start3A_113 = tpu.memref_slice %arg10[%add3A_102, %dma_start3A_112] : memref<10240x128xf32, #tpu.memory_space<vmem_shared>> -> memref<80x128xf32, #tpu.memory_space<vmem_shared>>
      tpu.enqueue_dma source(%dma_start3A_113 : memref<80x128xf32, #tpu.memory_space<vmem_shared>>) target(%arg9 : memref<80x128xf32, #tpu.memory_space<vmem>>) target_semaphore(%run_scoped3A : memref<!tpu.dma_semaphore, #tpu.memory_space<semaphore_mem>>)
      %dma_wait3A = arith.constant 0 : i32
      %dma_wait3A_114 = tpu.memref_slice %arg10[%add3A_102, %dma_wait3A] : memref<10240x128xf32, #tpu.memory_space<vmem_shared>> -> memref<80x128xf32, #tpu.memory_space<vmem_shared>>
      %dma_wait3A_115 = arith.constant 0 : i32
      %dma_wait3A_116 = tpu.memref_slice %arg10[%add3A_102, %dma_wait3A_115] : memref<10240x128xf32, #tpu.memory_space<vmem_shared>> -> memref<80x128xf32, #tpu.memory_space<vmem_shared>>
      tpu.wait_dma2 semaphore(%run_scoped3A : memref<!tpu.dma_semaphore, #tpu.memory_space<semaphore_mem>>) src(%dma_wait3A_116 : memref<80x128xf32, #tpu.memory_space<vmem_shared>>) dst(%arg9 : memref<80x128xf32, #tpu.memory_space<vmem>>)
      tpu.yield
    }) : () -> ()
    %add3A_103 = arith.constant 480 : i32
    %add3A_104 = arith.addi %add3A_62, %add3A_103 : i32
    "tpu.region"() ({
      %run_scoped3A = tpu.sem_alloc : memref<!tpu.dma_semaphore, #tpu.memory_space<semaphore_mem>>
      %dma_start3A = arith.constant 0 : i32
      %dma_start3A_111 = tpu.memref_slice %arg6[%add3A_104, %dma_start3A] : memref<20480x128xf32, #tpu.memory_space<hbm>> -> memref<80x128xf32, #tpu.memory_space<hbm>>
      %dma_start3A_112 = arith.constant 0 : i32
      %dma_start3A_113 = tpu.memref_slice %arg6[%add3A_104, %dma_start3A_112] : memref<20480x128xf32, #tpu.memory_space<hbm>> -> memref<80x128xf32, #tpu.memory_space<hbm>>
      tpu.enqueue_dma source(%arg9 : memref<80x128xf32, #tpu.memory_space<vmem>>) target(%dma_start3A_113 : memref<80x128xf32, #tpu.memory_space<hbm>>) target_semaphore(%run_scoped3A : memref<!tpu.dma_semaphore, #tpu.memory_space<semaphore_mem>>)
      %dma_wait3A = arith.constant 0 : i32
      %dma_wait3A_114 = tpu.memref_slice %arg6[%add3A_104, %dma_wait3A] : memref<20480x128xf32, #tpu.memory_space<hbm>> -> memref<80x128xf32, #tpu.memory_space<hbm>>
      %dma_wait3A_115 = arith.constant 0 : i32
      %dma_wait3A_116 = tpu.memref_slice %arg6[%add3A_104, %dma_wait3A_115] : memref<20480x128xf32, #tpu.memory_space<hbm>> -> memref<80x128xf32, #tpu.memory_space<hbm>>
      tpu.wait_dma2 semaphore(%run_scoped3A : memref<!tpu.dma_semaphore, #tpu.memory_space<semaphore_mem>>) src(%arg9 : memref<80x128xf32, #tpu.memory_space<vmem>>) dst(%dma_wait3A_116 : memref<80x128xf32, #tpu.memory_space<hbm>>)
      tpu.yield
    }) : () -> ()
    %mul3A_105 = arith.constant 640 : i32
    %mul3A_106 = arith.muli %arg1, %mul3A_105 : i32
    %add3A_107 = arith.constant 560 : i32
    %add3A_108 = arith.addi %mul3A_106, %add3A_107 : i32
    "tpu.region"() ({
      %run_scoped3A = tpu.sem_alloc : memref<!tpu.dma_semaphore, #tpu.memory_space<semaphore_mem>>
      %dma_start3A = arith.constant 0 : i32
      %dma_start3A_111 = tpu.memref_slice %arg10[%add3A_108, %dma_start3A] : memref<10240x128xf32, #tpu.memory_space<vmem_shared>> -> memref<80x128xf32, #tpu.memory_space<vmem_shared>>
      %dma_start3A_112 = arith.constant 0 : i32
      %dma_start3A_113 = tpu.memref_slice %arg10[%add3A_108, %dma_start3A_112] : memref<10240x128xf32, #tpu.memory_space<vmem_shared>> -> memref<80x128xf32, #tpu.memory_space<vmem_shared>>
      tpu.enqueue_dma source(%dma_start3A_113 : memref<80x128xf32, #tpu.memory_space<vmem_shared>>) target(%arg9 : memref<80x128xf32, #tpu.memory_space<vmem>>) target_semaphore(%run_scoped3A : memref<!tpu.dma_semaphore, #tpu.memory_space<semaphore_mem>>)
      %dma_wait3A = arith.constant 0 : i32
      %dma_wait3A_114 = tpu.memref_slice %arg10[%add3A_108, %dma_wait3A] : memref<10240x128xf32, #tpu.memory_space<vmem_shared>> -> memref<80x128xf32, #tpu.memory_space<vmem_shared>>
      %dma_wait3A_115 = arith.constant 0 : i32
      %dma_wait3A_116 = tpu.memref_slice %arg10[%add3A_108, %dma_wait3A_115] : memref<10240x128xf32, #tpu.memory_space<vmem_shared>> -> memref<80x128xf32, #tpu.memory_space<vmem_shared>>
      tpu.wait_dma2 semaphore(%run_scoped3A : memref<!tpu.dma_semaphore, #tpu.memory_space<semaphore_mem>>) src(%dma_wait3A_116 : memref<80x128xf32, #tpu.memory_space<vmem_shared>>) dst(%arg9 : memref<80x128xf32, #tpu.memory_space<vmem>>)
      tpu.yield
    }) : () -> ()
    %add3A_109 = arith.constant 560 : i32
    %add3A_110 = arith.addi %add3A_62, %add3A_109 : i32
    "tpu.region"() ({
      %run_scoped3A = tpu.sem_alloc : memref<!tpu.dma_semaphore, #tpu.memory_space<semaphore_mem>>
      %dma_start3A = arith.constant 0 : i32
      %dma_start3A_111 = tpu.memref_slice %arg6[%add3A_110, %dma_start3A] : memref<20480x128xf32, #tpu.memory_space<hbm>> -> memref<80x128xf32, #tpu.memory_space<hbm>>
      %dma_start3A_112 = arith.constant 0 : i32
      %dma_start3A_113 = tpu.memref_slice %arg6[%add3A_110, %dma_start3A_112] : memref<20480x128xf32, #tpu.memory_space<hbm>> -> memref<80x128xf32, #tpu.memory_space<hbm>>
      tpu.enqueue_dma source(%arg9 : memref<80x128xf32, #tpu.memory_space<vmem>>) target(%dma_start3A_113 : memref<80x128xf32, #tpu.memory_space<hbm>>) target_semaphore(%run_scoped3A : memref<!tpu.dma_semaphore, #tpu.memory_space<semaphore_mem>>)
      %dma_wait3A = arith.constant 0 : i32
      %dma_wait3A_114 = tpu.memref_slice %arg6[%add3A_110, %dma_wait3A] : memref<20480x128xf32, #tpu.memory_space<hbm>> -> memref<80x128xf32, #tpu.memory_space<hbm>>
      %dma_wait3A_115 = arith.constant 0 : i32
      %dma_wait3A_116 = tpu.memref_slice %arg6[%add3A_110, %dma_wait3A_115] : memref<20480x128xf32, #tpu.memory_space<hbm>> -> memref<80x128xf32, #tpu.memory_space<hbm>>
      tpu.wait_dma2 semaphore(%run_scoped3A : memref<!tpu.dma_semaphore, #tpu.memory_space<semaphore_mem>>) src(%arg9 : memref<80x128xf32, #tpu.memory_space<vmem>>) dst(%dma_wait3A_116 : memref<80x128xf32, #tpu.memory_space<hbm>>)
      tpu.yield
    }) : () -> ()
    return
  }
}

module attributes {stable_mosaic.version = 14 : i64} {
  func.func @body(%arg0: i32, %arg1: memref<256x128xf32, #tpu.memory_space<vmem>>, %arg2: memref<256x128xf32, #tpu.memory_space<vmem>>, %arg3: memref<256x128xf32, #tpu.memory_space<vmem>>, %arg4: memref<256x128xf32, #tpu.memory_space<vmem>>, %arg5: memref<256x128xf32, #tpu.memory_space<vmem>>, %arg6: memref<128x256xf32, #tpu.memory_space<vmem>>, %arg7: memref<1x256xf32, #tpu.memory_space<vmem>>, %arg8: memref<128x256xf32, #tpu.memory_space<vmem>>, %arg9: memref<256x128xf32, #tpu.memory_space<vmem>>, %arg10: memref<256x128xf32, #tpu.memory_space<vmem>>) attributes {dimension_semantics = [#tpu.dimension_semantics<arbitrary>], iteration_bounds = array<i64: 40>, scalar_prefetch = 0 : i64, scratch_operands = 0 : i64, tpu.core_type = #tpu.core_type<tc>, window_params = [{transform_indices = @transform_0, window_bounds = array<i64: 256, 128>}, {transform_indices = @transform_1, window_bounds = array<i64: 256, 128>}, {transform_indices = @transform_2, window_bounds = array<i64: 256, 128>}, {transform_indices = @transform_3, window_bounds = array<i64: 256, 128>}, {transform_indices = @transform_4, window_bounds = array<i64: 256, 128>}, {pipeline_mode = #tpu.pipeline_mode<synchronous>, transform_indices = @transform_5, window_bounds = array<i64: 128, 256>}, {pipeline_mode = #tpu.pipeline_mode<synchronous>, transform_indices = @transform_6, window_bounds = array<i64: 1, 256>}, {pipeline_mode = #tpu.pipeline_mode<synchronous>, transform_indices = @transform_7, window_bounds = array<i64: 128, 256>}, {transform_indices = @transform_8, window_bounds = array<i64: 256, 128>}, {transform_indices = @transform_9, window_bounds = array<i64: 256, 128>}]} {
    %get3A = arith.constant 0 : index
    %get3A_0 = arith.constant 0 : index
    %get3A_1 = vector.load %arg3[%get3A, %get3A_0] : memref<256x128xf32, #tpu.memory_space<vmem>>, vector<256x128xf32>
    %slice3A = vector.extract_strided_slice %get3A_1 {offsets = [0, 0], sizes = [256, 1], strides = [1, 1]} : vector<256x128xf32> to vector<256x1xf32>
    %get3A_2 = arith.constant 0 : index
    %get3A_3 = arith.constant 0 : index
    %get3A_4 = vector.load %arg4[%get3A_2, %get3A_3] : memref<256x128xf32, #tpu.memory_space<vmem>>, vector<256x128xf32>
    %slice3A_5 = vector.extract_strided_slice %get3A_4 {offsets = [0, 0], sizes = [256, 1], strides = [1, 1]} : vector<256x128xf32> to vector<256x1xf32>
    %add3A = arith.addf %slice3A, %slice3A_5 : vector<256x1xf32>
    %max3A = arith.constant 1.000000e+00 : f32
    %max3A_6 = vector.broadcast %max3A : f32 to vector<256x1xf32>
    %max3A_7 = arith.maximumf %add3A, %max3A_6 : vector<256x1xf32>
    %div3A = arith.constant 1.000000e+00 : f32
    %div3A_8 = vector.broadcast %div3A : f32 to vector<256x1xf32>
    %div3A_9 = arith.divf %div3A_8, %max3A_7 : vector<256x1xf32>
    %get3A_10 = arith.constant 0 : index
    %get3A_11 = arith.constant 0 : index
    %get3A_12 = vector.load %arg1[%get3A_10, %get3A_11] : memref<256x128xf32, #tpu.memory_space<vmem>>, vector<256x128xf32>
    %get3A_13 = arith.constant 0 : index
    %get3A_14 = arith.constant 0 : index
    %get3A_15 = vector.load %arg2[%get3A_13, %get3A_14] : memref<256x128xf32, #tpu.memory_space<vmem>>, vector<256x128xf32>
    %add3A_16 = arith.addf %get3A_12, %get3A_15 : vector<256x128xf32>
    %mul3A = vector.broadcast %div3A_9 : vector<256x1xf32> to vector<256x128xf32>
    %mul3A_17 = arith.mulf %add3A_16, %mul3A : vector<256x128xf32>
    %get3A_18 = arith.constant 0 : index
    %get3A_19 = arith.constant 0 : index
    %get3A_20 = vector.load %arg5[%get3A_18, %get3A_19] : memref<256x128xf32, #tpu.memory_space<vmem>>, vector<256x128xf32>
    %get3A_21 = arith.constant 0 : index
    %get3A_22 = arith.constant 0 : index
    %get3A_23 = vector.load %arg6[%get3A_21, %get3A_22] : memref<128x256xf32, #tpu.memory_space<vmem>>, vector<128x256xf32>
    %dot_general3A = arith.constant dense<0.000000e+00> : vector<256x256xf32>
    %dot_general3A_24 = tpu.matmul %mul3A_17, %get3A_23, %dot_general3A {dimension_numbers = #tpu.dot_dimension_numbers<[1], [0], [0], [1], [0, 0, 1, 1], [], []>, transpose_lhs_hint = false} : vector<256x128xf32>, vector<128x256xf32>, vector<256x256xf32> -> vector<256x256xf32>
    %get3A_25 = arith.constant 0 : index
    %get3A_26 = arith.constant 0 : index
    %get3A_27 = vector.load %arg7[%get3A_25, %get3A_26] : memref<1x256xf32, #tpu.memory_space<vmem>>, vector<1x256xf32>
    %add3A_28 = vector.broadcast %get3A_27 : vector<1x256xf32> to vector<256x256xf32>
    %add3A_29 = arith.addf %dot_general3A_24, %add3A_28 : vector<256x256xf32>
    %get3A_30 = arith.constant 0 : index
    %get3A_31 = arith.constant 0 : index
    %get3A_32 = vector.load %arg8[%get3A_30, %get3A_31] : memref<128x256xf32, #tpu.memory_space<vmem>>, vector<128x256xf32>
    %dot_general3A_33 = arith.constant dense<0.000000e+00> : vector<256x256xf32>
    %dot_general3A_34 = tpu.matmul %get3A_20, %get3A_32, %dot_general3A_33 {dimension_numbers = #tpu.dot_dimension_numbers<[1], [0], [0], [1], [0, 0, 1, 1], [], []>, transpose_lhs_hint = false} : vector<256x128xf32>, vector<128x256xf32>, vector<256x256xf32> -> vector<256x256xf32>
    %add3A_35 = arith.addf %add3A_29, %dot_general3A_34 : vector<256x256xf32>
    %max3A_36 = arith.constant 0.000000e+00 : f32
    %max3A_37 = vector.broadcast %max3A_36 : f32 to vector<256x256xf32>
    %max3A_38 = arith.maximumf %add3A_35, %max3A_37 : vector<256x256xf32>
    %slice3A_39 = vector.extract_strided_slice %max3A_38 {offsets = [0, 0], sizes = [256, 128], strides = [1, 1]} : vector<256x256xf32> to vector<256x128xf32>
    %swap3A = arith.constant 0 : index
    %swap3A_40 = arith.constant 0 : index
    %swap3A_41 = vector.load %arg9[%swap3A, %swap3A_40] : memref<256x128xf32, #tpu.memory_space<vmem>>, vector<256x128xf32>
    tpu.vector_store %arg9[%swap3A, %swap3A_40], %slice3A_39 {strides = array<i32>} : memref<256x128xf32, #tpu.memory_space<vmem>>, vector<256x128xf32>,
    %slice3A_42 = vector.extract_strided_slice %max3A_38 {offsets = [0, 128], sizes = [256, 128], strides = [1, 1]} : vector<256x256xf32> to vector<256x128xf32>
    %swap3A_43 = arith.constant 0 : index
    %swap3A_44 = arith.constant 0 : index
    %swap3A_45 = vector.load %arg10[%swap3A_43, %swap3A_44] : memref<256x128xf32, #tpu.memory_space<vmem>>, vector<256x128xf32>
    tpu.vector_store %arg10[%swap3A_43, %swap3A_44], %slice3A_42 {strides = array<i32>} : memref<256x128xf32, #tpu.memory_space<vmem>>, vector<256x128xf32>,
    return
  }
  func.func @transform_0(%arg0: i32) -> (i32, i32) {
    %c0_i32 = arith.constant 0 : i32
    %c0_i32_0 = arith.constant 0 : i32
    return %arg0, %c0_i32 : i32, i32
  }
  func.func @transform_1(%arg0: i32) -> (i32, i32) {
    %add3A = arith.constant 40 : i32
    %add3A_0 = arith.addi %arg0, %add3A : i32
    %c0_i32 = arith.constant 0 : i32
    %c0_i32_1 = arith.constant 0 : i32
    return %add3A_0, %c0_i32 : i32, i32
  }
  func.func @transform_2(%arg0: i32) -> (i32, i32) {
    %c0_i32 = arith.constant 0 : i32
    %c0_i32_0 = arith.constant 0 : i32
    return %arg0, %c0_i32 : i32, i32
  }
  func.func @transform_3(%arg0: i32) -> (i32, i32) {
    %add3A = arith.constant 40 : i32
    %add3A_0 = arith.addi %arg0, %add3A : i32
    %c0_i32 = arith.constant 0 : i32
    %c0_i32_1 = arith.constant 0 : i32
    return %add3A_0, %c0_i32 : i32, i32
  }
  func.func @transform_4(%arg0: i32) -> (i32, i32) {
    %c0_i32 = arith.constant 0 : i32
    %c0_i32_0 = arith.constant 0 : i32
    return %arg0, %c0_i32 : i32, i32
  }
  func.func @transform_5(%arg0: i32) -> (i32, i32) {
    %c0_i32 = arith.constant 0 : i32
    %c0_i32_0 = arith.constant 0 : i32
    %c0_i32_1 = arith.constant 0 : i32
    return %c0_i32, %c0_i32_0 : i32, i32
  }
  func.func @transform_6(%arg0: i32) -> (i32, i32) {
    %c0_i32 = arith.constant 0 : i32
    %c0_i32_0 = arith.constant 0 : i32
    %c0_i32_1 = arith.constant 0 : i32
    return %c0_i32, %c0_i32_0 : i32, i32
  }
  func.func @transform_7(%arg0: i32) -> (i32, i32) {
    %c0_i32 = arith.constant 0 : i32
    %c0_i32_0 = arith.constant 0 : i32
    %c0_i32_1 = arith.constant 0 : i32
    return %c0_i32, %c0_i32_0 : i32, i32
  }
  func.func @transform_8(%arg0: i32) -> (i32, i32) {
    %c0_i32 = arith.constant 0 : i32
    %c0_i32_0 = arith.constant 0 : i32
    return %arg0, %c0_i32 : i32, i32
  }
  func.func @transform_9(%arg0: i32) -> (i32, i32) {
    %c0_i32 = arith.constant 0 : i32
    %c0_i32_0 = arith.constant 0 : i32
    return %arg0, %c0_i32 : i32, i32
  }
}

module attributes {stable_mosaic.version = 14 : i64} {
  func.func @body(%arg0: i32, %arg1: memref<256x128xf32, #tpu.memory_space<vmem>>, %arg2: memref<256x128xf32, #tpu.memory_space<vmem>>, %arg3: memref<256x128xf32, #tpu.memory_space<vmem>>, %arg4: memref<256x128xf32, #tpu.memory_space<vmem>>, %arg5: memref<256x128xf32, #tpu.memory_space<vmem>>, %arg6: memref<256x128xf32, #tpu.memory_space<vmem>>, %arg7: memref<256x256xf32, #tpu.memory_space<vmem>>, %arg8: memref<1x256xf32, #tpu.memory_space<vmem>>, %arg9: memref<256x256xf32, #tpu.memory_space<vmem>>, %arg10: memref<256x128xf32, #tpu.memory_space<vmem>>, %arg11: memref<256x128xf32, #tpu.memory_space<vmem>>) attributes {dimension_semantics = [#tpu.dimension_semantics<arbitrary>], iteration_bounds = array<i64: 40>, scalar_prefetch = 0 : i64, scratch_operands = 0 : i64, tpu.core_type = #tpu.core_type<tc>, window_params = [{transform_indices = @transform_0, window_bounds = array<i64: 256, 128>}, {transform_indices = @transform_1, window_bounds = array<i64: 256, 128>}, {transform_indices = @transform_2, window_bounds = array<i64: 256, 128>}, {transform_indices = @transform_3, window_bounds = array<i64: 256, 128>}, {transform_indices = @transform_4, window_bounds = array<i64: 256, 128>}, {transform_indices = @transform_5, window_bounds = array<i64: 256, 128>}, {pipeline_mode = #tpu.pipeline_mode<synchronous>, transform_indices = @transform_6, window_bounds = array<i64: 256, 256>}, {pipeline_mode = #tpu.pipeline_mode<synchronous>, transform_indices = @transform_7, window_bounds = array<i64: 1, 256>}, {pipeline_mode = #tpu.pipeline_mode<synchronous>, transform_indices = @transform_8, window_bounds = array<i64: 256, 256>}, {transform_indices = @transform_9, window_bounds = array<i64: 256, 128>}, {transform_indices = @transform_10, window_bounds = array<i64: 256, 128>}]} {
    %get3A = arith.constant 0 : index
    %get3A_0 = arith.constant 0 : index
    %get3A_1 = vector.load %arg3[%get3A, %get3A_0] : memref<256x128xf32, #tpu.memory_space<vmem>>, vector<256x128xf32>
    %slice3A = vector.extract_strided_slice %get3A_1 {offsets = [0, 0], sizes = [256, 1], strides = [1, 1]} : vector<256x128xf32> to vector<256x1xf32>
    %get3A_2 = arith.constant 0 : index
    %get3A_3 = arith.constant 0 : index
    %get3A_4 = vector.load %arg4[%get3A_2, %get3A_3] : memref<256x128xf32, #tpu.memory_space<vmem>>, vector<256x128xf32>
    %slice3A_5 = vector.extract_strided_slice %get3A_4 {offsets = [0, 0], sizes = [256, 1], strides = [1, 1]} : vector<256x128xf32> to vector<256x1xf32>
    %add3A = arith.addf %slice3A, %slice3A_5 : vector<256x1xf32>
    %max3A = arith.constant 1.000000e+00 : f32
    %max3A_6 = vector.broadcast %max3A : f32 to vector<256x1xf32>
    %max3A_7 = arith.maximumf %add3A, %max3A_6 : vector<256x1xf32>
    %div3A = arith.constant 1.000000e+00 : f32
    %div3A_8 = vector.broadcast %div3A : f32 to vector<256x1xf32>
    %div3A_9 = arith.divf %div3A_8, %max3A_7 : vector<256x1xf32>
    %get3A_10 = arith.constant 0 : index
    %get3A_11 = arith.constant 0 : index
    %get3A_12 = vector.load %arg1[%get3A_10, %get3A_11] : memref<256x128xf32, #tpu.memory_space<vmem>>, vector<256x128xf32>
    %get3A_13 = arith.constant 0 : index
    %get3A_14 = arith.constant 0 : index
    %get3A_15 = vector.load %arg2[%get3A_13, %get3A_14] : memref<256x128xf32, #tpu.memory_space<vmem>>, vector<256x128xf32>
    %concatenate3A = tpu.concatenate %get3A_12, %get3A_15 in 1 : vector<256x128xf32>, vector<256x128xf32> -> vector<256x256xf32>
    %mul3A = vector.broadcast %div3A_9 : vector<256x1xf32> to vector<256x256xf32>
    %mul3A_16 = arith.mulf %concatenate3A, %mul3A : vector<256x256xf32>
    %get3A_17 = arith.constant 0 : index
    %get3A_18 = arith.constant 0 : index
    %get3A_19 = vector.load %arg5[%get3A_17, %get3A_18] : memref<256x128xf32, #tpu.memory_space<vmem>>, vector<256x128xf32>
    %get3A_20 = arith.constant 0 : index
    %get3A_21 = arith.constant 0 : index
    %get3A_22 = vector.load %arg6[%get3A_20, %get3A_21] : memref<256x128xf32, #tpu.memory_space<vmem>>, vector<256x128xf32>
    %concatenate3A_23 = tpu.concatenate %get3A_19, %get3A_22 in 1 : vector<256x128xf32>, vector<256x128xf32> -> vector<256x256xf32>
    %get3A_24 = arith.constant 0 : index
    %get3A_25 = arith.constant 0 : index
    %get3A_26 = vector.load %arg7[%get3A_24, %get3A_25] : memref<256x256xf32, #tpu.memory_space<vmem>>, vector<256x256xf32>
    %dot_general3A = arith.constant dense<0.000000e+00> : vector<256x256xf32>
    %dot_general3A_27 = tpu.matmul %mul3A_16, %get3A_26, %dot_general3A {dimension_numbers = #tpu.dot_dimension_numbers<[1], [0], [0], [1], [0, 0, 1, 1], [], []>, transpose_lhs_hint = false} : vector<256x256xf32>, vector<256x256xf32>, vector<256x256xf32> -> vector<256x256xf32>
    %get3A_28 = arith.constant 0 : index
    %get3A_29 = arith.constant 0 : index
    %get3A_30 = vector.load %arg8[%get3A_28, %get3A_29] : memref<1x256xf32, #tpu.memory_space<vmem>>, vector<1x256xf32>
    %add3A_31 = vector.broadcast %get3A_30 : vector<1x256xf32> to vector<256x256xf32>
    %add3A_32 = arith.addf %dot_general3A_27, %add3A_31 : vector<256x256xf32>
    %get3A_33 = arith.constant 0 : index
    %get3A_34 = arith.constant 0 : index
    %get3A_35 = vector.load %arg9[%get3A_33, %get3A_34] : memref<256x256xf32, #tpu.memory_space<vmem>>, vector<256x256xf32>
    %dot_general3A_36 = arith.constant dense<0.000000e+00> : vector<256x256xf32>
    %dot_general3A_37 = tpu.matmul %concatenate3A_23, %get3A_35, %dot_general3A_36 {dimension_numbers = #tpu.dot_dimension_numbers<[1], [0], [0], [1], [0, 0, 1, 1], [], []>, transpose_lhs_hint = false} : vector<256x256xf32>, vector<256x256xf32>, vector<256x256xf32> -> vector<256x256xf32>
    %add3A_38 = arith.addf %add3A_32, %dot_general3A_37 : vector<256x256xf32>
    %max3A_39 = arith.constant 0.000000e+00 : f32
    %max3A_40 = vector.broadcast %max3A_39 : f32 to vector<256x256xf32>
    %max3A_41 = arith.maximumf %add3A_38, %max3A_40 : vector<256x256xf32>
    %slice3A_42 = vector.extract_strided_slice %max3A_41 {offsets = [0, 0], sizes = [256, 128], strides = [1, 1]} : vector<256x256xf32> to vector<256x128xf32>
    %swap3A = arith.constant 0 : index
    %swap3A_43 = arith.constant 0 : index
    %swap3A_44 = vector.load %arg10[%swap3A, %swap3A_43] : memref<256x128xf32, #tpu.memory_space<vmem>>, vector<256x128xf32>
    tpu.vector_store %arg10[%swap3A, %swap3A_43], %slice3A_42 {strides = array<i32>} : memref<256x128xf32, #tpu.memory_space<vmem>>, vector<256x128xf32>,
    %slice3A_45 = vector.extract_strided_slice %max3A_41 {offsets = [0, 128], sizes = [256, 128], strides = [1, 1]} : vector<256x256xf32> to vector<256x128xf32>
    %swap3A_46 = arith.constant 0 : index
    %swap3A_47 = arith.constant 0 : index
    %swap3A_48 = vector.load %arg11[%swap3A_46, %swap3A_47] : memref<256x128xf32, #tpu.memory_space<vmem>>, vector<256x128xf32>
    tpu.vector_store %arg11[%swap3A_46, %swap3A_47], %slice3A_45 {strides = array<i32>} : memref<256x128xf32, #tpu.memory_space<vmem>>, vector<256x128xf32>,
    return
  }
  func.func @transform_0(%arg0: i32) -> (i32, i32) {
    %c0_i32 = arith.constant 0 : i32
    %c0_i32_0 = arith.constant 0 : i32
    return %arg0, %c0_i32 : i32, i32
  }
  func.func @transform_1(%arg0: i32) -> (i32, i32) {
    %add3A = arith.constant 40 : i32
    %add3A_0 = arith.addi %arg0, %add3A : i32
    %c0_i32 = arith.constant 0 : i32
    %c0_i32_1 = arith.constant 0 : i32
    return %add3A_0, %c0_i32 : i32, i32
  }
  func.func @transform_2(%arg0: i32) -> (i32, i32) {
    %c0_i32 = arith.constant 0 : i32
    %c0_i32_0 = arith.constant 0 : i32
    return %arg0, %c0_i32 : i32, i32
  }
  func.func @transform_3(%arg0: i32) -> (i32, i32) {
    %add3A = arith.constant 40 : i32
    %add3A_0 = arith.addi %arg0, %add3A : i32
    %c0_i32 = arith.constant 0 : i32
    %c0_i32_1 = arith.constant 0 : i32
    return %add3A_0, %c0_i32 : i32, i32
  }
  func.func @transform_4(%arg0: i32) -> (i32, i32) {
    %c0_i32 = arith.constant 0 : i32
    %c0_i32_0 = arith.constant 0 : i32
    return %arg0, %c0_i32 : i32, i32
  }
  func.func @transform_5(%arg0: i32) -> (i32, i32) {
    %add3A = arith.constant 40 : i32
    %add3A_0 = arith.addi %arg0, %add3A : i32
    %c0_i32 = arith.constant 0 : i32
    %c0_i32_1 = arith.constant 0 : i32
    return %add3A_0, %c0_i32 : i32, i32
  }
  func.func @transform_6(%arg0: i32) -> (i32, i32) {
    %c0_i32 = arith.constant 0 : i32
    %c0_i32_0 = arith.constant 0 : i32
    %c0_i32_1 = arith.constant 0 : i32
    return %c0_i32, %c0_i32_0 : i32, i32
  }
  func.func @transform_7(%arg0: i32) -> (i32, i32) {
    %c0_i32 = arith.constant 0 : i32
    %c0_i32_0 = arith.constant 0 : i32
    %c0_i32_1 = arith.constant 0 : i32
    return %c0_i32, %c0_i32_0 : i32, i32
  }
  func.func @transform_8(%arg0: i32) -> (i32, i32) {
    %c0_i32 = arith.constant 0 : i32
    %c0_i32_0 = arith.constant 0 : i32
    %c0_i32_1 = arith.constant 0 : i32
    return %c0_i32, %c0_i32_0 : i32, i32
  }
  func.func @transform_9(%arg0: i32) -> (i32, i32) {
    %c0_i32 = arith.constant 0 : i32
    %c0_i32_0 = arith.constant 0 : i32
    return %arg0, %c0_i32 : i32, i32
  }
  func.func @transform_10(%arg0: i32) -> (i32, i32) {
    %c0_i32 = arith.constant 0 : i32
    %c0_i32_0 = arith.constant 0 : i32
    return %arg0, %c0_i32 : i32, i32
  }
}

module attributes {stable_mosaic.version = 14 : i64} {
  func.func @body(%arg0: i32, %arg1: memref<256x128xf32, #tpu.memory_space<vmem>>, %arg2: memref<256x128xf32, #tpu.memory_space<vmem>>, %arg3: memref<256x128xf32, #tpu.memory_space<vmem>>, %arg4: memref<256x128xf32, #tpu.memory_space<vmem>>, %arg5: memref<256x128xf32, #tpu.memory_space<vmem>>, %arg6: memref<256x128xf32, #tpu.memory_space<vmem>>, %arg7: memref<256x512xf32, #tpu.memory_space<vmem>>, %arg8: memref<1x512xf32, #tpu.memory_space<vmem>>, %arg9: memref<256x512xf32, #tpu.memory_space<vmem>>, %arg10: memref<512x256xf32, #tpu.memory_space<vmem>>, %arg11: memref<1x256xf32, #tpu.memory_space<vmem>>, %arg12: memref<256x256xf32, #tpu.memory_space<vmem>>) attributes {dimension_semantics = [#tpu.dimension_semantics<arbitrary>], iteration_bounds = array<i64: 40>, scalar_prefetch = 0 : i64, scratch_operands = 0 : i64, tpu.core_type = #tpu.core_type<tc>, window_params = [{transform_indices = @transform_0, window_bounds = array<i64: 256, 128>}, {transform_indices = @transform_1, window_bounds = array<i64: 256, 128>}, {transform_indices = @transform_2, window_bounds = array<i64: 256, 128>}, {transform_indices = @transform_3, window_bounds = array<i64: 256, 128>}, {transform_indices = @transform_4, window_bounds = array<i64: 256, 128>}, {transform_indices = @transform_5, window_bounds = array<i64: 256, 128>}, {pipeline_mode = #tpu.pipeline_mode<synchronous>, transform_indices = @transform_6, window_bounds = array<i64: 256, 512>}, {pipeline_mode = #tpu.pipeline_mode<synchronous>, transform_indices = @transform_7, window_bounds = array<i64: 1, 512>}, {pipeline_mode = #tpu.pipeline_mode<synchronous>, transform_indices = @transform_8, window_bounds = array<i64: 256, 512>}, {pipeline_mode = #tpu.pipeline_mode<synchronous>, transform_indices = @transform_9, window_bounds = array<i64: 512, 256>}, {pipeline_mode = #tpu.pipeline_mode<synchronous>, transform_indices = @transform_10, window_bounds = array<i64: 1, 256>}, {transform_indices = @transform_11, window_bounds = array<i64: 256, 256>}]} {
    %get3A = arith.constant 0 : index
    %get3A_0 = arith.constant 0 : index
    %get3A_1 = vector.load %arg3[%get3A, %get3A_0] : memref<256x128xf32, #tpu.memory_space<vmem>>, vector<256x128xf32>
    %slice3A = vector.extract_strided_slice %get3A_1 {offsets = [0, 0], sizes = [256, 1], strides = [1, 1]} : vector<256x128xf32> to vector<256x1xf32>
    %get3A_2 = arith.constant 0 : index
    %get3A_3 = arith.constant 0 : index
    %get3A_4 = vector.load %arg4[%get3A_2, %get3A_3] : memref<256x128xf32, #tpu.memory_space<vmem>>, vector<256x128xf32>
    %slice3A_5 = vector.extract_strided_slice %get3A_4 {offsets = [0, 0], sizes = [256, 1], strides = [1, 1]} : vector<256x128xf32> to vector<256x1xf32>
    %add3A = arith.addf %slice3A, %slice3A_5 : vector<256x1xf32>
    %max3A = arith.constant 1.000000e+00 : f32
    %max3A_6 = vector.broadcast %max3A : f32 to vector<256x1xf32>
    %max3A_7 = arith.maximumf %add3A, %max3A_6 : vector<256x1xf32>
    %div3A = arith.constant 1.000000e+00 : f32
    %div3A_8 = vector.broadcast %div3A : f32 to vector<256x1xf32>
    %div3A_9 = arith.divf %div3A_8, %max3A_7 : vector<256x1xf32>
    %get3A_10 = arith.constant 0 : index
    %get3A_11 = arith.constant 0 : index
    %get3A_12 = vector.load %arg1[%get3A_10, %get3A_11] : memref<256x128xf32, #tpu.memory_space<vmem>>, vector<256x128xf32>
    %get3A_13 = arith.constant 0 : index
    %get3A_14 = arith.constant 0 : index
    %get3A_15 = vector.load %arg2[%get3A_13, %get3A_14] : memref<256x128xf32, #tpu.memory_space<vmem>>, vector<256x128xf32>
    %concatenate3A = tpu.concatenate %get3A_12, %get3A_15 in 1 : vector<256x128xf32>, vector<256x128xf32> -> vector<256x256xf32>
    %mul3A = vector.broadcast %div3A_9 : vector<256x1xf32> to vector<256x256xf32>
    %mul3A_16 = arith.mulf %concatenate3A, %mul3A : vector<256x256xf32>
    %get3A_17 = arith.constant 0 : index
    %get3A_18 = arith.constant 0 : index
    %get3A_19 = vector.load %arg5[%get3A_17, %get3A_18] : memref<256x128xf32, #tpu.memory_space<vmem>>, vector<256x128xf32>
    %get3A_20 = arith.constant 0 : index
    %get3A_21 = arith.constant 0 : index
    %get3A_22 = vector.load %arg6[%get3A_20, %get3A_21] : memref<256x128xf32, #tpu.memory_space<vmem>>, vector<256x128xf32>
    %concatenate3A_23 = tpu.concatenate %get3A_19, %get3A_22 in 1 : vector<256x128xf32>, vector<256x128xf32> -> vector<256x256xf32>
    %get3A_24 = arith.constant 0 : index
    %get3A_25 = arith.constant 0 : index
    %get3A_26 = vector.load %arg7[%get3A_24, %get3A_25] : memref<256x512xf32, #tpu.memory_space<vmem>>, vector<256x512xf32>
    %dot_general3A = arith.constant dense<0.000000e+00> : vector<256x512xf32>
    %dot_general3A_27 = tpu.matmul %mul3A_16, %get3A_26, %dot_general3A {dimension_numbers = #tpu.dot_dimension_numbers<[1], [0], [0], [1], [0, 0, 1, 1], [], []>, transpose_lhs_hint = false} : vector<256x256xf32>, vector<256x512xf32>, vector<256x512xf32> -> vector<256x512xf32>
    %get3A_28 = arith.constant 0 : index
    %get3A_29 = arith.constant 0 : index
    %get3A_30 = vector.load %arg8[%get3A_28, %get3A_29] : memref<1x512xf32, #tpu.memory_space<vmem>>, vector<1x512xf32>
    %add3A_31 = vector.broadcast %get3A_30 : vector<1x512xf32> to vector<256x512xf32>
    %add3A_32 = arith.addf %dot_general3A_27, %add3A_31 : vector<256x512xf32>
    %get3A_33 = arith.constant 0 : index
    %get3A_34 = arith.constant 0 : index
    %get3A_35 = vector.load %arg9[%get3A_33, %get3A_34] : memref<256x512xf32, #tpu.memory_space<vmem>>, vector<256x512xf32>
    %dot_general3A_36 = arith.constant dense<0.000000e+00> : vector<256x512xf32>
    %dot_general3A_37 = tpu.matmul %concatenate3A_23, %get3A_35, %dot_general3A_36 {dimension_numbers = #tpu.dot_dimension_numbers<[1], [0], [0], [1], [0, 0, 1, 1], [], []>, transpose_lhs_hint = false} : vector<256x256xf32>, vector<256x512xf32>, vector<256x512xf32> -> vector<256x512xf32>
    %add3A_38 = arith.addf %add3A_32, %dot_general3A_37 : vector<256x512xf32>
    %max3A_39 = arith.constant 0.000000e+00 : f32
    %max3A_40 = vector.broadcast %max3A_39 : f32 to vector<256x512xf32>
    %max3A_41 = arith.maximumf %add3A_38, %max3A_40 : vector<256x512xf32>
    %get3A_42 = arith.constant 0 : index
    %get3A_43 = arith.constant 0 : index
    %get3A_44 = vector.load %arg10[%get3A_42, %get3A_43] : memref<512x256xf32, #tpu.memory_space<vmem>>, vector<512x256xf32>
    %dot_general3A_45 = arith.constant dense<0.000000e+00> : vector<256x256xf32>
    %dot_general3A_46 = tpu.matmul %max3A_41, %get3A_44, %dot_general3A_45 {dimension_numbers = #tpu.dot_dimension_numbers<[1], [0], [0], [1], [0, 0, 1, 1], [], []>, transpose_lhs_hint = false} : vector<256x512xf32>, vector<512x256xf32>, vector<256x256xf32> -> vector<256x256xf32>
    %get3A_47 = arith.constant 0 : index
    %get3A_48 = arith.constant 0 : index
    %get3A_49 = vector.load %arg11[%get3A_47, %get3A_48] : memref<1x256xf32, #tpu.memory_space<vmem>>, vector<1x256xf32>
    %add3A_50 = vector.broadcast %get3A_49 : vector<1x256xf32> to vector<256x256xf32>
    %add3A_51 = arith.addf %dot_general3A_46, %add3A_50 : vector<256x256xf32>
    %swap3A = arith.constant 0 : index
    %swap3A_52 = arith.constant 0 : index
    %swap3A_53 = vector.load %arg12[%swap3A, %swap3A_52] : memref<256x256xf32, #tpu.memory_space<vmem>>, vector<256x256xf32>
    tpu.vector_store %arg12[%swap3A, %swap3A_52], %add3A_51 {strides = array<i32>} : memref<256x256xf32, #tpu.memory_space<vmem>>, vector<256x256xf32>,
    return
  }
  func.func @transform_0(%arg0: i32) -> (i32, i32) {
    %c0_i32 = arith.constant 0 : i32
    %c0_i32_0 = arith.constant 0 : i32
    return %arg0, %c0_i32 : i32, i32
  }
  func.func @transform_1(%arg0: i32) -> (i32, i32) {
    %add3A = arith.constant 40 : i32
    %add3A_0 = arith.addi %arg0, %add3A : i32
    %c0_i32 = arith.constant 0 : i32
    %c0_i32_1 = arith.constant 0 : i32
    return %add3A_0, %c0_i32 : i32, i32
  }
  func.func @transform_2(%arg0: i32) -> (i32, i32) {
    %c0_i32 = arith.constant 0 : i32
    %c0_i32_0 = arith.constant 0 : i32
    return %arg0, %c0_i32 : i32, i32
  }
  func.func @transform_3(%arg0: i32) -> (i32, i32) {
    %add3A = arith.constant 40 : i32
    %add3A_0 = arith.addi %arg0, %add3A : i32
    %c0_i32 = arith.constant 0 : i32
    %c0_i32_1 = arith.constant 0 : i32
    return %add3A_0, %c0_i32 : i32, i32
  }
  func.func @transform_4(%arg0: i32) -> (i32, i32) {
    %c0_i32 = arith.constant 0 : i32
    %c0_i32_0 = arith.constant 0 : i32
    return %arg0, %c0_i32 : i32, i32
  }
  func.func @transform_5(%arg0: i32) -> (i32, i32) {
    %add3A = arith.constant 40 : i32
    %add3A_0 = arith.addi %arg0, %add3A : i32
    %c0_i32 = arith.constant 0 : i32
    %c0_i32_1 = arith.constant 0 : i32
    return %add3A_0, %c0_i32 : i32, i32
  }
  func.func @transform_6(%arg0: i32) -> (i32, i32) {
    %c0_i32 = arith.constant 0 : i32
    %c0_i32_0 = arith.constant 0 : i32
    %c0_i32_1 = arith.constant 0 : i32
    return %c0_i32, %c0_i32_0 : i32, i32
  }
  func.func @transform_7(%arg0: i32) -> (i32, i32) {
    %c0_i32 = arith.constant 0 : i32
    %c0_i32_0 = arith.constant 0 : i32
    %c0_i32_1 = arith.constant 0 : i32
    return %c0_i32, %c0_i32_0 : i32, i32
  }
  func.func @transform_8(%arg0: i32) -> (i32, i32) {
    %c0_i32 = arith.constant 0 : i32
    %c0_i32_0 = arith.constant 0 : i32
    %c0_i32_1 = arith.constant 0 : i32
    return %c0_i32, %c0_i32_0 : i32, i32
  }
  func.func @transform_9(%arg0: i32) -> (i32, i32) {
    %c0_i32 = arith.constant 0 : i32
    %c0_i32_0 = arith.constant 0 : i32
    %c0_i32_1 = arith.constant 0 : i32
    return %c0_i32, %c0_i32_0 : i32, i32
  }
  func.func @transform_10(%arg0: i32) -> (i32, i32) {
    %c0_i32 = arith.constant 0 : i32
    %c0_i32_0 = arith.constant 0 : i32
    %c0_i32_1 = arith.constant 0 : i32
    return %c0_i32, %c0_i32_0 : i32, i32
  }
  func.func @transform_11(%arg0: i32) -> (i32, i32) {
    %c0_i32 = arith.constant 0 : i32
    %c0_i32_0 = arith.constant 0 : i32
    return %arg0, %c0_i32 : i32, i32
  }
}

</mosaic_0001>

<sc_bundles>
// kernel: kernel.12.cloned.1.call-start
scs
__scs_entry_jumppad:
0x0: {  	(pc) =	sbr.rel $0x88, $3  }
0x1: {  	(tag) =	ssettag $0x0;
	lr =	simm.s32 $0x1  }
0x2: {  	[smem:$0x3F94] =	sst lr;
	_ =	strace $0xD0000000  }
0x3: {  	_ = 	snop  }
0x4: {  	_ = 	snop  }
0x5: {  	_ = 	snop  }
0x6: {  	_ = 	snop  }
0x7: {  	_ = 	snop  }
__scs_overlays_trampoline_lowered:
0x8: {  	[smem:$0x3FA3] =	sst s0  }
0x9: {  	[smem:$0x3FA4] =	sst s1  }
0xa: {  	[smem:$0x3FA5] =	sst s2  }
0xb: {  	[smem:$0x3FA6] =	sst s3  }
0xc: {  	[smem:$0x3FA7] =	sst s4  }
0xd: {  	[smem:$0x3FA8] =	sst s5  }
0xe: {  	[smem:$0x3FA9] =	sst s6  }
0xf: {  	[smem:$0x3FAA] =	sst s7  }
0x10: {  	[smem:$0x3FAB] =	sst s8  }
0x11: {  	[smem:$0x3FAC] =	sst s9;
	s0 =	simm.s32 @!p0 $0x0  }
0x12: {  	s1 =	sld [smem:$0x3F92];
	s0 =	simm.s32 @p0 $0x1  }
0x13: {  	[smem:$0x3FAD] =	sst s0;
	s0 =	simm.s32 @!p1 $0x0  }
0x14: {  	s2 =	sld [smem:$0x3F91];
	s0 =	simm.s32 @p1 $0x1  }
0x15: {  	[smem:$0x3FAE] =	sst s0;
	s0 =	simm.s32 @!p2 $0x0  }
0x16: {  	s3 =	sld [smem:$0x3FDB];
	s0 =	simm.s32 @p2 $0x1  }
0x17: {  	s4 =	simm.s32 $0x1BF5;
	[smem:$0x3FB0] =	sst s0  }
0x18: {  	s0 =	sld [smem:$0x3F93];
	_ =	swait.ge [sflag:s4], $0x0  }
0x19: {  	s7 =	sld [smem:$0x3F94]  }
0x1a: {  	s8 =	sadd.s32 $0xFFFFE003, lr  }
0x1b: {  	s9 =	sadd.s32 $0xFFFFFEF7, lr;
	s5 =	simm.s32 $0xFFFFFFFF;
	p2 =	slt.u32 s8, $0xFFFFF086  }
0x1c: {  	p1 =	slt.u32 s9, $0xF7A;
	s5 =	simm.s32 @!p2 $0x0  }
0x1d: {  	s5 =	simm.s32 @p1 $0x1;
	p0 =	seq.s32 s7, s2  }
0x1e: {  	s7 =	smul.u32 @!p0 $0xF7A, s2;
	p2 =	seq.s32 @!p0 s5, $0x0  }
0x1f: {  	s9 =	smul.u32 $0xF7A, s1;
	s8 =	simm.s32 @!p0 $0x1BF5;
	p2 =	por !p2, p0  }
0x20: {  	[sflag:s8] =	ssyncset.s32 @!p0 $0xFFFFF086;
	s6 =	sadd.s32 @!p0 s3, s7;
	s7 =	simm.s32 @!p0 $0x108  }
0x21: {  	s3 =	sadd.s32 s3, s9;
	s6 =	sadd.s32 @!p0 $0x88, s6;
	s7 =	simm.s32 @p2 $0x1082  }
0x22: {  	[simem:s7], [sflag:s8] =	dma.local @!p0 [hbm:s6], $0xF7A  }
0x23: {  	s9 =	sor.u32 $0xD0000000, s2;
	s6 =	simm.s32 $0x108;
	_ =	swait.ge @!p0 [sflag:s8], $0x0  }
0x24: {  	s3 =	sadd.s32 $0x88, s3;
	s6 =	simm.s32 @!p1 $0x1082;
	[sflag:s4] =	ssyncset.s32 $0xFFFFF086  }
0x25: {  	[simem:s6], [sflag:s4] =	dma.local [hbm:s3], $0xF7A  }
0x26: {  	[smem:$0x3F94] =	sst s1;
	(tag) =	ssettag s2;
	_ =	strace s9  }
0x27: {  	s1 =	sld [smem:$0x3FA4]  }
0x28: {  	s2 =	sld [smem:$0x3FA5]  }
0x29: {  	s4 =	sld [smem:$0x3FA7]  }
0x2a: {  	p0 =	seq.s32 s5, $0x0;
	s5 =	sld [smem:$0x3FA8]  }
0x2b: {  	s6 =	sld [smem:$0x3FA9]  }
0x2c: {  	s7 =	sld [smem:$0x3FAA]  }
0x2d: {  	s3 =	simm.s32 $0x108;
	s8 =	sld [smem:$0x3FAB]  }
0x2e: {  	s3 =	simm.s32 @!p0 $0x1082;
	s9 =	sld [smem:$0x3FAC]  }
0x2f: {  	lr =	sadd.s32 s0, s3;
	s0 =	sld [smem:$0x3FA3]  }
0x30: {  	s3 =	sld [smem:$0x3FA6]  }
0x31: {  	[smem:$0x3FAF] =	sst s10  }
0x32: {  	s10 =	sld [smem:$0x3FAD];
	_ =	sdelay $0x3  }
0x33: {  	p0 =	seq.s32 s10, $0x1;
	s10 =	sld [smem:$0x3FAF];
	_ =	sdelay $0x3  }
0x34: {  	[smem:$0x3FAF] =	sst s10  }
0x35: {  	s10 =	sld [smem:$0x3FAE];
	_ =	sdelay $0x3  }
0x36: {  	p1 =	seq.s32 s10, $0x1;
	s10 =	sld [smem:$0x3FAF];
	_ =	sdelay $0x3  }
0x37: {  	[smem:$0x3FAF] =	sst s10  }
0x38: {  	s10 =	sld [smem:$0x3FB0]  }
0x39: {  	_ = 	snop;
	(pc) =	sbr.ind lr, $3  }
0x3a: {  	_ = 	snop  }
0x3b: {  	_ = 	snop  }
0x3c: {  	p2 =	seq.s32 s10, $0x1;
	s10 =	sld [smem:$0x3FAF]  }
0x3d: {  	_ =	shalt  }
0x3e: {  	_ =	shalt  }
0x3f: {  	_ =	shalt  }
0x40: {  	_ =	shalt  }
0x41: {  	_ =	shalt  }
0x42: {  	_ =	shalt  }
0x43: {  	_ =	shalt  }
0x44: {  	_ =	shalt  }
0x45: {  	_ =	shalt  }
0x46: {  	_ =	shalt  }
0x47: {  	_ =	shalt  }
0x48: {  	_ =	shalt  }
0x49: {  	_ =	shalt  }
0x4a: {  	_ =	shalt  }
0x4b: {  	_ =	shalt  }
0x4c: {  	_ =	shalt  }
0x4d: {  	_ =	shalt  }
0x4e: {  	_ =	shalt  }
0x4f: {  	_ =	shalt  }
0x50: {  	_ =	shalt  }
0x51: {  	_ =	shalt  }
0x52: {  	_ =	shalt  }
0x53: {  	_ =	shalt  }
0x54: {  	_ =	shalt  }
0x55: {  	_ =	shalt  }
0x56: {  	_ =	shalt  }
0x57: {  	_ =	shalt  }
0x58: {  	_ =	shalt  }
0x59: {  	_ =	shalt  }
0x5a: {  	_ =	shalt  }
0x5b: {  	_ =	shalt  }
0x5c: {  	_ =	shalt  }
0x5d: {  	_ =	shalt  }
0x5e: {  	_ =	shalt  }
0x5f: {  	_ =	shalt  }
0x60: {  	_ =	shalt  }
0x61: {  	_ =	shalt  }
0x62: {  	_ =	shalt  }
0x63: {  	_ =	shalt  }
0x64: {  	_ =	shalt  }
0x65: {  	_ =	shalt  }
0x66: {  	_ =	shalt  }
0x67: {  	_ =	shalt  }
0x68: {  	_ =	shalt  }
0x69: {  	_ =	shalt  }
0x6a: {  	_ =	shalt  }
0x6b: {  	_ =	shalt  }
0x6c: {  	_ =	shalt  }
0x6d: {  	_ =	shalt  }
0x6e: {  	_ =	shalt  }
0x6f: {  	_ =	shalt  }
0x70: {  	_ =	shalt  }
0x71: {  	_ =	shalt  }
0x72: {  	_ =	shalt  }
0x73: {  	_ =	shalt  }
0x74: {  	_ =	shalt  }
0x75: {  	_ =	shalt  }
0x76: {  	_ =	shalt  }
0x77: {  	_ =	shalt  }
0x78: {  	_ =	shalt  }
0x79: {  	_ =	shalt  }
0x7a: {  	_ =	shalt  }
0x7b: {  	_ =	shalt  }
0x7c: {  	_ =	shalt  }
0x7d: {  	_ =	shalt  }
0x7e: {  	_ =	shalt  }
0x7f: {  	_ =	shalt  }
0x80: {  	_ =	shalt  }
0x81: {  	_ =	shalt  }
0x82: {  	_ =	shalt  }
0x83: {  	_ =	shalt  }
0x84: {  	_ =	shalt  }
0x85: {  	_ =	shalt  }
0x86: {  	_ =	shalt  }
0x87: {  	_ =	shalt  }
.Lfunc_end0:
.L_simem_size_0:
called_computation.1_lowered:
.L_overlay_start_0:
0x88: {  	s2 =	sld [smem:$0x3FD9]  }
0x89: {  	s3 =	sld [smem:$0x3FFE];
	_ =	sdelay $0x1  }
0x8a: {  	s1 =	srdreg.scid  }
0x8b: {  	s0 =	sand.u32 $0x1, s1  }
0x8c: {  	s17 =	sshll.u32 s0, $0xA;
	s2 =	sadd.s32 s3, s2  }
0x8d: {  	s2 =	sadd.s32 s2, s17  }
0x8e: {  	[smem:$0x3FBB] =	sst s2  }
0x8f: {  	_ = 	snop  }
0x90: {  	s2 =	sld [smem:$0x3FC9];
	(tm) =	ssettm $0x1  }
0x91: {  	s18 =	sld [smem:$0x3FFB];
	_ =	sdelay $0x3  }
0x92: {  	_ =	strace s18  }
0x93: {  	s3 =	sld [smem:$0x3FFC];
	_ =	sdelay $0x3  }
0x94: {  	_ =	strace s3  }
0x95: {  	s3 =	sld [smem:$0x3FFD];
	_ =	sdelay $0x3  }
0x96: {  	_ =	strace s3  }
0x97: {  	_ =	strace $0x8FFFFFFF  }
0x98: {  	s19 =	sld [smem:$0x3FDB];
	_ =	sdelay $0x1  }
0x99: {  	s4 =	simm.s32 $_scs_section_size  }
0x9a: {  	s5 =	simm.s32 $_size__tile_overlayer_lowered;
	s6 =	simm.s32 $_tile_overlayer_lowered  }
0x9b: {  	s22 =	simm.s32 $0x1BFF;
	s21 =	sshll.u32 s6, $0x1;
	s3 =	sadd.s32 s4, s19  }
0x9c: {  	s7 =	simm.s32 $0x0;
	s20 =	sshll.u32 s5, $0x1;
	s5 =	sadd.s32 s21, s3  }
0x9d: {  	[timem:s7], [sflag:s22] =	dma.local [hbm:s5], s20  }
0x9e: {  	_ =	swait.ge [sflag:s22], s20  }
0x9f: {  	s4 =	ssub.s32 $0x0, s20;
	[sflag:s22] =	ssyncset.done $0x0  }
0xa0: {  	[sflag:s22] =	ssyncadd.s32 s4;
	_ =	sdelay $0x1  }
0xa1: {  	s23 =	simm.s32 $0x1B8B  }
0xa2: {  	_ =	swait.ge [sflag:s23], $0x1  }
0xa3: {  	[sflag:s23] =	ssyncset.done $0x0  }
0xa4: {  	s25 =	simm.s32 $0x1B8E;
	s24 =	sld [smem:$0x3FFE];
	[sflag:s23] =	ssyncadd.s32 $0xFFFFFFFF  }
0xa5: {  	s26 =	simm.s32 $execute0_lowered;
	[smem:$0x3FD2] =	sst s25  }
0xa6: {  	s5 =	sshll.u32 s26, $0x1;
	_ =	strace $0x80000046;
	[dreg:$0x1] =	wrdreg $0xFFFFFFFF  }
0xa7: {  	s28 =	simm.s32 $_size_execute0_lowered;
	s3 =	sadd.s32 s3, s5;
	[dreg:$0x0] =	wrdreg $0x0  }
0xa8: {  	s5 =	sshll.u32 s28, $0x1;
	[dreg:$0x2] =	wrdreg s3  }
0xa9: {  	[dreg:$0x3] =	wrdreg s5  }
0xaa: {  	[dreg:$0x4] =	wrdreg $0xC0  }
0xab: {  	_ =	task [dreg:s7], $0x5FFFF  }
0xac: {  	[dreg:$0x1] =	wrdreg $0xFFFFFFFF  }
0xad: {  	[dreg:$0x0] =	wrdreg $0x60  }
0xae: {  	[dreg:$0x2] =	wrdreg s2  }
0xaf: {  	[dreg:$0x3] =	wrdreg s24  }
0xb0: {  	[dreg:$0x4] =	wrdreg $0x29000  }
0xb1: {  	[dreg:$0x5] =	wrdreg $0xA  }
0xb2: {  	_ =	task.clear_ibuf [dreg:s7], $0x6FFFF;
	_ =	strace $0x90000046  }
0xb3: {  	s29 =	simm.s32 $0xA;
	_ =	strace $0x80000048  }
0xb4: {  	_ =	swait.ge [sflag:s29], $0x1  }
0xb5: {  	[sflag:s29] =	ssyncadd.s32 $0xFFFFFFFF  }
0xb6: {  	_ =	strace $0x90000048  }
0xb7: {  	_ =	sfence  }
0xb8: {  	s30 =	sld [smem:$0x0];
	_ =	sdelay $0x2  }
0xb9: {  	s31 =	sshll.u32 s1, $0xD;
	s1 =	sshrl.u32 s1, $0x2  }
0xba: {  	s3 =	sand.u32 $0x4000, s31;
	s1 =	sadd.s32 s1, s30  }
0xbb: {  	s0 =	sor.u32 s3, s0;
	s1 =	sshll.u32 s1, $0x11  }
0xbc: {  	s0 =	sor.u32 s1, s0  }
0xbd: {  	s0 =	sadd.s32 $0x8F2B, s0  }
0xbe: {  	[sflag:s0] =	ssyncadd.remote.s32 $0x1  }
0xbf: {  	_ =	sfence.sel $0xFFFF  }
0xc0: {  	[dreg:$0x0] =	wrdreg $0xFFFFFFFF;
	(pc) =	sbr.abs _section_cstart, $3  }
0xc1: {  	[dreg:$0x1] =	wrdreg $0xFFFFFFFF  }
0xc2: {  	_ =	task.clear_ibuf [dreg:s7], $0x2FFFF;
	_ =	strace $0x9FFFFFFF  }
0xc3: {  	(tm) =	ssettm $0x7FFFFFFF  }
tec
execute0_lowered:
.L_overlay_start_1:
0x0: {  	(tag) =	ssettag $0x1  }
0x1: {  	s1 =	rddreg [dreg:$0x0];
	s0 =	srdreg.scid  }
0x2: {  	s2 =	rddreg [dreg:$0x1];
	s20 =	stileid.u32  }
0x3: {  	s3 =	rddreg [dreg:$0x2];
	s7 =	smul.u32 $0x2710, s20  }
0x4: {  	s4 =	simm.s32 $0x0;
	s28 =	simm.s32 $0x80;
	s8 =	smul.u32 $0x280, s20  }
0x5: {  	s29 =	simm.s32 $0x50;
	s6 =	sand.u32 $0x1, s0;
	s9 =	smul.u32 $0x50000, s20  }
0x6: {  	s30 =	simm.s32 $0x0;
	[smem:$0x7FF] =	sst s4;
	s5 =	smul.u32 $0x27100, s6  }
0x7: {  	s22 =	sadd.s32 $0x17000, s2;
	s21 =	smul.u32 $0x2800, s6;
	_ =	strace $0x80000047  }
0x8: {  	[dreg:$0x4] =	wrdreg s22;
	s23 =	ssub.s32 $0x2, s6;
	s25 =	sshrl.u32 s9, $0x2  }
0x9: {  	s26 =	sshrl.u32 s23, $0x1;
	s5 =	sadd.s32 s7, s5;
	s7 =	sadd.s32 s8, s21  }
0xa: {  	s6 =	sadd.s32 s25, s3;
	s22 =	ssub.s32 s23, s26;
	s25 =	simm.s32 $0x100  }
0xb: {  	s26 =	simm.s32 $0x1;
	s5 =	sshrl.u32 s5, $0x3;
	s7 =	sshll.u32 s7, $0x4  }
0xc: {  	s8 =	sadd.s32 $0x5000, s6;
	s9 =	sadd.s32 $0x7800, s6;
	s10 =	sadd.s32 $0xA000, s6  }
0xd: {  	s11 =	sadd.s32 $0xC800, s6;
	s12 =	sadd.s32 $0xF000, s6;
	s13 =	sadd.s32 $0x11800, s6  }
0xe: {  	s22 =	smax.u32 s22, $0x1;
	s24 =	sadd.s32 s5, s2;
	s2 =	sadd.s32 s7, s2  }
0xf: {  	s7 =	sadd.s32 $0x2800, s6;
	s31 =	sadd.s32 $0x17600, s2;
	s15 =	sadd.s32 $0x17B00, s2  }
0x10: {  	s16 =	sadd.s32 $0x18000, s2;
	s17 =	sadd.s32 $0x18500, s2;
	s18 =	sadd.s32 $0x18A00, s2  }
0x11: {  	s19 =	sadd.s32 $0x18F00, s2;
	s20 =	sadd.s32 $0x19400, s2;
	s21 =	sadd.s32 $0x19900, s2  }
0x12: {  	s23 =	sadd.s32 $0xD200, s24;
	s24 =	sadd.s32 $0x3400, s24;
	[dreg:$0x5] =	wrdreg s31  }
.LBB2_1:
0x13: {  	s0 =	rddreg [dreg:$0x4]  }
0x14: {  	[tilespmem:s25], [sflag:$0x1] =	stream.linear.gather [hbm4b:s0+s4], $0x2800, $0x38;
	[tilespmem:$0x16900] =	vst v63  }
0x15: {  	_ =	swait.ge [sflag:s26], $0x2800  }
0x16: {  	[sflag:s26] =	ssyncset.done $0x0  }
0x17: {  	[sflag:s26] =	ssyncadd.s32 $0xFFFFD800  }
0x18: {  	[spmem:s6] =	stream.linear.scatter [tilespmem:s25], [sflag:$0x1], $0x2800, $0x38;
	[tilespmem:$0x16900] =	vst v63  }
0x19: {  	_ =	swait.ge [sflag:s26], $0x2800  }
0x1a: {  	[sflag:s26] =	ssyncset.done $0x0  }
0x1b: {  	[sflag:s26] =	ssyncadd.s32 $0xFFFFD800  }
0x1c: {  	[spmem:s7] =	stream.linear.scatter [tilespmem:s25], [sflag:$0x1], $0x2800, $0x38;
	[tilespmem:$0x16900] =	vst v63  }
0x1d: {  	_ =	swait.ge [sflag:s26], $0x2800  }
0x1e: {  	[sflag:s26] =	ssyncset.done $0x0  }
0x1f: {  	[sflag:s26] =	ssyncadd.s32 $0xFFFFD800  }
0x20: {  	[spmem:s8] =	stream.linear.scatter [tilespmem:s25], [sflag:$0x1], $0x2800, $0x38;
	[tilespmem:$0x16900] =	vst v63  }
0x21: {  	_ =	swait.ge [sflag:s26], $0x2800  }
0x22: {  	[sflag:s26] =	ssyncset.done $0x0  }
0x23: {  	[sflag:s26] =	ssyncadd.s32 $0xFFFFD800  }
0x24: {  	[spmem:s9] =	stream.linear.scatter [tilespmem:s25], [sflag:$0x1], $0x2800, $0x38;
	[tilespmem:$0x16900] =	vst v63  }
0x25: {  	_ =	swait.ge [sflag:s26], $0x2800  }
0x26: {  	[sflag:s26] =	ssyncset.done $0x0  }
0x27: {  	[sflag:s26] =	ssyncadd.s32 $0xFFFFD800  }
0x28: {  	[spmem:s10] =	stream.linear.scatter [tilespmem:s25], [sflag:$0x1], $0x2800, $0x38;
	[tilespmem:$0x16900] =	vst v63  }
0x29: {  	_ =	swait.ge [sflag:s26], $0x2800  }
0x2a: {  	[sflag:s26] =	ssyncset.done $0x0  }
0x2b: {  	[sflag:s26] =	ssyncadd.s32 $0xFFFFD800  }
0x2c: {  	[spmem:s11] =	stream.linear.scatter [tilespmem:s25], [sflag:$0x1], $0x2800, $0x38;
	[tilespmem:$0x16900] =	vst v63  }
0x2d: {  	_ =	swait.ge [sflag:s26], $0x2800  }
0x2e: {  	[sflag:s26] =	ssyncset.done $0x0  }
0x2f: {  	[sflag:s26] =	ssyncadd.s32 $0xFFFFD800  }
0x30: {  	[spmem:s12] =	stream.linear.scatter [tilespmem:s25], [sflag:$0x1], $0x2800, $0x38;
	[tilespmem:$0x16900] =	vst v63  }
0x31: {  	_ =	swait.ge [sflag:s26], $0x2800  }
0x32: {  	[sflag:s26] =	ssyncset.done $0x0  }
0x33: {  	[sflag:s26] =	ssyncadd.s32 $0xFFFFD800  }
0x34: {  	[spmem:s13] =	stream.linear.scatter [tilespmem:s25], [sflag:$0x1], $0x2800, $0x38;
	[tilespmem:$0x16900] =	vst v63  }
0x35: {  	_ =	swait.ge [sflag:s26], $0x2800  }
0x36: {  	[sflag:s26] =	ssyncset.done $0x0  }
0x37: {  	[sflag:s26] =	ssyncadd.s32 $0xFFFFD800  }
0x38: {  	s2 =	sadd.s32 $0x0, s24;
	[bflag:$0x0] =	sbarrier.arrive $0xFFFF  }
0x39: {  	[tilespmem:s4], [sflag:$0x1] =	stream.linear.gather [hbm4b:s2+s4], $0x50, $0x38;
	[tilespmem:$0x16900] =	vst v63  }
0x3a: {  	_ =	swait.ge [sflag:s26], $0x50  }
0x3b: {  	[sflag:s26] =	ssyncset.done $0x0  }
0x3c: {  	s14 =	sadd.s32 $0x0, s23;
	[sflag:s26] =	ssyncadd.s32 $0xFFFFFFB0  }
0x3d: {  	[tilespmem:s28], [sflag:$0x1] =	stream.linear.gather [hbm4b:s14+s4], $0x50, $0x38;
	[tilespmem:$0x16900] =	vst v63  }
0x3e: {  	_ =	swait.ge [sflag:s26], $0x50  }
0x3f: {  	[sflag:s26] =	ssyncset.done $0x0  }
0x40: {  	[sflag:s26] =	ssyncadd.s32 $0xFFFFFFB0  }
0x41: {  	[tilespmem:s25], [sflag:$0x1] =	stream.indirect.gather [hbm4b:s1+s29], $0x80, s4, s29, $0xb8;
	[tilespmem:$0x16900] =	vst v63  }
0x42: {  	_ =	swait.ge [sflag:s26], $0x2800  }
0x43: {  	[sflag:s26] =	ssyncset.done $0x0  }
0x44: {  	[sflag:s26] =	ssyncadd.s32 $0xFFFFD800  }
0x45: {  	[spmem:s3] =	stream.indirect.scatter.add.f32 [tilespmem:s25], [sflag:$0x1], $0x80, s28, s29, $0xb8;
	[tilespmem:$0x16900] =	vst v63  }
0x46: {  	_ =	swait.ge [sflag:s26], $0x2800  }
0x47: {  	s31 =	simm.s32 $0xA;
	s2 =	simm.s32 $0x14;
	[sflag:s26] =	ssyncset.done $0x0  }
.LBB2_2:
0x48: {  	s0 =	sadd.s32 s31, s24  }
0x49: {  	[sflag:s26] =	ssyncadd.s32 $0xFFFFD800;
	s5 =	smov.u32 s2;
	s14 =	sadd.s32 $0xA, s2  }
0x4a: {  	[tilespmem:s4], [sflag:$0x1] =	stream.linear.gather [hbm4b:s0+s4], $0x50, $0x38;
	[tilespmem:$0x16900] =	vst v63  }
0x4b: {  	p0 =	sne.s32 s2, $0x4D8;
	_ =	swait.ge [sflag:s26], $0x50  }
0x4c: {  	[sflag:s26] =	ssyncset.done $0x0  }
0x4d: {  	s0 =	sadd.s32 s31, s23;
	s31 =	smov.u32 s5;
	[sflag:s26] =	ssyncadd.s32 $0xFFFFFFB0  }
0x4e: {  	[tilespmem:s28], [sflag:$0x1] =	stream.linear.gather [hbm4b:s0+s4], $0x50, $0x38;
	[tilespmem:$0x16900] =	vst v63  }
0x4f: {  	_ =	swait.ge [sflag:s26], $0x50  }
0x50: {  	[sflag:s26] =	ssyncset.done $0x0  }
0x51: {  	[sflag:s26] =	ssyncadd.s32 $0xFFFFFFB0  }
0x52: {  	[tilespmem:s25], [sflag:$0x1] =	stream.indirect.gather [hbm4b:s1+s29], $0x80, s4, s29, $0xb8;
	[tilespmem:$0x16900] =	vst v63  }
0x53: {  	_ =	swait.ge [sflag:s26], $0x2800  }
.Ltmp0:
0x54: {  	[sflag:s26] =	ssyncset.done $0x0;
	(pc) =	sbr.rel @p0 .LBB2_2-.Ltmp0, $4  }
0x55: {  	[sflag:s26] =	ssyncadd.s32 $0xFFFFD800  }
0x56: {  	[spmem:s3] =	stream.indirect.scatter.add.f32 [tilespmem:s25], [sflag:$0x1], $0x80, s28, s29, $0xb8;
	[tilespmem:$0x16900] =	vst v63  }
0x57: {  	_ =	swait.ge [sflag:s26], $0x2800  }
0x58: {  	s2 =	smov.u32 s14;
	[sflag:s26] =	ssyncset.done $0x0  }
0x59: {  	s0 =	sadd.s32 s31, s24;
	[sflag:s26] =	ssyncadd.s32 $0xFFFFD800  }
0x5a: {  	[tilespmem:s4], [sflag:$0x1] =	stream.linear.gather [hbm4b:s0+s4], $0x50, $0x38;
	[tilespmem:$0x16900] =	vst v63  }
0x5b: {  	_ =	swait.ge [sflag:s26], $0x50  }
0x5c: {  	[sflag:s26] =	ssyncset.done $0x0  }
0x5d: {  	s14 =	sadd.s32 s31, s23;
	[sflag:s26] =	ssyncadd.s32 $0xFFFFFFB0  }
0x5e: {  	[tilespmem:s28], [sflag:$0x1] =	stream.linear.gather [hbm4b:s14+s4], $0x50, $0x38;
	[tilespmem:$0x16900] =	vst v63  }
0x5f: {  	_ =	swait.ge [sflag:s26], $0x50  }
0x60: {  	[sflag:s26] =	ssyncset.done $0x0  }
0x61: {  	[sflag:s26] =	ssyncadd.s32 $0xFFFFFFB0  }
0x62: {  	[tilespmem:s25], [sflag:$0x1] =	stream.indirect.gather [hbm4b:s1+s29], $0x80, s4, s29, $0xb8;
	[tilespmem:$0x16900] =	vst v63  }
0x63: {  	_ =	swait.ge [sflag:s26], $0x2800  }
0x64: {  	[sflag:s26] =	ssyncset.done $0x0  }
0x65: {  	[sflag:s26] =	ssyncadd.s32 $0xFFFFD800  }
0x66: {  	[spmem:s3] =	stream.indirect.scatter.add.f32 [tilespmem:s25], [sflag:$0x1], $0x80, s28, s29, $0xb8;
	[tilespmem:$0x16900] =	vst v63  }
0x67: {  	_ =	swait.ge [sflag:s26], $0x2800  }
0x68: {  	[sflag:s26] =	ssyncset.done $0x0  }
0x69: {  	[sflag:s26] =	ssyncadd.s32 $0xFFFFD800  }
0x6a: {  	[bflag:$0x0] =	sbarrier.arrive $0xFFFF  }
0x6b: {  	[tilespmem:s25], [sflag:$0x1] =	stream.linear.gather [spmem:s6], $0x2800, $0x38;
	[tilespmem:$0x16900] =	vst v63  }
0x6c: {  	_ =	swait.ge [sflag:s26], $0x2800  }
0x6d: {  	[sflag:s26] =	ssyncset.done $0x0  }
0x6e: {  	s31 =	rddreg [dreg:$0x5];
	[sflag:s26] =	ssyncadd.s32 $0xFFFFD800  }
0x6f: {  	[hbm4b:s31+s4] =	stream.linear.scatter [tilespmem:s25], [sflag:$0x1], $0x2800, $0x38;
	[tilespmem:$0x16900] =	vst v63  }
0x70: {  	_ =	swait.ge [sflag:s26], $0x2800  }
0x71: {  	[sflag:s26] =	ssyncset.done $0x0  }
0x72: {  	[sflag:s26] =	ssyncadd.s32 $0xFFFFD800  }
0x73: {  	[tilespmem:s25], [sflag:$0x1] =	stream.linear.gather [spmem:s7], $0x2800, $0x38;
	[tilespmem:$0x16900] =	vst v63  }
0x74: {  	_ =	swait.ge [sflag:s26], $0x2800  }
0x75: {  	[sflag:s26] =	ssyncset.done $0x0  }
0x76: {  	[sflag:s26] =	ssyncadd.s32 $0xFFFFD800  }
0x77: {  	[hbm4b:s15+s4] =	stream.linear.scatter [tilespmem:s25], [sflag:$0x1], $0x2800, $0x38;
	[tilespmem:$0x16900] =	vst v63  }
0x78: {  	_ =	swait.ge [sflag:s26], $0x2800  }
0x79: {  	[sflag:s26] =	ssyncset.done $0x0  }
0x7a: {  	[sflag:s26] =	ssyncadd.s32 $0xFFFFD800  }
0x7b: {  	[tilespmem:s25], [sflag:$0x1] =	stream.linear.gather [spmem:s8], $0x2800, $0x38;
	[tilespmem:$0x16900] =	vst v63  }
0x7c: {  	_ =	swait.ge [sflag:s26], $0x2800  }
0x7d: {  	[sflag:s26] =	ssyncset.done $0x0  }
0x7e: {  	[sflag:s26] =	ssyncadd.s32 $0xFFFFD800  }
0x7f: {  	[hbm4b:s16+s4] =	stream.linear.scatter [tilespmem:s25], [sflag:$0x1], $0x2800, $0x38;
	[tilespmem:$0x16900] =	vst v63  }
0x80: {  	_ =	swait.ge [sflag:s26], $0x2800  }
0x81: {  	[sflag:s26] =	ssyncset.done $0x0  }
0x82: {  	[sflag:s26] =	ssyncadd.s32 $0xFFFFD800  }
0x83: {  	[tilespmem:s25], [sflag:$0x1] =	stream.linear.gather [spmem:s9], $0x2800, $0x38;
	[tilespmem:$0x16900] =	vst v63  }
0x84: {  	_ =	swait.ge [sflag:s26], $0x2800  }
0x85: {  	[sflag:s26] =	ssyncset.done $0x0  }
0x86: {  	[sflag:s26] =	ssyncadd.s32 $0xFFFFD800  }
0x87: {  	[hbm4b:s17+s4] =	stream.linear.scatter [tilespmem:s25], [sflag:$0x1], $0x2800, $0x38;
	[tilespmem:$0x16900] =	vst v63  }
0x88: {  	_ =	swait.ge [sflag:s26], $0x2800  }
0x89: {  	[sflag:s26] =	ssyncset.done $0x0  }
0x8a: {  	[sflag:s26] =	ssyncadd.s32 $0xFFFFD800  }
0x8b: {  	[tilespmem:s25], [sflag:$0x1] =	stream.linear.gather [spmem:s10], $0x2800, $0x38;
	[tilespmem:$0x16900] =	vst v63  }
0x8c: {  	_ =	swait.ge [sflag:s26], $0x2800  }
0x8d: {  	[sflag:s26] =	ssyncset.done $0x0  }
0x8e: {  	[sflag:s26] =	ssyncadd.s32 $0xFFFFD800  }
0x8f: {  	[hbm4b:s18+s4] =	stream.linear.scatter [tilespmem:s25], [sflag:$0x1], $0x2800, $0x38;
	[tilespmem:$0x16900] =	vst v63  }
0x90: {  	_ =	swait.ge [sflag:s26], $0x2800  }
0x91: {  	[sflag:s26] =	ssyncset.done $0x0  }
0x92: {  	[sflag:s26] =	ssyncadd.s32 $0xFFFFD800  }
0x93: {  	[tilespmem:s25], [sflag:$0x1] =	stream.linear.gather [spmem:s11], $0x2800, $0x38;
	[tilespmem:$0x16900] =	vst v63  }
0x94: {  	_ =	swait.ge [sflag:s26], $0x2800  }
0x95: {  	[sflag:s26] =	ssyncset.done $0x0  }
0x96: {  	[sflag:s26] =	ssyncadd.s32 $0xFFFFD800  }
0x97: {  	[hbm4b:s19+s4] =	stream.linear.scatter [tilespmem:s25], [sflag:$0x1], $0x2800, $0x38;
	[tilespmem:$0x16900] =	vst v63  }
0x98: {  	_ =	swait.ge [sflag:s26], $0x2800  }
0x99: {  	[sflag:s26] =	ssyncset.done $0x0  }
0x9a: {  	[sflag:s26] =	ssyncadd.s32 $0xFFFFD800  }
0x9b: {  	[tilespmem:s25], [sflag:$0x1] =	stream.linear.gather [spmem:s12], $0x2800, $0x38;
	[tilespmem:$0x16900] =	vst v63  }
0x9c: {  	_ =	swait.ge [sflag:s26], $0x2800  }
0x9d: {  	[sflag:s26] =	ssyncset.done $0x0  }
0x9e: {  	[sflag:s26] =	ssyncadd.s32 $0xFFFFD800  }
0x9f: {  	[hbm4b:s20+s4] =	stream.linear.scatter [tilespmem:s25], [sflag:$0x1], $0x2800, $0x38;
	[tilespmem:$0x16900] =	vst v63  }
0xa0: {  	_ =	swait.ge [sflag:s26], $0x2800  }
0xa1: {  	[sflag:s26] =	ssyncset.done $0x0  }
0xa2: {  	[sflag:s26] =	ssyncadd.s32 $0xFFFFD800  }
0xa3: {  	[tilespmem:s25], [sflag:$0x1] =	stream.linear.gather [spmem:s13], $0x2800, $0x38;
	[tilespmem:$0x16900] =	vst v63  }
0xa4: {  	s30 =	sadd.s32 $0x1, s30;
	_ =	swait.ge [sflag:s26], $0x2800  }
0xa5: {  	p0 =	sne.s32 s30, s22;
	[sflag:s26] =	ssyncset.done $0x0  }
.Ltmp1:
0xa6: {  	[sflag:s26] =	ssyncadd.s32 $0xFFFFD800;
	(pc) =	sbr.rel @p0 .LBB2_1-.Ltmp1, $4  }
0xa7: {  	[hbm4b:s21+s4] =	stream.linear.scatter [tilespmem:s25], [sflag:$0x1], $0x2800, $0x38;
	[tilespmem:$0x16900] =	vst v63  }
0xa8: {  	_ =	swait.ge [sflag:s26], $0x2800  }
0xa9: {  	[sflag:s26] =	ssyncset.done $0x0  }
0xaa: {  	[sflag:s26] =	ssyncadd.s32 $0xFFFFD800  }
0xab: {  	_ =	sfence.sel $0x180000  }
0xac: {  	[bflag:$0x0] =	sbarrier.arrive $0xFFFF  }
0xad: {  	_ =	strace $0x90000047  }
0xae: {  	s0 =	stileid.u32;
	[bflag:$0x2] =	sbarrier.arrive $0xFFFF  }
0xaf: {  	p0 =	sne.s32 s0, $0x0;
	s0 =	rddreg [dreg:$0x3]  }
0xb0: {  	s0 =	sadd.s32 @!p0 $0x100000, s0  }
0xb1: {  	[sflag:s0] =	ssyncadd.tile.s32 @!p0 $0x1;
	_ =	shalt  }
.Lfunc_end2:
_tile_overlayer_lowered:
.L_overlay_start_2:
0xb2: {  	(tag) =	ssettag $0x2  }
0xb3: {  	s0 =	rddreg [dreg:$0x0];
	s2 =	stileid.u32  }
0xb4: {  	s1 =	rddreg [dreg:$0x1];
	p0 =	sne.s32 s2, $0x0  }
0xb5: {  	s3 =	rddreg [dreg:$0x2];
	[bflag:$0x3] =	sbarrier.arrive $0xFFFF;
	s2 =	simm.s32 @!p0 $0x1C01  }
0xb6: {  	[timem:s3], [sflag:s2] =	dma.local @!p0 [hbm:s0], s1  }
0xb7: {  	s0 =	simm.s32 @!p0 $0x1  }
0xb8: {  	_ =	swait.ge @!p0 [sflag:s0], s1  }
0xb9: {  	s1 =	ssub.s32 @!p0 $0x0, s1;
	[sflag:s0] =	ssyncset.done @!p0 $0x0  }
0xba: {  	[sflag:s0] =	ssyncadd.s32 @!p0 s1  }
0xbb: {  	[bflag:$0x3] =	sbarrier.arrive $0xFFFF  }
0xbc: {  	_ =	shalt  }

// kernel: kernel.15.cloned.1.call-start
scs
__scs_entry_jumppad:
0x0: {  	(pc) =	sbr.rel $0x88, $3  }
0x1: {  	(tag) =	ssettag $0x0;
	lr =	simm.s32 $0x1  }
0x2: {  	[smem:$0x3F94] =	sst lr;
	_ =	strace $0xD0000000  }
0x3: {  	_ = 	snop  }
0x4: {  	_ = 	snop  }
0x5: {  	_ = 	snop  }
0x6: {  	_ = 	snop  }
0x7: {  	_ = 	snop  }
__scs_overlays_trampoline_lowered:
0x8: {  	[smem:$0x3FA3] =	sst s0  }
0x9: {  	[smem:$0x3FA4] =	sst s1  }
0xa: {  	[smem:$0x3FA5] =	sst s2  }
0xb: {  	[smem:$0x3FA6] =	sst s3  }
0xc: {  	[smem:$0x3FA7] =	sst s4  }
0xd: {  	[smem:$0x3FA8] =	sst s5  }
0xe: {  	[smem:$0x3FA9] =	sst s6  }
0xf: {  	[smem:$0x3FAA] =	sst s7  }
0x10: {  	[smem:$0x3FAB] =	sst s8  }
0x11: {  	[smem:$0x3FAC] =	sst s9;
	s0 =	simm.s32 @!p0 $0x0  }
0x12: {  	s1 =	sld [smem:$0x3F92];
	s0 =	simm.s32 @p0 $0x1  }
0x13: {  	[smem:$0x3FAD] =	sst s0;
	s0 =	simm.s32 @!p1 $0x0  }
0x14: {  	s2 =	sld [smem:$0x3F91];
	s0 =	simm.s32 @p1 $0x1  }
0x15: {  	[smem:$0x3FAE] =	sst s0;
	s0 =	simm.s32 @!p2 $0x0  }
0x16: {  	s3 =	sld [smem:$0x3FDB];
	s0 =	simm.s32 @p2 $0x1  }
0x17: {  	s4 =	simm.s32 $0x1BF5;
	[smem:$0x3FB0] =	sst s0  }
0x18: {  	s0 =	sld [smem:$0x3F93];
	_ =	swait.ge [sflag:s4], $0x0  }
0x19: {  	s7 =	sld [smem:$0x3F94]  }
0x1a: {  	s8 =	sadd.s32 $0xFFFFE003, lr  }
0x1b: {  	s9 =	sadd.s32 $0xFFFFFEF7, lr;
	s5 =	simm.s32 $0xFFFFFFFF;
	p2 =	slt.u32 s8, $0xFFFFF086  }
0x1c: {  	p1 =	slt.u32 s9, $0xF7A;
	s5 =	simm.s32 @!p2 $0x0  }
0x1d: {  	s5 =	simm.s32 @p1 $0x1;
	p0 =	seq.s32 s7, s2  }
0x1e: {  	s7 =	smul.u32 @!p0 $0xF7A, s2;
	p2 =	seq.s32 @!p0 s5, $0x0  }
0x1f: {  	s9 =	smul.u32 $0xF7A, s1;
	s8 =	simm.s32 @!p0 $0x1BF5;
	p2 =	por !p2, p0  }
0x20: {  	[sflag:s8] =	ssyncset.s32 @!p0 $0xFFFFF086;
	s6 =	sadd.s32 @!p0 s3, s7;
	s7 =	simm.s32 @!p0 $0x108  }
0x21: {  	s3 =	sadd.s32 s3, s9;
	s6 =	sadd.s32 @!p0 $0x88, s6;
	s7 =	simm.s32 @p2 $0x1082  }
0x22: {  	[simem:s7], [sflag:s8] =	dma.local @!p0 [hbm:s6], $0xF7A  }
0x23: {  	s9 =	sor.u32 $0xD0000000, s2;
	s6 =	simm.s32 $0x108;
	_ =	swait.ge @!p0 [sflag:s8], $0x0  }
0x24: {  	s3 =	sadd.s32 $0x88, s3;
	s6 =	simm.s32 @!p1 $0x1082;
	[sflag:s4] =	ssyncset.s32 $0xFFFFF086  }
0x25: {  	[simem:s6], [sflag:s4] =	dma.local [hbm:s3], $0xF7A  }
0x26: {  	[smem:$0x3F94] =	sst s1;
	(tag) =	ssettag s2;
	_ =	strace s9  }
0x27: {  	s1 =	sld [smem:$0x3FA4]  }
0x28: {  	s2 =	sld [smem:$0x3FA5]  }
0x29: {  	s4 =	sld [smem:$0x3FA7]  }
0x2a: {  	p0 =	seq.s32 s5, $0x0;
	s5 =	sld [smem:$0x3FA8]  }
0x2b: {  	s6 =	sld [smem:$0x3FA9]  }
0x2c: {  	s7 =	sld [smem:$0x3FAA]  }
0x2d: {  	s3 =	simm.s32 $0x108;
	s8 =	sld [smem:$0x3FAB]  }
0x2e: {  	s3 =	simm.s32 @!p0 $0x1082;
	s9 =	sld [smem:$0x3FAC]  }
0x2f: {  	lr =	sadd.s32 s0, s3;
	s0 =	sld [smem:$0x3FA3]  }
0x30: {  	s3 =	sld [smem:$0x3FA6]  }
0x31: {  	[smem:$0x3FAF] =	sst s10  }
0x32: {  	s10 =	sld [smem:$0x3FAD];
	_ =	sdelay $0x3  }
0x33: {  	p0 =	seq.s32 s10, $0x1;
	s10 =	sld [smem:$0x3FAF];
	_ =	sdelay $0x3  }
0x34: {  	[smem:$0x3FAF] =	sst s10  }
0x35: {  	s10 =	sld [smem:$0x3FAE];
	_ =	sdelay $0x3  }
0x36: {  	p1 =	seq.s32 s10, $0x1;
	s10 =	sld [smem:$0x3FAF];
	_ =	sdelay $0x3  }
0x37: {  	[smem:$0x3FAF] =	sst s10  }
0x38: {  	s10 =	sld [smem:$0x3FB0]  }
0x39: {  	_ = 	snop;
	(pc) =	sbr.ind lr, $3  }
0x3a: {  	_ = 	snop  }
0x3b: {  	_ = 	snop  }
0x3c: {  	p2 =	seq.s32 s10, $0x1;
	s10 =	sld [smem:$0x3FAF]  }
0x3d: {  	_ =	shalt  }
0x3e: {  	_ =	shalt  }
0x3f: {  	_ =	shalt  }
0x40: {  	_ =	shalt  }
0x41: {  	_ =	shalt  }
0x42: {  	_ =	shalt  }
0x43: {  	_ =	shalt  }
0x44: {  	_ =	shalt  }
0x45: {  	_ =	shalt  }
0x46: {  	_ =	shalt  }
0x47: {  	_ =	shalt  }
0x48: {  	_ =	shalt  }
0x49: {  	_ =	shalt  }
0x4a: {  	_ =	shalt  }
0x4b: {  	_ =	shalt  }
0x4c: {  	_ =	shalt  }
0x4d: {  	_ =	shalt  }
0x4e: {  	_ =	shalt  }
0x4f: {  	_ =	shalt  }
0x50: {  	_ =	shalt  }
0x51: {  	_ =	shalt  }
0x52: {  	_ =	shalt  }
0x53: {  	_ =	shalt  }
0x54: {  	_ =	shalt  }
0x55: {  	_ =	shalt  }
0x56: {  	_ =	shalt  }
0x57: {  	_ =	shalt  }
0x58: {  	_ =	shalt  }
0x59: {  	_ =	shalt  }
0x5a: {  	_ =	shalt  }
0x5b: {  	_ =	shalt  }
0x5c: {  	_ =	shalt  }
0x5d: {  	_ =	shalt  }
0x5e: {  	_ =	shalt  }
0x5f: {  	_ =	shalt  }
0x60: {  	_ =	shalt  }
0x61: {  	_ =	shalt  }
0x62: {  	_ =	shalt  }
0x63: {  	_ =	shalt  }
0x64: {  	_ =	shalt  }
0x65: {  	_ =	shalt  }
0x66: {  	_ =	shalt  }
0x67: {  	_ =	shalt  }
0x68: {  	_ =	shalt  }
0x69: {  	_ =	shalt  }
0x6a: {  	_ =	shalt  }
0x6b: {  	_ =	shalt  }
0x6c: {  	_ =	shalt  }
0x6d: {  	_ =	shalt  }
0x6e: {  	_ =	shalt  }
0x6f: {  	_ =	shalt  }
0x70: {  	_ =	shalt  }
0x71: {  	_ =	shalt  }
0x72: {  	_ =	shalt  }
0x73: {  	_ =	shalt  }
0x74: {  	_ =	shalt  }
0x75: {  	_ =	shalt  }
0x76: {  	_ =	shalt  }
0x77: {  	_ =	shalt  }
0x78: {  	_ =	shalt  }
0x79: {  	_ =	shalt  }
0x7a: {  	_ =	shalt  }
0x7b: {  	_ =	shalt  }
0x7c: {  	_ =	shalt  }
0x7d: {  	_ =	shalt  }
0x7e: {  	_ =	shalt  }
0x7f: {  	_ =	shalt  }
0x80: {  	_ =	shalt  }
0x81: {  	_ =	shalt  }
0x82: {  	_ =	shalt  }
0x83: {  	_ =	shalt  }
0x84: {  	_ =	shalt  }
0x85: {  	_ =	shalt  }
0x86: {  	_ =	shalt  }
0x87: {  	_ =	shalt  }
.Lfunc_end0:
.L_simem_size_0:
called_computation.2_lowered:
.L_overlay_start_0:
0x88: {  	s2 =	sld [smem:$0x3FD9]  }
0x89: {  	s3 =	sld [smem:$0x3FFE];
	_ =	sdelay $0x1  }
0x8a: {  	s1 =	srdreg.scid  }
0x8b: {  	s0 =	sand.u32 $0x1, s1  }
0x8c: {  	s17 =	sshll.u32 s0, $0xA;
	s2 =	sadd.s32 s3, s2  }
0x8d: {  	s2 =	sadd.s32 s2, s17  }
0x8e: {  	[smem:$0x3FBB] =	sst s2  }
0x8f: {  	_ = 	snop  }
0x90: {  	s2 =	sld [smem:$0x3FD0];
	(tm) =	ssettm $0x1  }
0x91: {  	s18 =	sld [smem:$0x3FFB];
	_ =	sdelay $0x3  }
0x92: {  	_ =	strace s18  }
0x93: {  	s3 =	sld [smem:$0x3FFC];
	_ =	sdelay $0x3  }
0x94: {  	_ =	strace s3  }
0x95: {  	s3 =	sld [smem:$0x3FFD];
	_ =	sdelay $0x3  }
0x96: {  	_ =	strace s3  }
0x97: {  	_ =	strace $0x8FFFFFFF  }
0x98: {  	s19 =	sld [smem:$0x3FDB];
	_ =	sdelay $0x1  }
0x99: {  	s4 =	simm.s32 $_scs_section_size  }
0x9a: {  	s5 =	simm.s32 $_size__tile_overlayer_lowered;
	s6 =	simm.s32 $_tile_overlayer_lowered  }
0x9b: {  	s22 =	simm.s32 $0x1BFF;
	s21 =	sshll.u32 s6, $0x1;
	s3 =	sadd.s32 s4, s19  }
0x9c: {  	s7 =	simm.s32 $0x0;
	s20 =	sshll.u32 s5, $0x1;
	s5 =	sadd.s32 s21, s3  }
0x9d: {  	[timem:s7], [sflag:s22] =	dma.local [hbm:s5], s20  }
0x9e: {  	_ =	swait.ge [sflag:s22], s20  }
0x9f: {  	s4 =	ssub.s32 $0x0, s20;
	[sflag:s22] =	ssyncset.done $0x0  }
0xa0: {  	[sflag:s22] =	ssyncadd.s32 s4;
	_ =	sdelay $0x1  }
0xa1: {  	s23 =	simm.s32 $0x1B8B  }
0xa2: {  	_ =	swait.ge [sflag:s23], $0x1  }
0xa3: {  	[sflag:s23] =	ssyncset.done $0x0  }
0xa4: {  	s25 =	simm.s32 $0x1B8E;
	s24 =	sld [smem:$0x3FFE];
	[sflag:s23] =	ssyncadd.s32 $0xFFFFFFFF  }
0xa5: {  	s26 =	simm.s32 $execute0_lowered;
	[smem:$0x3FD2] =	sst s25  }
0xa6: {  	s5 =	sshll.u32 s26, $0x1;
	_ =	strace $0x8000004C;
	[dreg:$0x1] =	wrdreg $0xFFFFFFFF  }
0xa7: {  	s28 =	simm.s32 $_size_execute0_lowered;
	s3 =	sadd.s32 s3, s5;
	[dreg:$0x0] =	wrdreg $0x0  }
0xa8: {  	s5 =	sshll.u32 s28, $0x1;
	[dreg:$0x2] =	wrdreg s3  }
0xa9: {  	[dreg:$0x3] =	wrdreg s5  }
0xaa: {  	[dreg:$0x4] =	wrdreg $0xC0  }
0xab: {  	_ =	task [dreg:s7], $0x5FFFF  }
0xac: {  	[dreg:$0x1] =	wrdreg $0xFFFFFFFF  }
0xad: {  	[dreg:$0x0] =	wrdreg $0x60  }
0xae: {  	[dreg:$0x2] =	wrdreg s24  }
0xaf: {  	[dreg:$0x3] =	wrdreg s2  }
0xb0: {  	[dreg:$0x4] =	wrdreg $0x29000  }
0xb1: {  	[dreg:$0x5] =	wrdreg $0x9  }
0xb2: {  	_ =	task.clear_ibuf [dreg:s7], $0x6FFFF;
	_ =	strace $0x9000004C  }
0xb3: {  	s29 =	simm.s32 $0x9;
	_ =	strace $0x8000004E  }
0xb4: {  	_ =	swait.ge [sflag:s29], $0x1  }
0xb5: {  	[sflag:s29] =	ssyncadd.s32 $0xFFFFFFFF  }
0xb6: {  	_ =	strace $0x9000004E  }
0xb7: {  	_ =	sfence  }
0xb8: {  	s30 =	sld [smem:$0x0];
	_ =	sdelay $0x2  }
0xb9: {  	s31 =	sshll.u32 s1, $0xD;
	s1 =	sshrl.u32 s1, $0x2  }
0xba: {  	s3 =	sand.u32 $0x4000, s31;
	s1 =	sadd.s32 s1, s30  }
0xbb: {  	s0 =	sor.u32 s3, s0;
	s1 =	sshll.u32 s1, $0x11  }
0xbc: {  	s0 =	sor.u32 s1, s0  }
0xbd: {  	s0 =	sadd.s32 $0x8F2B, s0  }
0xbe: {  	[sflag:s0] =	ssyncadd.remote.s32 $0x1  }
0xbf: {  	_ =	sfence.sel $0xFFFF  }
0xc0: {  	[dreg:$0x0] =	wrdreg $0xFFFFFFFF;
	(pc) =	sbr.abs _section_cstart, $3  }
0xc1: {  	[dreg:$0x1] =	wrdreg $0xFFFFFFFF  }
0xc2: {  	_ =	task.clear_ibuf [dreg:s7], $0x2FFFF;
	_ =	strace $0x9FFFFFFF  }
0xc3: {  	(tm) =	ssettm $0x7FFFFFFF  }
tec
execute0_lowered:
.L_overlay_start_1:
0x0: {  	(tag) =	ssettag $0x1  }
0x1: {  	s0 =	rddreg [dreg:$0x0]  }
0x2: {  	s24 =	rddreg [dreg:$0x1]  }
0x3: {  	s2 =	rddreg [dreg:$0x2];
	s1 =	stileid.u32;
	s3 =	simm.s32 $0x0  }
0x4: {  	s4 =	srdreg.scid;
	s28 =	simm.s32 $0x80;
	s5 =	smul.u32 $0x9C4, s1  }
0x5: {  	s29 =	simm.s32 $0x50;
	s30 =	simm.s32 $0x0;
	s6 =	smul.u32 $0x280, s1  }
0x6: {  	[smem:$0x7FF] =	sst s3;
	s12 =	sand.u32 $0x1, s4;
	s8 =	smul.u32 $0x50000, s1  }
0x7: {  	s4 =	sadd.s32 $0x17600, s0;
	s22 =	sadd.s32 $0x17000, s0;
	s21 =	smul.u32 $0x4E20, s1  }
0x8: {  	_ =	strace $0x8000004D;
	s7 =	smul.u32 $0x2800, s12;
	[dreg:$0x4] =	wrdreg s22  }
0x9: {  	s25 =	ssub.s32 $0x2, s12;
	s20 =	smul.u32 $0x4E200, s12;
	s23 =	sadd.s32 s5, s0  }
0xa: {  	s9 =	sshrl.u32 s25, $0x1;
	s8 =	sshrl.u32 s8, $0x2;
	s6 =	sadd.s32 s6, s7  }
0xb: {  	s22 =	ssub.s32 s25, s9;
	s25 =	sadd.s32 s21, s20;
	s23 =	sadd.s32 $0xD200, s23  }
0xc: {  	s6 =	sshll.u32 s6, $0x4;
	s22 =	smax.u32 s22, $0x1;
	s31 =	sshrl.u32 s25, $0x3  }
0xd: {  	s25 =	simm.s32 $0x100;
	s0 =	sadd.s32 s6, s0;
	s6 =	sadd.s32 s8, s2  }
0xe: {  	s24 =	sadd.s32 s31, s24;
	s7 =	sadd.s32 $0x2800, s6;
	s8 =	sadd.s32 $0x5000, s6  }
0xf: {  	s9 =	sadd.s32 $0x7800, s6;
	s10 =	sadd.s32 $0xA000, s6;
	s11 =	sadd.s32 $0xC800, s6  }
0x10: {  	s12 =	sadd.s32 $0xF000, s6;
	s13 =	sadd.s32 $0x11800, s6;
	s26 =	sadd.s32 $0xB7C00, s0  }
0x11: {  	s15 =	sadd.s32 $0xB8100, s0;
	s16 =	sadd.s32 $0xB8600, s0;
	s17 =	sadd.s32 $0xB8B00, s0  }
0x12: {  	s18 =	sadd.s32 $0xB9000, s0;
	s19 =	sadd.s32 $0xB9500, s0;
	s20 =	sadd.s32 $0xB9A00, s0  }
0x13: {  	s21 =	sadd.s32 $0xB9F00, s0;
	[dreg:$0x5] =	wrdreg s26;
	s26 =	simm.s32 $0x1  }
.LBB2_1:
0x14: {  	s0 =	rddreg [dreg:$0x4]  }
0x15: {  	[tilespmem:s25], [sflag:$0x1] =	stream.linear.gather [hbm4b:s0+s3], $0x2800, $0x38;
	[tilespmem:$0x16900] =	vst v63  }
0x16: {  	_ =	swait.ge [sflag:s26], $0x2800  }
0x17: {  	[sflag:s26] =	ssyncset.done $0x0  }
0x18: {  	[sflag:s26] =	ssyncadd.s32 $0xFFFFD800  }
0x19: {  	[spmem:s6] =	stream.linear.scatter [tilespmem:s25], [sflag:$0x1], $0x2800, $0x38;
	[tilespmem:$0x16900] =	vst v63  }
0x1a: {  	_ =	swait.ge [sflag:s26], $0x2800  }
0x1b: {  	[sflag:s26] =	ssyncset.done $0x0  }
0x1c: {  	[sflag:s26] =	ssyncadd.s32 $0xFFFFD800  }
0x1d: {  	[spmem:s7] =	stream.linear.scatter [tilespmem:s25], [sflag:$0x1], $0x2800, $0x38;
	[tilespmem:$0x16900] =	vst v63  }
0x1e: {  	_ =	swait.ge [sflag:s26], $0x2800  }
0x1f: {  	[sflag:s26] =	ssyncset.done $0x0  }
0x20: {  	[sflag:s26] =	ssyncadd.s32 $0xFFFFD800  }
0x21: {  	[spmem:s8] =	stream.linear.scatter [tilespmem:s25], [sflag:$0x1], $0x2800, $0x38;
	[tilespmem:$0x16900] =	vst v63  }
0x22: {  	_ =	swait.ge [sflag:s26], $0x2800  }
0x23: {  	[sflag:s26] =	ssyncset.done $0x0  }
0x24: {  	[sflag:s26] =	ssyncadd.s32 $0xFFFFD800  }
0x25: {  	[spmem:s9] =	stream.linear.scatter [tilespmem:s25], [sflag:$0x1], $0x2800, $0x38;
	[tilespmem:$0x16900] =	vst v63  }
0x26: {  	_ =	swait.ge [sflag:s26], $0x2800  }
0x27: {  	[sflag:s26] =	ssyncset.done $0x0  }
0x28: {  	[sflag:s26] =	ssyncadd.s32 $0xFFFFD800  }
0x29: {  	[spmem:s10] =	stream.linear.scatter [tilespmem:s25], [sflag:$0x1], $0x2800, $0x38;
	[tilespmem:$0x16900] =	vst v63  }
0x2a: {  	_ =	swait.ge [sflag:s26], $0x2800  }
0x2b: {  	[sflag:s26] =	ssyncset.done $0x0  }
0x2c: {  	[sflag:s26] =	ssyncadd.s32 $0xFFFFD800  }
0x2d: {  	[spmem:s11] =	stream.linear.scatter [tilespmem:s25], [sflag:$0x1], $0x2800, $0x38;
	[tilespmem:$0x16900] =	vst v63  }
0x2e: {  	_ =	swait.ge [sflag:s26], $0x2800  }
0x2f: {  	[sflag:s26] =	ssyncset.done $0x0  }
0x30: {  	[sflag:s26] =	ssyncadd.s32 $0xFFFFD800  }
0x31: {  	[spmem:s12] =	stream.linear.scatter [tilespmem:s25], [sflag:$0x1], $0x2800, $0x38;
	[tilespmem:$0x16900] =	vst v63  }
0x32: {  	_ =	swait.ge [sflag:s26], $0x2800  }
0x33: {  	[sflag:s26] =	ssyncset.done $0x0  }
0x34: {  	[sflag:s26] =	ssyncadd.s32 $0xFFFFD800  }
0x35: {  	[spmem:s13] =	stream.linear.scatter [tilespmem:s25], [sflag:$0x1], $0x2800, $0x38;
	[tilespmem:$0x16900] =	vst v63  }
0x36: {  	_ =	swait.ge [sflag:s26], $0x2800  }
0x37: {  	[sflag:s26] =	ssyncset.done $0x0  }
0x38: {  	[sflag:s26] =	ssyncadd.s32 $0xFFFFD800  }
0x39: {  	s5 =	sadd.s32 $0x0, s24;
	[bflag:$0x0] =	sbarrier.arrive $0xFFFF  }
0x3a: {  	[tilespmem:s3], [sflag:$0x1] =	stream.linear.gather [hbm4b:s5+s3], $0x50, $0x38;
	[tilespmem:$0x16900] =	vst v63  }
0x3b: {  	_ =	swait.ge [sflag:s26], $0x50  }
0x3c: {  	[sflag:s26] =	ssyncset.done $0x0  }
0x3d: {  	s14 =	sadd.s32 $0x0, s23;
	[sflag:s26] =	ssyncadd.s32 $0xFFFFFFB0  }
0x3e: {  	[tilespmem:s28], [sflag:$0x1] =	stream.linear.gather [hbm4b:s14+s3], $0x50, $0x38;
	[tilespmem:$0x16900] =	vst v63  }
0x3f: {  	_ =	swait.ge [sflag:s26], $0x50  }
0x40: {  	[sflag:s26] =	ssyncset.done $0x0  }
0x41: {  	[sflag:s26] =	ssyncadd.s32 $0xFFFFFFB0  }
0x42: {  	[tilespmem:s25], [sflag:$0x1] =	stream.indirect.gather [hbm4b:s4+s29], $0x80, s3, s29, $0xb8;
	[tilespmem:$0x16900] =	vst v63  }
0x43: {  	_ =	swait.ge [sflag:s26], $0x2800  }
0x44: {  	[sflag:s26] =	ssyncset.done $0x0  }
0x45: {  	[sflag:s26] =	ssyncadd.s32 $0xFFFFD800  }
0x46: {  	[spmem:s2] =	stream.indirect.scatter.add.f32 [tilespmem:s25], [sflag:$0x1], $0x80, s28, s29, $0xb8;
	[tilespmem:$0x16900] =	vst v63  }
0x47: {  	_ =	swait.ge [sflag:s26], $0x2800  }
0x48: {  	s31 =	simm.s32 $0xA;
	s0 =	simm.s32 $0x14;
	[sflag:s26] =	ssyncset.done $0x0  }
.LBB2_2:
0x49: {  	s1 =	sadd.s32 s31, s24  }
0x4a: {  	[sflag:s26] =	ssyncadd.s32 $0xFFFFD800;
	s5 =	smov.u32 s0;
	s14 =	sadd.s32 $0xA, s0  }
0x4b: {  	[tilespmem:s3], [sflag:$0x1] =	stream.linear.gather [hbm4b:s1+s3], $0x50, $0x38;
	[tilespmem:$0x16900] =	vst v63  }
0x4c: {  	p0 =	sne.s32 s0, $0x9BA;
	_ =	swait.ge [sflag:s26], $0x50  }
0x4d: {  	[sflag:s26] =	ssyncset.done $0x0  }
0x4e: {  	s0 =	sadd.s32 s31, s23;
	s31 =	smov.u32 s5;
	[sflag:s26] =	ssyncadd.s32 $0xFFFFFFB0  }
0x4f: {  	[tilespmem:s28], [sflag:$0x1] =	stream.linear.gather [hbm4b:s0+s3], $0x50, $0x38;
	[tilespmem:$0x16900] =	vst v63  }
0x50: {  	_ =	swait.ge [sflag:s26], $0x50  }
0x51: {  	[sflag:s26] =	ssyncset.done $0x0  }
0x52: {  	[sflag:s26] =	ssyncadd.s32 $0xFFFFFFB0  }
0x53: {  	[tilespmem:s25], [sflag:$0x1] =	stream.indirect.gather [hbm4b:s4+s29], $0x80, s3, s29, $0xb8;
	[tilespmem:$0x16900] =	vst v63  }
0x54: {  	_ =	swait.ge [sflag:s26], $0x2800  }
.Ltmp0:
0x55: {  	[sflag:s26] =	ssyncset.done $0x0;
	(pc) =	sbr.rel @p0 .LBB2_2-.Ltmp0, $4  }
0x56: {  	[sflag:s26] =	ssyncadd.s32 $0xFFFFD800  }
0x57: {  	[spmem:s2] =	stream.indirect.scatter.add.f32 [tilespmem:s25], [sflag:$0x1], $0x80, s28, s29, $0xb8;
	[tilespmem:$0x16900] =	vst v63  }
0x58: {  	_ =	swait.ge [sflag:s26], $0x2800  }
0x59: {  	s0 =	smov.u32 s14;
	[sflag:s26] =	ssyncset.done $0x0  }
0x5a: {  	s0 =	sadd.s32 s31, s24;
	[sflag:s26] =	ssyncadd.s32 $0xFFFFD800  }
0x5b: {  	[tilespmem:s3], [sflag:$0x1] =	stream.linear.gather [hbm4b:s0+s3], $0x50, $0x38;
	[tilespmem:$0x16900] =	vst v63  }
0x5c: {  	_ =	swait.ge [sflag:s26], $0x50  }
0x5d: {  	[sflag:s26] =	ssyncset.done $0x0  }
0x5e: {  	s14 =	sadd.s32 s31, s23;
	[sflag:s26] =	ssyncadd.s32 $0xFFFFFFB0  }
0x5f: {  	[tilespmem:s28], [sflag:$0x1] =	stream.linear.gather [hbm4b:s14+s3], $0x50, $0x38;
	[tilespmem:$0x16900] =	vst v63  }
0x60: {  	_ =	swait.ge [sflag:s26], $0x50  }
0x61: {  	[sflag:s26] =	ssyncset.done $0x0  }
0x62: {  	[sflag:s26] =	ssyncadd.s32 $0xFFFFFFB0  }
0x63: {  	[tilespmem:s25], [sflag:$0x1] =	stream.indirect.gather [hbm4b:s4+s29], $0x80, s3, s29, $0xb8;
	[tilespmem:$0x16900] =	vst v63  }
0x64: {  	_ =	swait.ge [sflag:s26], $0x2800  }
0x65: {  	[sflag:s26] =	ssyncset.done $0x0  }
0x66: {  	[sflag:s26] =	ssyncadd.s32 $0xFFFFD800  }
0x67: {  	[spmem:s2] =	stream.indirect.scatter.add.f32 [tilespmem:s25], [sflag:$0x1], $0x80, s28, s29, $0xb8;
	[tilespmem:$0x16900] =	vst v63  }
0x68: {  	_ =	swait.ge [sflag:s26], $0x2800  }
0x69: {  	[sflag:s26] =	ssyncset.done $0x0  }
0x6a: {  	[sflag:s26] =	ssyncadd.s32 $0xFFFFD800  }
0x6b: {  	[bflag:$0x0] =	sbarrier.arrive $0xFFFF  }
0x6c: {  	[tilespmem:s25], [sflag:$0x1] =	stream.linear.gather [spmem:s6], $0x2800, $0x38;
	[tilespmem:$0x16900] =	vst v63  }
0x6d: {  	_ =	swait.ge [sflag:s26], $0x2800  }
0x6e: {  	[sflag:s26] =	ssyncset.done $0x0  }
0x6f: {  	s31 =	rddreg [dreg:$0x5];
	[sflag:s26] =	ssyncadd.s32 $0xFFFFD800  }
0x70: {  	[hbm4b:s31+s3] =	stream.linear.scatter [tilespmem:s25], [sflag:$0x1], $0x2800, $0x38;
	[tilespmem:$0x16900] =	vst v63  }
0x71: {  	_ =	swait.ge [sflag:s26], $0x2800  }
0x72: {  	[sflag:s26] =	ssyncset.done $0x0  }
0x73: {  	[sflag:s26] =	ssyncadd.s32 $0xFFFFD800  }
0x74: {  	[tilespmem:s25], [sflag:$0x1] =	stream.linear.gather [spmem:s7], $0x2800, $0x38;
	[tilespmem:$0x16900] =	vst v63  }
0x75: {  	_ =	swait.ge [sflag:s26], $0x2800  }
0x76: {  	[sflag:s26] =	ssyncset.done $0x0  }
0x77: {  	[sflag:s26] =	ssyncadd.s32 $0xFFFFD800  }
0x78: {  	[hbm4b:s15+s3] =	stream.linear.scatter [tilespmem:s25], [sflag:$0x1], $0x2800, $0x38;
	[tilespmem:$0x16900] =	vst v63  }
0x79: {  	_ =	swait.ge [sflag:s26], $0x2800  }
0x7a: {  	[sflag:s26] =	ssyncset.done $0x0  }
0x7b: {  	[sflag:s26] =	ssyncadd.s32 $0xFFFFD800  }
0x7c: {  	[tilespmem:s25], [sflag:$0x1] =	stream.linear.gather [spmem:s8], $0x2800, $0x38;
	[tilespmem:$0x16900] =	vst v63  }
0x7d: {  	_ =	swait.ge [sflag:s26], $0x2800  }
0x7e: {  	[sflag:s26] =	ssyncset.done $0x0  }
0x7f: {  	[sflag:s26] =	ssyncadd.s32 $0xFFFFD800  }
0x80: {  	[hbm4b:s16+s3] =	stream.linear.scatter [tilespmem:s25], [sflag:$0x1], $0x2800, $0x38;
	[tilespmem:$0x16900] =	vst v63  }
0x81: {  	_ =	swait.ge [sflag:s26], $0x2800  }
0x82: {  	[sflag:s26] =	ssyncset.done $0x0  }
0x83: {  	[sflag:s26] =	ssyncadd.s32 $0xFFFFD800  }
0x84: {  	[tilespmem:s25], [sflag:$0x1] =	stream.linear.gather [spmem:s9], $0x2800, $0x38;
	[tilespmem:$0x16900] =	vst v63  }
0x85: {  	_ =	swait.ge [sflag:s26], $0x2800  }
0x86: {  	[sflag:s26] =	ssyncset.done $0x0  }
0x87: {  	[sflag:s26] =	ssyncadd.s32 $0xFFFFD800  }
0x88: {  	[hbm4b:s17+s3] =	stream.linear.scatter [tilespmem:s25], [sflag:$0x1], $0x2800, $0x38;
	[tilespmem:$0x16900] =	vst v63  }
0x89: {  	_ =	swait.ge [sflag:s26], $0x2800  }
0x8a: {  	[sflag:s26] =	ssyncset.done $0x0  }
0x8b: {  	[sflag:s26] =	ssyncadd.s32 $0xFFFFD800  }
0x8c: {  	[tilespmem:s25], [sflag:$0x1] =	stream.linear.gather [spmem:s10], $0x2800, $0x38;
	[tilespmem:$0x16900] =	vst v63  }
0x8d: {  	_ =	swait.ge [sflag:s26], $0x2800  }
0x8e: {  	[sflag:s26] =	ssyncset.done $0x0  }
0x8f: {  	[sflag:s26] =	ssyncadd.s32 $0xFFFFD800  }
0x90: {  	[hbm4b:s18+s3] =	stream.linear.scatter [tilespmem:s25], [sflag:$0x1], $0x2800, $0x38;
	[tilespmem:$0x16900] =	vst v63  }
0x91: {  	_ =	swait.ge [sflag:s26], $0x2800  }
0x92: {  	[sflag:s26] =	ssyncset.done $0x0  }
0x93: {  	[sflag:s26] =	ssyncadd.s32 $0xFFFFD800  }
0x94: {  	[tilespmem:s25], [sflag:$0x1] =	stream.linear.gather [spmem:s11], $0x2800, $0x38;
	[tilespmem:$0x16900] =	vst v63  }
0x95: {  	_ =	swait.ge [sflag:s26], $0x2800  }
0x96: {  	[sflag:s26] =	ssyncset.done $0x0  }
0x97: {  	[sflag:s26] =	ssyncadd.s32 $0xFFFFD800  }
0x98: {  	[hbm4b:s19+s3] =	stream.linear.scatter [tilespmem:s25], [sflag:$0x1], $0x2800, $0x38;
	[tilespmem:$0x16900] =	vst v63  }
0x99: {  	_ =	swait.ge [sflag:s26], $0x2800  }
0x9a: {  	[sflag:s26] =	ssyncset.done $0x0  }
0x9b: {  	[sflag:s26] =	ssyncadd.s32 $0xFFFFD800  }
0x9c: {  	[tilespmem:s25], [sflag:$0x1] =	stream.linear.gather [spmem:s12], $0x2800, $0x38;
	[tilespmem:$0x16900] =	vst v63  }
0x9d: {  	_ =	swait.ge [sflag:s26], $0x2800  }
0x9e: {  	[sflag:s26] =	ssyncset.done $0x0  }
0x9f: {  	[sflag:s26] =	ssyncadd.s32 $0xFFFFD800  }
0xa0: {  	[hbm4b:s20+s3] =	stream.linear.scatter [tilespmem:s25], [sflag:$0x1], $0x2800, $0x38;
	[tilespmem:$0x16900] =	vst v63  }
0xa1: {  	_ =	swait.ge [sflag:s26], $0x2800  }
0xa2: {  	[sflag:s26] =	ssyncset.done $0x0  }
0xa3: {  	[sflag:s26] =	ssyncadd.s32 $0xFFFFD800  }
0xa4: {  	[tilespmem:s25], [sflag:$0x1] =	stream.linear.gather [spmem:s13], $0x2800, $0x38;
	[tilespmem:$0x16900] =	vst v63  }
0xa5: {  	s30 =	sadd.s32 $0x1, s30;
	_ =	swait.ge [sflag:s26], $0x2800  }
0xa6: {  	p0 =	sne.s32 s30, s22;
	[sflag:s26] =	ssyncset.done $0x0  }
.Ltmp1:
0xa7: {  	[sflag:s26] =	ssyncadd.s32 $0xFFFFD800;
	(pc) =	sbr.rel @p0 .LBB2_1-.Ltmp1, $4  }
0xa8: {  	[hbm4b:s21+s3] =	stream.linear.scatter [tilespmem:s25], [sflag:$0x1], $0x2800, $0x38;
	[tilespmem:$0x16900] =	vst v63  }
0xa9: {  	_ =	swait.ge [sflag:s26], $0x2800  }
0xaa: {  	[sflag:s26] =	ssyncset.done $0x0  }
0xab: {  	[sflag:s26] =	ssyncadd.s32 $0xFFFFD800  }
0xac: {  	_ =	sfence.sel $0x180000  }
0xad: {  	[bflag:$0x0] =	sbarrier.arrive $0xFFFF  }
0xae: {  	_ =	strace $0x9000004D  }
0xaf: {  	s0 =	stileid.u32;
	[bflag:$0x2] =	sbarrier.arrive $0xFFFF  }
0xb0: {  	p0 =	sne.s32 s0, $0x0;
	s0 =	rddreg [dreg:$0x3]  }
0xb1: {  	s0 =	sadd.s32 @!p0 $0x100000, s0  }
0xb2: {  	[sflag:s0] =	ssyncadd.tile.s32 @!p0 $0x1;
	_ =	shalt  }
.Lfunc_end2:
_tile_overlayer_lowered:
.L_overlay_start_2:
0xb3: {  	(tag) =	ssettag $0x2  }
0xb4: {  	s0 =	rddreg [dreg:$0x0];
	s2 =	stileid.u32  }
0xb5: {  	s1 =	rddreg [dreg:$0x1];
	p0 =	sne.s32 s2, $0x0  }
0xb6: {  	s3 =	rddreg [dreg:$0x2];
	[bflag:$0x3] =	sbarrier.arrive $0xFFFF;
	s2 =	simm.s32 @!p0 $0x1C01  }
0xb7: {  	[timem:s3], [sflag:s2] =	dma.local @!p0 [hbm:s0], s1  }
0xb8: {  	s0 =	simm.s32 @!p0 $0x1  }
0xb9: {  	_ =	swait.ge @!p0 [sflag:s0], s1  }
0xba: {  	s1 =	ssub.s32 @!p0 $0x0, s1;
	[sflag:s0] =	ssyncset.done @!p0 $0x0  }
0xbb: {  	[sflag:s0] =	ssyncadd.s32 @!p0 s1  }
0xbc: {  	[bflag:$0x3] =	sbarrier.arrive $0xFFFF  }
0xbd: {  	_ =	shalt  }

// kernel: kernel.18.cloned.1.call-start
scs
__scs_entry_jumppad:
0x0: {  	(pc) =	sbr.rel $0x88, $3  }
0x1: {  	(tag) =	ssettag $0x0;
	lr =	simm.s32 $0x1  }
0x2: {  	[smem:$0x3F94] =	sst lr;
	_ =	strace $0xD0000000  }
0x3: {  	_ = 	snop  }
0x4: {  	_ = 	snop  }
0x5: {  	_ = 	snop  }
0x6: {  	_ = 	snop  }
0x7: {  	_ = 	snop  }
__scs_overlays_trampoline_lowered:
0x8: {  	[smem:$0x3FA3] =	sst s0  }
0x9: {  	[smem:$0x3FA4] =	sst s1  }
0xa: {  	[smem:$0x3FA5] =	sst s2  }
0xb: {  	[smem:$0x3FA6] =	sst s3  }
0xc: {  	[smem:$0x3FA7] =	sst s4  }
0xd: {  	[smem:$0x3FA8] =	sst s5  }
0xe: {  	[smem:$0x3FA9] =	sst s6  }
0xf: {  	[smem:$0x3FAA] =	sst s7  }
0x10: {  	[smem:$0x3FAB] =	sst s8  }
0x11: {  	[smem:$0x3FAC] =	sst s9;
	s0 =	simm.s32 @!p0 $0x0  }
0x12: {  	s1 =	sld [smem:$0x3F92];
	s0 =	simm.s32 @p0 $0x1  }
0x13: {  	[smem:$0x3FAD] =	sst s0;
	s0 =	simm.s32 @!p1 $0x0  }
0x14: {  	s2 =	sld [smem:$0x3F91];
	s0 =	simm.s32 @p1 $0x1  }
0x15: {  	[smem:$0x3FAE] =	sst s0;
	s0 =	simm.s32 @!p2 $0x0  }
0x16: {  	s3 =	sld [smem:$0x3FDB];
	s0 =	simm.s32 @p2 $0x1  }
0x17: {  	s4 =	simm.s32 $0x1BF5;
	[smem:$0x3FB0] =	sst s0  }
0x18: {  	s0 =	sld [smem:$0x3F93];
	_ =	swait.ge [sflag:s4], $0x0  }
0x19: {  	s7 =	sld [smem:$0x3F94]  }
0x1a: {  	s8 =	sadd.s32 $0xFFFFE003, lr  }
0x1b: {  	s9 =	sadd.s32 $0xFFFFFEF7, lr;
	s5 =	simm.s32 $0xFFFFFFFF;
	p2 =	slt.u32 s8, $0xFFFFF086  }
0x1c: {  	p1 =	slt.u32 s9, $0xF7A;
	s5 =	simm.s32 @!p2 $0x0  }
0x1d: {  	s5 =	simm.s32 @p1 $0x1;
	p0 =	seq.s32 s7, s2  }
0x1e: {  	s7 =	smul.u32 @!p0 $0xF7A, s2;
	p2 =	seq.s32 @!p0 s5, $0x0  }
0x1f: {  	s9 =	smul.u32 $0xF7A, s1;
	s8 =	simm.s32 @!p0 $0x1BF5;
	p2 =	por !p2, p0  }
0x20: {  	[sflag:s8] =	ssyncset.s32 @!p0 $0xFFFFF086;
	s6 =	sadd.s32 @!p0 s3, s7;
	s7 =	simm.s32 @!p0 $0x108  }
0x21: {  	s3 =	sadd.s32 s3, s9;
	s6 =	sadd.s32 @!p0 $0x88, s6;
	s7 =	simm.s32 @p2 $0x1082  }
0x22: {  	[simem:s7], [sflag:s8] =	dma.local @!p0 [hbm:s6], $0xF7A  }
0x23: {  	s9 =	sor.u32 $0xD0000000, s2;
	s6 =	simm.s32 $0x108;
	_ =	swait.ge @!p0 [sflag:s8], $0x0  }
0x24: {  	s3 =	sadd.s32 $0x88, s3;
	s6 =	simm.s32 @!p1 $0x1082;
	[sflag:s4] =	ssyncset.s32 $0xFFFFF086  }
0x25: {  	[simem:s6], [sflag:s4] =	dma.local [hbm:s3], $0xF7A  }
0x26: {  	[smem:$0x3F94] =	sst s1;
	(tag) =	ssettag s2;
	_ =	strace s9  }
0x27: {  	s1 =	sld [smem:$0x3FA4]  }
0x28: {  	s2 =	sld [smem:$0x3FA5]  }
0x29: {  	s4 =	sld [smem:$0x3FA7]  }
0x2a: {  	p0 =	seq.s32 s5, $0x0;
	s5 =	sld [smem:$0x3FA8]  }
0x2b: {  	s6 =	sld [smem:$0x3FA9]  }
0x2c: {  	s7 =	sld [smem:$0x3FAA]  }
0x2d: {  	s3 =	simm.s32 $0x108;
	s8 =	sld [smem:$0x3FAB]  }
0x2e: {  	s3 =	simm.s32 @!p0 $0x1082;
	s9 =	sld [smem:$0x3FAC]  }
0x2f: {  	lr =	sadd.s32 s0, s3;
	s0 =	sld [smem:$0x3FA3]  }
0x30: {  	s3 =	sld [smem:$0x3FA6]  }
0x31: {  	[smem:$0x3FAF] =	sst s10  }
0x32: {  	s10 =	sld [smem:$0x3FAD];
	_ =	sdelay $0x3  }
0x33: {  	p0 =	seq.s32 s10, $0x1;
	s10 =	sld [smem:$0x3FAF];
	_ =	sdelay $0x3  }
0x34: {  	[smem:$0x3FAF] =	sst s10  }
0x35: {  	s10 =	sld [smem:$0x3FAE];
	_ =	sdelay $0x3  }
0x36: {  	p1 =	seq.s32 s10, $0x1;
	s10 =	sld [smem:$0x3FAF];
	_ =	sdelay $0x3  }
0x37: {  	[smem:$0x3FAF] =	sst s10  }
0x38: {  	s10 =	sld [smem:$0x3FB0]  }
0x39: {  	_ = 	snop;
	(pc) =	sbr.ind lr, $3  }
0x3a: {  	_ = 	snop  }
0x3b: {  	_ = 	snop  }
0x3c: {  	p2 =	seq.s32 s10, $0x1;
	s10 =	sld [smem:$0x3FAF]  }
0x3d: {  	_ =	shalt  }
0x3e: {  	_ =	shalt  }
0x3f: {  	_ =	shalt  }
0x40: {  	_ =	shalt  }
0x41: {  	_ =	shalt  }
0x42: {  	_ =	shalt  }
0x43: {  	_ =	shalt  }
0x44: {  	_ =	shalt  }
0x45: {  	_ =	shalt  }
0x46: {  	_ =	shalt  }
0x47: {  	_ =	shalt  }
0x48: {  	_ =	shalt  }
0x49: {  	_ =	shalt  }
0x4a: {  	_ =	shalt  }
0x4b: {  	_ =	shalt  }
0x4c: {  	_ =	shalt  }
0x4d: {  	_ =	shalt  }
0x4e: {  	_ =	shalt  }
0x4f: {  	_ =	shalt  }
0x50: {  	_ =	shalt  }
0x51: {  	_ =	shalt  }
0x52: {  	_ =	shalt  }
0x53: {  	_ =	shalt  }
0x54: {  	_ =	shalt  }
0x55: {  	_ =	shalt  }
0x56: {  	_ =	shalt  }
0x57: {  	_ =	shalt  }
0x58: {  	_ =	shalt  }
0x59: {  	_ =	shalt  }
0x5a: {  	_ =	shalt  }
0x5b: {  	_ =	shalt  }
0x5c: {  	_ =	shalt  }
0x5d: {  	_ =	shalt  }
0x5e: {  	_ =	shalt  }
0x5f: {  	_ =	shalt  }
0x60: {  	_ =	shalt  }
0x61: {  	_ =	shalt  }
0x62: {  	_ =	shalt  }
0x63: {  	_ =	shalt  }
0x64: {  	_ =	shalt  }
0x65: {  	_ =	shalt  }
0x66: {  	_ =	shalt  }
0x67: {  	_ =	shalt  }
0x68: {  	_ =	shalt  }
0x69: {  	_ =	shalt  }
0x6a: {  	_ =	shalt  }
0x6b: {  	_ =	shalt  }
0x6c: {  	_ =	shalt  }
0x6d: {  	_ =	shalt  }
0x6e: {  	_ =	shalt  }
0x6f: {  	_ =	shalt  }
0x70: {  	_ =	shalt  }
0x71: {  	_ =	shalt  }
0x72: {  	_ =	shalt  }
0x73: {  	_ =	shalt  }
0x74: {  	_ =	shalt  }
0x75: {  	_ =	shalt  }
0x76: {  	_ =	shalt  }
0x77: {  	_ =	shalt  }
0x78: {  	_ =	shalt  }
0x79: {  	_ =	shalt  }
0x7a: {  	_ =	shalt  }
0x7b: {  	_ =	shalt  }
0x7c: {  	_ =	shalt  }
0x7d: {  	_ =	shalt  }
0x7e: {  	_ =	shalt  }
0x7f: {  	_ =	shalt  }
0x80: {  	_ =	shalt  }
0x81: {  	_ =	shalt  }
0x82: {  	_ =	shalt  }
0x83: {  	_ =	shalt  }
0x84: {  	_ =	shalt  }
0x85: {  	_ =	shalt  }
0x86: {  	_ =	shalt  }
0x87: {  	_ =	shalt  }
.Lfunc_end0:
.L_simem_size_0:
called_computation.3_lowered:
.L_overlay_start_0:
0x88: {  	s2 =	sld [smem:$0x3FD9]  }
0x89: {  	s3 =	sld [smem:$0x3FFE];
	_ =	sdelay $0x1  }
0x8a: {  	s1 =	srdreg.scid  }
0x8b: {  	s0 =	sand.u32 $0x1, s1  }
0x8c: {  	s17 =	sshll.u32 s0, $0xA;
	s2 =	sadd.s32 s3, s2  }
0x8d: {  	s2 =	sadd.s32 s2, s17  }
0x8e: {  	[smem:$0x3FBB] =	sst s2  }
0x8f: {  	_ = 	snop  }
0x90: {  	s2 =	sld [smem:$0x3FD0];
	(tm) =	ssettm $0x1  }
0x91: {  	s18 =	sld [smem:$0x3FFB];
	_ =	sdelay $0x3  }
0x92: {  	_ =	strace s18  }
0x93: {  	s3 =	sld [smem:$0x3FFC];
	_ =	sdelay $0x3  }
0x94: {  	_ =	strace s3  }
0x95: {  	s3 =	sld [smem:$0x3FFD];
	_ =	sdelay $0x3  }
0x96: {  	_ =	strace s3  }
0x97: {  	_ =	strace $0x8FFFFFFF  }
0x98: {  	s19 =	sld [smem:$0x3FDB];
	_ =	sdelay $0x1  }
0x99: {  	s4 =	simm.s32 $_scs_section_size  }
0x9a: {  	s5 =	simm.s32 $_size__tile_overlayer_lowered;
	s6 =	simm.s32 $_tile_overlayer_lowered  }
0x9b: {  	s22 =	simm.s32 $0x1BFF;
	s21 =	sshll.u32 s6, $0x1;
	s3 =	sadd.s32 s4, s19  }
0x9c: {  	s7 =	simm.s32 $0x0;
	s20 =	sshll.u32 s5, $0x1;
	s5 =	sadd.s32 s21, s3  }
0x9d: {  	[timem:s7], [sflag:s22] =	dma.local [hbm:s5], s20  }
0x9e: {  	_ =	swait.ge [sflag:s22], s20  }
0x9f: {  	s4 =	ssub.s32 $0x0, s20;
	[sflag:s22] =	ssyncset.done $0x0  }
0xa0: {  	[sflag:s22] =	ssyncadd.s32 s4;
	_ =	sdelay $0x1  }
0xa1: {  	s23 =	simm.s32 $0x1B8B  }
0xa2: {  	_ =	swait.ge [sflag:s23], $0x1  }
0xa3: {  	[sflag:s23] =	ssyncset.done $0x0  }
0xa4: {  	s25 =	simm.s32 $0x1B8E;
	s24 =	sld [smem:$0x3FFE];
	[sflag:s23] =	ssyncadd.s32 $0xFFFFFFFF  }
0xa5: {  	s26 =	simm.s32 $execute0_lowered;
	[smem:$0x3FD2] =	sst s25  }
0xa6: {  	s5 =	sshll.u32 s26, $0x1;
	_ =	strace $0x8000004F;
	[dreg:$0x1] =	wrdreg $0xFFFFFFFF  }
0xa7: {  	s28 =	simm.s32 $_size_execute0_lowered;
	s3 =	sadd.s32 s3, s5;
	[dreg:$0x0] =	wrdreg $0x0  }
0xa8: {  	s5 =	sshll.u32 s28, $0x1;
	[dreg:$0x2] =	wrdreg s3  }
0xa9: {  	[dreg:$0x3] =	wrdreg s5  }
0xaa: {  	[dreg:$0x4] =	wrdreg $0xC0  }
0xab: {  	_ =	task [dreg:s7], $0x5FFFF  }
0xac: {  	[dreg:$0x1] =	wrdreg $0xFFFFFFFF  }
0xad: {  	[dreg:$0x0] =	wrdreg $0x60  }
0xae: {  	[dreg:$0x2] =	wrdreg s24  }
0xaf: {  	[dreg:$0x3] =	wrdreg s2  }
0xb0: {  	[dreg:$0x4] =	wrdreg $0x29000  }
0xb1: {  	[dreg:$0x5] =	wrdreg $0x9  }
0xb2: {  	_ =	task.clear_ibuf [dreg:s7], $0x6FFFF;
	_ =	strace $0x9000004F  }
0xb3: {  	s29 =	simm.s32 $0x9;
	_ =	strace $0x80000051  }
0xb4: {  	_ =	swait.ge [sflag:s29], $0x1  }
0xb5: {  	[sflag:s29] =	ssyncadd.s32 $0xFFFFFFFF  }
0xb6: {  	_ =	strace $0x90000051  }
0xb7: {  	_ =	sfence  }
0xb8: {  	s30 =	sld [smem:$0x0];
	_ =	sdelay $0x2  }
0xb9: {  	s31 =	sshll.u32 s1, $0xD;
	s1 =	sshrl.u32 s1, $0x2  }
0xba: {  	s3 =	sand.u32 $0x4000, s31;
	s1 =	sadd.s32 s1, s30  }
0xbb: {  	s0 =	sor.u32 s3, s0;
	s1 =	sshll.u32 s1, $0x11  }
0xbc: {  	s0 =	sor.u32 s1, s0  }
0xbd: {  	s0 =	sadd.s32 $0x8F2B, s0  }
0xbe: {  	[sflag:s0] =	ssyncadd.remote.s32 $0x1  }
0xbf: {  	_ =	sfence.sel $0xFFFF  }
0xc0: {  	[dreg:$0x0] =	wrdreg $0xFFFFFFFF;
	(pc) =	sbr.abs _section_cstart, $3  }
0xc1: {  	[dreg:$0x1] =	wrdreg $0xFFFFFFFF  }
0xc2: {  	_ =	task.clear_ibuf [dreg:s7], $0x2FFFF;
	_ =	strace $0x9FFFFFFF  }
0xc3: {  	(tm) =	ssettm $0x7FFFFFFF  }
tec
execute0_lowered:
.L_overlay_start_1:
0x0: {  	(tag) =	ssettag $0x1  }
0x1: {  	s0 =	rddreg [dreg:$0x0]  }
0x2: {  	s24 =	rddreg [dreg:$0x1]  }
0x3: {  	s2 =	rddreg [dreg:$0x2];
	s1 =	stileid.u32;
	s3 =	simm.s32 $0x0  }
0x4: {  	s4 =	srdreg.scid;
	s28 =	simm.s32 $0x80;
	s5 =	smul.u32 $0x9C4, s1  }
0x5: {  	s29 =	simm.s32 $0x50;
	s30 =	simm.s32 $0x0;
	s6 =	smul.u32 $0x280, s1  }
0x6: {  	[smem:$0x7FF] =	sst s3;
	s12 =	sand.u32 $0x1, s4;
	s8 =	smul.u32 $0x50000, s1  }
0x7: {  	s4 =	sadd.s32 $0x17600, s0;
	s22 =	sadd.s32 $0x17000, s0;
	s21 =	smul.u32 $0x4E20, s1  }
0x8: {  	_ =	strace $0x80000050;
	s7 =	smul.u32 $0x2800, s12;
	[dreg:$0x4] =	wrdreg s22  }
0x9: {  	s25 =	ssub.s32 $0x2, s12;
	s20 =	smul.u32 $0x4E200, s12;
	s23 =	sadd.s32 s5, s0  }
0xa: {  	s9 =	sshrl.u32 s25, $0x1;
	s8 =	sshrl.u32 s8, $0x2;
	s6 =	sadd.s32 s6, s7  }
0xb: {  	s22 =	ssub.s32 s25, s9;
	s25 =	sadd.s32 s21, s20;
	s23 =	sadd.s32 $0xD200, s23  }
0xc: {  	s6 =	sshll.u32 s6, $0x4;
	s22 =	smax.u32 s22, $0x1;
	s31 =	sshrl.u32 s25, $0x3  }
0xd: {  	s25 =	simm.s32 $0x100;
	s0 =	sadd.s32 s6, s0;
	s6 =	sadd.s32 s8, s2  }
0xe: {  	s24 =	sadd.s32 s31, s24;
	s7 =	sadd.s32 $0x2800, s6;
	s8 =	sadd.s32 $0x5000, s6  }
0xf: {  	s9 =	sadd.s32 $0x7800, s6;
	s10 =	sadd.s32 $0xA000, s6;
	s11 =	sadd.s32 $0xC800, s6  }
0x10: {  	s12 =	sadd.s32 $0xF000, s6;
	s13 =	sadd.s32 $0x11800, s6;
	s26 =	sadd.s32 $0xB7C00, s0  }
0x11: {  	s15 =	sadd.s32 $0xB8100, s0;
	s16 =	sadd.s32 $0xB8600, s0;
	s17 =	sadd.s32 $0xB8B00, s0  }
0x12: {  	s18 =	sadd.s32 $0xB9000, s0;
	s19 =	sadd.s32 $0xB9500, s0;
	s20 =	sadd.s32 $0xB9A00, s0  }
0x13: {  	s21 =	sadd.s32 $0xB9F00, s0;
	[dreg:$0x5] =	wrdreg s26;
	s26 =	simm.s32 $0x1  }
.LBB2_1:
0x14: {  	s0 =	rddreg [dreg:$0x4]  }
0x15: {  	[tilespmem:s25], [sflag:$0x1] =	stream.linear.gather [hbm4b:s0+s3], $0x2800, $0x38;
	[tilespmem:$0x16900] =	vst v63  }
0x16: {  	_ =	swait.ge [sflag:s26], $0x2800  }
0x17: {  	[sflag:s26] =	ssyncset.done $0x0  }
0x18: {  	[sflag:s26] =	ssyncadd.s32 $0xFFFFD800  }
0x19: {  	[spmem:s6] =	stream.linear.scatter [tilespmem:s25], [sflag:$0x1], $0x2800, $0x38;
	[tilespmem:$0x16900] =	vst v63  }
0x1a: {  	_ =	swait.ge [sflag:s26], $0x2800  }
0x1b: {  	[sflag:s26] =	ssyncset.done $0x0  }
0x1c: {  	[sflag:s26] =	ssyncadd.s32 $0xFFFFD800  }
0x1d: {  	[spmem:s7] =	stream.linear.scatter [tilespmem:s25], [sflag:$0x1], $0x2800, $0x38;
	[tilespmem:$0x16900] =	vst v63  }
0x1e: {  	_ =	swait.ge [sflag:s26], $0x2800  }
0x1f: {  	[sflag:s26] =	ssyncset.done $0x0  }
0x20: {  	[sflag:s26] =	ssyncadd.s32 $0xFFFFD800  }
0x21: {  	[spmem:s8] =	stream.linear.scatter [tilespmem:s25], [sflag:$0x1], $0x2800, $0x38;
	[tilespmem:$0x16900] =	vst v63  }
0x22: {  	_ =	swait.ge [sflag:s26], $0x2800  }
0x23: {  	[sflag:s26] =	ssyncset.done $0x0  }
0x24: {  	[sflag:s26] =	ssyncadd.s32 $0xFFFFD800  }
0x25: {  	[spmem:s9] =	stream.linear.scatter [tilespmem:s25], [sflag:$0x1], $0x2800, $0x38;
	[tilespmem:$0x16900] =	vst v63  }
0x26: {  	_ =	swait.ge [sflag:s26], $0x2800  }
0x27: {  	[sflag:s26] =	ssyncset.done $0x0  }
0x28: {  	[sflag:s26] =	ssyncadd.s32 $0xFFFFD800  }
0x29: {  	[spmem:s10] =	stream.linear.scatter [tilespmem:s25], [sflag:$0x1], $0x2800, $0x38;
	[tilespmem:$0x16900] =	vst v63  }
0x2a: {  	_ =	swait.ge [sflag:s26], $0x2800  }
0x2b: {  	[sflag:s26] =	ssyncset.done $0x0  }
0x2c: {  	[sflag:s26] =	ssyncadd.s32 $0xFFFFD800  }
0x2d: {  	[spmem:s11] =	stream.linear.scatter [tilespmem:s25], [sflag:$0x1], $0x2800, $0x38;
	[tilespmem:$0x16900] =	vst v63  }
0x2e: {  	_ =	swait.ge [sflag:s26], $0x2800  }
0x2f: {  	[sflag:s26] =	ssyncset.done $0x0  }
0x30: {  	[sflag:s26] =	ssyncadd.s32 $0xFFFFD800  }
0x31: {  	[spmem:s12] =	stream.linear.scatter [tilespmem:s25], [sflag:$0x1], $0x2800, $0x38;
	[tilespmem:$0x16900] =	vst v63  }
0x32: {  	_ =	swait.ge [sflag:s26], $0x2800  }
0x33: {  	[sflag:s26] =	ssyncset.done $0x0  }
0x34: {  	[sflag:s26] =	ssyncadd.s32 $0xFFFFD800  }
0x35: {  	[spmem:s13] =	stream.linear.scatter [tilespmem:s25], [sflag:$0x1], $0x2800, $0x38;
	[tilespmem:$0x16900] =	vst v63  }
0x36: {  	_ =	swait.ge [sflag:s26], $0x2800  }
0x37: {  	[sflag:s26] =	ssyncset.done $0x0  }
0x38: {  	[sflag:s26] =	ssyncadd.s32 $0xFFFFD800  }
0x39: {  	s5 =	sadd.s32 $0x0, s24;
	[bflag:$0x0] =	sbarrier.arrive $0xFFFF  }
0x3a: {  	[tilespmem:s3], [sflag:$0x1] =	stream.linear.gather [hbm4b:s5+s3], $0x50, $0x38;
	[tilespmem:$0x16900] =	vst v63  }
0x3b: {  	_ =	swait.ge [sflag:s26], $0x50  }
0x3c: {  	[sflag:s26] =	ssyncset.done $0x0  }
0x3d: {  	s14 =	sadd.s32 $0x0, s23;
	[sflag:s26] =	ssyncadd.s32 $0xFFFFFFB0  }
0x3e: {  	[tilespmem:s28], [sflag:$0x1] =	stream.linear.gather [hbm4b:s14+s3], $0x50, $0x38;
	[tilespmem:$0x16900] =	vst v63  }
0x3f: {  	_ =	swait.ge [sflag:s26], $0x50  }
0x40: {  	[sflag:s26] =	ssyncset.done $0x0  }
0x41: {  	[sflag:s26] =	ssyncadd.s32 $0xFFFFFFB0  }
0x42: {  	[tilespmem:s25], [sflag:$0x1] =	stream.indirect.gather [hbm4b:s4+s29], $0x80, s3, s29, $0xb8;
	[tilespmem:$0x16900] =	vst v63  }
0x43: {  	_ =	swait.ge [sflag:s26], $0x2800  }
0x44: {  	[sflag:s26] =	ssyncset.done $0x0  }
0x45: {  	[sflag:s26] =	ssyncadd.s32 $0xFFFFD800  }
0x46: {  	[spmem:s2] =	stream.indirect.scatter.add.f32 [tilespmem:s25], [sflag:$0x1], $0x80, s28, s29, $0xb8;
	[tilespmem:$0x16900] =	vst v63  }
0x47: {  	_ =	swait.ge [sflag:s26], $0x2800  }
0x48: {  	s31 =	simm.s32 $0xA;
	s0 =	simm.s32 $0x14;
	[sflag:s26] =	ssyncset.done $0x0  }
.LBB2_2:
0x49: {  	s1 =	sadd.s32 s31, s24  }
0x4a: {  	[sflag:s26] =	ssyncadd.s32 $0xFFFFD800;
	s5 =	smov.u32 s0;
	s14 =	sadd.s32 $0xA, s0  }
0x4b: {  	[tilespmem:s3], [sflag:$0x1] =	stream.linear.gather [hbm4b:s1+s3], $0x50, $0x38;
	[tilespmem:$0x16900] =	vst v63  }
0x4c: {  	p0 =	sne.s32 s0, $0x9BA;
	_ =	swait.ge [sflag:s26], $0x50  }
0x4d: {  	[sflag:s26] =	ssyncset.done $0x0  }
0x4e: {  	s0 =	sadd.s32 s31, s23;
	s31 =	smov.u32 s5;
	[sflag:s26] =	ssyncadd.s32 $0xFFFFFFB0  }
0x4f: {  	[tilespmem:s28], [sflag:$0x1] =	stream.linear.gather [hbm4b:s0+s3], $0x50, $0x38;
	[tilespmem:$0x16900] =	vst v63  }
0x50: {  	_ =	swait.ge [sflag:s26], $0x50  }
0x51: {  	[sflag:s26] =	ssyncset.done $0x0  }
0x52: {  	[sflag:s26] =	ssyncadd.s32 $0xFFFFFFB0  }
0x53: {  	[tilespmem:s25], [sflag:$0x1] =	stream.indirect.gather [hbm4b:s4+s29], $0x80, s3, s29, $0xb8;
	[tilespmem:$0x16900] =	vst v63  }
0x54: {  	_ =	swait.ge [sflag:s26], $0x2800  }
.Ltmp0:
0x55: {  	[sflag:s26] =	ssyncset.done $0x0;
	(pc) =	sbr.rel @p0 .LBB2_2-.Ltmp0, $4  }
0x56: {  	[sflag:s26] =	ssyncadd.s32 $0xFFFFD800  }
0x57: {  	[spmem:s2] =	stream.indirect.scatter.add.f32 [tilespmem:s25], [sflag:$0x1], $0x80, s28, s29, $0xb8;
	[tilespmem:$0x16900] =	vst v63  }
0x58: {  	_ =	swait.ge [sflag:s26], $0x2800  }
0x59: {  	s0 =	smov.u32 s14;
	[sflag:s26] =	ssyncset.done $0x0  }
0x5a: {  	s0 =	sadd.s32 s31, s24;
	[sflag:s26] =	ssyncadd.s32 $0xFFFFD800  }
0x5b: {  	[tilespmem:s3], [sflag:$0x1] =	stream.linear.gather [hbm4b:s0+s3], $0x50, $0x38;
	[tilespmem:$0x16900] =	vst v63  }
0x5c: {  	_ =	swait.ge [sflag:s26], $0x50  }
0x5d: {  	[sflag:s26] =	ssyncset.done $0x0  }
0x5e: {  	s14 =	sadd.s32 s31, s23;
	[sflag:s26] =	ssyncadd.s32 $0xFFFFFFB0  }
0x5f: {  	[tilespmem:s28], [sflag:$0x1] =	stream.linear.gather [hbm4b:s14+s3], $0x50, $0x38;
	[tilespmem:$0x16900] =	vst v63  }
0x60: {  	_ =	swait.ge [sflag:s26], $0x50  }
0x61: {  	[sflag:s26] =	ssyncset.done $0x0  }
0x62: {  	[sflag:s26] =	ssyncadd.s32 $0xFFFFFFB0  }
0x63: {  	[tilespmem:s25], [sflag:$0x1] =	stream.indirect.gather [hbm4b:s4+s29], $0x80, s3, s29, $0xb8;
	[tilespmem:$0x16900] =	vst v63  }
0x64: {  	_ =	swait.ge [sflag:s26], $0x2800  }
0x65: {  	[sflag:s26] =	ssyncset.done $0x0  }
0x66: {  	[sflag:s26] =	ssyncadd.s32 $0xFFFFD800  }
0x67: {  	[spmem:s2] =	stream.indirect.scatter.add.f32 [tilespmem:s25], [sflag:$0x1], $0x80, s28, s29, $0xb8;
	[tilespmem:$0x16900] =	vst v63  }
0x68: {  	_ =	swait.ge [sflag:s26], $0x2800  }
0x69: {  	[sflag:s26] =	ssyncset.done $0x0  }
0x6a: {  	[sflag:s26] =	ssyncadd.s32 $0xFFFFD800  }
0x6b: {  	[bflag:$0x0] =	sbarrier.arrive $0xFFFF  }
0x6c: {  	[tilespmem:s25], [sflag:$0x1] =	stream.linear.gather [spmem:s6], $0x2800, $0x38;
	[tilespmem:$0x16900] =	vst v63  }
0x6d: {  	_ =	swait.ge [sflag:s26], $0x2800  }
0x6e: {  	[sflag:s26] =	ssyncset.done $0x0  }
0x6f: {  	s31 =	rddreg [dreg:$0x5];
	[sflag:s26] =	ssyncadd.s32 $0xFFFFD800  }
0x70: {  	[hbm4b:s31+s3] =	stream.linear.scatter [tilespmem:s25], [sflag:$0x1], $0x2800, $0x38;
	[tilespmem:$0x16900] =	vst v63  }
0x71: {  	_ =	swait.ge [sflag:s26], $0x2800  }
0x72: {  	[sflag:s26] =	ssyncset.done $0x0  }
0x73: {  	[sflag:s26] =	ssyncadd.s32 $0xFFFFD800  }
0x74: {  	[tilespmem:s25], [sflag:$0x1] =	stream.linear.gather [spmem:s7], $0x2800, $0x38;
	[tilespmem:$0x16900] =	vst v63  }
0x75: {  	_ =	swait.ge [sflag:s26], $0x2800  }
0x76: {  	[sflag:s26] =	ssyncset.done $0x0  }
0x77: {  	[sflag:s26] =	ssyncadd.s32 $0xFFFFD800  }
0x78: {  	[hbm4b:s15+s3] =	stream.linear.scatter [tilespmem:s25], [sflag:$0x1], $0x2800, $0x38;
	[tilespmem:$0x16900] =	vst v63  }
0x79: {  	_ =	swait.ge [sflag:s26], $0x2800  }
0x7a: {  	[sflag:s26] =	ssyncset.done $0x0  }
0x7b: {  	[sflag:s26] =	ssyncadd.s32 $0xFFFFD800  }
0x7c: {  	[tilespmem:s25], [sflag:$0x1] =	stream.linear.gather [spmem:s8], $0x2800, $0x38;
	[tilespmem:$0x16900] =	vst v63  }
0x7d: {  	_ =	swait.ge [sflag:s26], $0x2800  }
0x7e: {  	[sflag:s26] =	ssyncset.done $0x0  }
0x7f: {  	[sflag:s26] =	ssyncadd.s32 $0xFFFFD800  }
0x80: {  	[hbm4b:s16+s3] =	stream.linear.scatter [tilespmem:s25], [sflag:$0x1], $0x2800, $0x38;
	[tilespmem:$0x16900] =	vst v63  }
0x81: {  	_ =	swait.ge [sflag:s26], $0x2800  }
0x82: {  	[sflag:s26] =	ssyncset.done $0x0  }
0x83: {  	[sflag:s26] =	ssyncadd.s32 $0xFFFFD800  }
0x84: {  	[tilespmem:s25], [sflag:$0x1] =	stream.linear.gather [spmem:s9], $0x2800, $0x38;
	[tilespmem:$0x16900] =	vst v63  }
0x85: {  	_ =	swait.ge [sflag:s26], $0x2800  }
0x86: {  	[sflag:s26] =	ssyncset.done $0x0  }
0x87: {  	[sflag:s26] =	ssyncadd.s32 $0xFFFFD800  }
0x88: {  	[hbm4b:s17+s3] =	stream.linear.scatter [tilespmem:s25], [sflag:$0x1], $0x2800, $0x38;
	[tilespmem:$0x16900] =	vst v63  }
0x89: {  	_ =	swait.ge [sflag:s26], $0x2800  }
0x8a: {  	[sflag:s26] =	ssyncset.done $0x0  }
0x8b: {  	[sflag:s26] =	ssyncadd.s32 $0xFFFFD800  }
0x8c: {  	[tilespmem:s25], [sflag:$0x1] =	stream.linear.gather [spmem:s10], $0x2800, $0x38;
	[tilespmem:$0x16900] =	vst v63  }
0x8d: {  	_ =	swait.ge [sflag:s26], $0x2800  }
0x8e: {  	[sflag:s26] =	ssyncset.done $0x0  }
0x8f: {  	[sflag:s26] =	ssyncadd.s32 $0xFFFFD800  }
0x90: {  	[hbm4b:s18+s3] =	stream.linear.scatter [tilespmem:s25], [sflag:$0x1], $0x2800, $0x38;
	[tilespmem:$0x16900] =	vst v63  }
0x91: {  	_ =	swait.ge [sflag:s26], $0x2800  }
0x92: {  	[sflag:s26] =	ssyncset.done $0x0  }
0x93: {  	[sflag:s26] =	ssyncadd.s32 $0xFFFFD800  }
0x94: {  	[tilespmem:s25], [sflag:$0x1] =	stream.linear.gather [spmem:s11], $0x2800, $0x38;
	[tilespmem:$0x16900] =	vst v63  }
0x95: {  	_ =	swait.ge [sflag:s26], $0x2800  }
0x96: {  	[sflag:s26] =	ssyncset.done $0x0  }
0x97: {  	[sflag:s26] =	ssyncadd.s32 $0xFFFFD800  }
0x98: {  	[hbm4b:s19+s3] =	stream.linear.scatter [tilespmem:s25], [sflag:$0x1], $0x2800, $0x38;
	[tilespmem:$0x16900] =	vst v63  }
0x99: {  	_ =	swait.ge [sflag:s26], $0x2800  }
0x9a: {  	[sflag:s26] =	ssyncset.done $0x0  }
0x9b: {  	[sflag:s26] =	ssyncadd.s32 $0xFFFFD800  }
0x9c: {  	[tilespmem:s25], [sflag:$0x1] =	stream.linear.gather [spmem:s12], $0x2800, $0x38;
	[tilespmem:$0x16900] =	vst v63  }
0x9d: {  	_ =	swait.ge [sflag:s26], $0x2800  }
0x9e: {  	[sflag:s26] =	ssyncset.done $0x0  }
0x9f: {  	[sflag:s26] =	ssyncadd.s32 $0xFFFFD800  }
0xa0: {  	[hbm4b:s20+s3] =	stream.linear.scatter [tilespmem:s25], [sflag:$0x1], $0x2800, $0x38;
	[tilespmem:$0x16900] =	vst v63  }
0xa1: {  	_ =	swait.ge [sflag:s26], $0x2800  }
0xa2: {  	[sflag:s26] =	ssyncset.done $0x0  }
0xa3: {  	[sflag:s26] =	ssyncadd.s32 $0xFFFFD800  }
0xa4: {  	[tilespmem:s25], [sflag:$0x1] =	stream.linear.gather [spmem:s13], $0x2800, $0x38;
	[tilespmem:$0x16900] =	vst v63  }
0xa5: {  	s30 =	sadd.s32 $0x1, s30;
	_ =	swait.ge [sflag:s26], $0x2800  }
0xa6: {  	p0 =	sne.s32 s30, s22;
	[sflag:s26] =	ssyncset.done $0x0  }
.Ltmp1:
0xa7: {  	[sflag:s26] =	ssyncadd.s32 $0xFFFFD800;
	(pc) =	sbr.rel @p0 .LBB2_1-.Ltmp1, $4  }
0xa8: {  	[hbm4b:s21+s3] =	stream.linear.scatter [tilespmem:s25], [sflag:$0x1], $0x2800, $0x38;
	[tilespmem:$0x16900] =	vst v63  }
0xa9: {  	_ =	swait.ge [sflag:s26], $0x2800  }
0xaa: {  	[sflag:s26] =	ssyncset.done $0x0  }
0xab: {  	[sflag:s26] =	ssyncadd.s32 $0xFFFFD800  }
0xac: {  	_ =	sfence.sel $0x180000  }
0xad: {  	[bflag:$0x0] =	sbarrier.arrive $0xFFFF  }
0xae: {  	_ =	strace $0x90000050  }
0xaf: {  	s0 =	stileid.u32;
	[bflag:$0x2] =	sbarrier.arrive $0xFFFF  }
0xb0: {  	p0 =	sne.s32 s0, $0x0;
	s0 =	rddreg [dreg:$0x3]  }
0xb1: {  	s0 =	sadd.s32 @!p0 $0x100000, s0  }
0xb2: {  	[sflag:s0] =	ssyncadd.tile.s32 @!p0 $0x1;
	_ =	shalt  }
.Lfunc_end2:
_tile_overlayer_lowered:
.L_overlay_start_2:
0xb3: {  	(tag) =	ssettag $0x2  }
0xb4: {  	s0 =	rddreg [dreg:$0x0];
	s2 =	stileid.u32  }
0xb5: {  	s1 =	rddreg [dreg:$0x1];
	p0 =	sne.s32 s2, $0x0  }
0xb6: {  	s3 =	rddreg [dreg:$0x2];
	[bflag:$0x3] =	sbarrier.arrive $0xFFFF;
	s2 =	simm.s32 @!p0 $0x1C01  }
0xb7: {  	[timem:s3], [sflag:s2] =	dma.local @!p0 [hbm:s0], s1  }
0xb8: {  	s0 =	simm.s32 @!p0 $0x1  }
0xb9: {  	_ =	swait.ge @!p0 [sflag:s0], s1  }
0xba: {  	s1 =	ssub.s32 @!p0 $0x0, s1;
	[sflag:s0] =	ssyncset.done @!p0 $0x0  }
0xbb: {  	[sflag:s0] =	ssyncadd.s32 @!p0 s1  }
0xbc: {  	[bflag:$0x3] =	sbarrier.arrive $0xFFFF  }
0xbd: {  	_ =	shalt  }

// kernel: kernel.9.cloned.1.call-start
scs
__scs_entry_jumppad:
0x0: {  	(pc) =	sbr.rel $0x88, $3  }
0x1: {  	(tag) =	ssettag $0x0;
	lr =	simm.s32 $0x1  }
0x2: {  	[smem:$0x3F94] =	sst lr;
	_ =	strace $0xD0000000  }
0x3: {  	_ = 	snop  }
0x4: {  	_ = 	snop  }
0x5: {  	_ = 	snop  }
0x6: {  	_ = 	snop  }
0x7: {  	_ = 	snop  }
__scs_overlays_trampoline_lowered:
0x8: {  	[smem:$0x3FA3] =	sst s0  }
0x9: {  	[smem:$0x3FA4] =	sst s1  }
0xa: {  	[smem:$0x3FA5] =	sst s2  }
0xb: {  	[smem:$0x3FA6] =	sst s3  }
0xc: {  	[smem:$0x3FA7] =	sst s4  }
0xd: {  	[smem:$0x3FA8] =	sst s5  }
0xe: {  	[smem:$0x3FA9] =	sst s6  }
0xf: {  	[smem:$0x3FAA] =	sst s7  }
0x10: {  	[smem:$0x3FAB] =	sst s8  }
0x11: {  	[smem:$0x3FAC] =	sst s9;
	s0 =	simm.s32 @!p0 $0x0  }
0x12: {  	s1 =	sld [smem:$0x3F92];
	s0 =	simm.s32 @p0 $0x1  }
0x13: {  	[smem:$0x3FAD] =	sst s0;
	s0 =	simm.s32 @!p1 $0x0  }
0x14: {  	s2 =	sld [smem:$0x3F91];
	s0 =	simm.s32 @p1 $0x1  }
0x15: {  	[smem:$0x3FAE] =	sst s0;
	s0 =	simm.s32 @!p2 $0x0  }
0x16: {  	s3 =	sld [smem:$0x3FDB];
	s0 =	simm.s32 @p2 $0x1  }
0x17: {  	s4 =	simm.s32 $0x1BF5;
	[smem:$0x3FB0] =	sst s0  }
0x18: {  	s0 =	sld [smem:$0x3F93];
	_ =	swait.ge [sflag:s4], $0x0  }
0x19: {  	s7 =	sld [smem:$0x3F94]  }
0x1a: {  	s8 =	sadd.s32 $0xFFFFE003, lr  }
0x1b: {  	s9 =	sadd.s32 $0xFFFFFEF7, lr;
	s5 =	simm.s32 $0xFFFFFFFF;
	p2 =	slt.u32 s8, $0xFFFFF086  }
0x1c: {  	p1 =	slt.u32 s9, $0xF7A;
	s5 =	simm.s32 @!p2 $0x0  }
0x1d: {  	s5 =	simm.s32 @p1 $0x1;
	p0 =	seq.s32 s7, s2  }
0x1e: {  	s7 =	smul.u32 @!p0 $0xF7A, s2;
	p2 =	seq.s32 @!p0 s5, $0x0  }
0x1f: {  	s9 =	smul.u32 $0xF7A, s1;
	s8 =	simm.s32 @!p0 $0x1BF5;
	p2 =	por !p2, p0  }
0x20: {  	[sflag:s8] =	ssyncset.s32 @!p0 $0xFFFFF086;
	s6 =	sadd.s32 @!p0 s3, s7;
	s7 =	simm.s32 @!p0 $0x108  }
0x21: {  	s3 =	sadd.s32 s3, s9;
	s6 =	sadd.s32 @!p0 $0x88, s6;
	s7 =	simm.s32 @p2 $0x1082  }
0x22: {  	[simem:s7], [sflag:s8] =	dma.local @!p0 [hbm:s6], $0xF7A  }
0x23: {  	s9 =	sor.u32 $0xD0000000, s2;
	s6 =	simm.s32 $0x108;
	_ =	swait.ge @!p0 [sflag:s8], $0x0  }
0x24: {  	s3 =	sadd.s32 $0x88, s3;
	s6 =	simm.s32 @!p1 $0x1082;
	[sflag:s4] =	ssyncset.s32 $0xFFFFF086  }
0x25: {  	[simem:s6], [sflag:s4] =	dma.local [hbm:s3], $0xF7A  }
0x26: {  	[smem:$0x3F94] =	sst s1;
	(tag) =	ssettag s2;
	_ =	strace s9  }
0x27: {  	s1 =	sld [smem:$0x3FA4]  }
0x28: {  	s2 =	sld [smem:$0x3FA5]  }
0x29: {  	s4 =	sld [smem:$0x3FA7]  }
0x2a: {  	p0 =	seq.s32 s5, $0x0;
	s5 =	sld [smem:$0x3FA8]  }
0x2b: {  	s6 =	sld [smem:$0x3FA9]  }
0x2c: {  	s7 =	sld [smem:$0x3FAA]  }
0x2d: {  	s3 =	simm.s32 $0x108;
	s8 =	sld [smem:$0x3FAB]  }
0x2e: {  	s3 =	simm.s32 @!p0 $0x1082;
	s9 =	sld [smem:$0x3FAC]  }
0x2f: {  	lr =	sadd.s32 s0, s3;
	s0 =	sld [smem:$0x3FA3]  }
0x30: {  	s3 =	sld [smem:$0x3FA6]  }
0x31: {  	[smem:$0x3FAF] =	sst s10  }
0x32: {  	s10 =	sld [smem:$0x3FAD];
	_ =	sdelay $0x3  }
0x33: {  	p0 =	seq.s32 s10, $0x1;
	s10 =	sld [smem:$0x3FAF];
	_ =	sdelay $0x3  }
0x34: {  	[smem:$0x3FAF] =	sst s10  }
0x35: {  	s10 =	sld [smem:$0x3FAE];
	_ =	sdelay $0x3  }
0x36: {  	p1 =	seq.s32 s10, $0x1;
	s10 =	sld [smem:$0x3FAF];
	_ =	sdelay $0x3  }
0x37: {  	[smem:$0x3FAF] =	sst s10  }
0x38: {  	s10 =	sld [smem:$0x3FB0]  }
0x39: {  	_ = 	snop;
	(pc) =	sbr.ind lr, $3  }
0x3a: {  	_ = 	snop  }
0x3b: {  	_ = 	snop  }
0x3c: {  	p2 =	seq.s32 s10, $0x1;
	s10 =	sld [smem:$0x3FAF]  }
0x3d: {  	_ =	shalt  }
0x3e: {  	_ =	shalt  }
0x3f: {  	_ =	shalt  }
0x40: {  	_ =	shalt  }
0x41: {  	_ =	shalt  }
0x42: {  	_ =	shalt  }
0x43: {  	_ =	shalt  }
0x44: {  	_ =	shalt  }
0x45: {  	_ =	shalt  }
0x46: {  	_ =	shalt  }
0x47: {  	_ =	shalt  }
0x48: {  	_ =	shalt  }
0x49: {  	_ =	shalt  }
0x4a: {  	_ =	shalt  }
0x4b: {  	_ =	shalt  }
0x4c: {  	_ =	shalt  }
0x4d: {  	_ =	shalt  }
0x4e: {  	_ =	shalt  }
0x4f: {  	_ =	shalt  }
0x50: {  	_ =	shalt  }
0x51: {  	_ =	shalt  }
0x52: {  	_ =	shalt  }
0x53: {  	_ =	shalt  }
0x54: {  	_ =	shalt  }
0x55: {  	_ =	shalt  }
0x56: {  	_ =	shalt  }
0x57: {  	_ =	shalt  }
0x58: {  	_ =	shalt  }
0x59: {  	_ =	shalt  }
0x5a: {  	_ =	shalt  }
0x5b: {  	_ =	shalt  }
0x5c: {  	_ =	shalt  }
0x5d: {  	_ =	shalt  }
0x5e: {  	_ =	shalt  }
0x5f: {  	_ =	shalt  }
0x60: {  	_ =	shalt  }
0x61: {  	_ =	shalt  }
0x62: {  	_ =	shalt  }
0x63: {  	_ =	shalt  }
0x64: {  	_ =	shalt  }
0x65: {  	_ =	shalt  }
0x66: {  	_ =	shalt  }
0x67: {  	_ =	shalt  }
0x68: {  	_ =	shalt  }
0x69: {  	_ =	shalt  }
0x6a: {  	_ =	shalt  }
0x6b: {  	_ =	shalt  }
0x6c: {  	_ =	shalt  }
0x6d: {  	_ =	shalt  }
0x6e: {  	_ =	shalt  }
0x6f: {  	_ =	shalt  }
0x70: {  	_ =	shalt  }
0x71: {  	_ =	shalt  }
0x72: {  	_ =	shalt  }
0x73: {  	_ =	shalt  }
0x74: {  	_ =	shalt  }
0x75: {  	_ =	shalt  }
0x76: {  	_ =	shalt  }
0x77: {  	_ =	shalt  }
0x78: {  	_ =	shalt  }
0x79: {  	_ =	shalt  }
0x7a: {  	_ =	shalt  }
0x7b: {  	_ =	shalt  }
0x7c: {  	_ =	shalt  }
0x7d: {  	_ =	shalt  }
0x7e: {  	_ =	shalt  }
0x7f: {  	_ =	shalt  }
0x80: {  	_ =	shalt  }
0x81: {  	_ =	shalt  }
0x82: {  	_ =	shalt  }
0x83: {  	_ =	shalt  }
0x84: {  	_ =	shalt  }
0x85: {  	_ =	shalt  }
0x86: {  	_ =	shalt  }
0x87: {  	_ =	shalt  }
.Lfunc_end0:
.L_simem_size_0:
called_computation_lowered:
.L_overlay_start_0:
0x88: {  	s2 =	sld [smem:$0x3FD9]  }
0x89: {  	s3 =	sld [smem:$0x3FFE];
	_ =	sdelay $0x1  }
0x8a: {  	s1 =	srdreg.scid  }
0x8b: {  	s0 =	sand.u32 $0x1, s1  }
0x8c: {  	s17 =	sshll.u32 s0, $0xA;
	s2 =	sadd.s32 s3, s2  }
0x8d: {  	s2 =	sadd.s32 s2, s17  }
0x8e: {  	[smem:$0x3FBB] =	sst s2  }
0x8f: {  	_ = 	snop  }
0x90: {  	(tm) =	ssettm $0x1  }
0x91: {  	s18 =	sld [smem:$0x3FFB];
	_ =	sdelay $0x3  }
0x92: {  	_ =	strace s18  }
0x93: {  	s2 =	sld [smem:$0x3FFC];
	_ =	sdelay $0x3  }
0x94: {  	_ =	strace s2  }
0x95: {  	s2 =	sld [smem:$0x3FFD];
	_ =	sdelay $0x3  }
0x96: {  	_ =	strace s2  }
0x97: {  	_ =	strace $0x8FFFFFFF  }
0x98: {  	s19 =	sld [smem:$0x3FDB];
	_ =	sdelay $0x1  }
0x99: {  	s20 =	simm.s32 $_scs_section_size  }
0x9a: {  	s4 =	simm.s32 $_size__tile_overlayer_lowered;
	s5 =	simm.s32 $_tile_overlayer_lowered  }
0x9b: {  	s6 =	simm.s32 $0x1BFF;
	s21 =	sshll.u32 s5, $0x1;
	s3 =	sadd.s32 s20, s19  }
0x9c: {  	s22 =	simm.s32 $0x0;
	s4 =	sshll.u32 s4, $0x1;
	s5 =	sadd.s32 s21, s3  }
0x9d: {  	[timem:s22], [sflag:s6] =	dma.local [hbm:s5], s4  }
0x9e: {  	_ =	swait.ge [sflag:s6], s4  }
0x9f: {  	s4 =	ssub.s32 $0x0, s4;
	[sflag:s6] =	ssyncset.done $0x0  }
0xa0: {  	[sflag:s6] =	ssyncadd.s32 s4;
	_ =	sdelay $0x1  }
0xa1: {  	s23 =	simm.s32 $0x1B8B  }
0xa2: {  	_ =	swait.ge [sflag:s23], $0x1  }
0xa3: {  	[sflag:s23] =	ssyncset.done $0x0  }
0xa4: {  	[sflag:s23] =	ssyncadd.s32 $0xFFFFFFFF  }
0xa5: {  	s4 =	sld [smem:$0x0]  }
0xa6: {  	s5 =	sand.u32 $0xFFFFFFFE, s1  }
0xa7: {  	p0 =	sne.s32 s1, s5  }
0xa8: {  	s5 =	sshll.u32 @p0 s5, $0xE  }
0xa9: {  	s5 =	sadd.s32 @p0 $0x11B8D, s5;
	s6 =	sshll.u32 @p0 s4, $0x11  }
0xaa: {  	s5 =	sor.u32 @p0 s6, s5  }
0xab: {  	[sflag:s5] =	ssyncadd.remote.s32 @p0 $0x1;
	_ =	sdelay $0x1  }
0xac: {  	s5 =	simm.s32 @p0 $0x1B8D  }
0xad: {  	_ =	swait.eq @p0 [sflag:s5], $0x1  }
0xae: {  	[sflag:s5] =	ssyncadd.s32 @p0 $0xFFFFFFFF  }
0xaf: {  	s6 =	sshll.u32 @!p0 s1, $0xE  }
0xb0: {  	s6 =	sor.u32 @!p0 $0x4000, s6;
	s5 =	simm.s32 @!p0 $0x1B8D  }
0xb1: {  	s4 =	sshll.u32 @!p0 s4, $0x11;
	s6 =	sadd.s32 @!p0 $0x11B8D, s6;
	_ =	swait.eq @!p0 [sflag:s5], $0x1  }
0xb2: {  	s4 =	sor.u32 @!p0 s4, s6;
	[sflag:s5] =	ssyncadd.s32 @!p0 $0xFFFFFFFF  }
0xb3: {  	s25 =	simm.s32 $0x1B8E;
	s24 =	sld [smem:$0x3FFE];
	[sflag:s4] =	ssyncadd.remote.s32 @!p0 $0x1  }
0xb4: {  	s26 =	simm.s32 $execute0_lowered;
	[smem:$0x3FD2] =	sst s25  }
0xb5: {  	s5 =	sshll.u32 s26, $0x1;
	_ =	strace $0x80000049;
	[dreg:$0x1] =	wrdreg $0xFFFFFFFF  }
0xb6: {  	s28 =	simm.s32 $_size_execute0_lowered;
	s3 =	sadd.s32 s3, s5;
	[dreg:$0x0] =	wrdreg $0x0  }
0xb7: {  	s5 =	sshll.u32 s28, $0x1;
	[dreg:$0x2] =	wrdreg s3  }
0xb8: {  	[dreg:$0x3] =	wrdreg s5  }
0xb9: {  	[dreg:$0x4] =	wrdreg $0xC0  }
0xba: {  	_ =	task [dreg:s22], $0x5FFFF  }
0xbb: {  	[dreg:$0x1] =	wrdreg $0xFFFFFFFF  }
0xbc: {  	[dreg:$0x0] =	wrdreg $0x60  }
0xbd: {  	[dreg:$0x2] =	wrdreg s24  }
0xbe: {  	[dreg:$0x3] =	wrdreg $0x28800  }
0xbf: {  	[dreg:$0x4] =	wrdreg $0x9  }
0xc0: {  	_ =	task.clear_ibuf [dreg:s22], $0x5FFFF;
	_ =	strace $0x90000049  }
0xc1: {  	s29 =	simm.s32 $0x9;
	_ =	strace $0x8000004B  }
0xc2: {  	_ =	swait.ge [sflag:s29], $0x1  }
0xc3: {  	[sflag:s29] =	ssyncadd.s32 $0xFFFFFFFF  }
0xc4: {  	_ =	strace $0x9000004B  }
0xc5: {  	_ =	sfence  }
0xc6: {  	s30 =	sld [smem:$0x0];
	_ =	sdelay $0x2  }
0xc7: {  	s31 =	sshll.u32 s1, $0xD;
	s1 =	sshrl.u32 s1, $0x2  }
0xc8: {  	s4 =	sand.u32 $0x4000, s31;
	s1 =	sadd.s32 s1, s30  }
0xc9: {  	s0 =	sor.u32 s4, s0;
	s1 =	sshll.u32 s1, $0x11  }
0xca: {  	s0 =	sor.u32 s1, s0  }
0xcb: {  	s0 =	sadd.s32 $0x8F2B, s0  }
0xcc: {  	[sflag:s0] =	ssyncadd.remote.s32 $0x1  }
0xcd: {  	_ =	sfence.sel $0xFFFF  }
0xce: {  	[dreg:$0x0] =	wrdreg $0xFFFFFFFF;
	(pc) =	sbr.abs _section_cstart, $3  }
0xcf: {  	[dreg:$0x1] =	wrdreg $0xFFFFFFFF  }
0xd0: {  	_ =	task.clear_ibuf [dreg:s22], $0x2FFFF;
	_ =	strace $0x9FFFFFFF  }
0xd1: {  	(tm) =	ssettm $0x7FFFFFFF  }
tec
execute0_lowered:
.L_overlay_start_1:
0x0: {  	(tag) =	ssettag $0x1  }
0x1: {  	s0 =	srdreg.scid  }
0x2: {  	s6 =	rddreg [dreg:$0x0];
	s7 =	sand.u32 $0x1, s0  }
0x3: {  	s0 =	stileid.u32;
	s4 =	smul.u32 $0x27100, s7  }
0x4: {  	s2 =	rddreg [dreg:$0x1];
	s3 =	simm.s32 $0x0;
	s5 =	smul.u32 $0x2710, s0  }
0x5: {  	s24 =	simm.s32 $0x80;
	s25 =	simm.s32 $0x1;
	s8 =	smul.u32 $0x280, s0  }
0x6: {  	s26 =	simm.s32 $0x50;
	s28 =	simm.s32 $0x0;
	s9 =	smul.u32 $0x2800, s7  }
0x7: {  	[smem:$0x7FF] =	sst s3;
	s10 =	smul.u32 $0x50000, s0;
	s7 =	ssub.s32 $0x2, s7  }
0x8: {  	s31 =	sshrl.u32 s7, $0x1;
	s4 =	sadd.s32 s5, s4;
	s5 =	sadd.s32 $0x67600, s6  }
0x9: {  	s8 =	sadd.s32 s8, s9;
	s10 =	sshrl.u32 s10, $0x2;
	s4 =	sshrl.u32 s4, $0x3  }
0xa: {  	s22 =	ssub.s32 s7, s31;
	s8 =	sshll.u32 s8, $0x4;
	s23 =	sadd.s32 s4, s6  }
0xb: {  	s4 =	sadd.s32 $0x17000, s6;
	s21 =	sadd.s32 s8, s6;
	s6 =	sadd.s32 s10, s2  }
0xc: {  	_ =	strace $0x8000004A;
	s22 =	smax.u32 s22, $0x1;
	s7 =	sadd.s32 $0x2800, s6  }
0xd: {  	s8 =	sadd.s32 $0x5000, s6;
	s9 =	sadd.s32 $0x7800, s6;
	s10 =	sadd.s32 $0xA000, s6  }
0xe: {  	s11 =	sadd.s32 $0xC800, s6;
	s12 =	sadd.s32 $0xF000, s6;
	s13 =	sadd.s32 $0x11800, s6  }
0xf: {  	s14 =	sadd.s32 $0x67C00, s21;
	s15 =	sadd.s32 $0x68100, s21;
	s16 =	sadd.s32 $0x68600, s21  }
0x10: {  	s17 =	sadd.s32 $0x68B00, s21;
	s18 =	sadd.s32 $0x69000, s21;
	s19 =	sadd.s32 $0x69500, s21  }
0x11: {  	s20 =	sadd.s32 $0x69A00, s21;
	s21 =	sadd.s32 $0x69F00, s21;
	s23 =	sadd.s32 $0xD200, s23  }
.LBB2_1:
0x12: {  	[tilespmem:s24], [sflag:$0x1] =	stream.linear.gather [hbm4b:s4+s3], $0x2800, $0x38;
	[tilespmem:$0x16880] =	vst v63  }
0x13: {  	_ =	swait.ge [sflag:s25], $0x2800  }
0x14: {  	[sflag:s25] =	ssyncset.done $0x0  }
0x15: {  	[sflag:s25] =	ssyncadd.s32 $0xFFFFD800  }
0x16: {  	[spmem:s6] =	stream.linear.scatter [tilespmem:s24], [sflag:$0x1], $0x2800, $0x38;
	[tilespmem:$0x16880] =	vst v63  }
0x17: {  	_ =	swait.ge [sflag:s25], $0x2800  }
0x18: {  	[sflag:s25] =	ssyncset.done $0x0  }
0x19: {  	[sflag:s25] =	ssyncadd.s32 $0xFFFFD800  }
0x1a: {  	[spmem:s7] =	stream.linear.scatter [tilespmem:s24], [sflag:$0x1], $0x2800, $0x38;
	[tilespmem:$0x16880] =	vst v63  }
0x1b: {  	_ =	swait.ge [sflag:s25], $0x2800  }
0x1c: {  	[sflag:s25] =	ssyncset.done $0x0  }
0x1d: {  	[sflag:s25] =	ssyncadd.s32 $0xFFFFD800  }
0x1e: {  	[spmem:s8] =	stream.linear.scatter [tilespmem:s24], [sflag:$0x1], $0x2800, $0x38;
	[tilespmem:$0x16880] =	vst v63  }
0x1f: {  	_ =	swait.ge [sflag:s25], $0x2800  }
0x20: {  	[sflag:s25] =	ssyncset.done $0x0  }
0x21: {  	[sflag:s25] =	ssyncadd.s32 $0xFFFFD800  }
0x22: {  	[spmem:s9] =	stream.linear.scatter [tilespmem:s24], [sflag:$0x1], $0x2800, $0x38;
	[tilespmem:$0x16880] =	vst v63  }
0x23: {  	_ =	swait.ge [sflag:s25], $0x2800  }
0x24: {  	[sflag:s25] =	ssyncset.done $0x0  }
0x25: {  	[sflag:s25] =	ssyncadd.s32 $0xFFFFD800  }
0x26: {  	[spmem:s10] =	stream.linear.scatter [tilespmem:s24], [sflag:$0x1], $0x2800, $0x38;
	[tilespmem:$0x16880] =	vst v63  }
0x27: {  	_ =	swait.ge [sflag:s25], $0x2800  }
0x28: {  	[sflag:s25] =	ssyncset.done $0x0  }
0x29: {  	[sflag:s25] =	ssyncadd.s32 $0xFFFFD800  }
0x2a: {  	[spmem:s11] =	stream.linear.scatter [tilespmem:s24], [sflag:$0x1], $0x2800, $0x38;
	[tilespmem:$0x16880] =	vst v63  }
0x2b: {  	_ =	swait.ge [sflag:s25], $0x2800  }
0x2c: {  	[sflag:s25] =	ssyncset.done $0x0  }
0x2d: {  	[sflag:s25] =	ssyncadd.s32 $0xFFFFD800  }
0x2e: {  	[spmem:s12] =	stream.linear.scatter [tilespmem:s24], [sflag:$0x1], $0x2800, $0x38;
	[tilespmem:$0x16880] =	vst v63  }
0x2f: {  	_ =	swait.ge [sflag:s25], $0x2800  }
0x30: {  	[sflag:s25] =	ssyncset.done $0x0  }
0x31: {  	[sflag:s25] =	ssyncadd.s32 $0xFFFFD800  }
0x32: {  	[spmem:s13] =	stream.linear.scatter [tilespmem:s24], [sflag:$0x1], $0x2800, $0x38;
	[tilespmem:$0x16880] =	vst v63  }
0x33: {  	_ =	swait.ge [sflag:s25], $0x2800  }
0x34: {  	[sflag:s25] =	ssyncset.done $0x0  }
0x35: {  	[sflag:s25] =	ssyncadd.s32 $0xFFFFD800  }
0x36: {  	[tilespmem:s24], [sflag:$0x1] =	stream.linear.gather [hbm4b:s5+s3], $0x2800, $0x38;
	[tilespmem:$0x16880] =	vst v63  }
0x37: {  	_ =	swait.ge [sflag:s25], $0x2800  }
0x38: {  	[sflag:s25] =	ssyncset.done $0x0  }
0x39: {  	[sflag:s25] =	ssyncadd.s32 $0xFFFFD800  }
0x3a: {  	s29 =	sadd.s32 $0x0, s23;
	[bflag:$0x0] =	sbarrier.arrive $0xFFFF  }
0x3b: {  	[tilespmem:s3], [sflag:$0x1] =	stream.linear.gather [hbm4b:s29+s3], $0x50, $0x38;
	[tilespmem:$0x16880] =	vst v63  }
0x3c: {  	_ =	swait.ge [sflag:s25], $0x50  }
0x3d: {  	[sflag:s25] =	ssyncset.done $0x0  }
0x3e: {  	[sflag:s25] =	ssyncadd.s32 $0xFFFFFFB0  }
0x3f: {  	[spmem:s2] =	stream.indirect.scatter.add.f32 [tilespmem:s24], [sflag:$0x1], $0x80, s3, s26, $0xb8;
	[tilespmem:$0x16880] =	vst v63  }
0x40: {  	_ =	swait.ge [sflag:s25], $0x2800  }
0x41: {  	s30 =	simm.s32 $0x14;
	s29 =	simm.s32 $0xA;
	[sflag:s25] =	ssyncset.done $0x0  }
.LBB2_2:
0x42: {  	s31 =	sadd.s32 s29, s23  }
0x43: {  	[sflag:s25] =	ssyncadd.s32 $0xFFFFD800;
	s29 =	smov.u32 s30;
	s1 =	sadd.s32 $0xA, s30  }
0x44: {  	[tilespmem:s3], [sflag:$0x1] =	stream.linear.gather [hbm4b:s31+s3], $0x50, $0x38;
	[tilespmem:$0x16880] =	vst v63  }
0x45: {  	p0 =	sne.s32 s30, $0x4D8;
	_ =	swait.ge [sflag:s25], $0x50  }
.Ltmp0:
0x46: {  	[sflag:s25] =	ssyncset.done $0x0;
	(pc) =	sbr.rel @p0 .LBB2_2-.Ltmp0, $4  }
0x47: {  	[sflag:s25] =	ssyncadd.s32 $0xFFFFFFB0  }
0x48: {  	[spmem:s2] =	stream.indirect.scatter.add.f32 [tilespmem:s24], [sflag:$0x1], $0x80, s3, s26, $0xb8;
	[tilespmem:$0x16880] =	vst v63  }
0x49: {  	_ =	swait.ge [sflag:s25], $0x2800  }
0x4a: {  	s30 =	smov.u32 s1;
	[sflag:s25] =	ssyncset.done $0x0  }
0x4b: {  	s1 =	sadd.s32 s29, s23;
	[sflag:s25] =	ssyncadd.s32 $0xFFFFD800  }
0x4c: {  	[tilespmem:s3], [sflag:$0x1] =	stream.linear.gather [hbm4b:s1+s3], $0x50, $0x38;
	[tilespmem:$0x16880] =	vst v63  }
0x4d: {  	_ =	swait.ge [sflag:s25], $0x50  }
0x4e: {  	[sflag:s25] =	ssyncset.done $0x0  }
0x4f: {  	[sflag:s25] =	ssyncadd.s32 $0xFFFFFFB0  }
0x50: {  	[spmem:s2] =	stream.indirect.scatter.add.f32 [tilespmem:s24], [sflag:$0x1], $0x80, s3, s26, $0xb8;
	[tilespmem:$0x16880] =	vst v63  }
0x51: {  	_ =	swait.ge [sflag:s25], $0x2800  }
0x52: {  	[sflag:s25] =	ssyncset.done $0x0  }
0x53: {  	[sflag:s25] =	ssyncadd.s32 $0xFFFFD800  }
0x54: {  	[bflag:$0x0] =	sbarrier.arrive $0xFFFF  }
0x55: {  	[tilespmem:s24], [sflag:$0x1] =	stream.linear.gather [spmem:s6], $0x2800, $0x38;
	[tilespmem:$0x16880] =	vst v63  }
0x56: {  	_ =	swait.ge [sflag:s25], $0x2800  }
0x57: {  	[sflag:s25] =	ssyncset.done $0x0  }
0x58: {  	[sflag:s25] =	ssyncadd.s32 $0xFFFFD800  }
0x59: {  	[hbm4b:s14+s3] =	stream.linear.scatter [tilespmem:s24], [sflag:$0x1], $0x2800, $0x38;
	[tilespmem:$0x16880] =	vst v63  }
0x5a: {  	_ =	swait.ge [sflag:s25], $0x2800  }
0x5b: {  	[sflag:s25] =	ssyncset.done $0x0  }
0x5c: {  	[sflag:s25] =	ssyncadd.s32 $0xFFFFD800  }
0x5d: {  	[tilespmem:s24], [sflag:$0x1] =	stream.linear.gather [spmem:s7], $0x2800, $0x38;
	[tilespmem:$0x16880] =	vst v63  }
0x5e: {  	_ =	swait.ge [sflag:s25], $0x2800  }
0x5f: {  	[sflag:s25] =	ssyncset.done $0x0  }
0x60: {  	[sflag:s25] =	ssyncadd.s32 $0xFFFFD800  }
0x61: {  	[hbm4b:s15+s3] =	stream.linear.scatter [tilespmem:s24], [sflag:$0x1], $0x2800, $0x38;
	[tilespmem:$0x16880] =	vst v63  }
0x62: {  	_ =	swait.ge [sflag:s25], $0x2800  }
0x63: {  	[sflag:s25] =	ssyncset.done $0x0  }
0x64: {  	[sflag:s25] =	ssyncadd.s32 $0xFFFFD800  }
0x65: {  	[tilespmem:s24], [sflag:$0x1] =	stream.linear.gather [spmem:s8], $0x2800, $0x38;
	[tilespmem:$0x16880] =	vst v63  }
0x66: {  	_ =	swait.ge [sflag:s25], $0x2800  }
0x67: {  	[sflag:s25] =	ssyncset.done $0x0  }
0x68: {  	[sflag:s25] =	ssyncadd.s32 $0xFFFFD800  }
0x69: {  	[hbm4b:s16+s3] =	stream.linear.scatter [tilespmem:s24], [sflag:$0x1], $0x2800, $0x38;
	[tilespmem:$0x16880] =	vst v63  }
0x6a: {  	_ =	swait.ge [sflag:s25], $0x2800  }
0x6b: {  	[sflag:s25] =	ssyncset.done $0x0  }
0x6c: {  	[sflag:s25] =	ssyncadd.s32 $0xFFFFD800  }
0x6d: {  	[tilespmem:s24], [sflag:$0x1] =	stream.linear.gather [spmem:s9], $0x2800, $0x38;
	[tilespmem:$0x16880] =	vst v63  }
0x6e: {  	_ =	swait.ge [sflag:s25], $0x2800  }
0x6f: {  	[sflag:s25] =	ssyncset.done $0x0  }
0x70: {  	[sflag:s25] =	ssyncadd.s32 $0xFFFFD800  }
0x71: {  	[hbm4b:s17+s3] =	stream.linear.scatter [tilespmem:s24], [sflag:$0x1], $0x2800, $0x38;
	[tilespmem:$0x16880] =	vst v63  }
0x72: {  	_ =	swait.ge [sflag:s25], $0x2800  }
0x73: {  	[sflag:s25] =	ssyncset.done $0x0  }
0x74: {  	[sflag:s25] =	ssyncadd.s32 $0xFFFFD800  }
0x75: {  	[tilespmem:s24], [sflag:$0x1] =	stream.linear.gather [spmem:s10], $0x2800, $0x38;
	[tilespmem:$0x16880] =	vst v63  }
0x76: {  	_ =	swait.ge [sflag:s25], $0x2800  }
0x77: {  	[sflag:s25] =	ssyncset.done $0x0  }
0x78: {  	[sflag:s25] =	ssyncadd.s32 $0xFFFFD800  }
0x79: {  	[hbm4b:s18+s3] =	stream.linear.scatter [tilespmem:s24], [sflag:$0x1], $0x2800, $0x38;
	[tilespmem:$0x16880] =	vst v63  }
0x7a: {  	_ =	swait.ge [sflag:s25], $0x2800  }
0x7b: {  	[sflag:s25] =	ssyncset.done $0x0  }
0x7c: {  	[sflag:s25] =	ssyncadd.s32 $0xFFFFD800  }
0x7d: {  	[tilespmem:s24], [sflag:$0x1] =	stream.linear.gather [spmem:s11], $0x2800, $0x38;
	[tilespmem:$0x16880] =	vst v63  }
0x7e: {  	_ =	swait.ge [sflag:s25], $0x2800  }
0x7f: {  	[sflag:s25] =	ssyncset.done $0x0  }
0x80: {  	[sflag:s25] =	ssyncadd.s32 $0xFFFFD800  }
0x81: {  	[hbm4b:s19+s3] =	stream.linear.scatter [tilespmem:s24], [sflag:$0x1], $0x2800, $0x38;
	[tilespmem:$0x16880] =	vst v63  }
0x82: {  	_ =	swait.ge [sflag:s25], $0x2800  }
0x83: {  	[sflag:s25] =	ssyncset.done $0x0  }
0x84: {  	[sflag:s25] =	ssyncadd.s32 $0xFFFFD800  }
0x85: {  	[tilespmem:s24], [sflag:$0x1] =	stream.linear.gather [spmem:s12], $0x2800, $0x38;
	[tilespmem:$0x16880] =	vst v63  }
0x86: {  	_ =	swait.ge [sflag:s25], $0x2800  }
0x87: {  	[sflag:s25] =	ssyncset.done $0x0  }
0x88: {  	[sflag:s25] =	ssyncadd.s32 $0xFFFFD800  }
0x89: {  	[hbm4b:s20+s3] =	stream.linear.scatter [tilespmem:s24], [sflag:$0x1], $0x2800, $0x38;
	[tilespmem:$0x16880] =	vst v63  }
0x8a: {  	_ =	swait.ge [sflag:s25], $0x2800  }
0x8b: {  	[sflag:s25] =	ssyncset.done $0x0  }
0x8c: {  	[sflag:s25] =	ssyncadd.s32 $0xFFFFD800  }
0x8d: {  	[tilespmem:s24], [sflag:$0x1] =	stream.linear.gather [spmem:s13], $0x2800, $0x38;
	[tilespmem:$0x16880] =	vst v63  }
0x8e: {  	s28 =	sadd.s32 $0x1, s28;
	_ =	swait.ge [sflag:s25], $0x2800  }
0x8f: {  	p0 =	sne.s32 s28, s22;
	[sflag:s25] =	ssyncset.done $0x0  }
.Ltmp1:
0x90: {  	[sflag:s25] =	ssyncadd.s32 $0xFFFFD800;
	(pc) =	sbr.rel @p0 .LBB2_1-.Ltmp1, $4  }
0x91: {  	[hbm4b:s21+s3] =	stream.linear.scatter [tilespmem:s24], [sflag:$0x1], $0x2800, $0x38;
	[tilespmem:$0x16880] =	vst v63  }
0x92: {  	_ =	swait.ge [sflag:s25], $0x2800  }
0x93: {  	[sflag:s25] =	ssyncset.done $0x0  }
0x94: {  	[sflag:s25] =	ssyncadd.s32 $0xFFFFD800  }
0x95: {  	_ =	sfence.sel $0x180000  }
0x96: {  	[bflag:$0x0] =	sbarrier.arrive $0xFFFF  }
0x97: {  	_ =	strace $0x9000004A  }
0x98: {  	[bflag:$0x2] =	sbarrier.arrive $0xFFFF  }
0x99: {  	p0 =	sne.s32 s0, $0x0;
	s0 =	rddreg [dreg:$0x2]  }
0x9a: {  	s0 =	sadd.s32 @!p0 $0x100000, s0  }
0x9b: {  	[sflag:s0] =	ssyncadd.tile.s32 @!p0 $0x1;
	_ =	shalt  }
.Lfunc_end2:
_tile_overlayer_lowered:
.L_overlay_start_2:
0x9c: {  	(tag) =	ssettag $0x2  }
0x9d: {  	s0 =	rddreg [dreg:$0x0];
	s2 =	stileid.u32  }
0x9e: {  	s1 =	rddreg [dreg:$0x1];
	p0 =	sne.s32 s2, $0x0  }
0x9f: {  	s3 =	rddreg [dreg:$0x2];
	[bflag:$0x3] =	sbarrier.arrive $0xFFFF;
	s2 =	simm.s32 @!p0 $0x1C01  }
0xa0: {  	[timem:s3], [sflag:s2] =	dma.local @!p0 [hbm:s0], s1  }
0xa1: {  	s0 =	simm.s32 @!p0 $0x1  }
0xa2: {  	_ =	swait.ge @!p0 [sflag:s0], s1  }
0xa3: {  	s1 =	ssub.s32 @!p0 $0x0, s1;
	[sflag:s0] =	ssyncset.done @!p0 $0x0  }
0xa4: {  	[sflag:s0] =	ssyncadd.s32 @!p0 s1  }
0xa5: {  	[bflag:$0x3] =	sbarrier.arrive $0xFFFF  }
0xa6: {  	_ =	shalt  }

</sc_bundles>
